<compile_context>
chip_gen: v7x
topology: tpu7x:2x2x1
jax: 0.10.2.dev20260603
libtpu: 0.0.44.dev20260713+nightly
codegen_flags: <defaults>
</compile_context>

<pallas_src>
import jax
import jax.numpy as jnp
from jax import lax
from jax.experimental import pallas as pl
from jax.experimental.pallas import tpu as pltpu
from jax.experimental.pallas import tpu_sc as plsc

R = 128
N = 32768
L = 16
NC = 2
NS = 16
NW = NC * NS
RPW = R // NW
NCH = N // L
NBIS = 25
PAD = 1e-6
BIG = 3.0e38

_mesh = plsc.VectorSubcoreMesh(
    core_axis_name="c", subcore_axis_name="s",
    num_cores=NC, num_subcores=NS)


def _body(x_hbm, out_hbm, rowa_v, rowb_v, cand_v, pcs_v, offs_v, sema, semb, semo):
    wid = lax.axis_index("s") * NC + lax.axis_index("c")
    zeros = jnp.zeros((L,), jnp.float32)

    def bcast(s):
        return jnp.broadcast_to(s, (L,))

    def scal(v):
        return lax.squeeze(lax.slice(v, (0,), (1,)), (0,))

    def scal_last(v):
        return lax.squeeze(lax.slice(v, (L - 1,), (L,)), (0,))

    def final_tau(o, o_end, nch_c):
        def body(i, carry):
            khi, shi, cin, sin, mn, mx = carry
            v = cand_v[pl.ds(i * L, L)]
            rel = v - o
            m_hi = v >= o_end
            m_in = (v > o) & (v < o_end)
            khi = khi + jnp.where(m_hi, 1.0, 0.0)
            shi = shi + jnp.where(m_hi, rel, 0.0)
            cin = cin + jnp.where(m_in, 1.0, 0.0)
            sin = sin + jnp.where(m_in, rel, 0.0)
            mn = jnp.minimum(mn, jnp.where(m_in, rel, BIG))
            mx = jnp.maximum(mx, jnp.where(m_in, rel, -BIG))
            return khi, shi, cin, sin, mn, mx

        init = (zeros, zeros, zeros, zeros,
                jnp.full((L,), BIG, jnp.float32),
                jnp.full((L,), -BIG, jnp.float32))
        khi, shi, cin, sin, mn, mx = plsc.parallel_loop(
            0, nch_c, carry=init)(body)
        k_hi = bcast(jnp.sum(khi))
        s_hi = bcast(jnp.sum(shi))
        c_in = bcast(jnp.sum(cin))
        s_in = bcast(jnp.sum(sin))
        minr = bcast(jnp.min(mn))
        maxr = bcast(jnp.max(mx))
        d_a = (s_hi - 1.0) / jnp.maximum(k_hi, 1.0)
        d_b = (s_hi + s_in - 1.0) / jnp.maximum(k_hi + c_in, 1.0)
        d_c = (s_hi + maxr - 1.0) / (k_hi + 1.0)
        valid_a = (k_hi > 0.0) & ((c_in == 0.0) | (d_a >= maxr))
        valid_b = ((k_hi + c_in) > 0.0) & ((c_in == 0.0) | (d_b < minr))
        valid_c = (c_in > 0.0) & (d_c < maxr) & ((c_in == 1.0) | (d_c >= minr))
        d = jnp.where(valid_a, d_a,
                      jnp.where(valid_b, d_b,
                                jnp.where(valid_c, d_c, d_b)))
        return o + d

    def compute_pre(buf):
        def max_body(i, accs):
            a0, a1, a2, a3 = accs
            a0 = jnp.maximum(a0, buf[pl.ds((4 * i) * L, L)])
            a1 = jnp.maximum(a1, buf[pl.ds((4 * i + 1) * L, L)])
            a2 = jnp.maximum(a2, buf[pl.ds((4 * i + 2) * L, L)])
            a3 = jnp.maximum(a3, buf[pl.ds((4 * i + 3) * L, L)])
            return a0, a1, a2, a3

        neg = jnp.full((L,), -BIG, jnp.float32)
        a0, a1, a2, a3 = plsc.parallel_loop(
            0, NCH // 4, unroll=4, carry=(neg, neg, neg, neg))(max_body)
        m = bcast(jnp.max(jnp.maximum(jnp.maximum(a0, a1),
                                      jnp.maximum(a2, a3))))
        start = m - 1.001
        lane0 = lax.iota(jnp.int32, L) == 0

        def pc_body(i):
            msk = buf[pl.ds(i * L, L)] > start
            plsc.store_compressed(pcs_v.at[pl.ds(i, L)],
                                  plsc.all_reduce_population_count(msk),
                                  mask=lane0)

        plsc.parallel_loop(0, NCH, unroll=8)(pc_body)
        return m, start

    def compact(buf, start):
        def pfx_body(t, carry):
            pv = pcs_v[pl.ds(t * L, L)]
            inc = jnp.cumsum(pv)
            offs_v[pl.ds(t * L, L)] = inc - pv + bcast(carry)
            return carry + scal_last(inc)

        off = lax.fori_loop(0, NCH // L, pfx_body, jnp.zeros((), jnp.int32))

        def store_body(i):
            v = buf[pl.ds(i * L, L)]
            msk = v > start
            off_i = scal(offs_v[pl.ds(i, L)])
            plsc.store_compressed(cand_v.at[pl.ds(off_i, L)], v, mask=msk)

        plsc.parallel_loop(0, NCH, unroll=8)(store_body)
        cand_v[pl.ds(off, L)] = jnp.full((L,), -BIG, jnp.float32)
        return lax.shift_right_logical(off + (L - 1), 4)

    def bisect(m, start, nch_c):
        def bis_body(_, carry):
            lo, hi = carry
            mid = 0.5 * (lo + hi)

            def acc_body(i, acc):
                v = cand_v[pl.ds(i * L, L)]
                return acc + jnp.where(v > mid, v - mid, 0.0)

            f = bcast(jnp.sum(
                plsc.parallel_loop(0, nch_c, carry=zeros)(acc_body)))
            gt = f > 1.0
            return jnp.where(gt, mid, lo), jnp.where(gt, hi, mid)

        return lax.fori_loop(0, NBIS, bis_body, (start, m + 0.001))

    def out_pass(buf, tau):
        def out_body(i):
            v = buf[pl.ds(i * L, L)]
            cand_v[pl.ds(i * L, L)] = jnp.maximum(v - tau, 0.0)

        plsc.parallel_loop(0, NCH, unroll=8)(out_body)

    bufs = [rowa_v, rowb_v]
    sems = [sema, semb]
    r0 = wid * RPW
    h_in = [None] * RPW
    h_in[0] = pltpu.async_copy(x_hbm.at[r0], bufs[0], sems[0])
    h_in[1] = pltpu.async_copy(x_hbm.at[r0 + 1], bufs[1], sems[1])
    h_out = None
    for rr in range(RPW):
        buf = bufs[rr % 2]
        h_in[rr].wait()
        m, start = compute_pre(buf)
        if h_out is not None:
            h_out.wait()
        nch_c = compact(buf, start)
        lo, hi = bisect(m, start, nch_c)
        tau = final_tau(lo - PAD, hi + PAD, nch_c)
        out_pass(buf, tau)
        h_out = pltpu.async_copy(cand_v.at[pl.ds(0, N)],
                                 out_hbm.at[r0 + rr], semo)
        if rr + 2 < RPW:
            h_in[rr + 2] = pltpu.async_copy(x_hbm.at[r0 + rr + 2], buf,
                                            sems[rr % 2])
    h_out.wait()


_sparsemax_sc = pl.kernel(
    _body,
    out_type=jax.ShapeDtypeStruct((R, N), jnp.float32),
    mesh=_mesh,
    compiler_params=pltpu.CompilerParams(needs_layout_passes=False),
    scratch_types=[
        pltpu.VMEM((N,), jnp.float32),
        pltpu.VMEM((N,), jnp.float32),
        pltpu.VMEM((N + L,), jnp.float32),
        pltpu.VMEM((NCH + L,), jnp.int32),
        pltpu.VMEM((NCH + L,), jnp.int32),
        pltpu.SemaphoreType.DMA,
        pltpu.SemaphoreType.DMA,
        pltpu.SemaphoreType.DMA,
    ],
)


@jax.jit
def kernel(logits):
    return _sparsemax_sc(logits)

# --- scband reference (transcript-rebuilt; emitter-appended) ---
"""Pipeline reference for scband-sparsemax-54082228191864 (READ-ONLY COPY).

The authoritative reference and input builder live on the scoring server;
editing this copy changes nothing except your own understanding.
"""

import jax, jax.numpy as jnp
import numpy as np


def setup_inputs(seed: int = 0) -> dict:
    key = jax.random.key(seed)
    logits = jax.random.normal(key, (128, 32768), dtype=jnp.float32)
    return {"logits": logits}


def reference(logits):
    dim = -1
    # sort descending along dim, keep indices
    sorted_indices = jnp.argsort(-logits, axis=dim)
    sorted_logits = jnp.take_along_axis(logits, sorted_indices, axis=dim)
    cumsum_sorted = jnp.cumsum(sorted_logits, axis=dim)
    n = logits.shape[dim]
    dim_shape = [1] * logits.ndim
    dim_shape[dim] = -1
    rhos = jnp.arange(1, n + 1, dtype=logits.dtype).reshape(dim_shape)
    t = (cumsum_sorted - 1.0) / rhos
    support = sorted_logits > t
    support_size = jnp.clip(jnp.sum(support, axis=dim, keepdims=True), 1, None)
    gather_index = jnp.broadcast_to(support_size - 1, sorted_logits.shape)
    gather_index = jnp.where(gather_index < 0, jnp.zeros_like(gather_index), gather_index)
    tau = jnp.take_along_axis(t, gather_index.astype(jnp.int32), axis=dim)
    p_sorted = jax.nn.relu(sorted_logits - tau)
    # scatter p_sorted back to original positions
    p = jnp.zeros_like(logits)
    row = jnp.arange(logits.shape[0])[:, None]
    p = p.at[row, sorted_indices].set(p_sorted)
    return p

if __name__ == "__main__":
    import jax
    _d = setup_inputs()
    print(jax.jit(kernel)(*tuple(_d.values())))

</pallas_src>

<mosaic_0001>
#map = affine_map<(d0, d1) -> (0, 0)>
module attributes {stable_mosaic.version = 14 : i64} {
  func.func @_body(%arg0: i32, %arg1: i32, %arg2: memref<128x32768xf32, #tpu.memory_space<hbm>>, %arg3: memref<128x32768xf32, #tpu.memory_space<hbm>>, %arg4: memref<32768xf32, #tpu.memory_space<vmem>>, %arg5: memref<32768xf32, #tpu.memory_space<vmem>>, %arg6: memref<32784xf32, #tpu.memory_space<vmem>>, %arg7: memref<2064xi32, #tpu.memory_space<vmem>>, %arg8: memref<2064xi32, #tpu.memory_space<vmem>>, %arg9: memref<!tpu.dma_semaphore, #tpu.memory_space<semaphore_mem>>, %arg10: memref<!tpu.dma_semaphore, #tpu.memory_space<semaphore_mem>>, %arg11: memref<!tpu.dma_semaphore, #tpu.memory_space<semaphore_mem>>) attributes {dimension_semantics = [#tpu.dimension_semantics<core_parallel>, #tpu.dimension_semantics<subcore_parallel>], iteration_bounds = array<i64: 2, 16>, scalar_prefetch = 0 : i64, scratch_operands = 8 : i64, tpu.core_type = #tpu.core_type<sc_vector_subcore>, window_params = [{transform_indices = #map}, {transform_indices = #map}]} {
    %mul3A = arith.constant 2 : i32
    %mul3A_0 = arith.muli %arg1, %mul3A : i32
    %add3A = arith.addi %mul3A_0, %arg0 : i32
    %broadcast_in_dim3A = arith.constant 0.000000e+00 : f32
    %broadcast_in_dim3A_1 = vector.broadcast %broadcast_in_dim3A : f32 to vector<16xf32>
    %mul3A_2 = arith.constant 4 : i32
    %mul3A_3 = arith.muli %add3A, %mul3A_2 : i32
    %dma_start3A = arith.constant 0 : i32
    %dma_start3A_4 = tpu.memref_slice %arg2[%mul3A_3, %dma_start3A] : memref<128x32768xf32, #tpu.memory_space<hbm>> -> memref<1x32768xf32, #tpu.memory_space<hbm>>
    %dma_start3A_5 = tpu.memref_squeeze %dma_start3A_4 : memref<1x32768xf32, #tpu.memory_space<hbm>> -> memref<32768xf32, #tpu.memory_space<hbm>>
    %dma_start3A_6 = arith.constant 0 : i32
    %dma_start3A_7 = tpu.memref_slice %arg2[%mul3A_3, %dma_start3A_6] : memref<128x32768xf32, #tpu.memory_space<hbm>> -> memref<1x32768xf32, #tpu.memory_space<hbm>>
    %dma_start3A_8 = tpu.memref_squeeze %dma_start3A_7 : memref<1x32768xf32, #tpu.memory_space<hbm>> -> memref<32768xf32, #tpu.memory_space<hbm>>
    tpu.enqueue_dma source(%dma_start3A_8 : memref<32768xf32, #tpu.memory_space<hbm>>) target(%arg4 : memref<32768xf32, #tpu.memory_space<vmem>>) target_semaphore(%arg9 : memref<!tpu.dma_semaphore, #tpu.memory_space<semaphore_mem>>)
    %add3A_9 = arith.constant 1 : i32
    %add3A_10 = arith.addi %mul3A_3, %add3A_9 : i32
    %dma_start3A_11 = arith.constant 0 : i32
    %dma_start3A_12 = tpu.memref_slice %arg2[%add3A_10, %dma_start3A_11] : memref<128x32768xf32, #tpu.memory_space<hbm>> -> memref<1x32768xf32, #tpu.memory_space<hbm>>
    %dma_start3A_13 = tpu.memref_squeeze %dma_start3A_12 : memref<1x32768xf32, #tpu.memory_space<hbm>> -> memref<32768xf32, #tpu.memory_space<hbm>>
    %dma_start3A_14 = arith.constant 0 : i32
    %dma_start3A_15 = tpu.memref_slice %arg2[%add3A_10, %dma_start3A_14] : memref<128x32768xf32, #tpu.memory_space<hbm>> -> memref<1x32768xf32, #tpu.memory_space<hbm>>
    %dma_start3A_16 = tpu.memref_squeeze %dma_start3A_15 : memref<1x32768xf32, #tpu.memory_space<hbm>> -> memref<32768xf32, #tpu.memory_space<hbm>>
    tpu.enqueue_dma source(%dma_start3A_16 : memref<32768xf32, #tpu.memory_space<hbm>>) target(%arg5 : memref<32768xf32, #tpu.memory_space<vmem>>) target_semaphore(%arg10 : memref<!tpu.dma_semaphore, #tpu.memory_space<semaphore_mem>>)
    %dma_wait3A = arith.constant 0 : i32
    %dma_wait3A_17 = tpu.memref_slice %arg2[%mul3A_3, %dma_wait3A] : memref<128x32768xf32, #tpu.memory_space<hbm>> -> memref<1x32768xf32, #tpu.memory_space<hbm>>
    %dma_wait3A_18 = tpu.memref_squeeze %dma_wait3A_17 : memref<1x32768xf32, #tpu.memory_space<hbm>> -> memref<32768xf32, #tpu.memory_space<hbm>>
    %dma_wait3A_19 = arith.constant 0 : i32
    %dma_wait3A_20 = tpu.memref_slice %arg2[%mul3A_3, %dma_wait3A_19] : memref<128x32768xf32, #tpu.memory_space<hbm>> -> memref<1x32768xf32, #tpu.memory_space<hbm>>
    %dma_wait3A_21 = tpu.memref_squeeze %dma_wait3A_20 : memref<1x32768xf32, #tpu.memory_space<hbm>> -> memref<32768xf32, #tpu.memory_space<hbm>>
    tpu.wait_dma2 semaphore(%arg9 : memref<!tpu.dma_semaphore, #tpu.memory_space<semaphore_mem>>) src(%dma_wait3A_21 : memref<32768xf32, #tpu.memory_space<hbm>>) dst(%arg4 : memref<32768xf32, #tpu.memory_space<vmem>>)
    %broadcast_in_dim3A_22 = arith.constant -3.000000e+38 : f32
    %broadcast_in_dim3A_23 = vector.broadcast %broadcast_in_dim3A_22 : f32 to vector<16xf32>
    %parallel_loop3A = arith.constant 0 : i32
    %parallel_loop3A_24 = arith.constant 512 : i32
    %parallel_loop3A_25 = arith.constant 1 : i32
    %parallel_loop3A_26:4 = scf.for %parallel_loop3A_750 = %parallel_loop3A to %parallel_loop3A_24 step %parallel_loop3A_25 iter_args(%parallel_loop3A_751 = %broadcast_in_dim3A_23, %parallel_loop3A_752 = %broadcast_in_dim3A_23, %parallel_loop3A_753 = %broadcast_in_dim3A_23, %parallel_loop3A_754 = %broadcast_in_dim3A_23) -> (vector<16xf32>, vector<16xf32>, vector<16xf32>, vector<16xf32>)  : i32 {
      %parallel_loop3A_755 = arith.constant 4 : i32
      %parallel_loop3A_756 = arith.muli %parallel_loop3A_755, %parallel_loop3A_750 : i32
      %parallel_loop3A_757 = arith.constant 16 : i32
      %parallel_loop3A_758 = arith.muli %parallel_loop3A_756, %parallel_loop3A_757 : i32
      %parallel_loop3A_759 = arith.index_cast %parallel_loop3A_758 : i32 to index
      %parallel_loop3A_760 = tpu.vector_load %arg4[%parallel_loop3A_759] {strides = array<i32>} : memref<32768xf32, #tpu.memory_space<vmem>>, vector<16xf32>,
      %parallel_loop3A_761 = arith.maximumf %parallel_loop3A_751, %parallel_loop3A_760 : vector<16xf32>
      %parallel_loop3A_762 = arith.constant 4 : i32
      %parallel_loop3A_763 = arith.muli %parallel_loop3A_762, %parallel_loop3A_750 : i32
      %parallel_loop3A_764 = arith.constant 1 : i32
      %parallel_loop3A_765 = arith.addi %parallel_loop3A_763, %parallel_loop3A_764 : i32
      %parallel_loop3A_766 = arith.constant 16 : i32
      %parallel_loop3A_767 = arith.muli %parallel_loop3A_765, %parallel_loop3A_766 : i32
      %parallel_loop3A_768 = arith.index_cast %parallel_loop3A_767 : i32 to index
      %parallel_loop3A_769 = tpu.vector_load %arg4[%parallel_loop3A_768] {strides = array<i32>} : memref<32768xf32, #tpu.memory_space<vmem>>, vector<16xf32>,
      %parallel_loop3A_770 = arith.maximumf %parallel_loop3A_752, %parallel_loop3A_769 : vector<16xf32>
      %parallel_loop3A_771 = arith.constant 4 : i32
      %parallel_loop3A_772 = arith.muli %parallel_loop3A_771, %parallel_loop3A_750 : i32
      %parallel_loop3A_773 = arith.constant 2 : i32
      %parallel_loop3A_774 = arith.addi %parallel_loop3A_772, %parallel_loop3A_773 : i32
      %parallel_loop3A_775 = arith.constant 16 : i32
      %parallel_loop3A_776 = arith.muli %parallel_loop3A_774, %parallel_loop3A_775 : i32
      %parallel_loop3A_777 = arith.index_cast %parallel_loop3A_776 : i32 to index
      %parallel_loop3A_778 = tpu.vector_load %arg4[%parallel_loop3A_777] {strides = array<i32>} : memref<32768xf32, #tpu.memory_space<vmem>>, vector<16xf32>,
      %parallel_loop3A_779 = arith.maximumf %parallel_loop3A_753, %parallel_loop3A_778 : vector<16xf32>
      %parallel_loop3A_780 = arith.constant 4 : i32
      %parallel_loop3A_781 = arith.muli %parallel_loop3A_780, %parallel_loop3A_750 : i32
      %parallel_loop3A_782 = arith.constant 3 : i32
      %parallel_loop3A_783 = arith.addi %parallel_loop3A_781, %parallel_loop3A_782 : i32
      %parallel_loop3A_784 = arith.constant 16 : i32
      %parallel_loop3A_785 = arith.muli %parallel_loop3A_783, %parallel_loop3A_784 : i32
      %parallel_loop3A_786 = arith.index_cast %parallel_loop3A_785 : i32 to index
      %parallel_loop3A_787 = tpu.vector_load %arg4[%parallel_loop3A_786] {strides = array<i32>} : memref<32768xf32, #tpu.memory_space<vmem>>, vector<16xf32>,
      %parallel_loop3A_788 = arith.maximumf %parallel_loop3A_754, %parallel_loop3A_787 : vector<16xf32>
      scf.yield %parallel_loop3A_761, %parallel_loop3A_770, %parallel_loop3A_779, %parallel_loop3A_788 : vector<16xf32>, vector<16xf32>, vector<16xf32>, vector<16xf32>
    } {sc.loop_unroll_factor = 4 : i64, sc.parallel_access}
    %max3A = arith.maximumf %parallel_loop3A_26#0, %parallel_loop3A_26#1 : vector<16xf32>
    %max3A_27 = arith.maximumf %parallel_loop3A_26#2, %parallel_loop3A_26#3 : vector<16xf32>
    %max3A_28 = arith.maximumf %max3A, %max3A_27 : vector<16xf32>
    %reduce_max3A = arith.constant true
    %reduce_max3A_29 = vector.broadcast %reduce_max3A : i1 to vector<16xi1>
    %reduce_max3A_30 = tpu.scan <max>, %max3A_28 masked %reduce_max3A_29 : vector<16xf32>, vector<16xi1> -> vector<16xf32>
    %reduce_max3A_31 = vector.extract %reduce_max3A_30[15] : f32 from vector<16xf32>
    %broadcast_in_dim3A_32 = vector.broadcast %reduce_max3A_31 : f32 to vector<16xf32>
    %sub3A = arith.constant 1.001000e+00 : f32
    %sub3A_33 = vector.broadcast %sub3A : f32 to vector<16xf32>
    %sub3A_34 = arith.subf %broadcast_in_dim3A_32, %sub3A_33 : vector<16xf32>
    %iota3A = tpu.iota {dimensions = array<i32: 0>} : vector<16xi32>
    %eq3A = arith.constant 0 : i32
    %eq3A_35 = vector.broadcast %eq3A : i32 to vector<16xi32>
    %eq3A_36 = arith.cmpi eq, %iota3A, %eq3A_35 : vector<16xi32>
    %parallel_loop3A_37 = arith.constant 0 : i32
    %parallel_loop3A_38 = arith.constant 2048 : i32
    %parallel_loop3A_39 = arith.constant 1 : i32
    scf.for %parallel_loop3A_750 = %parallel_loop3A_37 to %parallel_loop3A_38 step %parallel_loop3A_39  : i32 {
      %parallel_loop3A_751 = arith.constant 16 : i32
      %parallel_loop3A_752 = arith.muli %parallel_loop3A_750, %parallel_loop3A_751 : i32
      %parallel_loop3A_753 = arith.index_cast %parallel_loop3A_752 : i32 to index
      %parallel_loop3A_754 = tpu.vector_load %arg4[%parallel_loop3A_753] {strides = array<i32>} : memref<32768xf32, #tpu.memory_space<vmem>>, vector<16xf32>,
      %parallel_loop3A_755 = arith.cmpf ogt, %parallel_loop3A_754, %sub3A_34 : vector<16xf32>
      %parallel_loop3A_756 = tpu.all_reduce %parallel_loop3A_755 {dim = 0 : i64, kind = #tpu.reduction_kind<sum>} : vector<16xi1> -> vector<16xi32>
      %parallel_loop3A_757 = arith.index_cast %parallel_loop3A_750 : i32 to index
      %parallel_loop3A_758 = tpu.vector_load %arg7[%parallel_loop3A_757] masked %eq3A_36 {strides = array<i32>} : memref<2064xi32, #tpu.memory_space<vmem>>, vector<16xi32>, vector<16xi1>
      tpu.vector_store %arg7[%parallel_loop3A_757], %parallel_loop3A_756 masked %eq3A_36 {strides = array<i32>} : memref<2064xi32, #tpu.memory_space<vmem>>, vector<16xi32>, vector<16xi1>
    } {sc.loop_unroll_factor = 8 : i64, sc.parallel_access}
    %scan3A = arith.constant 0 : i32
    %scan3A_40 = arith.constant 0 : i32
    %scan3A_41 = arith.constant 128 : i32
    %scan3A_42 = arith.addi %scan3A_40, %scan3A_41 : i32
    %scan3A_43 = arith.constant 1 : i32
    %scan3A_44 = scf.for %scan3A_750 = %scan3A_40 to %scan3A_42 step %scan3A_43 iter_args(%scan3A_751 = %scan3A) -> (i32)  : i32 {
      %mul3A_752 = arith.constant 16 : i32
      %mul3A_753 = arith.muli %scan3A_750, %mul3A_752 : i32
      %get3A = arith.index_cast %mul3A_753 : i32 to index
      %get3A_754 = tpu.vector_load %arg7[%get3A] {strides = array<i32>} : memref<2064xi32, #tpu.memory_space<vmem>>, vector<16xi32>,
      %cumsum3A = arith.constant true
      %cumsum3A_755 = vector.broadcast %cumsum3A : i1 to vector<16xi1>
      %cumsum3A_756 = tpu.scan <sum>, %get3A_754 masked %cumsum3A_755 : vector<16xi32>, vector<16xi1> -> vector<16xi32>
      %sub3A_757 = arith.subi %cumsum3A_756, %get3A_754 : vector<16xi32>
      %broadcast_in_dim3A_758 = vector.broadcast %scan3A_751 : i32 to vector<16xi32>
      %add3A_759 = arith.addi %sub3A_757, %broadcast_in_dim3A_758 : vector<16xi32>
      %mul3A_760 = arith.constant 16 : i32
      %mul3A_761 = arith.muli %scan3A_750, %mul3A_760 : i32
      %swap3A_762 = arith.index_cast %mul3A_761 : i32 to index
      %swap3A_763 = tpu.vector_load %arg8[%swap3A_762] {strides = array<i32>} : memref<2064xi32, #tpu.memory_space<vmem>>, vector<16xi32>,
      tpu.vector_store %arg8[%swap3A_762], %add3A_759 {strides = array<i32>} : memref<2064xi32, #tpu.memory_space<vmem>>, vector<16xi32>,
      %slice3A = vector.extract_strided_slice %cumsum3A_756 {offsets = [15], sizes = [1], strides = [1]} : vector<16xi32> to vector<1xi32>
      %squeeze3A = vector.extract %slice3A[0] : i32 from vector<1xi32>
      %add3A_764 = arith.addi %scan3A_751, %squeeze3A : i32
      scf.yield %add3A_764 : i32
    }
    %scan3A_45 = arith.constant 128 : i32
    %parallel_loop3A_46 = arith.constant 0 : i32
    %parallel_loop3A_47 = arith.constant 2048 : i32
    %parallel_loop3A_48 = arith.constant 1 : i32
    scf.for %parallel_loop3A_750 = %parallel_loop3A_46 to %parallel_loop3A_47 step %parallel_loop3A_48  : i32 {
      %parallel_loop3A_751 = arith.constant 16 : i32
      %parallel_loop3A_752 = arith.muli %parallel_loop3A_750, %parallel_loop3A_751 : i32
      %parallel_loop3A_753 = arith.index_cast %parallel_loop3A_752 : i32 to index
      %parallel_loop3A_754 = tpu.vector_load %arg4[%parallel_loop3A_753] {strides = array<i32>} : memref<32768xf32, #tpu.memory_space<vmem>>, vector<16xf32>,
      %parallel_loop3A_755 = arith.cmpf ogt, %parallel_loop3A_754, %sub3A_34 : vector<16xf32>
      %parallel_loop3A_756 = arith.index_cast %parallel_loop3A_750 : i32 to index
      %parallel_loop3A_757 = tpu.vector_load %arg8[%parallel_loop3A_756] {strides = array<i32>} : memref<2064xi32, #tpu.memory_space<vmem>>, vector<16xi32>,
      %parallel_loop3A_758 = vector.extract_strided_slice %parallel_loop3A_757 {offsets = [0], sizes = [1], strides = [1]} : vector<16xi32> to vector<1xi32>
      %parallel_loop3A_759 = vector.extract %parallel_loop3A_758[0] : i32 from vector<1xi32>
      %parallel_loop3A_760 = arith.index_cast %parallel_loop3A_759 : i32 to index
      %parallel_loop3A_761 = tpu.vector_load %arg6[%parallel_loop3A_760] masked %parallel_loop3A_755 {strides = array<i32>} : memref<32784xf32, #tpu.memory_space<vmem>>, vector<16xf32>, vector<16xi1>
      tpu.vector_store %arg6[%parallel_loop3A_760], %parallel_loop3A_754 masked %parallel_loop3A_755 {strides = array<i32>} : memref<32784xf32, #tpu.memory_space<vmem>>, vector<16xf32>, vector<16xi1>
    } {sc.loop_unroll_factor = 8 : i64, sc.parallel_access}
    %broadcast_in_dim3A_49 = arith.constant -3.000000e+38 : f32
    %broadcast_in_dim3A_50 = vector.broadcast %broadcast_in_dim3A_49 : f32 to vector<16xf32>
    %swap3A = arith.index_cast %scan3A_44 : i32 to index
    %swap3A_51 = tpu.vector_load %arg6[%swap3A] {strides = array<i32>} : memref<32784xf32, #tpu.memory_space<vmem>>, vector<16xf32>,
    tpu.vector_store %arg6[%swap3A], %broadcast_in_dim3A_50 {strides = array<i32>} : memref<32784xf32, #tpu.memory_space<vmem>>, vector<16xf32>,
    %add3A_52 = arith.constant 15 : i32
    %add3A_53 = arith.addi %scan3A_44, %add3A_52 : i32
    %shift_right_logical3A = arith.constant 4 : i32
    %shift_right_logical3A_54 = arith.shrui %add3A_53, %shift_right_logical3A : i32
    %add3A_55 = arith.constant 1.000000e-03 : f32
    %add3A_56 = vector.broadcast %add3A_55 : f32 to vector<16xf32>
    %add3A_57 = arith.addf %broadcast_in_dim3A_32, %add3A_56 : vector<16xf32>
    %scan3A_58 = arith.constant 0 : i32
    %scan3A_59 = arith.constant 25 : i32
    %scan3A_60 = arith.addi %scan3A_58, %scan3A_59 : i32
    %scan3A_61 = arith.constant 1 : i32
    %scan3A_62:2 = scf.for %scan3A_750 = %scan3A_58 to %scan3A_60 step %scan3A_61 iter_args(%scan3A_751 = %sub3A_34, %scan3A_752 = %add3A_57) -> (vector<16xf32>, vector<16xf32>)  : i32 {
      %add3A_753 = arith.addf %scan3A_751, %scan3A_752 : vector<16xf32>
      %mul3A_754 = arith.constant 5.000000e-01 : f32
      %mul3A_755 = vector.broadcast %mul3A_754 : f32 to vector<16xf32>
      %mul3A_756 = arith.mulf %mul3A_755, %add3A_753 : vector<16xf32>
      %parallel_loop3A_757 = arith.constant 0 : i32
      %parallel_loop3A_758 = arith.constant 1 : i32
      %parallel_loop3A_759 = scf.for %parallel_loop3A_770 = %parallel_loop3A_757 to %shift_right_logical3A_54 step %parallel_loop3A_758 iter_args(%parallel_loop3A_771 = %broadcast_in_dim3A_1) -> (vector<16xf32>)  : i32 {
        %parallel_loop3A_772 = arith.constant 16 : i32
        %parallel_loop3A_773 = arith.muli %parallel_loop3A_770, %parallel_loop3A_772 : i32
        %parallel_loop3A_774 = arith.index_cast %parallel_loop3A_773 : i32 to index
        %parallel_loop3A_775 = tpu.vector_load %arg6[%parallel_loop3A_774] {strides = array<i32>} : memref<32784xf32, #tpu.memory_space<vmem>>, vector<16xf32>,
        %parallel_loop3A_776 = arith.cmpf ogt, %parallel_loop3A_775, %mul3A_756 : vector<16xf32>
        %parallel_loop3A_777 = arith.subf %parallel_loop3A_775, %mul3A_756 : vector<16xf32>
        %parallel_loop3A_778 = arith.constant 0.000000e+00 : f32
        %parallel_loop3A_779 = vector.broadcast %parallel_loop3A_778 : f32 to vector<16xf32>
        %parallel_loop3A_780 = arith.select %parallel_loop3A_776, %parallel_loop3A_777, %parallel_loop3A_779 : vector<16xi1>, vector<16xf32>
        %parallel_loop3A_781 = arith.addf %parallel_loop3A_771, %parallel_loop3A_780 : vector<16xf32>
        scf.yield %parallel_loop3A_781 : vector<16xf32>
      } {sc.loop_unroll_factor = 1 : i64, sc.parallel_access}
      %reduce_sum3A_760 = arith.constant true
      %reduce_sum3A_761 = vector.broadcast %reduce_sum3A_760 : i1 to vector<16xi1>
      %reduce_sum3A_762 = tpu.scan <sum>, %parallel_loop3A_759 masked %reduce_sum3A_761 : vector<16xf32>, vector<16xi1> -> vector<16xf32>
      %reduce_sum3A_763 = vector.extract %reduce_sum3A_762[15] : f32 from vector<16xf32>
      %broadcast_in_dim3A_764 = vector.broadcast %reduce_sum3A_763 : f32 to vector<16xf32>
      %gt3A_765 = arith.constant 1.000000e+00 : f32
      %gt3A_766 = vector.broadcast %gt3A_765 : f32 to vector<16xf32>
      %gt3A_767 = arith.cmpf ogt, %broadcast_in_dim3A_764, %gt3A_766 : vector<16xf32>
      %select_n3A_768 = arith.select %gt3A_767, %mul3A_756, %scan3A_751 : vector<16xi1>, vector<16xf32>
      %select_n3A_769 = arith.select %gt3A_767, %scan3A_752, %mul3A_756 : vector<16xi1>, vector<16xf32>
      scf.yield %select_n3A_768, %select_n3A_769 : vector<16xf32>, vector<16xf32>
    }
    %scan3A_63 = arith.constant 25 : i32
    %sub3A_64 = arith.constant 9.99999997E-7 : f32
    %sub3A_65 = vector.broadcast %sub3A_64 : f32 to vector<16xf32>
    %sub3A_66 = arith.subf %scan3A_62#0, %sub3A_65 : vector<16xf32>
    %add3A_67 = arith.constant 9.99999997E-7 : f32
    %add3A_68 = vector.broadcast %add3A_67 : f32 to vector<16xf32>
    %add3A_69 = arith.addf %scan3A_62#1, %add3A_68 : vector<16xf32>
    %broadcast_in_dim3A_70 = arith.constant 3.000000e+38 : f32
    %broadcast_in_dim3A_71 = vector.broadcast %broadcast_in_dim3A_70 : f32 to vector<16xf32>
    %broadcast_in_dim3A_72 = arith.constant -3.000000e+38 : f32
    %broadcast_in_dim3A_73 = vector.broadcast %broadcast_in_dim3A_72 : f32 to vector<16xf32>
    %parallel_loop3A_74 = arith.constant 0 : i32
    %parallel_loop3A_75 = arith.constant 1 : i32
    %parallel_loop3A_76:6 = scf.for %parallel_loop3A_750 = %parallel_loop3A_74 to %shift_right_logical3A_54 step %parallel_loop3A_75 iter_args(%parallel_loop3A_751 = %broadcast_in_dim3A_1, %parallel_loop3A_752 = %broadcast_in_dim3A_1, %parallel_loop3A_753 = %broadcast_in_dim3A_1, %parallel_loop3A_754 = %broadcast_in_dim3A_1, %parallel_loop3A_755 = %broadcast_in_dim3A_71, %parallel_loop3A_756 = %broadcast_in_dim3A_73) -> (vector<16xf32>, vector<16xf32>, vector<16xf32>, vector<16xf32>, vector<16xf32>, vector<16xf32>)  : i32 {
      %parallel_loop3A_757 = arith.constant 16 : i32
      %parallel_loop3A_758 = arith.muli %parallel_loop3A_750, %parallel_loop3A_757 : i32
      %parallel_loop3A_759 = arith.index_cast %parallel_loop3A_758 : i32 to index
      %parallel_loop3A_760 = tpu.vector_load %arg6[%parallel_loop3A_759] {strides = array<i32>} : memref<32784xf32, #tpu.memory_space<vmem>>, vector<16xf32>,
      %parallel_loop3A_761 = arith.subf %parallel_loop3A_760, %sub3A_66 : vector<16xf32>
      %parallel_loop3A_762 = arith.cmpf oge, %parallel_loop3A_760, %add3A_69 : vector<16xf32>
      %parallel_loop3A_763 = arith.cmpf ogt, %parallel_loop3A_760, %sub3A_66 : vector<16xf32>
      %parallel_loop3A_764 = arith.cmpf olt, %parallel_loop3A_760, %add3A_69 : vector<16xf32>
      %parallel_loop3A_765 = arith.andi %parallel_loop3A_763, %parallel_loop3A_764 : vector<16xi1>
      %parallel_loop3A_766 = arith.constant 1.000000e+00 : f32
      %parallel_loop3A_767 = arith.constant 0.000000e+00 : f32
      %parallel_loop3A_768 = vector.broadcast %parallel_loop3A_766 : f32 to vector<16xf32>
      %parallel_loop3A_769 = vector.broadcast %parallel_loop3A_767 : f32 to vector<16xf32>
      %parallel_loop3A_770 = arith.select %parallel_loop3A_762, %parallel_loop3A_768, %parallel_loop3A_769 : vector<16xi1>, vector<16xf32>
      %parallel_loop3A_771 = arith.addf %parallel_loop3A_751, %parallel_loop3A_770 : vector<16xf32>
      %parallel_loop3A_772 = arith.constant 0.000000e+00 : f32
      %parallel_loop3A_773 = vector.broadcast %parallel_loop3A_772 : f32 to vector<16xf32>
      %parallel_loop3A_774 = arith.select %parallel_loop3A_762, %parallel_loop3A_761, %parallel_loop3A_773 : vector<16xi1>, vector<16xf32>
      %parallel_loop3A_775 = arith.addf %parallel_loop3A_752, %parallel_loop3A_774 : vector<16xf32>
      %parallel_loop3A_776 = arith.constant 1.000000e+00 : f32
      %parallel_loop3A_777 = arith.constant 0.000000e+00 : f32
      %parallel_loop3A_778 = vector.broadcast %parallel_loop3A_776 : f32 to vector<16xf32>
      %parallel_loop3A_779 = vector.broadcast %parallel_loop3A_777 : f32 to vector<16xf32>
      %parallel_loop3A_780 = arith.select %parallel_loop3A_765, %parallel_loop3A_778, %parallel_loop3A_779 : vector<16xi1>, vector<16xf32>
      %parallel_loop3A_781 = arith.addf %parallel_loop3A_753, %parallel_loop3A_780 : vector<16xf32>
      %parallel_loop3A_782 = arith.constant 0.000000e+00 : f32
      %parallel_loop3A_783 = vector.broadcast %parallel_loop3A_782 : f32 to vector<16xf32>
      %parallel_loop3A_784 = arith.select %parallel_loop3A_765, %parallel_loop3A_761, %parallel_loop3A_783 : vector<16xi1>, vector<16xf32>
      %parallel_loop3A_785 = arith.addf %parallel_loop3A_754, %parallel_loop3A_784 : vector<16xf32>
      %parallel_loop3A_786 = arith.constant 3.000000e+38 : f32
      %parallel_loop3A_787 = vector.broadcast %parallel_loop3A_786 : f32 to vector<16xf32>
      %parallel_loop3A_788 = arith.select %parallel_loop3A_765, %parallel_loop3A_761, %parallel_loop3A_787 : vector<16xi1>, vector<16xf32>
      %parallel_loop3A_789 = arith.minimumf %parallel_loop3A_755, %parallel_loop3A_788 : vector<16xf32>
      %parallel_loop3A_790 = arith.constant -3.000000e+38 : f32
      %parallel_loop3A_791 = vector.broadcast %parallel_loop3A_790 : f32 to vector<16xf32>
      %parallel_loop3A_792 = arith.select %parallel_loop3A_765, %parallel_loop3A_761, %parallel_loop3A_791 : vector<16xi1>, vector<16xf32>
      %parallel_loop3A_793 = arith.maximumf %parallel_loop3A_756, %parallel_loop3A_792 : vector<16xf32>
      scf.yield %parallel_loop3A_771, %parallel_loop3A_775, %parallel_loop3A_781, %parallel_loop3A_785, %parallel_loop3A_789, %parallel_loop3A_793 : vector<16xf32>, vector<16xf32>, vector<16xf32>, vector<16xf32>, vector<16xf32>, vector<16xf32>
    } {sc.loop_unroll_factor = 1 : i64, sc.parallel_access}
    %reduce_sum3A = arith.constant true
    %reduce_sum3A_77 = vector.broadcast %reduce_sum3A : i1 to vector<16xi1>
    %reduce_sum3A_78 = tpu.scan <sum>, %parallel_loop3A_76#0 masked %reduce_sum3A_77 : vector<16xf32>, vector<16xi1> -> vector<16xf32>
    %reduce_sum3A_79 = vector.extract %reduce_sum3A_78[15] : f32 from vector<16xf32>
    %broadcast_in_dim3A_80 = vector.broadcast %reduce_sum3A_79 : f32 to vector<16xf32>
    %reduce_sum3A_81 = arith.constant true
    %reduce_sum3A_82 = vector.broadcast %reduce_sum3A_81 : i1 to vector<16xi1>
    %reduce_sum3A_83 = tpu.scan <sum>, %parallel_loop3A_76#1 masked %reduce_sum3A_82 : vector<16xf32>, vector<16xi1> -> vector<16xf32>
    %reduce_sum3A_84 = vector.extract %reduce_sum3A_83[15] : f32 from vector<16xf32>
    %broadcast_in_dim3A_85 = vector.broadcast %reduce_sum3A_84 : f32 to vector<16xf32>
    %reduce_sum3A_86 = arith.constant true
    %reduce_sum3A_87 = vector.broadcast %reduce_sum3A_86 : i1 to vector<16xi1>
    %reduce_sum3A_88 = tpu.scan <sum>, %parallel_loop3A_76#2 masked %reduce_sum3A_87 : vector<16xf32>, vector<16xi1> -> vector<16xf32>
    %reduce_sum3A_89 = vector.extract %reduce_sum3A_88[15] : f32 from vector<16xf32>
    %broadcast_in_dim3A_90 = vector.broadcast %reduce_sum3A_89 : f32 to vector<16xf32>
    %reduce_sum3A_91 = arith.constant true
    %reduce_sum3A_92 = vector.broadcast %reduce_sum3A_91 : i1 to vector<16xi1>
    %reduce_sum3A_93 = tpu.scan <sum>, %parallel_loop3A_76#3 masked %reduce_sum3A_92 : vector<16xf32>, vector<16xi1> -> vector<16xf32>
    %reduce_sum3A_94 = vector.extract %reduce_sum3A_93[15] : f32 from vector<16xf32>
    %broadcast_in_dim3A_95 = vector.broadcast %reduce_sum3A_94 : f32 to vector<16xf32>
    %reduce_min3A = arith.constant true
    %reduce_min3A_96 = vector.broadcast %reduce_min3A : i1 to vector<16xi1>
    %reduce_min3A_97 = tpu.scan <min>, %parallel_loop3A_76#4 masked %reduce_min3A_96 : vector<16xf32>, vector<16xi1> -> vector<16xf32>
    %reduce_min3A_98 = vector.extract %reduce_min3A_97[15] : f32 from vector<16xf32>
    %broadcast_in_dim3A_99 = vector.broadcast %reduce_min3A_98 : f32 to vector<16xf32>
    %reduce_max3A_100 = arith.constant true
    %reduce_max3A_101 = vector.broadcast %reduce_max3A_100 : i1 to vector<16xi1>
    %reduce_max3A_102 = tpu.scan <max>, %parallel_loop3A_76#5 masked %reduce_max3A_101 : vector<16xf32>, vector<16xi1> -> vector<16xf32>
    %reduce_max3A_103 = vector.extract %reduce_max3A_102[15] : f32 from vector<16xf32>
    %broadcast_in_dim3A_104 = vector.broadcast %reduce_max3A_103 : f32 to vector<16xf32>
    %sub3A_105 = arith.constant 1.000000e+00 : f32
    %sub3A_106 = vector.broadcast %sub3A_105 : f32 to vector<16xf32>
    %sub3A_107 = arith.subf %broadcast_in_dim3A_85, %sub3A_106 : vector<16xf32>
    %max3A_108 = arith.constant 1.000000e+00 : f32
    %max3A_109 = vector.broadcast %max3A_108 : f32 to vector<16xf32>
    %max3A_110 = arith.maximumf %broadcast_in_dim3A_80, %max3A_109 : vector<16xf32>
    %div3A = arith.divf %sub3A_107, %max3A_110 : vector<16xf32>
    %add3A_111 = arith.addf %broadcast_in_dim3A_85, %broadcast_in_dim3A_95 : vector<16xf32>
    %sub3A_112 = arith.constant 1.000000e+00 : f32
    %sub3A_113 = vector.broadcast %sub3A_112 : f32 to vector<16xf32>
    %sub3A_114 = arith.subf %add3A_111, %sub3A_113 : vector<16xf32>
    %add3A_115 = arith.addf %broadcast_in_dim3A_80, %broadcast_in_dim3A_90 : vector<16xf32>
    %max3A_116 = arith.constant 1.000000e+00 : f32
    %max3A_117 = vector.broadcast %max3A_116 : f32 to vector<16xf32>
    %max3A_118 = arith.maximumf %add3A_115, %max3A_117 : vector<16xf32>
    %div3A_119 = arith.divf %sub3A_114, %max3A_118 : vector<16xf32>
    %add3A_120 = arith.addf %broadcast_in_dim3A_85, %broadcast_in_dim3A_104 : vector<16xf32>
    %sub3A_121 = arith.constant 1.000000e+00 : f32
    %sub3A_122 = vector.broadcast %sub3A_121 : f32 to vector<16xf32>
    %sub3A_123 = arith.subf %add3A_120, %sub3A_122 : vector<16xf32>
    %add3A_124 = arith.constant 1.000000e+00 : f32
    %add3A_125 = vector.broadcast %add3A_124 : f32 to vector<16xf32>
    %add3A_126 = arith.addf %broadcast_in_dim3A_80, %add3A_125 : vector<16xf32>
    %div3A_127 = arith.divf %sub3A_123, %add3A_126 : vector<16xf32>
    %gt3A = arith.constant 0.000000e+00 : f32
    %gt3A_128 = vector.broadcast %gt3A : f32 to vector<16xf32>
    %gt3A_129 = arith.cmpf ogt, %broadcast_in_dim3A_80, %gt3A_128 : vector<16xf32>
    %eq3A_130 = arith.constant 0.000000e+00 : f32
    %eq3A_131 = vector.broadcast %eq3A_130 : f32 to vector<16xf32>
    %eq3A_132 = arith.cmpf oeq, %broadcast_in_dim3A_90, %eq3A_131 : vector<16xf32>
    %ge3A = arith.cmpf oge, %div3A, %broadcast_in_dim3A_104 : vector<16xf32>
    %or3A = arith.ori %eq3A_132, %ge3A : vector<16xi1>
    %and3A = arith.andi %gt3A_129, %or3A : vector<16xi1>
    %add3A_133 = arith.addf %broadcast_in_dim3A_80, %broadcast_in_dim3A_90 : vector<16xf32>
    %gt3A_134 = arith.constant 0.000000e+00 : f32
    %gt3A_135 = vector.broadcast %gt3A_134 : f32 to vector<16xf32>
    %gt3A_136 = arith.cmpf ogt, %add3A_133, %gt3A_135 : vector<16xf32>
    %eq3A_137 = arith.constant 0.000000e+00 : f32
    %eq3A_138 = vector.broadcast %eq3A_137 : f32 to vector<16xf32>
    %eq3A_139 = arith.cmpf oeq, %broadcast_in_dim3A_90, %eq3A_138 : vector<16xf32>
    %lt3A = arith.cmpf olt, %div3A_119, %broadcast_in_dim3A_99 : vector<16xf32>
    %or3A_140 = arith.ori %eq3A_139, %lt3A : vector<16xi1>
    %and3A_141 = arith.andi %gt3A_136, %or3A_140 : vector<16xi1>
    %gt3A_142 = arith.constant 0.000000e+00 : f32
    %gt3A_143 = vector.broadcast %gt3A_142 : f32 to vector<16xf32>
    %gt3A_144 = arith.cmpf ogt, %broadcast_in_dim3A_90, %gt3A_143 : vector<16xf32>
    %lt3A_145 = arith.cmpf olt, %div3A_127, %broadcast_in_dim3A_104 : vector<16xf32>
    %and3A_146 = arith.andi %gt3A_144, %lt3A_145 : vector<16xi1>
    %eq3A_147 = arith.constant 1.000000e+00 : f32
    %eq3A_148 = vector.broadcast %eq3A_147 : f32 to vector<16xf32>
    %eq3A_149 = arith.cmpf oeq, %broadcast_in_dim3A_90, %eq3A_148 : vector<16xf32>
    %ge3A_150 = arith.cmpf oge, %div3A_127, %broadcast_in_dim3A_99 : vector<16xf32>
    %or3A_151 = arith.ori %eq3A_149, %ge3A_150 : vector<16xi1>
    %and3A_152 = arith.andi %and3A_146, %or3A_151 : vector<16xi1>
    %select_n3A = arith.select %and3A_152, %div3A_127, %div3A_119 : vector<16xi1>, vector<16xf32>
    %select_n3A_153 = arith.select %and3A_141, %div3A_119, %select_n3A : vector<16xi1>, vector<16xf32>
    %select_n3A_154 = arith.select %and3A, %div3A, %select_n3A_153 : vector<16xi1>, vector<16xf32>
    %add3A_155 = arith.addf %sub3A_66, %select_n3A_154 : vector<16xf32>
    %parallel_loop3A_156 = arith.constant 0 : i32
    %parallel_loop3A_157 = arith.constant 2048 : i32
    %parallel_loop3A_158 = arith.constant 1 : i32
    scf.for %parallel_loop3A_750 = %parallel_loop3A_156 to %parallel_loop3A_157 step %parallel_loop3A_158  : i32 {
      %parallel_loop3A_751 = arith.constant 16 : i32
      %parallel_loop3A_752 = arith.muli %parallel_loop3A_750, %parallel_loop3A_751 : i32
      %parallel_loop3A_753 = arith.index_cast %parallel_loop3A_752 : i32 to index
      %parallel_loop3A_754 = tpu.vector_load %arg4[%parallel_loop3A_753] {strides = array<i32>} : memref<32768xf32, #tpu.memory_space<vmem>>, vector<16xf32>,
      %parallel_loop3A_755 = arith.subf %parallel_loop3A_754, %add3A_155 : vector<16xf32>
      %parallel_loop3A_756 = arith.constant 0.000000e+00 : f32
      %parallel_loop3A_757 = vector.broadcast %parallel_loop3A_756 : f32 to vector<16xf32>
      %parallel_loop3A_758 = arith.maximumf %parallel_loop3A_755, %parallel_loop3A_757 : vector<16xf32>
      %parallel_loop3A_759 = arith.constant 16 : i32
      %parallel_loop3A_760 = arith.muli %parallel_loop3A_750, %parallel_loop3A_759 : i32
      %parallel_loop3A_761 = arith.index_cast %parallel_loop3A_760 : i32 to index
      %parallel_loop3A_762 = tpu.vector_load %arg6[%parallel_loop3A_761] {strides = array<i32>} : memref<32784xf32, #tpu.memory_space<vmem>>, vector<16xf32>,
      tpu.vector_store %arg6[%parallel_loop3A_761], %parallel_loop3A_758 {strides = array<i32>} : memref<32784xf32, #tpu.memory_space<vmem>>, vector<16xf32>,
    } {sc.loop_unroll_factor = 8 : i64, sc.parallel_access}
    %add3A_159 = arith.constant 0 : i32
    %add3A_160 = arith.addi %mul3A_3, %add3A_159 : i32
    %dma_start3A_161 = arith.constant 0 : i32
    %dma_start3A_162 = tpu.memref_slice %arg6[%dma_start3A_161] : memref<32784xf32, #tpu.memory_space<vmem>> -> memref<32768xf32, #tpu.memory_space<vmem>>
    %dma_start3A_163 = arith.constant 0 : i32
    %dma_start3A_164 = tpu.memref_slice %arg3[%add3A_160, %dma_start3A_163] : memref<128x32768xf32, #tpu.memory_space<hbm>> -> memref<1x32768xf32, #tpu.memory_space<hbm>>
    %dma_start3A_165 = tpu.memref_squeeze %dma_start3A_164 : memref<1x32768xf32, #tpu.memory_space<hbm>> -> memref<32768xf32, #tpu.memory_space<hbm>>
    %dma_start3A_166 = arith.constant 0 : i32
    %dma_start3A_167 = tpu.memref_slice %arg3[%add3A_160, %dma_start3A_166] : memref<128x32768xf32, #tpu.memory_space<hbm>> -> memref<1x32768xf32, #tpu.memory_space<hbm>>
    %dma_start3A_168 = tpu.memref_squeeze %dma_start3A_167 : memref<1x32768xf32, #tpu.memory_space<hbm>> -> memref<32768xf32, #tpu.memory_space<hbm>>
    %dma_start3A_169 = arith.constant 0 : i32
    %dma_start3A_170 = tpu.memref_slice %arg6[%dma_start3A_169] : memref<32784xf32, #tpu.memory_space<vmem>> -> memref<32768xf32, #tpu.memory_space<vmem>>
    tpu.enqueue_dma source(%dma_start3A_170 : memref<32768xf32, #tpu.memory_space<vmem>>) target(%dma_start3A_168 : memref<32768xf32, #tpu.memory_space<hbm>>) target_semaphore(%arg11 : memref<!tpu.dma_semaphore, #tpu.memory_space<semaphore_mem>>)
    %add3A_171 = arith.constant 0 : i32
    %add3A_172 = arith.addi %mul3A_3, %add3A_171 : i32
    %add3A_173 = arith.constant 2 : i32
    %add3A_174 = arith.addi %add3A_172, %add3A_173 : i32
    %dma_start3A_175 = arith.constant 0 : i32
    %dma_start3A_176 = tpu.memref_slice %arg2[%add3A_174, %dma_start3A_175] : memref<128x32768xf32, #tpu.memory_space<hbm>> -> memref<1x32768xf32, #tpu.memory_space<hbm>>
    %dma_start3A_177 = tpu.memref_squeeze %dma_start3A_176 : memref<1x32768xf32, #tpu.memory_space<hbm>> -> memref<32768xf32, #tpu.memory_space<hbm>>
    %dma_start3A_178 = arith.constant 0 : i32
    %dma_start3A_179 = tpu.memref_slice %arg2[%add3A_174, %dma_start3A_178] : memref<128x32768xf32, #tpu.memory_space<hbm>> -> memref<1x32768xf32, #tpu.memory_space<hbm>>
    %dma_start3A_180 = tpu.memref_squeeze %dma_start3A_179 : memref<1x32768xf32, #tpu.memory_space<hbm>> -> memref<32768xf32, #tpu.memory_space<hbm>>
    tpu.enqueue_dma source(%dma_start3A_180 : memref<32768xf32, #tpu.memory_space<hbm>>) target(%arg4 : memref<32768xf32, #tpu.memory_space<vmem>>) target_semaphore(%arg9 : memref<!tpu.dma_semaphore, #tpu.memory_space<semaphore_mem>>)
    %dma_wait3A_181 = arith.constant 0 : i32
    %dma_wait3A_182 = tpu.memref_slice %arg2[%add3A_10, %dma_wait3A_181] : memref<128x32768xf32, #tpu.memory_space<hbm>> -> memref<1x32768xf32, #tpu.memory_space<hbm>>
    %dma_wait3A_183 = tpu.memref_squeeze %dma_wait3A_182 : memref<1x32768xf32, #tpu.memory_space<hbm>> -> memref<32768xf32, #tpu.memory_space<hbm>>
    %dma_wait3A_184 = arith.constant 0 : i32
    %dma_wait3A_185 = tpu.memref_slice %arg2[%add3A_10, %dma_wait3A_184] : memref<128x32768xf32, #tpu.memory_space<hbm>> -> memref<1x32768xf32, #tpu.memory_space<hbm>>
    %dma_wait3A_186 = tpu.memref_squeeze %dma_wait3A_185 : memref<1x32768xf32, #tpu.memory_space<hbm>> -> memref<32768xf32, #tpu.memory_space<hbm>>
    tpu.wait_dma2 semaphore(%arg10 : memref<!tpu.dma_semaphore, #tpu.memory_space<semaphore_mem>>) src(%dma_wait3A_186 : memref<32768xf32, #tpu.memory_space<hbm>>) dst(%arg5 : memref<32768xf32, #tpu.memory_space<vmem>>)
    %broadcast_in_dim3A_187 = arith.constant -3.000000e+38 : f32
    %broadcast_in_dim3A_188 = vector.broadcast %broadcast_in_dim3A_187 : f32 to vector<16xf32>
    %parallel_loop3A_189 = arith.constant 0 : i32
    %parallel_loop3A_190 = arith.constant 512 : i32
    %parallel_loop3A_191 = arith.constant 1 : i32
    %parallel_loop3A_192:4 = scf.for %parallel_loop3A_750 = %parallel_loop3A_189 to %parallel_loop3A_190 step %parallel_loop3A_191 iter_args(%parallel_loop3A_751 = %broadcast_in_dim3A_188, %parallel_loop3A_752 = %broadcast_in_dim3A_188, %parallel_loop3A_753 = %broadcast_in_dim3A_188, %parallel_loop3A_754 = %broadcast_in_dim3A_188) -> (vector<16xf32>, vector<16xf32>, vector<16xf32>, vector<16xf32>)  : i32 {
      %parallel_loop3A_755 = arith.constant 4 : i32
      %parallel_loop3A_756 = arith.muli %parallel_loop3A_755, %parallel_loop3A_750 : i32
      %parallel_loop3A_757 = arith.constant 16 : i32
      %parallel_loop3A_758 = arith.muli %parallel_loop3A_756, %parallel_loop3A_757 : i32
      %parallel_loop3A_759 = arith.index_cast %parallel_loop3A_758 : i32 to index
      %parallel_loop3A_760 = tpu.vector_load %arg5[%parallel_loop3A_759] {strides = array<i32>} : memref<32768xf32, #tpu.memory_space<vmem>>, vector<16xf32>,
      %parallel_loop3A_761 = arith.maximumf %parallel_loop3A_751, %parallel_loop3A_760 : vector<16xf32>
      %parallel_loop3A_762 = arith.constant 4 : i32
      %parallel_loop3A_763 = arith.muli %parallel_loop3A_762, %parallel_loop3A_750 : i32
      %parallel_loop3A_764 = arith.constant 1 : i32
      %parallel_loop3A_765 = arith.addi %parallel_loop3A_763, %parallel_loop3A_764 : i32
      %parallel_loop3A_766 = arith.constant 16 : i32
      %parallel_loop3A_767 = arith.muli %parallel_loop3A_765, %parallel_loop3A_766 : i32
      %parallel_loop3A_768 = arith.index_cast %parallel_loop3A_767 : i32 to index
      %parallel_loop3A_769 = tpu.vector_load %arg5[%parallel_loop3A_768] {strides = array<i32>} : memref<32768xf32, #tpu.memory_space<vmem>>, vector<16xf32>,
      %parallel_loop3A_770 = arith.maximumf %parallel_loop3A_752, %parallel_loop3A_769 : vector<16xf32>
      %parallel_loop3A_771 = arith.constant 4 : i32
      %parallel_loop3A_772 = arith.muli %parallel_loop3A_771, %parallel_loop3A_750 : i32
      %parallel_loop3A_773 = arith.constant 2 : i32
      %parallel_loop3A_774 = arith.addi %parallel_loop3A_772, %parallel_loop3A_773 : i32
      %parallel_loop3A_775 = arith.constant 16 : i32
      %parallel_loop3A_776 = arith.muli %parallel_loop3A_774, %parallel_loop3A_775 : i32
      %parallel_loop3A_777 = arith.index_cast %parallel_loop3A_776 : i32 to index
      %parallel_loop3A_778 = tpu.vector_load %arg5[%parallel_loop3A_777] {strides = array<i32>} : memref<32768xf32, #tpu.memory_space<vmem>>, vector<16xf32>,
      %parallel_loop3A_779 = arith.maximumf %parallel_loop3A_753, %parallel_loop3A_778 : vector<16xf32>
      %parallel_loop3A_780 = arith.constant 4 : i32
      %parallel_loop3A_781 = arith.muli %parallel_loop3A_780, %parallel_loop3A_750 : i32
      %parallel_loop3A_782 = arith.constant 3 : i32
      %parallel_loop3A_783 = arith.addi %parallel_loop3A_781, %parallel_loop3A_782 : i32
      %parallel_loop3A_784 = arith.constant 16 : i32
      %parallel_loop3A_785 = arith.muli %parallel_loop3A_783, %parallel_loop3A_784 : i32
      %parallel_loop3A_786 = arith.index_cast %parallel_loop3A_785 : i32 to index
      %parallel_loop3A_787 = tpu.vector_load %arg5[%parallel_loop3A_786] {strides = array<i32>} : memref<32768xf32, #tpu.memory_space<vmem>>, vector<16xf32>,
      %parallel_loop3A_788 = arith.maximumf %parallel_loop3A_754, %parallel_loop3A_787 : vector<16xf32>
      scf.yield %parallel_loop3A_761, %parallel_loop3A_770, %parallel_loop3A_779, %parallel_loop3A_788 : vector<16xf32>, vector<16xf32>, vector<16xf32>, vector<16xf32>
    } {sc.loop_unroll_factor = 4 : i64, sc.parallel_access}
    %max3A_193 = arith.maximumf %parallel_loop3A_192#0, %parallel_loop3A_192#1 : vector<16xf32>
    %max3A_194 = arith.maximumf %parallel_loop3A_192#2, %parallel_loop3A_192#3 : vector<16xf32>
    %max3A_195 = arith.maximumf %max3A_193, %max3A_194 : vector<16xf32>
    %reduce_max3A_196 = arith.constant true
    %reduce_max3A_197 = vector.broadcast %reduce_max3A_196 : i1 to vector<16xi1>
    %reduce_max3A_198 = tpu.scan <max>, %max3A_195 masked %reduce_max3A_197 : vector<16xf32>, vector<16xi1> -> vector<16xf32>
    %reduce_max3A_199 = vector.extract %reduce_max3A_198[15] : f32 from vector<16xf32>
    %broadcast_in_dim3A_200 = vector.broadcast %reduce_max3A_199 : f32 to vector<16xf32>
    %sub3A_201 = arith.constant 1.001000e+00 : f32
    %sub3A_202 = vector.broadcast %sub3A_201 : f32 to vector<16xf32>
    %sub3A_203 = arith.subf %broadcast_in_dim3A_200, %sub3A_202 : vector<16xf32>
    %iota3A_204 = tpu.iota {dimensions = array<i32: 0>} : vector<16xi32>
    %eq3A_205 = arith.constant 0 : i32
    %eq3A_206 = vector.broadcast %eq3A_205 : i32 to vector<16xi32>
    %eq3A_207 = arith.cmpi eq, %iota3A_204, %eq3A_206 : vector<16xi32>
    %parallel_loop3A_208 = arith.constant 0 : i32
    %parallel_loop3A_209 = arith.constant 2048 : i32
    %parallel_loop3A_210 = arith.constant 1 : i32
    scf.for %parallel_loop3A_750 = %parallel_loop3A_208 to %parallel_loop3A_209 step %parallel_loop3A_210  : i32 {
      %parallel_loop3A_751 = arith.constant 16 : i32
      %parallel_loop3A_752 = arith.muli %parallel_loop3A_750, %parallel_loop3A_751 : i32
      %parallel_loop3A_753 = arith.index_cast %parallel_loop3A_752 : i32 to index
      %parallel_loop3A_754 = tpu.vector_load %arg5[%parallel_loop3A_753] {strides = array<i32>} : memref<32768xf32, #tpu.memory_space<vmem>>, vector<16xf32>,
      %parallel_loop3A_755 = arith.cmpf ogt, %parallel_loop3A_754, %sub3A_203 : vector<16xf32>
      %parallel_loop3A_756 = tpu.all_reduce %parallel_loop3A_755 {dim = 0 : i64, kind = #tpu.reduction_kind<sum>} : vector<16xi1> -> vector<16xi32>
      %parallel_loop3A_757 = arith.index_cast %parallel_loop3A_750 : i32 to index
      %parallel_loop3A_758 = tpu.vector_load %arg7[%parallel_loop3A_757] masked %eq3A_207 {strides = array<i32>} : memref<2064xi32, #tpu.memory_space<vmem>>, vector<16xi32>, vector<16xi1>
      tpu.vector_store %arg7[%parallel_loop3A_757], %parallel_loop3A_756 masked %eq3A_207 {strides = array<i32>} : memref<2064xi32, #tpu.memory_space<vmem>>, vector<16xi32>, vector<16xi1>
    } {sc.loop_unroll_factor = 8 : i64, sc.parallel_access}
    %dma_wait3A_211 = arith.constant 0 : i32
    %dma_wait3A_212 = tpu.memref_slice %arg6[%dma_wait3A_211] : memref<32784xf32, #tpu.memory_space<vmem>> -> memref<32768xf32, #tpu.memory_space<vmem>>
    %dma_wait3A_213 = arith.constant 0 : i32
    %dma_wait3A_214 = tpu.memref_slice %arg3[%add3A_160, %dma_wait3A_213] : memref<128x32768xf32, #tpu.memory_space<hbm>> -> memref<1x32768xf32, #tpu.memory_space<hbm>>
    %dma_wait3A_215 = tpu.memref_squeeze %dma_wait3A_214 : memref<1x32768xf32, #tpu.memory_space<hbm>> -> memref<32768xf32, #tpu.memory_space<hbm>>
    %dma_wait3A_216 = arith.constant 0 : i32
    %dma_wait3A_217 = tpu.memref_slice %arg3[%add3A_160, %dma_wait3A_216] : memref<128x32768xf32, #tpu.memory_space<hbm>> -> memref<1x32768xf32, #tpu.memory_space<hbm>>
    %dma_wait3A_218 = tpu.memref_squeeze %dma_wait3A_217 : memref<1x32768xf32, #tpu.memory_space<hbm>> -> memref<32768xf32, #tpu.memory_space<hbm>>
    %dma_wait3A_219 = arith.constant 0 : i32
    %dma_wait3A_220 = tpu.memref_slice %arg6[%dma_wait3A_219] : memref<32784xf32, #tpu.memory_space<vmem>> -> memref<32768xf32, #tpu.memory_space<vmem>>
    tpu.wait_dma2 semaphore(%arg11 : memref<!tpu.dma_semaphore, #tpu.memory_space<semaphore_mem>>) src(%dma_wait3A_220 : memref<32768xf32, #tpu.memory_space<vmem>>) dst(%dma_wait3A_218 : memref<32768xf32, #tpu.memory_space<hbm>>)
    %scan3A_221 = arith.constant 0 : i32
    %scan3A_222 = arith.constant 0 : i32
    %scan3A_223 = arith.constant 128 : i32
    %scan3A_224 = arith.addi %scan3A_222, %scan3A_223 : i32
    %scan3A_225 = arith.constant 1 : i32
    %scan3A_226 = scf.for %scan3A_750 = %scan3A_222 to %scan3A_224 step %scan3A_225 iter_args(%scan3A_751 = %scan3A_221) -> (i32)  : i32 {
      %mul3A_752 = arith.constant 16 : i32
      %mul3A_753 = arith.muli %scan3A_750, %mul3A_752 : i32
      %get3A = arith.index_cast %mul3A_753 : i32 to index
      %get3A_754 = tpu.vector_load %arg7[%get3A] {strides = array<i32>} : memref<2064xi32, #tpu.memory_space<vmem>>, vector<16xi32>,
      %cumsum3A = arith.constant true
      %cumsum3A_755 = vector.broadcast %cumsum3A : i1 to vector<16xi1>
      %cumsum3A_756 = tpu.scan <sum>, %get3A_754 masked %cumsum3A_755 : vector<16xi32>, vector<16xi1> -> vector<16xi32>
      %sub3A_757 = arith.subi %cumsum3A_756, %get3A_754 : vector<16xi32>
      %broadcast_in_dim3A_758 = vector.broadcast %scan3A_751 : i32 to vector<16xi32>
      %add3A_759 = arith.addi %sub3A_757, %broadcast_in_dim3A_758 : vector<16xi32>
      %mul3A_760 = arith.constant 16 : i32
      %mul3A_761 = arith.muli %scan3A_750, %mul3A_760 : i32
      %swap3A_762 = arith.index_cast %mul3A_761 : i32 to index
      %swap3A_763 = tpu.vector_load %arg8[%swap3A_762] {strides = array<i32>} : memref<2064xi32, #tpu.memory_space<vmem>>, vector<16xi32>,
      tpu.vector_store %arg8[%swap3A_762], %add3A_759 {strides = array<i32>} : memref<2064xi32, #tpu.memory_space<vmem>>, vector<16xi32>,
      %slice3A = vector.extract_strided_slice %cumsum3A_756 {offsets = [15], sizes = [1], strides = [1]} : vector<16xi32> to vector<1xi32>
      %squeeze3A = vector.extract %slice3A[0] : i32 from vector<1xi32>
      %add3A_764 = arith.addi %scan3A_751, %squeeze3A : i32
      scf.yield %add3A_764 : i32
    }
    %scan3A_227 = arith.constant 128 : i32
    %parallel_loop3A_228 = arith.constant 0 : i32
    %parallel_loop3A_229 = arith.constant 2048 : i32
    %parallel_loop3A_230 = arith.constant 1 : i32
    scf.for %parallel_loop3A_750 = %parallel_loop3A_228 to %parallel_loop3A_229 step %parallel_loop3A_230  : i32 {
      %parallel_loop3A_751 = arith.constant 16 : i32
      %parallel_loop3A_752 = arith.muli %parallel_loop3A_750, %parallel_loop3A_751 : i32
      %parallel_loop3A_753 = arith.index_cast %parallel_loop3A_752 : i32 to index
      %parallel_loop3A_754 = tpu.vector_load %arg5[%parallel_loop3A_753] {strides = array<i32>} : memref<32768xf32, #tpu.memory_space<vmem>>, vector<16xf32>,
      %parallel_loop3A_755 = arith.cmpf ogt, %parallel_loop3A_754, %sub3A_203 : vector<16xf32>
      %parallel_loop3A_756 = arith.index_cast %parallel_loop3A_750 : i32 to index
      %parallel_loop3A_757 = tpu.vector_load %arg8[%parallel_loop3A_756] {strides = array<i32>} : memref<2064xi32, #tpu.memory_space<vmem>>, vector<16xi32>,
      %parallel_loop3A_758 = vector.extract_strided_slice %parallel_loop3A_757 {offsets = [0], sizes = [1], strides = [1]} : vector<16xi32> to vector<1xi32>
      %parallel_loop3A_759 = vector.extract %parallel_loop3A_758[0] : i32 from vector<1xi32>
      %parallel_loop3A_760 = arith.index_cast %parallel_loop3A_759 : i32 to index
      %parallel_loop3A_761 = tpu.vector_load %arg6[%parallel_loop3A_760] masked %parallel_loop3A_755 {strides = array<i32>} : memref<32784xf32, #tpu.memory_space<vmem>>, vector<16xf32>, vector<16xi1>
      tpu.vector_store %arg6[%parallel_loop3A_760], %parallel_loop3A_754 masked %parallel_loop3A_755 {strides = array<i32>} : memref<32784xf32, #tpu.memory_space<vmem>>, vector<16xf32>, vector<16xi1>
    } {sc.loop_unroll_factor = 8 : i64, sc.parallel_access}
    %broadcast_in_dim3A_231 = arith.constant -3.000000e+38 : f32
    %broadcast_in_dim3A_232 = vector.broadcast %broadcast_in_dim3A_231 : f32 to vector<16xf32>
    %swap3A_233 = arith.index_cast %scan3A_226 : i32 to index
    %swap3A_234 = tpu.vector_load %arg6[%swap3A_233] {strides = array<i32>} : memref<32784xf32, #tpu.memory_space<vmem>>, vector<16xf32>,
    tpu.vector_store %arg6[%swap3A_233], %broadcast_in_dim3A_232 {strides = array<i32>} : memref<32784xf32, #tpu.memory_space<vmem>>, vector<16xf32>,
    %add3A_235 = arith.constant 15 : i32
    %add3A_236 = arith.addi %scan3A_226, %add3A_235 : i32
    %shift_right_logical3A_237 = arith.constant 4 : i32
    %shift_right_logical3A_238 = arith.shrui %add3A_236, %shift_right_logical3A_237 : i32
    %add3A_239 = arith.constant 1.000000e-03 : f32
    %add3A_240 = vector.broadcast %add3A_239 : f32 to vector<16xf32>
    %add3A_241 = arith.addf %broadcast_in_dim3A_200, %add3A_240 : vector<16xf32>
    %scan3A_242 = arith.constant 0 : i32
    %scan3A_243 = arith.constant 25 : i32
    %scan3A_244 = arith.addi %scan3A_242, %scan3A_243 : i32
    %scan3A_245 = arith.constant 1 : i32
    %scan3A_246:2 = scf.for %scan3A_750 = %scan3A_242 to %scan3A_244 step %scan3A_245 iter_args(%scan3A_751 = %sub3A_203, %scan3A_752 = %add3A_241) -> (vector<16xf32>, vector<16xf32>)  : i32 {
      %add3A_753 = arith.addf %scan3A_751, %scan3A_752 : vector<16xf32>
      %mul3A_754 = arith.constant 5.000000e-01 : f32
      %mul3A_755 = vector.broadcast %mul3A_754 : f32 to vector<16xf32>
      %mul3A_756 = arith.mulf %mul3A_755, %add3A_753 : vector<16xf32>
      %parallel_loop3A_757 = arith.constant 0 : i32
      %parallel_loop3A_758 = arith.constant 1 : i32
      %parallel_loop3A_759 = scf.for %parallel_loop3A_770 = %parallel_loop3A_757 to %shift_right_logical3A_238 step %parallel_loop3A_758 iter_args(%parallel_loop3A_771 = %broadcast_in_dim3A_1) -> (vector<16xf32>)  : i32 {
        %parallel_loop3A_772 = arith.constant 16 : i32
        %parallel_loop3A_773 = arith.muli %parallel_loop3A_770, %parallel_loop3A_772 : i32
        %parallel_loop3A_774 = arith.index_cast %parallel_loop3A_773 : i32 to index
        %parallel_loop3A_775 = tpu.vector_load %arg6[%parallel_loop3A_774] {strides = array<i32>} : memref<32784xf32, #tpu.memory_space<vmem>>, vector<16xf32>,
        %parallel_loop3A_776 = arith.cmpf ogt, %parallel_loop3A_775, %mul3A_756 : vector<16xf32>
        %parallel_loop3A_777 = arith.subf %parallel_loop3A_775, %mul3A_756 : vector<16xf32>
        %parallel_loop3A_778 = arith.constant 0.000000e+00 : f32
        %parallel_loop3A_779 = vector.broadcast %parallel_loop3A_778 : f32 to vector<16xf32>
        %parallel_loop3A_780 = arith.select %parallel_loop3A_776, %parallel_loop3A_777, %parallel_loop3A_779 : vector<16xi1>, vector<16xf32>
        %parallel_loop3A_781 = arith.addf %parallel_loop3A_771, %parallel_loop3A_780 : vector<16xf32>
        scf.yield %parallel_loop3A_781 : vector<16xf32>
      } {sc.loop_unroll_factor = 1 : i64, sc.parallel_access}
      %reduce_sum3A_760 = arith.constant true
      %reduce_sum3A_761 = vector.broadcast %reduce_sum3A_760 : i1 to vector<16xi1>
      %reduce_sum3A_762 = tpu.scan <sum>, %parallel_loop3A_759 masked %reduce_sum3A_761 : vector<16xf32>, vector<16xi1> -> vector<16xf32>
      %reduce_sum3A_763 = vector.extract %reduce_sum3A_762[15] : f32 from vector<16xf32>
      %broadcast_in_dim3A_764 = vector.broadcast %reduce_sum3A_763 : f32 to vector<16xf32>
      %gt3A_765 = arith.constant 1.000000e+00 : f32
      %gt3A_766 = vector.broadcast %gt3A_765 : f32 to vector<16xf32>
      %gt3A_767 = arith.cmpf ogt, %broadcast_in_dim3A_764, %gt3A_766 : vector<16xf32>
      %select_n3A_768 = arith.select %gt3A_767, %mul3A_756, %scan3A_751 : vector<16xi1>, vector<16xf32>
      %select_n3A_769 = arith.select %gt3A_767, %scan3A_752, %mul3A_756 : vector<16xi1>, vector<16xf32>
      scf.yield %select_n3A_768, %select_n3A_769 : vector<16xf32>, vector<16xf32>
    }
    %scan3A_247 = arith.constant 25 : i32
    %sub3A_248 = arith.constant 9.99999997E-7 : f32
    %sub3A_249 = vector.broadcast %sub3A_248 : f32 to vector<16xf32>
    %sub3A_250 = arith.subf %scan3A_246#0, %sub3A_249 : vector<16xf32>
    %add3A_251 = arith.constant 9.99999997E-7 : f32
    %add3A_252 = vector.broadcast %add3A_251 : f32 to vector<16xf32>
    %add3A_253 = arith.addf %scan3A_246#1, %add3A_252 : vector<16xf32>
    %broadcast_in_dim3A_254 = arith.constant 3.000000e+38 : f32
    %broadcast_in_dim3A_255 = vector.broadcast %broadcast_in_dim3A_254 : f32 to vector<16xf32>
    %broadcast_in_dim3A_256 = arith.constant -3.000000e+38 : f32
    %broadcast_in_dim3A_257 = vector.broadcast %broadcast_in_dim3A_256 : f32 to vector<16xf32>
    %parallel_loop3A_258 = arith.constant 0 : i32
    %parallel_loop3A_259 = arith.constant 1 : i32
    %parallel_loop3A_260:6 = scf.for %parallel_loop3A_750 = %parallel_loop3A_258 to %shift_right_logical3A_238 step %parallel_loop3A_259 iter_args(%parallel_loop3A_751 = %broadcast_in_dim3A_1, %parallel_loop3A_752 = %broadcast_in_dim3A_1, %parallel_loop3A_753 = %broadcast_in_dim3A_1, %parallel_loop3A_754 = %broadcast_in_dim3A_1, %parallel_loop3A_755 = %broadcast_in_dim3A_255, %parallel_loop3A_756 = %broadcast_in_dim3A_257) -> (vector<16xf32>, vector<16xf32>, vector<16xf32>, vector<16xf32>, vector<16xf32>, vector<16xf32>)  : i32 {
      %parallel_loop3A_757 = arith.constant 16 : i32
      %parallel_loop3A_758 = arith.muli %parallel_loop3A_750, %parallel_loop3A_757 : i32
      %parallel_loop3A_759 = arith.index_cast %parallel_loop3A_758 : i32 to index
      %parallel_loop3A_760 = tpu.vector_load %arg6[%parallel_loop3A_759] {strides = array<i32>} : memref<32784xf32, #tpu.memory_space<vmem>>, vector<16xf32>,
      %parallel_loop3A_761 = arith.subf %parallel_loop3A_760, %sub3A_250 : vector<16xf32>
      %parallel_loop3A_762 = arith.cmpf oge, %parallel_loop3A_760, %add3A_253 : vector<16xf32>
      %parallel_loop3A_763 = arith.cmpf ogt, %parallel_loop3A_760, %sub3A_250 : vector<16xf32>
      %parallel_loop3A_764 = arith.cmpf olt, %parallel_loop3A_760, %add3A_253 : vector<16xf32>
      %parallel_loop3A_765 = arith.andi %parallel_loop3A_763, %parallel_loop3A_764 : vector<16xi1>
      %parallel_loop3A_766 = arith.constant 1.000000e+00 : f32
      %parallel_loop3A_767 = arith.constant 0.000000e+00 : f32
      %parallel_loop3A_768 = vector.broadcast %parallel_loop3A_766 : f32 to vector<16xf32>
      %parallel_loop3A_769 = vector.broadcast %parallel_loop3A_767 : f32 to vector<16xf32>
      %parallel_loop3A_770 = arith.select %parallel_loop3A_762, %parallel_loop3A_768, %parallel_loop3A_769 : vector<16xi1>, vector<16xf32>
      %parallel_loop3A_771 = arith.addf %parallel_loop3A_751, %parallel_loop3A_770 : vector<16xf32>
      %parallel_loop3A_772 = arith.constant 0.000000e+00 : f32
      %parallel_loop3A_773 = vector.broadcast %parallel_loop3A_772 : f32 to vector<16xf32>
      %parallel_loop3A_774 = arith.select %parallel_loop3A_762, %parallel_loop3A_761, %parallel_loop3A_773 : vector<16xi1>, vector<16xf32>
      %parallel_loop3A_775 = arith.addf %parallel_loop3A_752, %parallel_loop3A_774 : vector<16xf32>
      %parallel_loop3A_776 = arith.constant 1.000000e+00 : f32
      %parallel_loop3A_777 = arith.constant 0.000000e+00 : f32
      %parallel_loop3A_778 = vector.broadcast %parallel_loop3A_776 : f32 to vector<16xf32>
      %parallel_loop3A_779 = vector.broadcast %parallel_loop3A_777 : f32 to vector<16xf32>
      %parallel_loop3A_780 = arith.select %parallel_loop3A_765, %parallel_loop3A_778, %parallel_loop3A_779 : vector<16xi1>, vector<16xf32>
      %parallel_loop3A_781 = arith.addf %parallel_loop3A_753, %parallel_loop3A_780 : vector<16xf32>
      %parallel_loop3A_782 = arith.constant 0.000000e+00 : f32
      %parallel_loop3A_783 = vector.broadcast %parallel_loop3A_782 : f32 to vector<16xf32>
      %parallel_loop3A_784 = arith.select %parallel_loop3A_765, %parallel_loop3A_761, %parallel_loop3A_783 : vector<16xi1>, vector<16xf32>
      %parallel_loop3A_785 = arith.addf %parallel_loop3A_754, %parallel_loop3A_784 : vector<16xf32>
      %parallel_loop3A_786 = arith.constant 3.000000e+38 : f32
      %parallel_loop3A_787 = vector.broadcast %parallel_loop3A_786 : f32 to vector<16xf32>
      %parallel_loop3A_788 = arith.select %parallel_loop3A_765, %parallel_loop3A_761, %parallel_loop3A_787 : vector<16xi1>, vector<16xf32>
      %parallel_loop3A_789 = arith.minimumf %parallel_loop3A_755, %parallel_loop3A_788 : vector<16xf32>
      %parallel_loop3A_790 = arith.constant -3.000000e+38 : f32
      %parallel_loop3A_791 = vector.broadcast %parallel_loop3A_790 : f32 to vector<16xf32>
      %parallel_loop3A_792 = arith.select %parallel_loop3A_765, %parallel_loop3A_761, %parallel_loop3A_791 : vector<16xi1>, vector<16xf32>
      %parallel_loop3A_793 = arith.maximumf %parallel_loop3A_756, %parallel_loop3A_792 : vector<16xf32>
      scf.yield %parallel_loop3A_771, %parallel_loop3A_775, %parallel_loop3A_781, %parallel_loop3A_785, %parallel_loop3A_789, %parallel_loop3A_793 : vector<16xf32>, vector<16xf32>, vector<16xf32>, vector<16xf32>, vector<16xf32>, vector<16xf32>
    } {sc.loop_unroll_factor = 1 : i64, sc.parallel_access}
    %reduce_sum3A_261 = arith.constant true
    %reduce_sum3A_262 = vector.broadcast %reduce_sum3A_261 : i1 to vector<16xi1>
    %reduce_sum3A_263 = tpu.scan <sum>, %parallel_loop3A_260#0 masked %reduce_sum3A_262 : vector<16xf32>, vector<16xi1> -> vector<16xf32>
    %reduce_sum3A_264 = vector.extract %reduce_sum3A_263[15] : f32 from vector<16xf32>
    %broadcast_in_dim3A_265 = vector.broadcast %reduce_sum3A_264 : f32 to vector<16xf32>
    %reduce_sum3A_266 = arith.constant true
    %reduce_sum3A_267 = vector.broadcast %reduce_sum3A_266 : i1 to vector<16xi1>
    %reduce_sum3A_268 = tpu.scan <sum>, %parallel_loop3A_260#1 masked %reduce_sum3A_267 : vector<16xf32>, vector<16xi1> -> vector<16xf32>
    %reduce_sum3A_269 = vector.extract %reduce_sum3A_268[15] : f32 from vector<16xf32>
    %broadcast_in_dim3A_270 = vector.broadcast %reduce_sum3A_269 : f32 to vector<16xf32>
    %reduce_sum3A_271 = arith.constant true
    %reduce_sum3A_272 = vector.broadcast %reduce_sum3A_271 : i1 to vector<16xi1>
    %reduce_sum3A_273 = tpu.scan <sum>, %parallel_loop3A_260#2 masked %reduce_sum3A_272 : vector<16xf32>, vector<16xi1> -> vector<16xf32>
    %reduce_sum3A_274 = vector.extract %reduce_sum3A_273[15] : f32 from vector<16xf32>
    %broadcast_in_dim3A_275 = vector.broadcast %reduce_sum3A_274 : f32 to vector<16xf32>
    %reduce_sum3A_276 = arith.constant true
    %reduce_sum3A_277 = vector.broadcast %reduce_sum3A_276 : i1 to vector<16xi1>
    %reduce_sum3A_278 = tpu.scan <sum>, %parallel_loop3A_260#3 masked %reduce_sum3A_277 : vector<16xf32>, vector<16xi1> -> vector<16xf32>
    %reduce_sum3A_279 = vector.extract %reduce_sum3A_278[15] : f32 from vector<16xf32>
    %broadcast_in_dim3A_280 = vector.broadcast %reduce_sum3A_279 : f32 to vector<16xf32>
    %reduce_min3A_281 = arith.constant true
    %reduce_min3A_282 = vector.broadcast %reduce_min3A_281 : i1 to vector<16xi1>
    %reduce_min3A_283 = tpu.scan <min>, %parallel_loop3A_260#4 masked %reduce_min3A_282 : vector<16xf32>, vector<16xi1> -> vector<16xf32>
    %reduce_min3A_284 = vector.extract %reduce_min3A_283[15] : f32 from vector<16xf32>
    %broadcast_in_dim3A_285 = vector.broadcast %reduce_min3A_284 : f32 to vector<16xf32>
    %reduce_max3A_286 = arith.constant true
    %reduce_max3A_287 = vector.broadcast %reduce_max3A_286 : i1 to vector<16xi1>
    %reduce_max3A_288 = tpu.scan <max>, %parallel_loop3A_260#5 masked %reduce_max3A_287 : vector<16xf32>, vector<16xi1> -> vector<16xf32>
    %reduce_max3A_289 = vector.extract %reduce_max3A_288[15] : f32 from vector<16xf32>
    %broadcast_in_dim3A_290 = vector.broadcast %reduce_max3A_289 : f32 to vector<16xf32>
    %sub3A_291 = arith.constant 1.000000e+00 : f32
    %sub3A_292 = vector.broadcast %sub3A_291 : f32 to vector<16xf32>
    %sub3A_293 = arith.subf %broadcast_in_dim3A_270, %sub3A_292 : vector<16xf32>
    %max3A_294 = arith.constant 1.000000e+00 : f32
    %max3A_295 = vector.broadcast %max3A_294 : f32 to vector<16xf32>
    %max3A_296 = arith.maximumf %broadcast_in_dim3A_265, %max3A_295 : vector<16xf32>
    %div3A_297 = arith.divf %sub3A_293, %max3A_296 : vector<16xf32>
    %add3A_298 = arith.addf %broadcast_in_dim3A_270, %broadcast_in_dim3A_280 : vector<16xf32>
    %sub3A_299 = arith.constant 1.000000e+00 : f32
    %sub3A_300 = vector.broadcast %sub3A_299 : f32 to vector<16xf32>
    %sub3A_301 = arith.subf %add3A_298, %sub3A_300 : vector<16xf32>
    %add3A_302 = arith.addf %broadcast_in_dim3A_265, %broadcast_in_dim3A_275 : vector<16xf32>
    %max3A_303 = arith.constant 1.000000e+00 : f32
    %max3A_304 = vector.broadcast %max3A_303 : f32 to vector<16xf32>
    %max3A_305 = arith.maximumf %add3A_302, %max3A_304 : vector<16xf32>
    %div3A_306 = arith.divf %sub3A_301, %max3A_305 : vector<16xf32>
    %add3A_307 = arith.addf %broadcast_in_dim3A_270, %broadcast_in_dim3A_290 : vector<16xf32>
    %sub3A_308 = arith.constant 1.000000e+00 : f32
    %sub3A_309 = vector.broadcast %sub3A_308 : f32 to vector<16xf32>
    %sub3A_310 = arith.subf %add3A_307, %sub3A_309 : vector<16xf32>
    %add3A_311 = arith.constant 1.000000e+00 : f32
    %add3A_312 = vector.broadcast %add3A_311 : f32 to vector<16xf32>
    %add3A_313 = arith.addf %broadcast_in_dim3A_265, %add3A_312 : vector<16xf32>
    %div3A_314 = arith.divf %sub3A_310, %add3A_313 : vector<16xf32>
    %gt3A_315 = arith.constant 0.000000e+00 : f32
    %gt3A_316 = vector.broadcast %gt3A_315 : f32 to vector<16xf32>
    %gt3A_317 = arith.cmpf ogt, %broadcast_in_dim3A_265, %gt3A_316 : vector<16xf32>
    %eq3A_318 = arith.constant 0.000000e+00 : f32
    %eq3A_319 = vector.broadcast %eq3A_318 : f32 to vector<16xf32>
    %eq3A_320 = arith.cmpf oeq, %broadcast_in_dim3A_275, %eq3A_319 : vector<16xf32>
    %ge3A_321 = arith.cmpf oge, %div3A_297, %broadcast_in_dim3A_290 : vector<16xf32>
    %or3A_322 = arith.ori %eq3A_320, %ge3A_321 : vector<16xi1>
    %and3A_323 = arith.andi %gt3A_317, %or3A_322 : vector<16xi1>
    %add3A_324 = arith.addf %broadcast_in_dim3A_265, %broadcast_in_dim3A_275 : vector<16xf32>
    %gt3A_325 = arith.constant 0.000000e+00 : f32
    %gt3A_326 = vector.broadcast %gt3A_325 : f32 to vector<16xf32>
    %gt3A_327 = arith.cmpf ogt, %add3A_324, %gt3A_326 : vector<16xf32>
    %eq3A_328 = arith.constant 0.000000e+00 : f32
    %eq3A_329 = vector.broadcast %eq3A_328 : f32 to vector<16xf32>
    %eq3A_330 = arith.cmpf oeq, %broadcast_in_dim3A_275, %eq3A_329 : vector<16xf32>
    %lt3A_331 = arith.cmpf olt, %div3A_306, %broadcast_in_dim3A_285 : vector<16xf32>
    %or3A_332 = arith.ori %eq3A_330, %lt3A_331 : vector<16xi1>
    %and3A_333 = arith.andi %gt3A_327, %or3A_332 : vector<16xi1>
    %gt3A_334 = arith.constant 0.000000e+00 : f32
    %gt3A_335 = vector.broadcast %gt3A_334 : f32 to vector<16xf32>
    %gt3A_336 = arith.cmpf ogt, %broadcast_in_dim3A_275, %gt3A_335 : vector<16xf32>
    %lt3A_337 = arith.cmpf olt, %div3A_314, %broadcast_in_dim3A_290 : vector<16xf32>
    %and3A_338 = arith.andi %gt3A_336, %lt3A_337 : vector<16xi1>
    %eq3A_339 = arith.constant 1.000000e+00 : f32
    %eq3A_340 = vector.broadcast %eq3A_339 : f32 to vector<16xf32>
    %eq3A_341 = arith.cmpf oeq, %broadcast_in_dim3A_275, %eq3A_340 : vector<16xf32>
    %ge3A_342 = arith.cmpf oge, %div3A_314, %broadcast_in_dim3A_285 : vector<16xf32>
    %or3A_343 = arith.ori %eq3A_341, %ge3A_342 : vector<16xi1>
    %and3A_344 = arith.andi %and3A_338, %or3A_343 : vector<16xi1>
    %select_n3A_345 = arith.select %and3A_344, %div3A_314, %div3A_306 : vector<16xi1>, vector<16xf32>
    %select_n3A_346 = arith.select %and3A_333, %div3A_306, %select_n3A_345 : vector<16xi1>, vector<16xf32>
    %select_n3A_347 = arith.select %and3A_323, %div3A_297, %select_n3A_346 : vector<16xi1>, vector<16xf32>
    %add3A_348 = arith.addf %sub3A_250, %select_n3A_347 : vector<16xf32>
    %parallel_loop3A_349 = arith.constant 0 : i32
    %parallel_loop3A_350 = arith.constant 2048 : i32
    %parallel_loop3A_351 = arith.constant 1 : i32
    scf.for %parallel_loop3A_750 = %parallel_loop3A_349 to %parallel_loop3A_350 step %parallel_loop3A_351  : i32 {
      %parallel_loop3A_751 = arith.constant 16 : i32
      %parallel_loop3A_752 = arith.muli %parallel_loop3A_750, %parallel_loop3A_751 : i32
      %parallel_loop3A_753 = arith.index_cast %parallel_loop3A_752 : i32 to index
      %parallel_loop3A_754 = tpu.vector_load %arg5[%parallel_loop3A_753] {strides = array<i32>} : memref<32768xf32, #tpu.memory_space<vmem>>, vector<16xf32>,
      %parallel_loop3A_755 = arith.subf %parallel_loop3A_754, %add3A_348 : vector<16xf32>
      %parallel_loop3A_756 = arith.constant 0.000000e+00 : f32
      %parallel_loop3A_757 = vector.broadcast %parallel_loop3A_756 : f32 to vector<16xf32>
      %parallel_loop3A_758 = arith.maximumf %parallel_loop3A_755, %parallel_loop3A_757 : vector<16xf32>
      %parallel_loop3A_759 = arith.constant 16 : i32
      %parallel_loop3A_760 = arith.muli %parallel_loop3A_750, %parallel_loop3A_759 : i32
      %parallel_loop3A_761 = arith.index_cast %parallel_loop3A_760 : i32 to index
      %parallel_loop3A_762 = tpu.vector_load %arg6[%parallel_loop3A_761] {strides = array<i32>} : memref<32784xf32, #tpu.memory_space<vmem>>, vector<16xf32>,
      tpu.vector_store %arg6[%parallel_loop3A_761], %parallel_loop3A_758 {strides = array<i32>} : memref<32784xf32, #tpu.memory_space<vmem>>, vector<16xf32>,
    } {sc.loop_unroll_factor = 8 : i64, sc.parallel_access}
    %add3A_352 = arith.constant 1 : i32
    %add3A_353 = arith.addi %mul3A_3, %add3A_352 : i32
    %dma_start3A_354 = arith.constant 0 : i32
    %dma_start3A_355 = tpu.memref_slice %arg6[%dma_start3A_354] : memref<32784xf32, #tpu.memory_space<vmem>> -> memref<32768xf32, #tpu.memory_space<vmem>>
    %dma_start3A_356 = arith.constant 0 : i32
    %dma_start3A_357 = tpu.memref_slice %arg3[%add3A_353, %dma_start3A_356] : memref<128x32768xf32, #tpu.memory_space<hbm>> -> memref<1x32768xf32, #tpu.memory_space<hbm>>
    %dma_start3A_358 = tpu.memref_squeeze %dma_start3A_357 : memref<1x32768xf32, #tpu.memory_space<hbm>> -> memref<32768xf32, #tpu.memory_space<hbm>>
    %dma_start3A_359 = arith.constant 0 : i32
    %dma_start3A_360 = tpu.memref_slice %arg3[%add3A_353, %dma_start3A_359] : memref<128x32768xf32, #tpu.memory_space<hbm>> -> memref<1x32768xf32, #tpu.memory_space<hbm>>
    %dma_start3A_361 = tpu.memref_squeeze %dma_start3A_360 : memref<1x32768xf32, #tpu.memory_space<hbm>> -> memref<32768xf32, #tpu.memory_space<hbm>>
    %dma_start3A_362 = arith.constant 0 : i32
    %dma_start3A_363 = tpu.memref_slice %arg6[%dma_start3A_362] : memref<32784xf32, #tpu.memory_space<vmem>> -> memref<32768xf32, #tpu.memory_space<vmem>>
    tpu.enqueue_dma source(%dma_start3A_363 : memref<32768xf32, #tpu.memory_space<vmem>>) target(%dma_start3A_361 : memref<32768xf32, #tpu.memory_space<hbm>>) target_semaphore(%arg11 : memref<!tpu.dma_semaphore, #tpu.memory_space<semaphore_mem>>)
    %add3A_364 = arith.constant 1 : i32
    %add3A_365 = arith.addi %mul3A_3, %add3A_364 : i32
    %add3A_366 = arith.constant 2 : i32
    %add3A_367 = arith.addi %add3A_365, %add3A_366 : i32
    %dma_start3A_368 = arith.constant 0 : i32
    %dma_start3A_369 = tpu.memref_slice %arg2[%add3A_367, %dma_start3A_368] : memref<128x32768xf32, #tpu.memory_space<hbm>> -> memref<1x32768xf32, #tpu.memory_space<hbm>>
    %dma_start3A_370 = tpu.memref_squeeze %dma_start3A_369 : memref<1x32768xf32, #tpu.memory_space<hbm>> -> memref<32768xf32, #tpu.memory_space<hbm>>
    %dma_start3A_371 = arith.constant 0 : i32
    %dma_start3A_372 = tpu.memref_slice %arg2[%add3A_367, %dma_start3A_371] : memref<128x32768xf32, #tpu.memory_space<hbm>> -> memref<1x32768xf32, #tpu.memory_space<hbm>>
    %dma_start3A_373 = tpu.memref_squeeze %dma_start3A_372 : memref<1x32768xf32, #tpu.memory_space<hbm>> -> memref<32768xf32, #tpu.memory_space<hbm>>
    tpu.enqueue_dma source(%dma_start3A_373 : memref<32768xf32, #tpu.memory_space<hbm>>) target(%arg5 : memref<32768xf32, #tpu.memory_space<vmem>>) target_semaphore(%arg10 : memref<!tpu.dma_semaphore, #tpu.memory_space<semaphore_mem>>)
    %dma_wait3A_374 = arith.constant 0 : i32
    %dma_wait3A_375 = tpu.memref_slice %arg2[%add3A_174, %dma_wait3A_374] : memref<128x32768xf32, #tpu.memory_space<hbm>> -> memref<1x32768xf32, #tpu.memory_space<hbm>>
    %dma_wait3A_376 = tpu.memref_squeeze %dma_wait3A_375 : memref<1x32768xf32, #tpu.memory_space<hbm>> -> memref<32768xf32, #tpu.memory_space<hbm>>
    %dma_wait3A_377 = arith.constant 0 : i32
    %dma_wait3A_378 = tpu.memref_slice %arg2[%add3A_174, %dma_wait3A_377] : memref<128x32768xf32, #tpu.memory_space<hbm>> -> memref<1x32768xf32, #tpu.memory_space<hbm>>
    %dma_wait3A_379 = tpu.memref_squeeze %dma_wait3A_378 : memref<1x32768xf32, #tpu.memory_space<hbm>> -> memref<32768xf32, #tpu.memory_space<hbm>>
    tpu.wait_dma2 semaphore(%arg9 : memref<!tpu.dma_semaphore, #tpu.memory_space<semaphore_mem>>) src(%dma_wait3A_379 : memref<32768xf32, #tpu.memory_space<hbm>>) dst(%arg4 : memref<32768xf32, #tpu.memory_space<vmem>>)
    %broadcast_in_dim3A_380 = arith.constant -3.000000e+38 : f32
    %broadcast_in_dim3A_381 = vector.broadcast %broadcast_in_dim3A_380 : f32 to vector<16xf32>
    %parallel_loop3A_382 = arith.constant 0 : i32
    %parallel_loop3A_383 = arith.constant 512 : i32
    %parallel_loop3A_384 = arith.constant 1 : i32
    %parallel_loop3A_385:4 = scf.for %parallel_loop3A_750 = %parallel_loop3A_382 to %parallel_loop3A_383 step %parallel_loop3A_384 iter_args(%parallel_loop3A_751 = %broadcast_in_dim3A_381, %parallel_loop3A_752 = %broadcast_in_dim3A_381, %parallel_loop3A_753 = %broadcast_in_dim3A_381, %parallel_loop3A_754 = %broadcast_in_dim3A_381) -> (vector<16xf32>, vector<16xf32>, vector<16xf32>, vector<16xf32>)  : i32 {
      %parallel_loop3A_755 = arith.constant 4 : i32
      %parallel_loop3A_756 = arith.muli %parallel_loop3A_755, %parallel_loop3A_750 : i32
      %parallel_loop3A_757 = arith.constant 16 : i32
      %parallel_loop3A_758 = arith.muli %parallel_loop3A_756, %parallel_loop3A_757 : i32
      %parallel_loop3A_759 = arith.index_cast %parallel_loop3A_758 : i32 to index
      %parallel_loop3A_760 = tpu.vector_load %arg4[%parallel_loop3A_759] {strides = array<i32>} : memref<32768xf32, #tpu.memory_space<vmem>>, vector<16xf32>,
      %parallel_loop3A_761 = arith.maximumf %parallel_loop3A_751, %parallel_loop3A_760 : vector<16xf32>
      %parallel_loop3A_762 = arith.constant 4 : i32
      %parallel_loop3A_763 = arith.muli %parallel_loop3A_762, %parallel_loop3A_750 : i32
      %parallel_loop3A_764 = arith.constant 1 : i32
      %parallel_loop3A_765 = arith.addi %parallel_loop3A_763, %parallel_loop3A_764 : i32
      %parallel_loop3A_766 = arith.constant 16 : i32
      %parallel_loop3A_767 = arith.muli %parallel_loop3A_765, %parallel_loop3A_766 : i32
      %parallel_loop3A_768 = arith.index_cast %parallel_loop3A_767 : i32 to index
      %parallel_loop3A_769 = tpu.vector_load %arg4[%parallel_loop3A_768] {strides = array<i32>} : memref<32768xf32, #tpu.memory_space<vmem>>, vector<16xf32>,
      %parallel_loop3A_770 = arith.maximumf %parallel_loop3A_752, %parallel_loop3A_769 : vector<16xf32>
      %parallel_loop3A_771 = arith.constant 4 : i32
      %parallel_loop3A_772 = arith.muli %parallel_loop3A_771, %parallel_loop3A_750 : i32
      %parallel_loop3A_773 = arith.constant 2 : i32
      %parallel_loop3A_774 = arith.addi %parallel_loop3A_772, %parallel_loop3A_773 : i32
      %parallel_loop3A_775 = arith.constant 16 : i32
      %parallel_loop3A_776 = arith.muli %parallel_loop3A_774, %parallel_loop3A_775 : i32
      %parallel_loop3A_777 = arith.index_cast %parallel_loop3A_776 : i32 to index
      %parallel_loop3A_778 = tpu.vector_load %arg4[%parallel_loop3A_777] {strides = array<i32>} : memref<32768xf32, #tpu.memory_space<vmem>>, vector<16xf32>,
      %parallel_loop3A_779 = arith.maximumf %parallel_loop3A_753, %parallel_loop3A_778 : vector<16xf32>
      %parallel_loop3A_780 = arith.constant 4 : i32
      %parallel_loop3A_781 = arith.muli %parallel_loop3A_780, %parallel_loop3A_750 : i32
      %parallel_loop3A_782 = arith.constant 3 : i32
      %parallel_loop3A_783 = arith.addi %parallel_loop3A_781, %parallel_loop3A_782 : i32
      %parallel_loop3A_784 = arith.constant 16 : i32
      %parallel_loop3A_785 = arith.muli %parallel_loop3A_783, %parallel_loop3A_784 : i32
      %parallel_loop3A_786 = arith.index_cast %parallel_loop3A_785 : i32 to index
      %parallel_loop3A_787 = tpu.vector_load %arg4[%parallel_loop3A_786] {strides = array<i32>} : memref<32768xf32, #tpu.memory_space<vmem>>, vector<16xf32>,
      %parallel_loop3A_788 = arith.maximumf %parallel_loop3A_754, %parallel_loop3A_787 : vector<16xf32>
      scf.yield %parallel_loop3A_761, %parallel_loop3A_770, %parallel_loop3A_779, %parallel_loop3A_788 : vector<16xf32>, vector<16xf32>, vector<16xf32>, vector<16xf32>
    } {sc.loop_unroll_factor = 4 : i64, sc.parallel_access}
    %max3A_386 = arith.maximumf %parallel_loop3A_385#0, %parallel_loop3A_385#1 : vector<16xf32>
    %max3A_387 = arith.maximumf %parallel_loop3A_385#2, %parallel_loop3A_385#3 : vector<16xf32>
    %max3A_388 = arith.maximumf %max3A_386, %max3A_387 : vector<16xf32>
    %reduce_max3A_389 = arith.constant true
    %reduce_max3A_390 = vector.broadcast %reduce_max3A_389 : i1 to vector<16xi1>
    %reduce_max3A_391 = tpu.scan <max>, %max3A_388 masked %reduce_max3A_390 : vector<16xf32>, vector<16xi1> -> vector<16xf32>
    %reduce_max3A_392 = vector.extract %reduce_max3A_391[15] : f32 from vector<16xf32>
    %broadcast_in_dim3A_393 = vector.broadcast %reduce_max3A_392 : f32 to vector<16xf32>
    %sub3A_394 = arith.constant 1.001000e+00 : f32
    %sub3A_395 = vector.broadcast %sub3A_394 : f32 to vector<16xf32>
    %sub3A_396 = arith.subf %broadcast_in_dim3A_393, %sub3A_395 : vector<16xf32>
    %iota3A_397 = tpu.iota {dimensions = array<i32: 0>} : vector<16xi32>
    %eq3A_398 = arith.constant 0 : i32
    %eq3A_399 = vector.broadcast %eq3A_398 : i32 to vector<16xi32>
    %eq3A_400 = arith.cmpi eq, %iota3A_397, %eq3A_399 : vector<16xi32>
    %parallel_loop3A_401 = arith.constant 0 : i32
    %parallel_loop3A_402 = arith.constant 2048 : i32
    %parallel_loop3A_403 = arith.constant 1 : i32
    scf.for %parallel_loop3A_750 = %parallel_loop3A_401 to %parallel_loop3A_402 step %parallel_loop3A_403  : i32 {
      %parallel_loop3A_751 = arith.constant 16 : i32
      %parallel_loop3A_752 = arith.muli %parallel_loop3A_750, %parallel_loop3A_751 : i32
      %parallel_loop3A_753 = arith.index_cast %parallel_loop3A_752 : i32 to index
      %parallel_loop3A_754 = tpu.vector_load %arg4[%parallel_loop3A_753] {strides = array<i32>} : memref<32768xf32, #tpu.memory_space<vmem>>, vector<16xf32>,
      %parallel_loop3A_755 = arith.cmpf ogt, %parallel_loop3A_754, %sub3A_396 : vector<16xf32>
      %parallel_loop3A_756 = tpu.all_reduce %parallel_loop3A_755 {dim = 0 : i64, kind = #tpu.reduction_kind<sum>} : vector<16xi1> -> vector<16xi32>
      %parallel_loop3A_757 = arith.index_cast %parallel_loop3A_750 : i32 to index
      %parallel_loop3A_758 = tpu.vector_load %arg7[%parallel_loop3A_757] masked %eq3A_400 {strides = array<i32>} : memref<2064xi32, #tpu.memory_space<vmem>>, vector<16xi32>, vector<16xi1>
      tpu.vector_store %arg7[%parallel_loop3A_757], %parallel_loop3A_756 masked %eq3A_400 {strides = array<i32>} : memref<2064xi32, #tpu.memory_space<vmem>>, vector<16xi32>, vector<16xi1>
    } {sc.loop_unroll_factor = 8 : i64, sc.parallel_access}
    %dma_wait3A_404 = arith.constant 0 : i32
    %dma_wait3A_405 = tpu.memref_slice %arg6[%dma_wait3A_404] : memref<32784xf32, #tpu.memory_space<vmem>> -> memref<32768xf32, #tpu.memory_space<vmem>>
    %dma_wait3A_406 = arith.constant 0 : i32
    %dma_wait3A_407 = tpu.memref_slice %arg3[%add3A_353, %dma_wait3A_406] : memref<128x32768xf32, #tpu.memory_space<hbm>> -> memref<1x32768xf32, #tpu.memory_space<hbm>>
    %dma_wait3A_408 = tpu.memref_squeeze %dma_wait3A_407 : memref<1x32768xf32, #tpu.memory_space<hbm>> -> memref<32768xf32, #tpu.memory_space<hbm>>
    %dma_wait3A_409 = arith.constant 0 : i32
    %dma_wait3A_410 = tpu.memref_slice %arg3[%add3A_353, %dma_wait3A_409] : memref<128x32768xf32, #tpu.memory_space<hbm>> -> memref<1x32768xf32, #tpu.memory_space<hbm>>
    %dma_wait3A_411 = tpu.memref_squeeze %dma_wait3A_410 : memref<1x32768xf32, #tpu.memory_space<hbm>> -> memref<32768xf32, #tpu.memory_space<hbm>>
    %dma_wait3A_412 = arith.constant 0 : i32
    %dma_wait3A_413 = tpu.memref_slice %arg6[%dma_wait3A_412] : memref<32784xf32, #tpu.memory_space<vmem>> -> memref<32768xf32, #tpu.memory_space<vmem>>
    tpu.wait_dma2 semaphore(%arg11 : memref<!tpu.dma_semaphore, #tpu.memory_space<semaphore_mem>>) src(%dma_wait3A_413 : memref<32768xf32, #tpu.memory_space<vmem>>) dst(%dma_wait3A_411 : memref<32768xf32, #tpu.memory_space<hbm>>)
    %scan3A_414 = arith.constant 0 : i32
    %scan3A_415 = arith.constant 0 : i32
    %scan3A_416 = arith.constant 128 : i32
    %scan3A_417 = arith.addi %scan3A_415, %scan3A_416 : i32
    %scan3A_418 = arith.constant 1 : i32
    %scan3A_419 = scf.for %scan3A_750 = %scan3A_415 to %scan3A_417 step %scan3A_418 iter_args(%scan3A_751 = %scan3A_414) -> (i32)  : i32 {
      %mul3A_752 = arith.constant 16 : i32
      %mul3A_753 = arith.muli %scan3A_750, %mul3A_752 : i32
      %get3A = arith.index_cast %mul3A_753 : i32 to index
      %get3A_754 = tpu.vector_load %arg7[%get3A] {strides = array<i32>} : memref<2064xi32, #tpu.memory_space<vmem>>, vector<16xi32>,
      %cumsum3A = arith.constant true
      %cumsum3A_755 = vector.broadcast %cumsum3A : i1 to vector<16xi1>
      %cumsum3A_756 = tpu.scan <sum>, %get3A_754 masked %cumsum3A_755 : vector<16xi32>, vector<16xi1> -> vector<16xi32>
      %sub3A_757 = arith.subi %cumsum3A_756, %get3A_754 : vector<16xi32>
      %broadcast_in_dim3A_758 = vector.broadcast %scan3A_751 : i32 to vector<16xi32>
      %add3A_759 = arith.addi %sub3A_757, %broadcast_in_dim3A_758 : vector<16xi32>
      %mul3A_760 = arith.constant 16 : i32
      %mul3A_761 = arith.muli %scan3A_750, %mul3A_760 : i32
      %swap3A_762 = arith.index_cast %mul3A_761 : i32 to index
      %swap3A_763 = tpu.vector_load %arg8[%swap3A_762] {strides = array<i32>} : memref<2064xi32, #tpu.memory_space<vmem>>, vector<16xi32>,
      tpu.vector_store %arg8[%swap3A_762], %add3A_759 {strides = array<i32>} : memref<2064xi32, #tpu.memory_space<vmem>>, vector<16xi32>,
      %slice3A = vector.extract_strided_slice %cumsum3A_756 {offsets = [15], sizes = [1], strides = [1]} : vector<16xi32> to vector<1xi32>
      %squeeze3A = vector.extract %slice3A[0] : i32 from vector<1xi32>
      %add3A_764 = arith.addi %scan3A_751, %squeeze3A : i32
      scf.yield %add3A_764 : i32
    }
    %scan3A_420 = arith.constant 128 : i32
    %parallel_loop3A_421 = arith.constant 0 : i32
    %parallel_loop3A_422 = arith.constant 2048 : i32
    %parallel_loop3A_423 = arith.constant 1 : i32
    scf.for %parallel_loop3A_750 = %parallel_loop3A_421 to %parallel_loop3A_422 step %parallel_loop3A_423  : i32 {
      %parallel_loop3A_751 = arith.constant 16 : i32
      %parallel_loop3A_752 = arith.muli %parallel_loop3A_750, %parallel_loop3A_751 : i32
      %parallel_loop3A_753 = arith.index_cast %parallel_loop3A_752 : i32 to index
      %parallel_loop3A_754 = tpu.vector_load %arg4[%parallel_loop3A_753] {strides = array<i32>} : memref<32768xf32, #tpu.memory_space<vmem>>, vector<16xf32>,
      %parallel_loop3A_755 = arith.cmpf ogt, %parallel_loop3A_754, %sub3A_396 : vector<16xf32>
      %parallel_loop3A_756 = arith.index_cast %parallel_loop3A_750 : i32 to index
      %parallel_loop3A_757 = tpu.vector_load %arg8[%parallel_loop3A_756] {strides = array<i32>} : memref<2064xi32, #tpu.memory_space<vmem>>, vector<16xi32>,
      %parallel_loop3A_758 = vector.extract_strided_slice %parallel_loop3A_757 {offsets = [0], sizes = [1], strides = [1]} : vector<16xi32> to vector<1xi32>
      %parallel_loop3A_759 = vector.extract %parallel_loop3A_758[0] : i32 from vector<1xi32>
      %parallel_loop3A_760 = arith.index_cast %parallel_loop3A_759 : i32 to index
      %parallel_loop3A_761 = tpu.vector_load %arg6[%parallel_loop3A_760] masked %parallel_loop3A_755 {strides = array<i32>} : memref<32784xf32, #tpu.memory_space<vmem>>, vector<16xf32>, vector<16xi1>
      tpu.vector_store %arg6[%parallel_loop3A_760], %parallel_loop3A_754 masked %parallel_loop3A_755 {strides = array<i32>} : memref<32784xf32, #tpu.memory_space<vmem>>, vector<16xf32>, vector<16xi1>
    } {sc.loop_unroll_factor = 8 : i64, sc.parallel_access}
    %broadcast_in_dim3A_424 = arith.constant -3.000000e+38 : f32
    %broadcast_in_dim3A_425 = vector.broadcast %broadcast_in_dim3A_424 : f32 to vector<16xf32>
    %swap3A_426 = arith.index_cast %scan3A_419 : i32 to index
    %swap3A_427 = tpu.vector_load %arg6[%swap3A_426] {strides = array<i32>} : memref<32784xf32, #tpu.memory_space<vmem>>, vector<16xf32>,
    tpu.vector_store %arg6[%swap3A_426], %broadcast_in_dim3A_425 {strides = array<i32>} : memref<32784xf32, #tpu.memory_space<vmem>>, vector<16xf32>,
    %add3A_428 = arith.constant 15 : i32
    %add3A_429 = arith.addi %scan3A_419, %add3A_428 : i32
    %shift_right_logical3A_430 = arith.constant 4 : i32
    %shift_right_logical3A_431 = arith.shrui %add3A_429, %shift_right_logical3A_430 : i32
    %add3A_432 = arith.constant 1.000000e-03 : f32
    %add3A_433 = vector.broadcast %add3A_432 : f32 to vector<16xf32>
    %add3A_434 = arith.addf %broadcast_in_dim3A_393, %add3A_433 : vector<16xf32>
    %scan3A_435 = arith.constant 0 : i32
    %scan3A_436 = arith.constant 25 : i32
    %scan3A_437 = arith.addi %scan3A_435, %scan3A_436 : i32
    %scan3A_438 = arith.constant 1 : i32
    %scan3A_439:2 = scf.for %scan3A_750 = %scan3A_435 to %scan3A_437 step %scan3A_438 iter_args(%scan3A_751 = %sub3A_396, %scan3A_752 = %add3A_434) -> (vector<16xf32>, vector<16xf32>)  : i32 {
      %add3A_753 = arith.addf %scan3A_751, %scan3A_752 : vector<16xf32>
      %mul3A_754 = arith.constant 5.000000e-01 : f32
      %mul3A_755 = vector.broadcast %mul3A_754 : f32 to vector<16xf32>
      %mul3A_756 = arith.mulf %mul3A_755, %add3A_753 : vector<16xf32>
      %parallel_loop3A_757 = arith.constant 0 : i32
      %parallel_loop3A_758 = arith.constant 1 : i32
      %parallel_loop3A_759 = scf.for %parallel_loop3A_770 = %parallel_loop3A_757 to %shift_right_logical3A_431 step %parallel_loop3A_758 iter_args(%parallel_loop3A_771 = %broadcast_in_dim3A_1) -> (vector<16xf32>)  : i32 {
        %parallel_loop3A_772 = arith.constant 16 : i32
        %parallel_loop3A_773 = arith.muli %parallel_loop3A_770, %parallel_loop3A_772 : i32
        %parallel_loop3A_774 = arith.index_cast %parallel_loop3A_773 : i32 to index
        %parallel_loop3A_775 = tpu.vector_load %arg6[%parallel_loop3A_774] {strides = array<i32>} : memref<32784xf32, #tpu.memory_space<vmem>>, vector<16xf32>,
        %parallel_loop3A_776 = arith.cmpf ogt, %parallel_loop3A_775, %mul3A_756 : vector<16xf32>
        %parallel_loop3A_777 = arith.subf %parallel_loop3A_775, %mul3A_756 : vector<16xf32>
        %parallel_loop3A_778 = arith.constant 0.000000e+00 : f32
        %parallel_loop3A_779 = vector.broadcast %parallel_loop3A_778 : f32 to vector<16xf32>
        %parallel_loop3A_780 = arith.select %parallel_loop3A_776, %parallel_loop3A_777, %parallel_loop3A_779 : vector<16xi1>, vector<16xf32>
        %parallel_loop3A_781 = arith.addf %parallel_loop3A_771, %parallel_loop3A_780 : vector<16xf32>
        scf.yield %parallel_loop3A_781 : vector<16xf32>
      } {sc.loop_unroll_factor = 1 : i64, sc.parallel_access}
      %reduce_sum3A_760 = arith.constant true
      %reduce_sum3A_761 = vector.broadcast %reduce_sum3A_760 : i1 to vector<16xi1>
      %reduce_sum3A_762 = tpu.scan <sum>, %parallel_loop3A_759 masked %reduce_sum3A_761 : vector<16xf32>, vector<16xi1> -> vector<16xf32>
      %reduce_sum3A_763 = vector.extract %reduce_sum3A_762[15] : f32 from vector<16xf32>
      %broadcast_in_dim3A_764 = vector.broadcast %reduce_sum3A_763 : f32 to vector<16xf32>
      %gt3A_765 = arith.constant 1.000000e+00 : f32
      %gt3A_766 = vector.broadcast %gt3A_765 : f32 to vector<16xf32>
      %gt3A_767 = arith.cmpf ogt, %broadcast_in_dim3A_764, %gt3A_766 : vector<16xf32>
      %select_n3A_768 = arith.select %gt3A_767, %mul3A_756, %scan3A_751 : vector<16xi1>, vector<16xf32>
      %select_n3A_769 = arith.select %gt3A_767, %scan3A_752, %mul3A_756 : vector<16xi1>, vector<16xf32>
      scf.yield %select_n3A_768, %select_n3A_769 : vector<16xf32>, vector<16xf32>
    }
    %scan3A_440 = arith.constant 25 : i32
    %sub3A_441 = arith.constant 9.99999997E-7 : f32
    %sub3A_442 = vector.broadcast %sub3A_441 : f32 to vector<16xf32>
    %sub3A_443 = arith.subf %scan3A_439#0, %sub3A_442 : vector<16xf32>
    %add3A_444 = arith.constant 9.99999997E-7 : f32
    %add3A_445 = vector.broadcast %add3A_444 : f32 to vector<16xf32>
    %add3A_446 = arith.addf %scan3A_439#1, %add3A_445 : vector<16xf32>
    %broadcast_in_dim3A_447 = arith.constant 3.000000e+38 : f32
    %broadcast_in_dim3A_448 = vector.broadcast %broadcast_in_dim3A_447 : f32 to vector<16xf32>
    %broadcast_in_dim3A_449 = arith.constant -3.000000e+38 : f32
    %broadcast_in_dim3A_450 = vector.broadcast %broadcast_in_dim3A_449 : f32 to vector<16xf32>
    %parallel_loop3A_451 = arith.constant 0 : i32
    %parallel_loop3A_452 = arith.constant 1 : i32
    %parallel_loop3A_453:6 = scf.for %parallel_loop3A_750 = %parallel_loop3A_451 to %shift_right_logical3A_431 step %parallel_loop3A_452 iter_args(%parallel_loop3A_751 = %broadcast_in_dim3A_1, %parallel_loop3A_752 = %broadcast_in_dim3A_1, %parallel_loop3A_753 = %broadcast_in_dim3A_1, %parallel_loop3A_754 = %broadcast_in_dim3A_1, %parallel_loop3A_755 = %broadcast_in_dim3A_448, %parallel_loop3A_756 = %broadcast_in_dim3A_450) -> (vector<16xf32>, vector<16xf32>, vector<16xf32>, vector<16xf32>, vector<16xf32>, vector<16xf32>)  : i32 {
      %parallel_loop3A_757 = arith.constant 16 : i32
      %parallel_loop3A_758 = arith.muli %parallel_loop3A_750, %parallel_loop3A_757 : i32
      %parallel_loop3A_759 = arith.index_cast %parallel_loop3A_758 : i32 to index
      %parallel_loop3A_760 = tpu.vector_load %arg6[%parallel_loop3A_759] {strides = array<i32>} : memref<32784xf32, #tpu.memory_space<vmem>>, vector<16xf32>,
      %parallel_loop3A_761 = arith.subf %parallel_loop3A_760, %sub3A_443 : vector<16xf32>
      %parallel_loop3A_762 = arith.cmpf oge, %parallel_loop3A_760, %add3A_446 : vector<16xf32>
      %parallel_loop3A_763 = arith.cmpf ogt, %parallel_loop3A_760, %sub3A_443 : vector<16xf32>
      %parallel_loop3A_764 = arith.cmpf olt, %parallel_loop3A_760, %add3A_446 : vector<16xf32>
      %parallel_loop3A_765 = arith.andi %parallel_loop3A_763, %parallel_loop3A_764 : vector<16xi1>
      %parallel_loop3A_766 = arith.constant 1.000000e+00 : f32
      %parallel_loop3A_767 = arith.constant 0.000000e+00 : f32
      %parallel_loop3A_768 = vector.broadcast %parallel_loop3A_766 : f32 to vector<16xf32>
      %parallel_loop3A_769 = vector.broadcast %parallel_loop3A_767 : f32 to vector<16xf32>
      %parallel_loop3A_770 = arith.select %parallel_loop3A_762, %parallel_loop3A_768, %parallel_loop3A_769 : vector<16xi1>, vector<16xf32>
      %parallel_loop3A_771 = arith.addf %parallel_loop3A_751, %parallel_loop3A_770 : vector<16xf32>
      %parallel_loop3A_772 = arith.constant 0.000000e+00 : f32
      %parallel_loop3A_773 = vector.broadcast %parallel_loop3A_772 : f32 to vector<16xf32>
      %parallel_loop3A_774 = arith.select %parallel_loop3A_762, %parallel_loop3A_761, %parallel_loop3A_773 : vector<16xi1>, vector<16xf32>
      %parallel_loop3A_775 = arith.addf %parallel_loop3A_752, %parallel_loop3A_774 : vector<16xf32>
      %parallel_loop3A_776 = arith.constant 1.000000e+00 : f32
      %parallel_loop3A_777 = arith.constant 0.000000e+00 : f32
      %parallel_loop3A_778 = vector.broadcast %parallel_loop3A_776 : f32 to vector<16xf32>
      %parallel_loop3A_779 = vector.broadcast %parallel_loop3A_777 : f32 to vector<16xf32>
      %parallel_loop3A_780 = arith.select %parallel_loop3A_765, %parallel_loop3A_778, %parallel_loop3A_779 : vector<16xi1>, vector<16xf32>
      %parallel_loop3A_781 = arith.addf %parallel_loop3A_753, %parallel_loop3A_780 : vector<16xf32>
      %parallel_loop3A_782 = arith.constant 0.000000e+00 : f32
      %parallel_loop3A_783 = vector.broadcast %parallel_loop3A_782 : f32 to vector<16xf32>
      %parallel_loop3A_784 = arith.select %parallel_loop3A_765, %parallel_loop3A_761, %parallel_loop3A_783 : vector<16xi1>, vector<16xf32>
      %parallel_loop3A_785 = arith.addf %parallel_loop3A_754, %parallel_loop3A_784 : vector<16xf32>
      %parallel_loop3A_786 = arith.constant 3.000000e+38 : f32
      %parallel_loop3A_787 = vector.broadcast %parallel_loop3A_786 : f32 to vector<16xf32>
      %parallel_loop3A_788 = arith.select %parallel_loop3A_765, %parallel_loop3A_761, %parallel_loop3A_787 : vector<16xi1>, vector<16xf32>
      %parallel_loop3A_789 = arith.minimumf %parallel_loop3A_755, %parallel_loop3A_788 : vector<16xf32>
      %parallel_loop3A_790 = arith.constant -3.000000e+38 : f32
      %parallel_loop3A_791 = vector.broadcast %parallel_loop3A_790 : f32 to vector<16xf32>
      %parallel_loop3A_792 = arith.select %parallel_loop3A_765, %parallel_loop3A_761, %parallel_loop3A_791 : vector<16xi1>, vector<16xf32>
      %parallel_loop3A_793 = arith.maximumf %parallel_loop3A_756, %parallel_loop3A_792 : vector<16xf32>
      scf.yield %parallel_loop3A_771, %parallel_loop3A_775, %parallel_loop3A_781, %parallel_loop3A_785, %parallel_loop3A_789, %parallel_loop3A_793 : vector<16xf32>, vector<16xf32>, vector<16xf32>, vector<16xf32>, vector<16xf32>, vector<16xf32>
    } {sc.loop_unroll_factor = 1 : i64, sc.parallel_access}
    %reduce_sum3A_454 = arith.constant true
    %reduce_sum3A_455 = vector.broadcast %reduce_sum3A_454 : i1 to vector<16xi1>
    %reduce_sum3A_456 = tpu.scan <sum>, %parallel_loop3A_453#0 masked %reduce_sum3A_455 : vector<16xf32>, vector<16xi1> -> vector<16xf32>
    %reduce_sum3A_457 = vector.extract %reduce_sum3A_456[15] : f32 from vector<16xf32>
    %broadcast_in_dim3A_458 = vector.broadcast %reduce_sum3A_457 : f32 to vector<16xf32>
    %reduce_sum3A_459 = arith.constant true
    %reduce_sum3A_460 = vector.broadcast %reduce_sum3A_459 : i1 to vector<16xi1>
    %reduce_sum3A_461 = tpu.scan <sum>, %parallel_loop3A_453#1 masked %reduce_sum3A_460 : vector<16xf32>, vector<16xi1> -> vector<16xf32>
    %reduce_sum3A_462 = vector.extract %reduce_sum3A_461[15] : f32 from vector<16xf32>
    %broadcast_in_dim3A_463 = vector.broadcast %reduce_sum3A_462 : f32 to vector<16xf32>
    %reduce_sum3A_464 = arith.constant true
    %reduce_sum3A_465 = vector.broadcast %reduce_sum3A_464 : i1 to vector<16xi1>
    %reduce_sum3A_466 = tpu.scan <sum>, %parallel_loop3A_453#2 masked %reduce_sum3A_465 : vector<16xf32>, vector<16xi1> -> vector<16xf32>
    %reduce_sum3A_467 = vector.extract %reduce_sum3A_466[15] : f32 from vector<16xf32>
    %broadcast_in_dim3A_468 = vector.broadcast %reduce_sum3A_467 : f32 to vector<16xf32>
    %reduce_sum3A_469 = arith.constant true
    %reduce_sum3A_470 = vector.broadcast %reduce_sum3A_469 : i1 to vector<16xi1>
    %reduce_sum3A_471 = tpu.scan <sum>, %parallel_loop3A_453#3 masked %reduce_sum3A_470 : vector<16xf32>, vector<16xi1> -> vector<16xf32>
    %reduce_sum3A_472 = vector.extract %reduce_sum3A_471[15] : f32 from vector<16xf32>
    %broadcast_in_dim3A_473 = vector.broadcast %reduce_sum3A_472 : f32 to vector<16xf32>
    %reduce_min3A_474 = arith.constant true
    %reduce_min3A_475 = vector.broadcast %reduce_min3A_474 : i1 to vector<16xi1>
    %reduce_min3A_476 = tpu.scan <min>, %parallel_loop3A_453#4 masked %reduce_min3A_475 : vector<16xf32>, vector<16xi1> -> vector<16xf32>
    %reduce_min3A_477 = vector.extract %reduce_min3A_476[15] : f32 from vector<16xf32>
    %broadcast_in_dim3A_478 = vector.broadcast %reduce_min3A_477 : f32 to vector<16xf32>
    %reduce_max3A_479 = arith.constant true
    %reduce_max3A_480 = vector.broadcast %reduce_max3A_479 : i1 to vector<16xi1>
    %reduce_max3A_481 = tpu.scan <max>, %parallel_loop3A_453#5 masked %reduce_max3A_480 : vector<16xf32>, vector<16xi1> -> vector<16xf32>
    %reduce_max3A_482 = vector.extract %reduce_max3A_481[15] : f32 from vector<16xf32>
    %broadcast_in_dim3A_483 = vector.broadcast %reduce_max3A_482 : f32 to vector<16xf32>
    %sub3A_484 = arith.constant 1.000000e+00 : f32
    %sub3A_485 = vector.broadcast %sub3A_484 : f32 to vector<16xf32>
    %sub3A_486 = arith.subf %broadcast_in_dim3A_463, %sub3A_485 : vector<16xf32>
    %max3A_487 = arith.constant 1.000000e+00 : f32
    %max3A_488 = vector.broadcast %max3A_487 : f32 to vector<16xf32>
    %max3A_489 = arith.maximumf %broadcast_in_dim3A_458, %max3A_488 : vector<16xf32>
    %div3A_490 = arith.divf %sub3A_486, %max3A_489 : vector<16xf32>
    %add3A_491 = arith.addf %broadcast_in_dim3A_463, %broadcast_in_dim3A_473 : vector<16xf32>
    %sub3A_492 = arith.constant 1.000000e+00 : f32
    %sub3A_493 = vector.broadcast %sub3A_492 : f32 to vector<16xf32>
    %sub3A_494 = arith.subf %add3A_491, %sub3A_493 : vector<16xf32>
    %add3A_495 = arith.addf %broadcast_in_dim3A_458, %broadcast_in_dim3A_468 : vector<16xf32>
    %max3A_496 = arith.constant 1.000000e+00 : f32
    %max3A_497 = vector.broadcast %max3A_496 : f32 to vector<16xf32>
    %max3A_498 = arith.maximumf %add3A_495, %max3A_497 : vector<16xf32>
    %div3A_499 = arith.divf %sub3A_494, %max3A_498 : vector<16xf32>
    %add3A_500 = arith.addf %broadcast_in_dim3A_463, %broadcast_in_dim3A_483 : vector<16xf32>
    %sub3A_501 = arith.constant 1.000000e+00 : f32
    %sub3A_502 = vector.broadcast %sub3A_501 : f32 to vector<16xf32>
    %sub3A_503 = arith.subf %add3A_500, %sub3A_502 : vector<16xf32>
    %add3A_504 = arith.constant 1.000000e+00 : f32
    %add3A_505 = vector.broadcast %add3A_504 : f32 to vector<16xf32>
    %add3A_506 = arith.addf %broadcast_in_dim3A_458, %add3A_505 : vector<16xf32>
    %div3A_507 = arith.divf %sub3A_503, %add3A_506 : vector<16xf32>
    %gt3A_508 = arith.constant 0.000000e+00 : f32
    %gt3A_509 = vector.broadcast %gt3A_508 : f32 to vector<16xf32>
    %gt3A_510 = arith.cmpf ogt, %broadcast_in_dim3A_458, %gt3A_509 : vector<16xf32>
    %eq3A_511 = arith.constant 0.000000e+00 : f32
    %eq3A_512 = vector.broadcast %eq3A_511 : f32 to vector<16xf32>
    %eq3A_513 = arith.cmpf oeq, %broadcast_in_dim3A_468, %eq3A_512 : vector<16xf32>
    %ge3A_514 = arith.cmpf oge, %div3A_490, %broadcast_in_dim3A_483 : vector<16xf32>
    %or3A_515 = arith.ori %eq3A_513, %ge3A_514 : vector<16xi1>
    %and3A_516 = arith.andi %gt3A_510, %or3A_515 : vector<16xi1>
    %add3A_517 = arith.addf %broadcast_in_dim3A_458, %broadcast_in_dim3A_468 : vector<16xf32>
    %gt3A_518 = arith.constant 0.000000e+00 : f32
    %gt3A_519 = vector.broadcast %gt3A_518 : f32 to vector<16xf32>
    %gt3A_520 = arith.cmpf ogt, %add3A_517, %gt3A_519 : vector<16xf32>
    %eq3A_521 = arith.constant 0.000000e+00 : f32
    %eq3A_522 = vector.broadcast %eq3A_521 : f32 to vector<16xf32>
    %eq3A_523 = arith.cmpf oeq, %broadcast_in_dim3A_468, %eq3A_522 : vector<16xf32>
    %lt3A_524 = arith.cmpf olt, %div3A_499, %broadcast_in_dim3A_478 : vector<16xf32>
    %or3A_525 = arith.ori %eq3A_523, %lt3A_524 : vector<16xi1>
    %and3A_526 = arith.andi %gt3A_520, %or3A_525 : vector<16xi1>
    %gt3A_527 = arith.constant 0.000000e+00 : f32
    %gt3A_528 = vector.broadcast %gt3A_527 : f32 to vector<16xf32>
    %gt3A_529 = arith.cmpf ogt, %broadcast_in_dim3A_468, %gt3A_528 : vector<16xf32>
    %lt3A_530 = arith.cmpf olt, %div3A_507, %broadcast_in_dim3A_483 : vector<16xf32>
    %and3A_531 = arith.andi %gt3A_529, %lt3A_530 : vector<16xi1>
    %eq3A_532 = arith.constant 1.000000e+00 : f32
    %eq3A_533 = vector.broadcast %eq3A_532 : f32 to vector<16xf32>
    %eq3A_534 = arith.cmpf oeq, %broadcast_in_dim3A_468, %eq3A_533 : vector<16xf32>
    %ge3A_535 = arith.cmpf oge, %div3A_507, %broadcast_in_dim3A_478 : vector<16xf32>
    %or3A_536 = arith.ori %eq3A_534, %ge3A_535 : vector<16xi1>
    %and3A_537 = arith.andi %and3A_531, %or3A_536 : vector<16xi1>
    %select_n3A_538 = arith.select %and3A_537, %div3A_507, %div3A_499 : vector<16xi1>, vector<16xf32>
    %select_n3A_539 = arith.select %and3A_526, %div3A_499, %select_n3A_538 : vector<16xi1>, vector<16xf32>
    %select_n3A_540 = arith.select %and3A_516, %div3A_490, %select_n3A_539 : vector<16xi1>, vector<16xf32>
    %add3A_541 = arith.addf %sub3A_443, %select_n3A_540 : vector<16xf32>
    %parallel_loop3A_542 = arith.constant 0 : i32
    %parallel_loop3A_543 = arith.constant 2048 : i32
    %parallel_loop3A_544 = arith.constant 1 : i32
    scf.for %parallel_loop3A_750 = %parallel_loop3A_542 to %parallel_loop3A_543 step %parallel_loop3A_544  : i32 {
      %parallel_loop3A_751 = arith.constant 16 : i32
      %parallel_loop3A_752 = arith.muli %parallel_loop3A_750, %parallel_loop3A_751 : i32
      %parallel_loop3A_753 = arith.index_cast %parallel_loop3A_752 : i32 to index
      %parallel_loop3A_754 = tpu.vector_load %arg4[%parallel_loop3A_753] {strides = array<i32>} : memref<32768xf32, #tpu.memory_space<vmem>>, vector<16xf32>,
      %parallel_loop3A_755 = arith.subf %parallel_loop3A_754, %add3A_541 : vector<16xf32>
      %parallel_loop3A_756 = arith.constant 0.000000e+00 : f32
      %parallel_loop3A_757 = vector.broadcast %parallel_loop3A_756 : f32 to vector<16xf32>
      %parallel_loop3A_758 = arith.maximumf %parallel_loop3A_755, %parallel_loop3A_757 : vector<16xf32>
      %parallel_loop3A_759 = arith.constant 16 : i32
      %parallel_loop3A_760 = arith.muli %parallel_loop3A_750, %parallel_loop3A_759 : i32
      %parallel_loop3A_761 = arith.index_cast %parallel_loop3A_760 : i32 to index
      %parallel_loop3A_762 = tpu.vector_load %arg6[%parallel_loop3A_761] {strides = array<i32>} : memref<32784xf32, #tpu.memory_space<vmem>>, vector<16xf32>,
      tpu.vector_store %arg6[%parallel_loop3A_761], %parallel_loop3A_758 {strides = array<i32>} : memref<32784xf32, #tpu.memory_space<vmem>>, vector<16xf32>,
    } {sc.loop_unroll_factor = 8 : i64, sc.parallel_access}
    %add3A_545 = arith.constant 2 : i32
    %add3A_546 = arith.addi %mul3A_3, %add3A_545 : i32
    %dma_start3A_547 = arith.constant 0 : i32
    %dma_start3A_548 = tpu.memref_slice %arg6[%dma_start3A_547] : memref<32784xf32, #tpu.memory_space<vmem>> -> memref<32768xf32, #tpu.memory_space<vmem>>
    %dma_start3A_549 = arith.constant 0 : i32
    %dma_start3A_550 = tpu.memref_slice %arg3[%add3A_546, %dma_start3A_549] : memref<128x32768xf32, #tpu.memory_space<hbm>> -> memref<1x32768xf32, #tpu.memory_space<hbm>>
    %dma_start3A_551 = tpu.memref_squeeze %dma_start3A_550 : memref<1x32768xf32, #tpu.memory_space<hbm>> -> memref<32768xf32, #tpu.memory_space<hbm>>
    %dma_start3A_552 = arith.constant 0 : i32
    %dma_start3A_553 = tpu.memref_slice %arg3[%add3A_546, %dma_start3A_552] : memref<128x32768xf32, #tpu.memory_space<hbm>> -> memref<1x32768xf32, #tpu.memory_space<hbm>>
    %dma_start3A_554 = tpu.memref_squeeze %dma_start3A_553 : memref<1x32768xf32, #tpu.memory_space<hbm>> -> memref<32768xf32, #tpu.memory_space<hbm>>
    %dma_start3A_555 = arith.constant 0 : i32
    %dma_start3A_556 = tpu.memref_slice %arg6[%dma_start3A_555] : memref<32784xf32, #tpu.memory_space<vmem>> -> memref<32768xf32, #tpu.memory_space<vmem>>
    tpu.enqueue_dma source(%dma_start3A_556 : memref<32768xf32, #tpu.memory_space<vmem>>) target(%dma_start3A_554 : memref<32768xf32, #tpu.memory_space<hbm>>) target_semaphore(%arg11 : memref<!tpu.dma_semaphore, #tpu.memory_space<semaphore_mem>>)
    %dma_wait3A_557 = arith.constant 0 : i32
    %dma_wait3A_558 = tpu.memref_slice %arg2[%add3A_367, %dma_wait3A_557] : memref<128x32768xf32, #tpu.memory_space<hbm>> -> memref<1x32768xf32, #tpu.memory_space<hbm>>
    %dma_wait3A_559 = tpu.memref_squeeze %dma_wait3A_558 : memref<1x32768xf32, #tpu.memory_space<hbm>> -> memref<32768xf32, #tpu.memory_space<hbm>>
    %dma_wait3A_560 = arith.constant 0 : i32
    %dma_wait3A_561 = tpu.memref_slice %arg2[%add3A_367, %dma_wait3A_560] : memref<128x32768xf32, #tpu.memory_space<hbm>> -> memref<1x32768xf32, #tpu.memory_space<hbm>>
    %dma_wait3A_562 = tpu.memref_squeeze %dma_wait3A_561 : memref<1x32768xf32, #tpu.memory_space<hbm>> -> memref<32768xf32, #tpu.memory_space<hbm>>
    tpu.wait_dma2 semaphore(%arg10 : memref<!tpu.dma_semaphore, #tpu.memory_space<semaphore_mem>>) src(%dma_wait3A_562 : memref<32768xf32, #tpu.memory_space<hbm>>) dst(%arg5 : memref<32768xf32, #tpu.memory_space<vmem>>)
    %broadcast_in_dim3A_563 = arith.constant -3.000000e+38 : f32
    %broadcast_in_dim3A_564 = vector.broadcast %broadcast_in_dim3A_563 : f32 to vector<16xf32>
    %parallel_loop3A_565 = arith.constant 0 : i32
    %parallel_loop3A_566 = arith.constant 512 : i32
    %parallel_loop3A_567 = arith.constant 1 : i32
    %parallel_loop3A_568:4 = scf.for %parallel_loop3A_750 = %parallel_loop3A_565 to %parallel_loop3A_566 step %parallel_loop3A_567 iter_args(%parallel_loop3A_751 = %broadcast_in_dim3A_564, %parallel_loop3A_752 = %broadcast_in_dim3A_564, %parallel_loop3A_753 = %broadcast_in_dim3A_564, %parallel_loop3A_754 = %broadcast_in_dim3A_564) -> (vector<16xf32>, vector<16xf32>, vector<16xf32>, vector<16xf32>)  : i32 {
      %parallel_loop3A_755 = arith.constant 4 : i32
      %parallel_loop3A_756 = arith.muli %parallel_loop3A_755, %parallel_loop3A_750 : i32
      %parallel_loop3A_757 = arith.constant 16 : i32
      %parallel_loop3A_758 = arith.muli %parallel_loop3A_756, %parallel_loop3A_757 : i32
      %parallel_loop3A_759 = arith.index_cast %parallel_loop3A_758 : i32 to index
      %parallel_loop3A_760 = tpu.vector_load %arg5[%parallel_loop3A_759] {strides = array<i32>} : memref<32768xf32, #tpu.memory_space<vmem>>, vector<16xf32>,
      %parallel_loop3A_761 = arith.maximumf %parallel_loop3A_751, %parallel_loop3A_760 : vector<16xf32>
      %parallel_loop3A_762 = arith.constant 4 : i32
      %parallel_loop3A_763 = arith.muli %parallel_loop3A_762, %parallel_loop3A_750 : i32
      %parallel_loop3A_764 = arith.constant 1 : i32
      %parallel_loop3A_765 = arith.addi %parallel_loop3A_763, %parallel_loop3A_764 : i32
      %parallel_loop3A_766 = arith.constant 16 : i32
      %parallel_loop3A_767 = arith.muli %parallel_loop3A_765, %parallel_loop3A_766 : i32
      %parallel_loop3A_768 = arith.index_cast %parallel_loop3A_767 : i32 to index
      %parallel_loop3A_769 = tpu.vector_load %arg5[%parallel_loop3A_768] {strides = array<i32>} : memref<32768xf32, #tpu.memory_space<vmem>>, vector<16xf32>,
      %parallel_loop3A_770 = arith.maximumf %parallel_loop3A_752, %parallel_loop3A_769 : vector<16xf32>
      %parallel_loop3A_771 = arith.constant 4 : i32
      %parallel_loop3A_772 = arith.muli %parallel_loop3A_771, %parallel_loop3A_750 : i32
      %parallel_loop3A_773 = arith.constant 2 : i32
      %parallel_loop3A_774 = arith.addi %parallel_loop3A_772, %parallel_loop3A_773 : i32
      %parallel_loop3A_775 = arith.constant 16 : i32
      %parallel_loop3A_776 = arith.muli %parallel_loop3A_774, %parallel_loop3A_775 : i32
      %parallel_loop3A_777 = arith.index_cast %parallel_loop3A_776 : i32 to index
      %parallel_loop3A_778 = tpu.vector_load %arg5[%parallel_loop3A_777] {strides = array<i32>} : memref<32768xf32, #tpu.memory_space<vmem>>, vector<16xf32>,
      %parallel_loop3A_779 = arith.maximumf %parallel_loop3A_753, %parallel_loop3A_778 : vector<16xf32>
      %parallel_loop3A_780 = arith.constant 4 : i32
      %parallel_loop3A_781 = arith.muli %parallel_loop3A_780, %parallel_loop3A_750 : i32
      %parallel_loop3A_782 = arith.constant 3 : i32
      %parallel_loop3A_783 = arith.addi %parallel_loop3A_781, %parallel_loop3A_782 : i32
      %parallel_loop3A_784 = arith.constant 16 : i32
      %parallel_loop3A_785 = arith.muli %parallel_loop3A_783, %parallel_loop3A_784 : i32
      %parallel_loop3A_786 = arith.index_cast %parallel_loop3A_785 : i32 to index
      %parallel_loop3A_787 = tpu.vector_load %arg5[%parallel_loop3A_786] {strides = array<i32>} : memref<32768xf32, #tpu.memory_space<vmem>>, vector<16xf32>,
      %parallel_loop3A_788 = arith.maximumf %parallel_loop3A_754, %parallel_loop3A_787 : vector<16xf32>
      scf.yield %parallel_loop3A_761, %parallel_loop3A_770, %parallel_loop3A_779, %parallel_loop3A_788 : vector<16xf32>, vector<16xf32>, vector<16xf32>, vector<16xf32>
    } {sc.loop_unroll_factor = 4 : i64, sc.parallel_access}
    %max3A_569 = arith.maximumf %parallel_loop3A_568#0, %parallel_loop3A_568#1 : vector<16xf32>
    %max3A_570 = arith.maximumf %parallel_loop3A_568#2, %parallel_loop3A_568#3 : vector<16xf32>
    %max3A_571 = arith.maximumf %max3A_569, %max3A_570 : vector<16xf32>
    %reduce_max3A_572 = arith.constant true
    %reduce_max3A_573 = vector.broadcast %reduce_max3A_572 : i1 to vector<16xi1>
    %reduce_max3A_574 = tpu.scan <max>, %max3A_571 masked %reduce_max3A_573 : vector<16xf32>, vector<16xi1> -> vector<16xf32>
    %reduce_max3A_575 = vector.extract %reduce_max3A_574[15] : f32 from vector<16xf32>
    %broadcast_in_dim3A_576 = vector.broadcast %reduce_max3A_575 : f32 to vector<16xf32>
    %sub3A_577 = arith.constant 1.001000e+00 : f32
    %sub3A_578 = vector.broadcast %sub3A_577 : f32 to vector<16xf32>
    %sub3A_579 = arith.subf %broadcast_in_dim3A_576, %sub3A_578 : vector<16xf32>
    %iota3A_580 = tpu.iota {dimensions = array<i32: 0>} : vector<16xi32>
    %eq3A_581 = arith.constant 0 : i32
    %eq3A_582 = vector.broadcast %eq3A_581 : i32 to vector<16xi32>
    %eq3A_583 = arith.cmpi eq, %iota3A_580, %eq3A_582 : vector<16xi32>
    %parallel_loop3A_584 = arith.constant 0 : i32
    %parallel_loop3A_585 = arith.constant 2048 : i32
    %parallel_loop3A_586 = arith.constant 1 : i32
    scf.for %parallel_loop3A_750 = %parallel_loop3A_584 to %parallel_loop3A_585 step %parallel_loop3A_586  : i32 {
      %parallel_loop3A_751 = arith.constant 16 : i32
      %parallel_loop3A_752 = arith.muli %parallel_loop3A_750, %parallel_loop3A_751 : i32
      %parallel_loop3A_753 = arith.index_cast %parallel_loop3A_752 : i32 to index
      %parallel_loop3A_754 = tpu.vector_load %arg5[%parallel_loop3A_753] {strides = array<i32>} : memref<32768xf32, #tpu.memory_space<vmem>>, vector<16xf32>,
      %parallel_loop3A_755 = arith.cmpf ogt, %parallel_loop3A_754, %sub3A_579 : vector<16xf32>
      %parallel_loop3A_756 = tpu.all_reduce %parallel_loop3A_755 {dim = 0 : i64, kind = #tpu.reduction_kind<sum>} : vector<16xi1> -> vector<16xi32>
      %parallel_loop3A_757 = arith.index_cast %parallel_loop3A_750 : i32 to index
      %parallel_loop3A_758 = tpu.vector_load %arg7[%parallel_loop3A_757] masked %eq3A_583 {strides = array<i32>} : memref<2064xi32, #tpu.memory_space<vmem>>, vector<16xi32>, vector<16xi1>
      tpu.vector_store %arg7[%parallel_loop3A_757], %parallel_loop3A_756 masked %eq3A_583 {strides = array<i32>} : memref<2064xi32, #tpu.memory_space<vmem>>, vector<16xi32>, vector<16xi1>
    } {sc.loop_unroll_factor = 8 : i64, sc.parallel_access}
    %dma_wait3A_587 = arith.constant 0 : i32
    %dma_wait3A_588 = tpu.memref_slice %arg6[%dma_wait3A_587] : memref<32784xf32, #tpu.memory_space<vmem>> -> memref<32768xf32, #tpu.memory_space<vmem>>
    %dma_wait3A_589 = arith.constant 0 : i32
    %dma_wait3A_590 = tpu.memref_slice %arg3[%add3A_546, %dma_wait3A_589] : memref<128x32768xf32, #tpu.memory_space<hbm>> -> memref<1x32768xf32, #tpu.memory_space<hbm>>
    %dma_wait3A_591 = tpu.memref_squeeze %dma_wait3A_590 : memref<1x32768xf32, #tpu.memory_space<hbm>> -> memref<32768xf32, #tpu.memory_space<hbm>>
    %dma_wait3A_592 = arith.constant 0 : i32
    %dma_wait3A_593 = tpu.memref_slice %arg3[%add3A_546, %dma_wait3A_592] : memref<128x32768xf32, #tpu.memory_space<hbm>> -> memref<1x32768xf32, #tpu.memory_space<hbm>>
    %dma_wait3A_594 = tpu.memref_squeeze %dma_wait3A_593 : memref<1x32768xf32, #tpu.memory_space<hbm>> -> memref<32768xf32, #tpu.memory_space<hbm>>
    %dma_wait3A_595 = arith.constant 0 : i32
    %dma_wait3A_596 = tpu.memref_slice %arg6[%dma_wait3A_595] : memref<32784xf32, #tpu.memory_space<vmem>> -> memref<32768xf32, #tpu.memory_space<vmem>>
    tpu.wait_dma2 semaphore(%arg11 : memref<!tpu.dma_semaphore, #tpu.memory_space<semaphore_mem>>) src(%dma_wait3A_596 : memref<32768xf32, #tpu.memory_space<vmem>>) dst(%dma_wait3A_594 : memref<32768xf32, #tpu.memory_space<hbm>>)
    %scan3A_597 = arith.constant 0 : i32
    %scan3A_598 = arith.constant 0 : i32
    %scan3A_599 = arith.constant 128 : i32
    %scan3A_600 = arith.addi %scan3A_598, %scan3A_599 : i32
    %scan3A_601 = arith.constant 1 : i32
    %scan3A_602 = scf.for %scan3A_750 = %scan3A_598 to %scan3A_600 step %scan3A_601 iter_args(%scan3A_751 = %scan3A_597) -> (i32)  : i32 {
      %mul3A_752 = arith.constant 16 : i32
      %mul3A_753 = arith.muli %scan3A_750, %mul3A_752 : i32
      %get3A = arith.index_cast %mul3A_753 : i32 to index
      %get3A_754 = tpu.vector_load %arg7[%get3A] {strides = array<i32>} : memref<2064xi32, #tpu.memory_space<vmem>>, vector<16xi32>,
      %cumsum3A = arith.constant true
      %cumsum3A_755 = vector.broadcast %cumsum3A : i1 to vector<16xi1>
      %cumsum3A_756 = tpu.scan <sum>, %get3A_754 masked %cumsum3A_755 : vector<16xi32>, vector<16xi1> -> vector<16xi32>
      %sub3A_757 = arith.subi %cumsum3A_756, %get3A_754 : vector<16xi32>
      %broadcast_in_dim3A_758 = vector.broadcast %scan3A_751 : i32 to vector<16xi32>
      %add3A_759 = arith.addi %sub3A_757, %broadcast_in_dim3A_758 : vector<16xi32>
      %mul3A_760 = arith.constant 16 : i32
      %mul3A_761 = arith.muli %scan3A_750, %mul3A_760 : i32
      %swap3A_762 = arith.index_cast %mul3A_761 : i32 to index
      %swap3A_763 = tpu.vector_load %arg8[%swap3A_762] {strides = array<i32>} : memref<2064xi32, #tpu.memory_space<vmem>>, vector<16xi32>,
      tpu.vector_store %arg8[%swap3A_762], %add3A_759 {strides = array<i32>} : memref<2064xi32, #tpu.memory_space<vmem>>, vector<16xi32>,
      %slice3A = vector.extract_strided_slice %cumsum3A_756 {offsets = [15], sizes = [1], strides = [1]} : vector<16xi32> to vector<1xi32>
      %squeeze3A = vector.extract %slice3A[0] : i32 from vector<1xi32>
      %add3A_764 = arith.addi %scan3A_751, %squeeze3A : i32
      scf.yield %add3A_764 : i32
    }
    %scan3A_603 = arith.constant 128 : i32
    %parallel_loop3A_604 = arith.constant 0 : i32
    %parallel_loop3A_605 = arith.constant 2048 : i32
    %parallel_loop3A_606 = arith.constant 1 : i32
    scf.for %parallel_loop3A_750 = %parallel_loop3A_604 to %parallel_loop3A_605 step %parallel_loop3A_606  : i32 {
      %parallel_loop3A_751 = arith.constant 16 : i32
      %parallel_loop3A_752 = arith.muli %parallel_loop3A_750, %parallel_loop3A_751 : i32
      %parallel_loop3A_753 = arith.index_cast %parallel_loop3A_752 : i32 to index
      %parallel_loop3A_754 = tpu.vector_load %arg5[%parallel_loop3A_753] {strides = array<i32>} : memref<32768xf32, #tpu.memory_space<vmem>>, vector<16xf32>,
      %parallel_loop3A_755 = arith.cmpf ogt, %parallel_loop3A_754, %sub3A_579 : vector<16xf32>
      %parallel_loop3A_756 = arith.index_cast %parallel_loop3A_750 : i32 to index
      %parallel_loop3A_757 = tpu.vector_load %arg8[%parallel_loop3A_756] {strides = array<i32>} : memref<2064xi32, #tpu.memory_space<vmem>>, vector<16xi32>,
      %parallel_loop3A_758 = vector.extract_strided_slice %parallel_loop3A_757 {offsets = [0], sizes = [1], strides = [1]} : vector<16xi32> to vector<1xi32>
      %parallel_loop3A_759 = vector.extract %parallel_loop3A_758[0] : i32 from vector<1xi32>
      %parallel_loop3A_760 = arith.index_cast %parallel_loop3A_759 : i32 to index
      %parallel_loop3A_761 = tpu.vector_load %arg6[%parallel_loop3A_760] masked %parallel_loop3A_755 {strides = array<i32>} : memref<32784xf32, #tpu.memory_space<vmem>>, vector<16xf32>, vector<16xi1>
      tpu.vector_store %arg6[%parallel_loop3A_760], %parallel_loop3A_754 masked %parallel_loop3A_755 {strides = array<i32>} : memref<32784xf32, #tpu.memory_space<vmem>>, vector<16xf32>, vector<16xi1>
    } {sc.loop_unroll_factor = 8 : i64, sc.parallel_access}
    %broadcast_in_dim3A_607 = arith.constant -3.000000e+38 : f32
    %broadcast_in_dim3A_608 = vector.broadcast %broadcast_in_dim3A_607 : f32 to vector<16xf32>
    %swap3A_609 = arith.index_cast %scan3A_602 : i32 to index
    %swap3A_610 = tpu.vector_load %arg6[%swap3A_609] {strides = array<i32>} : memref<32784xf32, #tpu.memory_space<vmem>>, vector<16xf32>,
    tpu.vector_store %arg6[%swap3A_609], %broadcast_in_dim3A_608 {strides = array<i32>} : memref<32784xf32, #tpu.memory_space<vmem>>, vector<16xf32>,
    %add3A_611 = arith.constant 15 : i32
    %add3A_612 = arith.addi %scan3A_602, %add3A_611 : i32
    %shift_right_logical3A_613 = arith.constant 4 : i32
    %shift_right_logical3A_614 = arith.shrui %add3A_612, %shift_right_logical3A_613 : i32
    %add3A_615 = arith.constant 1.000000e-03 : f32
    %add3A_616 = vector.broadcast %add3A_615 : f32 to vector<16xf32>
    %add3A_617 = arith.addf %broadcast_in_dim3A_576, %add3A_616 : vector<16xf32>
    %scan3A_618 = arith.constant 0 : i32
    %scan3A_619 = arith.constant 25 : i32
    %scan3A_620 = arith.addi %scan3A_618, %scan3A_619 : i32
    %scan3A_621 = arith.constant 1 : i32
    %scan3A_622:2 = scf.for %scan3A_750 = %scan3A_618 to %scan3A_620 step %scan3A_621 iter_args(%scan3A_751 = %sub3A_579, %scan3A_752 = %add3A_617) -> (vector<16xf32>, vector<16xf32>)  : i32 {
      %add3A_753 = arith.addf %scan3A_751, %scan3A_752 : vector<16xf32>
      %mul3A_754 = arith.constant 5.000000e-01 : f32
      %mul3A_755 = vector.broadcast %mul3A_754 : f32 to vector<16xf32>
      %mul3A_756 = arith.mulf %mul3A_755, %add3A_753 : vector<16xf32>
      %parallel_loop3A_757 = arith.constant 0 : i32
      %parallel_loop3A_758 = arith.constant 1 : i32
      %parallel_loop3A_759 = scf.for %parallel_loop3A_770 = %parallel_loop3A_757 to %shift_right_logical3A_614 step %parallel_loop3A_758 iter_args(%parallel_loop3A_771 = %broadcast_in_dim3A_1) -> (vector<16xf32>)  : i32 {
        %parallel_loop3A_772 = arith.constant 16 : i32
        %parallel_loop3A_773 = arith.muli %parallel_loop3A_770, %parallel_loop3A_772 : i32
        %parallel_loop3A_774 = arith.index_cast %parallel_loop3A_773 : i32 to index
        %parallel_loop3A_775 = tpu.vector_load %arg6[%parallel_loop3A_774] {strides = array<i32>} : memref<32784xf32, #tpu.memory_space<vmem>>, vector<16xf32>,
        %parallel_loop3A_776 = arith.cmpf ogt, %parallel_loop3A_775, %mul3A_756 : vector<16xf32>
        %parallel_loop3A_777 = arith.subf %parallel_loop3A_775, %mul3A_756 : vector<16xf32>
        %parallel_loop3A_778 = arith.constant 0.000000e+00 : f32
        %parallel_loop3A_779 = vector.broadcast %parallel_loop3A_778 : f32 to vector<16xf32>
        %parallel_loop3A_780 = arith.select %parallel_loop3A_776, %parallel_loop3A_777, %parallel_loop3A_779 : vector<16xi1>, vector<16xf32>
        %parallel_loop3A_781 = arith.addf %parallel_loop3A_771, %parallel_loop3A_780 : vector<16xf32>
        scf.yield %parallel_loop3A_781 : vector<16xf32>
      } {sc.loop_unroll_factor = 1 : i64, sc.parallel_access}
      %reduce_sum3A_760 = arith.constant true
      %reduce_sum3A_761 = vector.broadcast %reduce_sum3A_760 : i1 to vector<16xi1>
      %reduce_sum3A_762 = tpu.scan <sum>, %parallel_loop3A_759 masked %reduce_sum3A_761 : vector<16xf32>, vector<16xi1> -> vector<16xf32>
      %reduce_sum3A_763 = vector.extract %reduce_sum3A_762[15] : f32 from vector<16xf32>
      %broadcast_in_dim3A_764 = vector.broadcast %reduce_sum3A_763 : f32 to vector<16xf32>
      %gt3A_765 = arith.constant 1.000000e+00 : f32
      %gt3A_766 = vector.broadcast %gt3A_765 : f32 to vector<16xf32>
      %gt3A_767 = arith.cmpf ogt, %broadcast_in_dim3A_764, %gt3A_766 : vector<16xf32>
      %select_n3A_768 = arith.select %gt3A_767, %mul3A_756, %scan3A_751 : vector<16xi1>, vector<16xf32>
      %select_n3A_769 = arith.select %gt3A_767, %scan3A_752, %mul3A_756 : vector<16xi1>, vector<16xf32>
      scf.yield %select_n3A_768, %select_n3A_769 : vector<16xf32>, vector<16xf32>
    }
    %scan3A_623 = arith.constant 25 : i32
    %sub3A_624 = arith.constant 9.99999997E-7 : f32
    %sub3A_625 = vector.broadcast %sub3A_624 : f32 to vector<16xf32>
    %sub3A_626 = arith.subf %scan3A_622#0, %sub3A_625 : vector<16xf32>
    %add3A_627 = arith.constant 9.99999997E-7 : f32
    %add3A_628 = vector.broadcast %add3A_627 : f32 to vector<16xf32>
    %add3A_629 = arith.addf %scan3A_622#1, %add3A_628 : vector<16xf32>
    %broadcast_in_dim3A_630 = arith.constant 3.000000e+38 : f32
    %broadcast_in_dim3A_631 = vector.broadcast %broadcast_in_dim3A_630 : f32 to vector<16xf32>
    %broadcast_in_dim3A_632 = arith.constant -3.000000e+38 : f32
    %broadcast_in_dim3A_633 = vector.broadcast %broadcast_in_dim3A_632 : f32 to vector<16xf32>
    %parallel_loop3A_634 = arith.constant 0 : i32
    %parallel_loop3A_635 = arith.constant 1 : i32
    %parallel_loop3A_636:6 = scf.for %parallel_loop3A_750 = %parallel_loop3A_634 to %shift_right_logical3A_614 step %parallel_loop3A_635 iter_args(%parallel_loop3A_751 = %broadcast_in_dim3A_1, %parallel_loop3A_752 = %broadcast_in_dim3A_1, %parallel_loop3A_753 = %broadcast_in_dim3A_1, %parallel_loop3A_754 = %broadcast_in_dim3A_1, %parallel_loop3A_755 = %broadcast_in_dim3A_631, %parallel_loop3A_756 = %broadcast_in_dim3A_633) -> (vector<16xf32>, vector<16xf32>, vector<16xf32>, vector<16xf32>, vector<16xf32>, vector<16xf32>)  : i32 {
      %parallel_loop3A_757 = arith.constant 16 : i32
      %parallel_loop3A_758 = arith.muli %parallel_loop3A_750, %parallel_loop3A_757 : i32
      %parallel_loop3A_759 = arith.index_cast %parallel_loop3A_758 : i32 to index
      %parallel_loop3A_760 = tpu.vector_load %arg6[%parallel_loop3A_759] {strides = array<i32>} : memref<32784xf32, #tpu.memory_space<vmem>>, vector<16xf32>,
      %parallel_loop3A_761 = arith.subf %parallel_loop3A_760, %sub3A_626 : vector<16xf32>
      %parallel_loop3A_762 = arith.cmpf oge, %parallel_loop3A_760, %add3A_629 : vector<16xf32>
      %parallel_loop3A_763 = arith.cmpf ogt, %parallel_loop3A_760, %sub3A_626 : vector<16xf32>
      %parallel_loop3A_764 = arith.cmpf olt, %parallel_loop3A_760, %add3A_629 : vector<16xf32>
      %parallel_loop3A_765 = arith.andi %parallel_loop3A_763, %parallel_loop3A_764 : vector<16xi1>
      %parallel_loop3A_766 = arith.constant 1.000000e+00 : f32
      %parallel_loop3A_767 = arith.constant 0.000000e+00 : f32
      %parallel_loop3A_768 = vector.broadcast %parallel_loop3A_766 : f32 to vector<16xf32>
      %parallel_loop3A_769 = vector.broadcast %parallel_loop3A_767 : f32 to vector<16xf32>
      %parallel_loop3A_770 = arith.select %parallel_loop3A_762, %parallel_loop3A_768, %parallel_loop3A_769 : vector<16xi1>, vector<16xf32>
      %parallel_loop3A_771 = arith.addf %parallel_loop3A_751, %parallel_loop3A_770 : vector<16xf32>
      %parallel_loop3A_772 = arith.constant 0.000000e+00 : f32
      %parallel_loop3A_773 = vector.broadcast %parallel_loop3A_772 : f32 to vector<16xf32>
      %parallel_loop3A_774 = arith.select %parallel_loop3A_762, %parallel_loop3A_761, %parallel_loop3A_773 : vector<16xi1>, vector<16xf32>
      %parallel_loop3A_775 = arith.addf %parallel_loop3A_752, %parallel_loop3A_774 : vector<16xf32>
      %parallel_loop3A_776 = arith.constant 1.000000e+00 : f32
      %parallel_loop3A_777 = arith.constant 0.000000e+00 : f32
      %parallel_loop3A_778 = vector.broadcast %parallel_loop3A_776 : f32 to vector<16xf32>
      %parallel_loop3A_779 = vector.broadcast %parallel_loop3A_777 : f32 to vector<16xf32>
      %parallel_loop3A_780 = arith.select %parallel_loop3A_765, %parallel_loop3A_778, %parallel_loop3A_779 : vector<16xi1>, vector<16xf32>
      %parallel_loop3A_781 = arith.addf %parallel_loop3A_753, %parallel_loop3A_780 : vector<16xf32>
      %parallel_loop3A_782 = arith.constant 0.000000e+00 : f32
      %parallel_loop3A_783 = vector.broadcast %parallel_loop3A_782 : f32 to vector<16xf32>
      %parallel_loop3A_784 = arith.select %parallel_loop3A_765, %parallel_loop3A_761, %parallel_loop3A_783 : vector<16xi1>, vector<16xf32>
      %parallel_loop3A_785 = arith.addf %parallel_loop3A_754, %parallel_loop3A_784 : vector<16xf32>
      %parallel_loop3A_786 = arith.constant 3.000000e+38 : f32
      %parallel_loop3A_787 = vector.broadcast %parallel_loop3A_786 : f32 to vector<16xf32>
      %parallel_loop3A_788 = arith.select %parallel_loop3A_765, %parallel_loop3A_761, %parallel_loop3A_787 : vector<16xi1>, vector<16xf32>
      %parallel_loop3A_789 = arith.minimumf %parallel_loop3A_755, %parallel_loop3A_788 : vector<16xf32>
      %parallel_loop3A_790 = arith.constant -3.000000e+38 : f32
      %parallel_loop3A_791 = vector.broadcast %parallel_loop3A_790 : f32 to vector<16xf32>
      %parallel_loop3A_792 = arith.select %parallel_loop3A_765, %parallel_loop3A_761, %parallel_loop3A_791 : vector<16xi1>, vector<16xf32>
      %parallel_loop3A_793 = arith.maximumf %parallel_loop3A_756, %parallel_loop3A_792 : vector<16xf32>
      scf.yield %parallel_loop3A_771, %parallel_loop3A_775, %parallel_loop3A_781, %parallel_loop3A_785, %parallel_loop3A_789, %parallel_loop3A_793 : vector<16xf32>, vector<16xf32>, vector<16xf32>, vector<16xf32>, vector<16xf32>, vector<16xf32>
    } {sc.loop_unroll_factor = 1 : i64, sc.parallel_access}
    %reduce_sum3A_637 = arith.constant true
    %reduce_sum3A_638 = vector.broadcast %reduce_sum3A_637 : i1 to vector<16xi1>
    %reduce_sum3A_639 = tpu.scan <sum>, %parallel_loop3A_636#0 masked %reduce_sum3A_638 : vector<16xf32>, vector<16xi1> -> vector<16xf32>
    %reduce_sum3A_640 = vector.extract %reduce_sum3A_639[15] : f32 from vector<16xf32>
    %broadcast_in_dim3A_641 = vector.broadcast %reduce_sum3A_640 : f32 to vector<16xf32>
    %reduce_sum3A_642 = arith.constant true
    %reduce_sum3A_643 = vector.broadcast %reduce_sum3A_642 : i1 to vector<16xi1>
    %reduce_sum3A_644 = tpu.scan <sum>, %parallel_loop3A_636#1 masked %reduce_sum3A_643 : vector<16xf32>, vector<16xi1> -> vector<16xf32>
    %reduce_sum3A_645 = vector.extract %reduce_sum3A_644[15] : f32 from vector<16xf32>
    %broadcast_in_dim3A_646 = vector.broadcast %reduce_sum3A_645 : f32 to vector<16xf32>
    %reduce_sum3A_647 = arith.constant true
    %reduce_sum3A_648 = vector.broadcast %reduce_sum3A_647 : i1 to vector<16xi1>
    %reduce_sum3A_649 = tpu.scan <sum>, %parallel_loop3A_636#2 masked %reduce_sum3A_648 : vector<16xf32>, vector<16xi1> -> vector<16xf32>
    %reduce_sum3A_650 = vector.extract %reduce_sum3A_649[15] : f32 from vector<16xf32>
    %broadcast_in_dim3A_651 = vector.broadcast %reduce_sum3A_650 : f32 to vector<16xf32>
    %reduce_sum3A_652 = arith.constant true
    %reduce_sum3A_653 = vector.broadcast %reduce_sum3A_652 : i1 to vector<16xi1>
    %reduce_sum3A_654 = tpu.scan <sum>, %parallel_loop3A_636#3 masked %reduce_sum3A_653 : vector<16xf32>, vector<16xi1> -> vector<16xf32>
    %reduce_sum3A_655 = vector.extract %reduce_sum3A_654[15] : f32 from vector<16xf32>
    %broadcast_in_dim3A_656 = vector.broadcast %reduce_sum3A_655 : f32 to vector<16xf32>
    %reduce_min3A_657 = arith.constant true
    %reduce_min3A_658 = vector.broadcast %reduce_min3A_657 : i1 to vector<16xi1>
    %reduce_min3A_659 = tpu.scan <min>, %parallel_loop3A_636#4 masked %reduce_min3A_658 : vector<16xf32>, vector<16xi1> -> vector<16xf32>
    %reduce_min3A_660 = vector.extract %reduce_min3A_659[15] : f32 from vector<16xf32>
    %broadcast_in_dim3A_661 = vector.broadcast %reduce_min3A_660 : f32 to vector<16xf32>
    %reduce_max3A_662 = arith.constant true
    %reduce_max3A_663 = vector.broadcast %reduce_max3A_662 : i1 to vector<16xi1>
    %reduce_max3A_664 = tpu.scan <max>, %parallel_loop3A_636#5 masked %reduce_max3A_663 : vector<16xf32>, vector<16xi1> -> vector<16xf32>
    %reduce_max3A_665 = vector.extract %reduce_max3A_664[15] : f32 from vector<16xf32>
    %broadcast_in_dim3A_666 = vector.broadcast %reduce_max3A_665 : f32 to vector<16xf32>
    %sub3A_667 = arith.constant 1.000000e+00 : f32
    %sub3A_668 = vector.broadcast %sub3A_667 : f32 to vector<16xf32>
    %sub3A_669 = arith.subf %broadcast_in_dim3A_646, %sub3A_668 : vector<16xf32>
    %max3A_670 = arith.constant 1.000000e+00 : f32
    %max3A_671 = vector.broadcast %max3A_670 : f32 to vector<16xf32>
    %max3A_672 = arith.maximumf %broadcast_in_dim3A_641, %max3A_671 : vector<16xf32>
    %div3A_673 = arith.divf %sub3A_669, %max3A_672 : vector<16xf32>
    %add3A_674 = arith.addf %broadcast_in_dim3A_646, %broadcast_in_dim3A_656 : vector<16xf32>
    %sub3A_675 = arith.constant 1.000000e+00 : f32
    %sub3A_676 = vector.broadcast %sub3A_675 : f32 to vector<16xf32>
    %sub3A_677 = arith.subf %add3A_674, %sub3A_676 : vector<16xf32>
    %add3A_678 = arith.addf %broadcast_in_dim3A_641, %broadcast_in_dim3A_651 : vector<16xf32>
    %max3A_679 = arith.constant 1.000000e+00 : f32
    %max3A_680 = vector.broadcast %max3A_679 : f32 to vector<16xf32>
    %max3A_681 = arith.maximumf %add3A_678, %max3A_680 : vector<16xf32>
    %div3A_682 = arith.divf %sub3A_677, %max3A_681 : vector<16xf32>
    %add3A_683 = arith.addf %broadcast_in_dim3A_646, %broadcast_in_dim3A_666 : vector<16xf32>
    %sub3A_684 = arith.constant 1.000000e+00 : f32
    %sub3A_685 = vector.broadcast %sub3A_684 : f32 to vector<16xf32>
    %sub3A_686 = arith.subf %add3A_683, %sub3A_685 : vector<16xf32>
    %add3A_687 = arith.constant 1.000000e+00 : f32
    %add3A_688 = vector.broadcast %add3A_687 : f32 to vector<16xf32>
    %add3A_689 = arith.addf %broadcast_in_dim3A_641, %add3A_688 : vector<16xf32>
    %div3A_690 = arith.divf %sub3A_686, %add3A_689 : vector<16xf32>
    %gt3A_691 = arith.constant 0.000000e+00 : f32
    %gt3A_692 = vector.broadcast %gt3A_691 : f32 to vector<16xf32>
    %gt3A_693 = arith.cmpf ogt, %broadcast_in_dim3A_641, %gt3A_692 : vector<16xf32>
    %eq3A_694 = arith.constant 0.000000e+00 : f32
    %eq3A_695 = vector.broadcast %eq3A_694 : f32 to vector<16xf32>
    %eq3A_696 = arith.cmpf oeq, %broadcast_in_dim3A_651, %eq3A_695 : vector<16xf32>
    %ge3A_697 = arith.cmpf oge, %div3A_673, %broadcast_in_dim3A_666 : vector<16xf32>
    %or3A_698 = arith.ori %eq3A_696, %ge3A_697 : vector<16xi1>
    %and3A_699 = arith.andi %gt3A_693, %or3A_698 : vector<16xi1>
    %add3A_700 = arith.addf %broadcast_in_dim3A_641, %broadcast_in_dim3A_651 : vector<16xf32>
    %gt3A_701 = arith.constant 0.000000e+00 : f32
    %gt3A_702 = vector.broadcast %gt3A_701 : f32 to vector<16xf32>
    %gt3A_703 = arith.cmpf ogt, %add3A_700, %gt3A_702 : vector<16xf32>
    %eq3A_704 = arith.constant 0.000000e+00 : f32
    %eq3A_705 = vector.broadcast %eq3A_704 : f32 to vector<16xf32>
    %eq3A_706 = arith.cmpf oeq, %broadcast_in_dim3A_651, %eq3A_705 : vector<16xf32>
    %lt3A_707 = arith.cmpf olt, %div3A_682, %broadcast_in_dim3A_661 : vector<16xf32>
    %or3A_708 = arith.ori %eq3A_706, %lt3A_707 : vector<16xi1>
    %and3A_709 = arith.andi %gt3A_703, %or3A_708 : vector<16xi1>
    %gt3A_710 = arith.constant 0.000000e+00 : f32
    %gt3A_711 = vector.broadcast %gt3A_710 : f32 to vector<16xf32>
    %gt3A_712 = arith.cmpf ogt, %broadcast_in_dim3A_651, %gt3A_711 : vector<16xf32>
    %lt3A_713 = arith.cmpf olt, %div3A_690, %broadcast_in_dim3A_666 : vector<16xf32>
    %and3A_714 = arith.andi %gt3A_712, %lt3A_713 : vector<16xi1>
    %eq3A_715 = arith.constant 1.000000e+00 : f32
    %eq3A_716 = vector.broadcast %eq3A_715 : f32 to vector<16xf32>
    %eq3A_717 = arith.cmpf oeq, %broadcast_in_dim3A_651, %eq3A_716 : vector<16xf32>
    %ge3A_718 = arith.cmpf oge, %div3A_690, %broadcast_in_dim3A_661 : vector<16xf32>
    %or3A_719 = arith.ori %eq3A_717, %ge3A_718 : vector<16xi1>
    %and3A_720 = arith.andi %and3A_714, %or3A_719 : vector<16xi1>
    %select_n3A_721 = arith.select %and3A_720, %div3A_690, %div3A_682 : vector<16xi1>, vector<16xf32>
    %select_n3A_722 = arith.select %and3A_709, %div3A_682, %select_n3A_721 : vector<16xi1>, vector<16xf32>
    %select_n3A_723 = arith.select %and3A_699, %div3A_673, %select_n3A_722 : vector<16xi1>, vector<16xf32>
    %add3A_724 = arith.addf %sub3A_626, %select_n3A_723 : vector<16xf32>
    %parallel_loop3A_725 = arith.constant 0 : i32
    %parallel_loop3A_726 = arith.constant 2048 : i32
    %parallel_loop3A_727 = arith.constant 1 : i32
    scf.for %parallel_loop3A_750 = %parallel_loop3A_725 to %parallel_loop3A_726 step %parallel_loop3A_727  : i32 {
      %parallel_loop3A_751 = arith.constant 16 : i32
      %parallel_loop3A_752 = arith.muli %parallel_loop3A_750, %parallel_loop3A_751 : i32
      %parallel_loop3A_753 = arith.index_cast %parallel_loop3A_752 : i32 to index
      %parallel_loop3A_754 = tpu.vector_load %arg5[%parallel_loop3A_753] {strides = array<i32>} : memref<32768xf32, #tpu.memory_space<vmem>>, vector<16xf32>,
      %parallel_loop3A_755 = arith.subf %parallel_loop3A_754, %add3A_724 : vector<16xf32>
      %parallel_loop3A_756 = arith.constant 0.000000e+00 : f32
      %parallel_loop3A_757 = vector.broadcast %parallel_loop3A_756 : f32 to vector<16xf32>
      %parallel_loop3A_758 = arith.maximumf %parallel_loop3A_755, %parallel_loop3A_757 : vector<16xf32>
      %parallel_loop3A_759 = arith.constant 16 : i32
      %parallel_loop3A_760 = arith.muli %parallel_loop3A_750, %parallel_loop3A_759 : i32
      %parallel_loop3A_761 = arith.index_cast %parallel_loop3A_760 : i32 to index
      %parallel_loop3A_762 = tpu.vector_load %arg6[%parallel_loop3A_761] {strides = array<i32>} : memref<32784xf32, #tpu.memory_space<vmem>>, vector<16xf32>,
      tpu.vector_store %arg6[%parallel_loop3A_761], %parallel_loop3A_758 {strides = array<i32>} : memref<32784xf32, #tpu.memory_space<vmem>>, vector<16xf32>,
    } {sc.loop_unroll_factor = 8 : i64, sc.parallel_access}
    %add3A_728 = arith.constant 3 : i32
    %add3A_729 = arith.addi %mul3A_3, %add3A_728 : i32
    %dma_start3A_730 = arith.constant 0 : i32
    %dma_start3A_731 = tpu.memref_slice %arg6[%dma_start3A_730] : memref<32784xf32, #tpu.memory_space<vmem>> -> memref<32768xf32, #tpu.memory_space<vmem>>
    %dma_start3A_732 = arith.constant 0 : i32
    %dma_start3A_733 = tpu.memref_slice %arg3[%add3A_729, %dma_start3A_732] : memref<128x32768xf32, #tpu.memory_space<hbm>> -> memref<1x32768xf32, #tpu.memory_space<hbm>>
    %dma_start3A_734 = tpu.memref_squeeze %dma_start3A_733 : memref<1x32768xf32, #tpu.memory_space<hbm>> -> memref<32768xf32, #tpu.memory_space<hbm>>
    %dma_start3A_735 = arith.constant 0 : i32
    %dma_start3A_736 = tpu.memref_slice %arg3[%add3A_729, %dma_start3A_735] : memref<128x32768xf32, #tpu.memory_space<hbm>> -> memref<1x32768xf32, #tpu.memory_space<hbm>>
    %dma_start3A_737 = tpu.memref_squeeze %dma_start3A_736 : memref<1x32768xf32, #tpu.memory_space<hbm>> -> memref<32768xf32, #tpu.memory_space<hbm>>
    %dma_start3A_738 = arith.constant 0 : i32
    %dma_start3A_739 = tpu.memref_slice %arg6[%dma_start3A_738] : memref<32784xf32, #tpu.memory_space<vmem>> -> memref<32768xf32, #tpu.memory_space<vmem>>
    tpu.enqueue_dma source(%dma_start3A_739 : memref<32768xf32, #tpu.memory_space<vmem>>) target(%dma_start3A_737 : memref<32768xf32, #tpu.memory_space<hbm>>) target_semaphore(%arg11 : memref<!tpu.dma_semaphore, #tpu.memory_space<semaphore_mem>>)
    %dma_wait3A_740 = arith.constant 0 : i32
    %dma_wait3A_741 = tpu.memref_slice %arg6[%dma_wait3A_740] : memref<32784xf32, #tpu.memory_space<vmem>> -> memref<32768xf32, #tpu.memory_space<vmem>>
    %dma_wait3A_742 = arith.constant 0 : i32
    %dma_wait3A_743 = tpu.memref_slice %arg3[%add3A_729, %dma_wait3A_742] : memref<128x32768xf32, #tpu.memory_space<hbm>> -> memref<1x32768xf32, #tpu.memory_space<hbm>>
    %dma_wait3A_744 = tpu.memref_squeeze %dma_wait3A_743 : memref<1x32768xf32, #tpu.memory_space<hbm>> -> memref<32768xf32, #tpu.memory_space<hbm>>
    %dma_wait3A_745 = arith.constant 0 : i32
    %dma_wait3A_746 = tpu.memref_slice %arg3[%add3A_729, %dma_wait3A_745] : memref<128x32768xf32, #tpu.memory_space<hbm>> -> memref<1x32768xf32, #tpu.memory_space<hbm>>
    %dma_wait3A_747 = tpu.memref_squeeze %dma_wait3A_746 : memref<1x32768xf32, #tpu.memory_space<hbm>> -> memref<32768xf32, #tpu.memory_space<hbm>>
    %dma_wait3A_748 = arith.constant 0 : i32
    %dma_wait3A_749 = tpu.memref_slice %arg6[%dma_wait3A_748] : memref<32784xf32, #tpu.memory_space<vmem>> -> memref<32768xf32, #tpu.memory_space<vmem>>
    tpu.wait_dma2 semaphore(%arg11 : memref<!tpu.dma_semaphore, #tpu.memory_space<semaphore_mem>>) src(%dma_wait3A_749 : memref<32768xf32, #tpu.memory_space<vmem>>) dst(%dma_wait3A_747 : memref<32768xf32, #tpu.memory_space<hbm>>)
    return
  }
}

</mosaic_0001>

<sc_bundles>
// kernel: kernel.3.cloned.1.call-start
scs
__scs_entry_jumppad:
0x0: {  	(pc) =	sbr.rel $0x88, $3  }
0x1: {  	(tag) =	ssettag $0x0;
	lr =	simm.s32 $0x1  }
0x2: {  	[smem:$0x3FA0] =	sst lr;
	_ =	strace $0xD0000000  }
0x3: {  	_ = 	snop  }
0x4: {  	_ = 	snop  }
0x5: {  	_ = 	snop  }
0x6: {  	_ = 	snop  }
0x7: {  	_ = 	snop  }
__scs_overlays_trampoline_lowered:
0x8: {  	[smem:$0x3FAF] =	sst s0  }
0x9: {  	[smem:$0x3FB0] =	sst s1  }
0xa: {  	[smem:$0x3FB1] =	sst s2  }
0xb: {  	[smem:$0x3FB2] =	sst s3  }
0xc: {  	[smem:$0x3FB3] =	sst s4  }
0xd: {  	[smem:$0x3FB4] =	sst s5  }
0xe: {  	[smem:$0x3FB5] =	sst s6  }
0xf: {  	[smem:$0x3FB6] =	sst s7  }
0x10: {  	[smem:$0x3FB7] =	sst s8  }
0x11: {  	[smem:$0x3FB8] =	sst s9;
	s0 =	simm.s32 @!p0 $0x0  }
0x12: {  	s1 =	sld [smem:$0x3F9E];
	s0 =	simm.s32 @p0 $0x1  }
0x13: {  	[smem:$0x3FB9] =	sst s0;
	s0 =	simm.s32 @!p1 $0x0  }
0x14: {  	s2 =	sld [smem:$0x3F9D];
	s0 =	simm.s32 @p1 $0x1  }
0x15: {  	[smem:$0x3FBA] =	sst s0;
	s0 =	simm.s32 @!p2 $0x0  }
0x16: {  	s3 =	sld [smem:$0x3FDB];
	s0 =	simm.s32 @p2 $0x1  }
0x17: {  	s4 =	simm.s32 $0x1BF5;
	[smem:$0x3FBC] =	sst s0  }
0x18: {  	s0 =	sld [smem:$0x3F9F];
	_ =	swait.ge [sflag:s4], $0x0  }
0x19: {  	s7 =	sld [smem:$0x3FA0]  }
0x1a: {  	s8 =	sadd.s32 $0xFFFFE003, lr  }
0x1b: {  	s9 =	sadd.s32 $0xFFFFFEF7, lr;
	s5 =	simm.s32 $0xFFFFFFFF;
	p2 =	slt.u32 s8, $0xFFFFF086  }
0x1c: {  	p1 =	slt.u32 s9, $0xF7A;
	s5 =	simm.s32 @!p2 $0x0  }
0x1d: {  	s5 =	simm.s32 @p1 $0x1;
	p0 =	seq.s32 s7, s2  }
0x1e: {  	s7 =	smul.u32 @!p0 $0xF7A, s2;
	p2 =	seq.s32 @!p0 s5, $0x0  }
0x1f: {  	s9 =	smul.u32 $0xF7A, s1;
	s8 =	simm.s32 @!p0 $0x1BF5;
	p2 =	por !p2, p0  }
0x20: {  	[sflag:s8] =	ssyncset.s32 @!p0 $0xFFFFF086;
	s6 =	sadd.s32 @!p0 s3, s7;
	s7 =	simm.s32 @!p0 $0x108  }
0x21: {  	s3 =	sadd.s32 s3, s9;
	s6 =	sadd.s32 @!p0 $0x88, s6;
	s7 =	simm.s32 @p2 $0x1082  }
0x22: {  	[simem:s7], [sflag:s8] =	dma.local @!p0 [hbm:s6], $0xF7A  }
0x23: {  	s9 =	sor.u32 $0xD0000000, s2;
	s6 =	simm.s32 $0x108;
	_ =	swait.ge @!p0 [sflag:s8], $0x0  }
0x24: {  	s3 =	sadd.s32 $0x88, s3;
	s6 =	simm.s32 @!p1 $0x1082;
	[sflag:s4] =	ssyncset.s32 $0xFFFFF086  }
0x25: {  	[simem:s6], [sflag:s4] =	dma.local [hbm:s3], $0xF7A  }
0x26: {  	[smem:$0x3FA0] =	sst s1;
	(tag) =	ssettag s2;
	_ =	strace s9  }
0x27: {  	s1 =	sld [smem:$0x3FB0]  }
0x28: {  	s2 =	sld [smem:$0x3FB1]  }
0x29: {  	s4 =	sld [smem:$0x3FB3]  }
0x2a: {  	p0 =	seq.s32 s5, $0x0;
	s5 =	sld [smem:$0x3FB4]  }
0x2b: {  	s6 =	sld [smem:$0x3FB5]  }
0x2c: {  	s7 =	sld [smem:$0x3FB6]  }
0x2d: {  	s3 =	simm.s32 $0x108;
	s8 =	sld [smem:$0x3FB7]  }
0x2e: {  	s3 =	simm.s32 @!p0 $0x1082;
	s9 =	sld [smem:$0x3FB8]  }
0x2f: {  	lr =	sadd.s32 s0, s3;
	s0 =	sld [smem:$0x3FAF]  }
0x30: {  	s3 =	sld [smem:$0x3FB2]  }
0x31: {  	[smem:$0x3FBB] =	sst s10  }
0x32: {  	s10 =	sld [smem:$0x3FB9];
	_ =	sdelay $0x3  }
0x33: {  	p0 =	seq.s32 s10, $0x1;
	s10 =	sld [smem:$0x3FBB];
	_ =	sdelay $0x3  }
0x34: {  	[smem:$0x3FBB] =	sst s10  }
0x35: {  	s10 =	sld [smem:$0x3FBA];
	_ =	sdelay $0x3  }
0x36: {  	p1 =	seq.s32 s10, $0x1;
	s10 =	sld [smem:$0x3FBB];
	_ =	sdelay $0x3  }
0x37: {  	[smem:$0x3FBB] =	sst s10  }
0x38: {  	s10 =	sld [smem:$0x3FBC]  }
0x39: {  	_ = 	snop;
	(pc) =	sbr.ind lr, $3  }
0x3a: {  	_ = 	snop  }
0x3b: {  	_ = 	snop  }
0x3c: {  	p2 =	seq.s32 s10, $0x1;
	s10 =	sld [smem:$0x3FBB]  }
0x3d: {  	_ =	shalt  }
0x3e: {  	_ =	shalt  }
0x3f: {  	_ =	shalt  }
0x40: {  	_ =	shalt  }
0x41: {  	_ =	shalt  }
0x42: {  	_ =	shalt  }
0x43: {  	_ =	shalt  }
0x44: {  	_ =	shalt  }
0x45: {  	_ =	shalt  }
0x46: {  	_ =	shalt  }
0x47: {  	_ =	shalt  }
0x48: {  	_ =	shalt  }
0x49: {  	_ =	shalt  }
0x4a: {  	_ =	shalt  }
0x4b: {  	_ =	shalt  }
0x4c: {  	_ =	shalt  }
0x4d: {  	_ =	shalt  }
0x4e: {  	_ =	shalt  }
0x4f: {  	_ =	shalt  }
0x50: {  	_ =	shalt  }
0x51: {  	_ =	shalt  }
0x52: {  	_ =	shalt  }
0x53: {  	_ =	shalt  }
0x54: {  	_ =	shalt  }
0x55: {  	_ =	shalt  }
0x56: {  	_ =	shalt  }
0x57: {  	_ =	shalt  }
0x58: {  	_ =	shalt  }
0x59: {  	_ =	shalt  }
0x5a: {  	_ =	shalt  }
0x5b: {  	_ =	shalt  }
0x5c: {  	_ =	shalt  }
0x5d: {  	_ =	shalt  }
0x5e: {  	_ =	shalt  }
0x5f: {  	_ =	shalt  }
0x60: {  	_ =	shalt  }
0x61: {  	_ =	shalt  }
0x62: {  	_ =	shalt  }
0x63: {  	_ =	shalt  }
0x64: {  	_ =	shalt  }
0x65: {  	_ =	shalt  }
0x66: {  	_ =	shalt  }
0x67: {  	_ =	shalt  }
0x68: {  	_ =	shalt  }
0x69: {  	_ =	shalt  }
0x6a: {  	_ =	shalt  }
0x6b: {  	_ =	shalt  }
0x6c: {  	_ =	shalt  }
0x6d: {  	_ =	shalt  }
0x6e: {  	_ =	shalt  }
0x6f: {  	_ =	shalt  }
0x70: {  	_ =	shalt  }
0x71: {  	_ =	shalt  }
0x72: {  	_ =	shalt  }
0x73: {  	_ =	shalt  }
0x74: {  	_ =	shalt  }
0x75: {  	_ =	shalt  }
0x76: {  	_ =	shalt  }
0x77: {  	_ =	shalt  }
0x78: {  	_ =	shalt  }
0x79: {  	_ =	shalt  }
0x7a: {  	_ =	shalt  }
0x7b: {  	_ =	shalt  }
0x7c: {  	_ =	shalt  }
0x7d: {  	_ =	shalt  }
0x7e: {  	_ =	shalt  }
0x7f: {  	_ =	shalt  }
0x80: {  	_ =	shalt  }
0x81: {  	_ =	shalt  }
0x82: {  	_ =	shalt  }
0x83: {  	_ =	shalt  }
0x84: {  	_ =	shalt  }
0x85: {  	_ =	shalt  }
0x86: {  	_ =	shalt  }
0x87: {  	_ =	shalt  }
.Lfunc_end0:
.L_simem_size_0:
called_computation_lowered:
.L_overlay_start_0:
0x88: {  	s2 =	sld [smem:$0x3FD9]  }
0x89: {  	s3 =	sld [smem:$0x3FFE];
	_ =	sdelay $0x1  }
0x8a: {  	s1 =	srdreg.scid  }
0x8b: {  	s0 =	sand.u32 $0x1, s1  }
0x8c: {  	s18 =	sshll.u32 s0, $0xA;
	s2 =	sadd.s32 s3, s2  }
0x8d: {  	s2 =	sadd.s32 s2, s18  }
0x8e: {  	[smem:$0x3FC7] =	sst s2  }
0x8f: {  	_ = 	snop  }
0x90: {  	s2 =	sld [smem:$0x3FC9]  }
0x91: {  	s19 =	sld [smem:$0x3FD0];
	(tm) =	ssettm $0x1  }
0x92: {  	s4 =	sld [smem:$0x3FFB];
	_ =	sdelay $0x3  }
0x93: {  	_ =	strace s4  }
0x94: {  	s4 =	sld [smem:$0x3FFC];
	_ =	sdelay $0x3  }
0x95: {  	_ =	strace s4  }
0x96: {  	s4 =	sld [smem:$0x3FFD];
	_ =	sdelay $0x3  }
0x97: {  	_ =	strace s4  }
0x98: {  	_ =	strace $0x8FFFFFFF  }
0x99: {  	s20 =	sld [smem:$0x3FDB];
	_ =	sdelay $0x1  }
0x9a: {  	s5 =	simm.s32 $_scs_section_size  }
0x9b: {  	s6 =	simm.s32 $_size__tile_overlayer_lowered;
	s7 =	simm.s32 $_tile_overlayer_lowered  }
0x9c: {  	s23 =	simm.s32 $0x1BFF;
	s22 =	sshll.u32 s7, $0x1;
	s4 =	sadd.s32 s5, s20  }
0x9d: {  	s8 =	simm.s32 $0x0;
	s21 =	sshll.u32 s6, $0x1;
	s6 =	sadd.s32 s22, s4  }
0x9e: {  	[timem:s8], [sflag:s23] =	dma.local [hbm:s6], s21  }
0x9f: {  	_ =	swait.ge [sflag:s23], s21  }
0xa0: {  	s5 =	ssub.s32 $0x0, s21;
	[sflag:s23] =	ssyncset.done $0x0  }
0xa1: {  	[sflag:s23] =	ssyncadd.s32 s5;
	_ =	sdelay $0x1  }
0xa2: {  	s24 =	simm.s32 $0x1B8B  }
0xa3: {  	_ =	swait.ge [sflag:s24], $0x1  }
0xa4: {  	[sflag:s24] =	ssyncset.done $0x0  }
0xa5: {  	s25 =	simm.s32 $0x1B8E;
	[sflag:s24] =	ssyncadd.s32 $0xFFFFFFFF  }
0xa6: {  	s26 =	simm.s32 $execute0_lowered;
	[smem:$0x3FD2] =	sst s25  }
0xa7: {  	s5 =	sshll.u32 s26, $0x1;
	_ =	strace $0x80000046;
	[dreg:$0x1] =	wrdreg $0xFFFFFFFF  }
0xa8: {  	s28 =	simm.s32 $_size_execute0_lowered;
	s4 =	sadd.s32 s4, s5;
	[dreg:$0x0] =	wrdreg $0x0  }
0xa9: {  	s5 =	sshll.u32 s28, $0x1;
	[dreg:$0x2] =	wrdreg s4  }
0xaa: {  	[dreg:$0x3] =	wrdreg s5  }
0xab: {  	[dreg:$0x4] =	wrdreg $0xC0  }
0xac: {  	_ =	task [dreg:s8], $0x5FFFF  }
0xad: {  	[dreg:$0x1] =	wrdreg $0xFFFFFFFF  }
0xae: {  	[dreg:$0x0] =	wrdreg $0x60  }
0xaf: {  	[dreg:$0x2] =	wrdreg s2  }
0xb0: {  	[dreg:$0x3] =	wrdreg s19  }
0xb1: {  	[dreg:$0x4] =	wrdreg $0x9  }
0xb2: {  	_ =	task.clear_ibuf [dreg:s8], $0x5FFFF;
	_ =	strace $0x90000046  }
0xb3: {  	s29 =	simm.s32 $0x9;
	_ =	strace $0x80000048  }
0xb4: {  	_ =	swait.ge [sflag:s29], $0x1  }
0xb5: {  	[sflag:s29] =	ssyncadd.s32 $0xFFFFFFFF  }
0xb6: {  	_ =	strace $0x90000048  }
0xb7: {  	_ =	sfence  }
0xb8: {  	s30 =	sld [smem:$0x0];
	_ =	sdelay $0x2  }
0xb9: {  	s31 =	sshll.u32 s1, $0xD;
	s1 =	sshrl.u32 s1, $0x2  }
0xba: {  	s3 =	sand.u32 $0x4000, s31;
	s1 =	sadd.s32 s1, s30  }
0xbb: {  	s0 =	sor.u32 s3, s0;
	s1 =	sshll.u32 s1, $0x11  }
0xbc: {  	s0 =	sor.u32 s1, s0  }
0xbd: {  	s0 =	sadd.s32 $0x8F2B, s0  }
0xbe: {  	[sflag:s0] =	ssyncadd.remote.s32 $0x1  }
0xbf: {  	_ =	sfence.sel $0xFFFF  }
0xc0: {  	[dreg:$0x0] =	wrdreg $0xFFFFFFFF;
	(pc) =	sbr.abs _section_cstart, $3  }
0xc1: {  	[dreg:$0x1] =	wrdreg $0xFFFFFFFF  }
0xc2: {  	_ =	task.clear_ibuf [dreg:s8], $0x2FFFF;
	_ =	strace $0x9FFFFFFF  }
0xc3: {  	(tm) =	ssettm $0x7FFFFFFF  }
tec
execute0_lowered:
.L_overlay_start_1:
0x0: {  	(tag) =	ssettag $0x1  }
0x1: {  	s0 =	rddreg [dreg:$0x0]  }
0x2: {  	s1 =	rddreg [dreg:$0x1];
	s3 =	simm.s32 $0x0;
	s2 =	srdreg.scid  }
0x3: {  	s4 =	stileid.u32;
	s12 =	simm.s32 $0x80;
	s13 =	simm.s32 $0x400  }
0x4: {  	s15 =	simm.s32 $0x1;
	s16 =	simm.s32 $0x10000;
	s17 =	simm.s32 $0x2  }
0x5: {  	s18 =	simm.s32 $0x3;
	s19 =	simm.s32 $0x0;
	s2 =	sand.u32 $0x1, s2  }
0x6: {  	s4 =	sshll.u32 s4, $0xF;
	s26 =	ssub.s32 $0x2, s2;
	s2 =	sshll.u32 s2, $0x6  }
0x7: {  	[smem:$0x7FF] =	sst s3;
	s5 =	sshrl.u32 s26, $0x1;
	s2 =	sor.u32 s2, s4  }
0x8: {  	_ =	strace $0x80000047;
	s3 =	ssub.s32 s26, s5;
	s4 =	sadd.s32 s0, s2  }
0x9: {  	s28 =	sor.u32 $0x10, s2;
	s30 =	sadd.s32 s1, s2;
	s31 =	sor.u32 $0x20, s2  }
0xa: {  	s2 =	sor.u32 $0x30, s2;
	[dreg:$0x3] =	wrdreg s4;
	s29 =	sadd.s32 s0, s28  }
0xb: {  	[dreg:$0x5] =	wrdreg s30;
	s6 =	sadd.s32 s0, s31;
	s7 =	sadd.s32 s1, s28  }
0xc: {  	s8 =	sadd.s32 s0, s2;
	s9 =	sadd.s32 s1, s31;
	[dreg:$0x4] =	wrdreg s29  }
0xd: {  	v0 =	vimm.f32 $-3.000000010e+38;
	v1 =	vimm.s32 $0x0;
	v2 =	vimm.f32 $0.0e+00;
	s10 =	sadd.s32 s1, s2;
	s11 =	smax.u32 s3, $0x1;
	[dreg:$0x6] =	wrdreg s6  }
.LBB2_1:
0xe: {  	s0 =	simm.s32 $0x0;
	s1 =	rddreg [dreg:$0x3]  }
0xf: {  	[tilespmem:s0], [sflag:$0x1] =	stream.strided.gather [hbm4b:s1+s12], $0x8000, s13, s12, $0x38;
	[tilespmem:$0x19180] =	vst v63  }
0x10: {  	s26 =	rddreg [dreg:$0x4];
	s28 =	simm.s32 $0x8000  }
0x11: {  	[tilespmem:s28], [sflag:$0x2] =	stream.strided.gather [hbm4b:s26+s12], $0x8000, s13, s12, $0x38;
	[tilespmem:$0x19180] =	vst v63  }
0x12: {  	_ =	swait.ge [sflag:s15], $0x8000  }
0x13: {  	[sflag:s15] =	ssyncset.done $0x0  }
0x14: {  	s29 =	simm.s32 $0x60;
	[sflag:s15] =	ssyncadd.s32 $0xFFFF8000  }
0x15: {  	v5 =	vld [tilespmem:s29+$0x60]  }
0x16: {  	v12 =	vld [tilespmem:s29+$0x20]  }
0x17: {  	v6 =	vld [tilespmem:s29+$0x30]  }
0x18: {  	v3 =	vld [tilespmem:s29+$0x40]  }
0x19: {  	v4 =	vld [tilespmem:s29+$0x50]  }
0x1a: {  	v11 =	vld [tilespmem:s29+$0xFFFFFFE0]  }
0x1b: {  	v7 =	vld [tilespmem:s29+$0xFFFFFFF0]  }
0x1c: {  	v10 =	vld [tilespmem:s29+$0xFFFFFFA0]  }
0x1d: {  	v8 =	vld [tilespmem:s29+$0x0]  }
0x1e: {  	v9 =	vld [tilespmem:s29+$0x10]  }
0x1f: {  	v13 =	vld [tilespmem:s29+$0xFFFFFFB0]  }
0x20: {  	s0 =	simm.s32 $0xC0;
	v16 =	vld [tilespmem:s29+$0xFFFFFFC0]  }
0x21: {  	s2 =	sor.u32 $0x70, s0;
	v17 =	vld [tilespmem:s29+$0xFFFFFFD0]  }
0x22: {  	s30 =	sor.u32 $0x50, s0;
	v18 =	vld [tilespmem:s2+$0x0];
	v14 =	vmax.f32 v0, v10  }
0x23: {  	v15 =	vimm.f32 $-3.000000010e+38;
	s31 =	sor.u32 $0x60, s0;
	v10 =	vld [tilespmem:s30+$0x0];
	v14 =	vmax.f32 v14, v11  }
0x24: {  	s1 =	simm.s32 $0x0;
	s2 =	simm.s32 $0x160;
	v11 =	vld [tilespmem:s31+$0x0];
	v19 =	vmax.f32 v14, v12;
	v12 =	vimm.f32 $-3.000000010e+38;
	v14 =	vimm.f32 $-3.000000010e+38  }
.LBB2_2:
0x25: {  	v19 =	vmax.f32 v19, v5;
	v5 =	vld [tilespmem:s2+$0x60]  }
0x26: {  	v12 =	vmax.f32 v12, v13;
	v13 =	vmax.f32 v14, v16;
	v20 =	vld [tilespmem:s2+$0x20];
	v14 =	vmax.f32 v15, v17  }
0x27: {  	v7 =	vmax.f32 v12, v7;
	v8 =	vmax.f32 v13, v8;
	v16 =	vld [tilespmem:s2+$0x30];
	v9 =	vmax.f32 v14, v9  }
0x28: {  	v6 =	vmax.f32 v7, v6;
	v7 =	vmax.f32 v8, v3;
	v3 =	vld [tilespmem:s2+$0x40];
	v8 =	vmax.f32 v9, v4  }
0x29: {  	v12 =	vmax.f32 v6, v10;
	v14 =	vmax.f32 v7, v11;
	v4 =	vld [tilespmem:s2+$0x50];
	v15 =	vmax.f32 v8, v18  }
0x2a: {  	v11 =	vld [tilespmem:s2+$0xFFFFFFE0]  }
0x2b: {  	v7 =	vld [tilespmem:s2+$0xFFFFFFF0]  }
0x2c: {  	v8 =	vld [tilespmem:s2+$0x0];
	v6 =	vmov v16  }
0x2d: {  	v10 =	vld [tilespmem:s2+$0xFFFFFFA0]  }
0x2e: {  	s1 =	sadd.s32 $0x4, s1;
	v9 =	vld [tilespmem:s2+$0x10]  }
0x2f: {  	p0 =	slt.u32 s1, $0x1FC;
	v13 =	vld [tilespmem:s2+$0xFFFFFFB0]  }
.Ltmp0:
0x30: {  	s0 =	sadd.s32 $0x100, s0;
	v16 =	vld [tilespmem:s2+$0xFFFFFFC0];
	(pc) =	sbr.rel @p0 .LBB2_2-.Ltmp0, $4  }
0x31: {  	s3 =	sor.u32 $0x50, s0;
	v17 =	vld [tilespmem:s2+$0xFFFFFFD0]  }
0x32: {  	v18 =	vmax.f32 v19, v10;
	v10 =	vld [tilespmem:s3+$0x0];
	s3 =	sor.u32 $0x60, s0  }
0x33: {  	v18 =	vmax.f32 v18, v11;
	v11 =	vld [tilespmem:s3+$0x0];
	s3 =	sor.u32 $0x70, s0  }
0x34: {  	s2 =	sadd.s32 $0x100, s2;
	v19 =	vmax.f32 v18, v20;
	v18 =	vld [tilespmem:s3+$0x0]  }
0x35: {  	v5 =	vmax.f32 v19, v5  }
0x36: {  	v12 =	vmax.f32 v12, v13;
	v60 =	vmax.f32 v14, v16;
	v61 =	vmax.f32 v15, v17  }
0x37: {  	v7 =	vmax.f32 v12, v7;
	v8 =	vmax.f32 v60, v8;
	v9 =	vmax.f32 v61, v9  }
0x38: {  	v6 =	vmax.f32 v7, v6;
	v3 =	vmax.f32 v8, v3;
	v4 =	vmax.f32 v9, v4  }
0x39: {  	v6 =	vmax.f32 v6, v10;
	v3 =	vmax.f32 v3, v11;
	v4 =	vmax.f32 v4, v18  }
0x3a: {  	v5 =	vmax.f32 v5, v6;
	v3 =	vmax.f32 v3, v4  }
0x3b: {  	v3 =	vmax.f32 v5, v3  }
0x3c: {  	(xrf0) =	vmax.scan.msk.f32 $0xffff, v3;
	_ =	sdelay $0x4  }
0x3d: {  	s3 =	simm.s32 $0x40  }
0x3e: {  	v5 =	vld [tilespmem:s3+$0xFFFFFFC0];
	v3, _, _ =	vpop (xrf0)  }
0x3f: {  	v4 =	vbroadcast v3, $0xF;
	_ =	sdelay $0x1  }
0x40: {  	v3 =	vadd.f32 $-1.001000050e+00, v4;
	_ =	sdelay $0x1  }
0x41: {  	vm0 =	vgt.f32 v5, v3  }
0x42: {  	v5 =	vmpcnt.ones.xlane vm0  }
0x43: {  	s20 =	simm.s32 $0x18084;
	s23 =	simm.s32 $0xC0  }
0x44: {  	v6 =	vld [tilespmem:s23+$0xFFFFFFC0];
	[tilespmem:s20+$0xFFFFFFFC] =	vst.msk $0x1, v5  }
0x45: {  	v5 =	vld [tilespmem:s3+$0xFFFFFFD0];
	_ =	sdelay $0x3  }
0x46: {  	vm0 =	vgt.f32 v6, v3  }
0x47: {  	v6 =	vmpcnt.ones.xlane vm0;
	vm0 =	vgt.f32 v5, v3  }
0x48: {  	s25 =	simm.s32 $0x140;
	s21 =	simm.s32 $0x1808C;
	v5 =	vmpcnt.ones.xlane vm0  }
0x49: {  	v7 =	vld [tilespmem:s25+$0xFFFFFFC0];
	[tilespmem:s21+$0xFFFFFFFC] =	vst.msk $0x1, v6  }
0x4a: {  	v6 =	vld [tilespmem:s23+$0xFFFFFFD0];
	[tilespmem:s20+$0xFFFFFFFD] =	vst.msk $0x1, v5  }
0x4b: {  	v5 =	vld [tilespmem:s3+$0xFFFFFFE0];
	_ =	sdelay $0x2  }
0x4c: {  	vm0 =	vgt.f32 v7, v3  }
0x4d: {  	v7 =	vmpcnt.ones.xlane vm0;
	vm0 =	vgt.f32 v6, v3  }
0x4e: {  	s26 =	simm.s32 $0x1C0;
	s22 =	simm.s32 $0x18094;
	v6 =	vmpcnt.ones.xlane vm0;
	vm0 =	vgt.f32 v5, v3  }
0x4f: {  	[tilespmem:s22+$0xFFFFFFFC] =	vst.msk $0x1, v7;
	v5 =	vld [tilespmem:s26+$0xFFFFFFC0];
	v7 =	vmpcnt.ones.xlane vm0  }
0x50: {  	v8 =	vld [tilespmem:s25+$0xFFFFFFD0];
	[tilespmem:s21+$0xFFFFFFFD] =	vst.msk $0x1, v6  }
0x51: {  	v6 =	vld [tilespmem:s23+$0xFFFFFFE0];
	[tilespmem:s20+$0xFFFFFFFE] =	vst.msk $0x1, v7  }
0x52: {  	v7 =	vld [tilespmem:s3+$0xFFFFFFF0];
	_ =	sdelay $0x1  }
0x53: {  	vm0 =	vgt.f32 v5, v3  }
0x54: {  	v5 =	vmpcnt.ones.xlane vm0;
	vm0 =	vgt.f32 v8, v3  }
0x55: {  	s29 =	simm.s32 $0x240;
	s24 =	simm.s32 $0x1809C;
	v8 =	vmpcnt.ones.xlane vm0;
	vm0 =	vgt.f32 v6, v3  }
0x56: {  	v6 =	vld [tilespmem:s29+$0xFFFFFFC0];
	[tilespmem:s24+$0xFFFFFFFC] =	vst.msk $0x1, v5;
	v5 =	vmpcnt.ones.xlane vm0;
	vm0 =	vgt.f32 v7, v3  }
0x57: {  	v7 =	vld [tilespmem:s26+$0xFFFFFFD0];
	[tilespmem:s22+$0xFFFFFFFD] =	vst.msk $0x1, v8;
	v8 =	vmpcnt.ones.xlane vm0  }
0x58: {  	v9 =	vld [tilespmem:s25+$0xFFFFFFE0];
	[tilespmem:s21+$0xFFFFFFFE] =	vst.msk $0x1, v5  }
0x59: {  	v5 =	vld [tilespmem:s23+$0xFFFFFFF0];
	[tilespmem:s20+$0xFFFFFFFF] =	vst.msk $0x1, v8  }
0x5a: {  	v8 =	vld [tilespmem:s3+$0x0]  }
0x5b: {  	vm0 =	vgt.f32 v6, v3  }
0x5c: {  	v6 =	vmpcnt.ones.xlane vm0;
	vm0 =	vgt.f32 v7, v3  }
0x5d: {  	s30 =	simm.s32 $0x2C0;
	s28 =	simm.s32 $0x180A4;
	v7 =	vmpcnt.ones.xlane vm0;
	vm0 =	vgt.f32 v9, v3  }
0x5e: {  	v9 =	vld [tilespmem:s30+$0xFFFFFFC0];
	[tilespmem:s28+$0xFFFFFFFC] =	vst.msk $0x1, v6;
	v6 =	vmpcnt.ones.xlane vm0;
	vm0 =	vgt.f32 v5, v3  }
0x5f: {  	v5 =	vld [tilespmem:s29+$0xFFFFFFD0];
	[tilespmem:s24+$0xFFFFFFFD] =	vst.msk $0x1, v7;
	v7 =	vmpcnt.ones.xlane vm0;
	vm0 =	vgt.f32 v8, v3  }
0x60: {  	v8 =	vld [tilespmem:s26+$0xFFFFFFE0];
	[tilespmem:s22+$0xFFFFFFFE] =	vst.msk $0x1, v6;
	v6 =	vmpcnt.ones.xlane vm0  }
0x61: {  	v10 =	vld [tilespmem:s25+$0xFFFFFFF0];
	[tilespmem:s21+$0xFFFFFFFF] =	vst.msk $0x1, v7  }
0x62: {  	v7 =	vld [tilespmem:s23+$0x0];
	[tilespmem:s20+$0x0] =	vst.msk $0x1, v6  }
0x63: {  	vm0 =	vgt.f32 v9, v3;
	v6 =	vld [tilespmem:s3+$0x10]  }
0x64: {  	v9 =	vmpcnt.ones.xlane vm0;
	vm0 =	vgt.f32 v5, v3  }
0x65: {  	s0 =	simm.s32 $0x340;
	s31 =	simm.s32 $0x180AC;
	v5 =	vmpcnt.ones.xlane vm0;
	vm0 =	vgt.f32 v8, v3  }
0x66: {  	v8 =	vld [tilespmem:s0+$0xFFFFFFC0];
	[tilespmem:s31+$0xFFFFFFFC] =	vst.msk $0x1, v9;
	v9 =	vmpcnt.ones.xlane vm0;
	vm0 =	vgt.f32 v10, v3  }
0x67: {  	v10 =	vld [tilespmem:s30+$0xFFFFFFD0];
	[tilespmem:s28+$0xFFFFFFFD] =	vst.msk $0x1, v5;
	v5 =	vmpcnt.ones.xlane vm0;
	vm0 =	vgt.f32 v7, v3  }
0x68: {  	v7 =	vld [tilespmem:s29+$0xFFFFFFE0];
	[tilespmem:s24+$0xFFFFFFFE] =	vst.msk $0x1, v9;
	v9 =	vmpcnt.ones.xlane vm0;
	vm0 =	vgt.f32 v6, v3  }
0x69: {  	v6 =	vld [tilespmem:s26+$0xFFFFFFF0];
	[tilespmem:s22+$0xFFFFFFFF] =	vst.msk $0x1, v5;
	v5 =	vmpcnt.ones.xlane vm0  }
0x6a: {  	v11 =	vld [tilespmem:s25+$0x0];
	[tilespmem:s21+$0x0] =	vst.msk $0x1, v9  }
0x6b: {  	vm0 =	vgt.f32 v8, v3;
	v8 =	vld [tilespmem:s23+$0x10];
	[tilespmem:s20+$0x1] =	vst.msk $0x1, v5  }
0x6c: {  	v5 =	vmpcnt.ones.xlane vm0;
	vm0 =	vgt.f32 v10, v3;
	v10 =	vld [tilespmem:s3+$0x20]  }
0x6d: {  	s14 =	simm.s32 $0x3C0;
	s1 =	simm.s32 $0x180B4;
	v9 =	vmpcnt.ones.xlane vm0;
	vm0 =	vgt.f32 v7, v3  }
0x6e: {  	v62 =	vld [tilespmem:s14+$0xFFFFFFC0];
	[tilespmem:s1+$0xFFFFFFFC] =	vst.msk $0x1, v5;
	v5 =	vmpcnt.ones.xlane vm0;
	vm0 =	vgt.f32 v6, v3  }
0x6f: {  	v6 =	vld [tilespmem:s0+$0xFFFFFFD0];
	[tilespmem:s31+$0xFFFFFFFD] =	vst.msk $0x1, v9;
	v7 =	vmpcnt.ones.xlane vm0;
	vm0 =	vgt.f32 v11, v3  }
0x70: {  	v63 =	vld [tilespmem:s30+$0xFFFFFFE0];
	[tilespmem:s28+$0xFFFFFFFE] =	vst.msk $0x1, v5;
	v5 =	vmpcnt.ones.xlane vm0;
	vm0 =	vgt.f32 v8, v3  }
0x71: {  	v9 =	vld [tilespmem:s29+$0xFFFFFFF0];
	[tilespmem:s24+$0xFFFFFFFF] =	vst.msk $0x1, v7;
	v11 =	vmpcnt.ones.xlane vm0;
	vm0 =	vgt.f32 v10, v3  }
0x72: {  	v8 =	vld [tilespmem:s26+$0x0];
	[tilespmem:s22+$0x0] =	vst.msk $0x1, v5;
	v5 =	vmpcnt.ones.xlane vm0  }
0x73: {  	v7 =	vld [tilespmem:s25+$0x10];
	[tilespmem:s21+$0x1] =	vst.msk $0x1, v11;
	vm0 =	vgt.f32 v62, v3  }
0x74: {  	vm1 =	vgt.f32 v6, v3;
	v6 =	vld [tilespmem:s23+$0x20];
	v11 =	vmpcnt.ones.xlane vm0;
	[tilespmem:s20+$0x2] =	vst.msk $0x1, v5  }
0x75: {  	s4 =	simm.s32 $0x38;
	s5 =	simm.s32 $0x440;
	s2 =	simm.s32 $0x180BC;
	v10 =	vmpcnt.ones.xlane vm1;
	vm0 =	vgt.f32 v63, v3;
	v5 =	vld [tilespmem:s3+$0x30]  }
.LBB2_4:
0x76: {  	v12 =	vld [tilespmem:s5+$0xFFFFFFC0];
	s4 =	sadd.s32 $0x8, s4;
	[tilespmem:s2+$0xFFFFFFFC] =	vst.msk $0x1, v11;
	v11 =	vmpcnt.ones.xlane vm0;
	vm0 =	vgt.f32 v9, v3;
	s3 =	smov.u32 s23;
	s23 =	smov.u32 s25  }
0x77: {  	s25 =	smov.u32 s26;
	s26 =	smov.u32 s29;
	p0 =	slt.u32 s4, $0x7F8;
	v13 =	vld [tilespmem:s14+$0xFFFFFFD0];
	[tilespmem:s1+$0xFFFFFFFD] =	vst.msk $0x1, v10;
	v10 =	vmpcnt.ones.xlane vm0;
	vm0 =	vgt.f32 v8, v3  }
0x78: {  	s29 =	smov.u32 s30;
	s30 =	smov.u32 s0;
	v14 =	vld [tilespmem:s0+$0xFFFFFFE0];
	[tilespmem:s31+$0xFFFFFFFE] =	vst.msk $0x1, v11;
	v11 =	vmpcnt.ones.xlane vm0;
	vm0 =	vgt.f32 v7, v3;
	s0 =	smov.u32 s14  }
.Ltmp1:
0x79: {  	s6 =	smov.u32 s20;
	s14 =	smov.u32 s5;
	v9 =	vld [tilespmem:s29+$0xFFFFFFF0];
	[tilespmem:s28+$0xFFFFFFFF] =	vst.msk $0x1, v10;
	v10 =	vmpcnt.ones.xlane vm0;
	vm0 =	vgt.f32 v6, v3;
	(pc) =	sbr.rel @p0 .LBB2_4-.Ltmp1, $4  }
0x7a: {  	s20 =	smov.u32 s21;
	s21 =	smov.u32 s22;
	s22 =	smov.u32 s24;
	v8 =	vld [tilespmem:s26+$0x0];
	[tilespmem:s24+$0x0] =	vst.msk $0x1, v11;
	v15 =	vmpcnt.ones.xlane vm0;
	vm0 =	vgt.f32 v5, v3  }
0x7b: {  	s24 =	smov.u32 s28;
	s28 =	smov.u32 s31;
	s31 =	smov.u32 s1;
	vm1 =	vgt.f32 v12, v3;
	v7 =	vld [tilespmem:s25+$0x10];
	[tilespmem:s21+$0x1] =	vst.msk $0x1, v10;
	v12 =	vmpcnt.ones.xlane vm0  }
0x7c: {  	s1 =	smov.u32 s2;
	v11 =	vmpcnt.ones.xlane vm1;
	vm0 =	vgt.f32 v13, v3;
	v6 =	vld [tilespmem:s23+$0x20];
	[tilespmem:s20+$0x2] =	vst.msk $0x1, v15  }
0x7d: {  	s5 =	sadd.s32 $0x80, s5;
	s2 =	sadd.s32 $0x8, s2;
	v10 =	vmpcnt.ones.xlane vm0;
	vm0 =	vgt.f32 v14, v3;
	v5 =	vld [tilespmem:s3+$0x30];
	[tilespmem:s6+$0x3] =	vst.msk $0x1, v12  }
0x7e: {  	[tilespmem:s2+$0xFFFFFFFC] =	vst.msk $0x1, v11  }
0x7f: {  	v11 =	vld [tilespmem:s14+$0xFFFFFFD0];
	_ =	sdelay $0x4  }
0x80: {  	vm1 =	vgt.f32 v11, v3  }
0x81: {  	[tilespmem:s1+$0xFFFFFFFD] =	vst.msk $0x1, v10;
	v11 =	vmpcnt.ones.xlane vm1  }
0x82: {  	v10 =	vld [tilespmem:s0+$0xFFFFFFE0]  }
0x83: {  	[tilespmem:s2+$0xFFFFFFFD] =	vst.msk $0x1, v11  }
0x84: {  	v11 =	vld [tilespmem:s14+$0xFFFFFFE0]  }
0x85: {  	v12 =	vmpcnt.ones.xlane vm0;
	_ =	sdelay $0x1  }
0x86: {  	[tilespmem:s31+$0xFFFFFFFE] =	vst.msk $0x1, v12;
	vm8 =	vgt.f32 v10, v3  }
0x87: {  	v12 =	vld [tilespmem:s30+$0xFFFFFFF0];
	v10 =	vmpcnt.ones.xlane vm8  }
0x88: {  	vm9 =	vgt.f32 v11, v3  }
0x89: {  	[tilespmem:s1+$0xFFFFFFFE] =	vst.msk $0x1, v10;
	v11 =	vmpcnt.ones.xlane vm9  }
0x8a: {  	v10 =	vld [tilespmem:s0+$0xFFFFFFF0]  }
0x8b: {  	[tilespmem:s2+$0xFFFFFFFE] =	vst.msk $0x1, v11  }
0x8c: {  	vm11 =	vgt.f32 v12, v3;
	v11 =	vld [tilespmem:s14+$0xFFFFFFF0]  }
0x8d: {  	vm10 =	vgt.f32 v9, v3;
	v12 =	vmpcnt.ones.xlane vm11  }
0x8e: {  	v9 =	vmpcnt.ones.xlane vm10  }
0x8f: {  	[tilespmem:s31+$0xFFFFFFFF] =	vst.msk $0x1, v12;
	vm12 =	vgt.f32 v10, v3  }
0x90: {  	[tilespmem:s28+$0xFFFFFFFF] =	vst.msk $0x1, v9;
	v12 =	vld [tilespmem:s30+$0x0];
	v9 =	vmpcnt.ones.xlane vm12  }
0x91: {  	v10 =	vld [tilespmem:s29+$0x0];
	vm13 =	vgt.f32 v11, v3  }
0x92: {  	[tilespmem:s1+$0xFFFFFFFF] =	vst.msk $0x1, v9;
	v11 =	vmpcnt.ones.xlane vm13  }
0x93: {  	vm14 =	vgt.f32 v8, v3;
	v9 =	vld [tilespmem:s0+$0x0]  }
0x94: {  	v8 =	vmpcnt.ones.xlane vm14;
	[tilespmem:s2+$0xFFFFFFFF] =	vst.msk $0x1, v11  }
0x95: {  	vm4 =	vgt.f32 v12, v3;
	v11 =	vld [tilespmem:s14+$0x0]  }
0x96: {  	[tilespmem:s24+$0x0] =	vst.msk $0x1, v8;
	v8 =	vmpcnt.ones.xlane vm4;
	vm15 =	vgt.f32 v10, v3  }
0x97: {  	v10 =	vmpcnt.ones.xlane vm15  }
0x98: {  	[tilespmem:s31+$0x0] =	vst.msk $0x1, v8;
	vm5 =	vgt.f32 v9, v3;
	v9 =	vld [tilespmem:s26+$0x10]  }
0x99: {  	[tilespmem:s28+$0x0] =	vst.msk $0x1, v10;
	v10 =	vmpcnt.ones.xlane vm5  }
0x9a: {  	v62 =	vld [tilespmem:s30+$0x10];
	vm6 =	vgt.f32 v11, v3  }
0x9b: {  	[tilespmem:s1+$0x0] =	vst.msk $0x1, v10;
	v11 =	vld [tilespmem:s29+$0x10];
	v8 =	vmpcnt.ones.xlane vm6  }
0x9c: {  	v10 =	vld [tilespmem:s0+$0x10]  }
0x9d: {  	vm8 =	vgt.f32 v9, v3;
	[tilespmem:s2+$0x0] =	vst.msk $0x1, v8  }
0x9e: {  	vm7 =	vgt.f32 v7, v3;
	v9 =	vmpcnt.ones.xlane vm8;
	v7 =	vld [tilespmem:s14+$0x10]  }
0x9f: {  	vm10 =	vgt.f32 v62, v3;
	v8 =	vmpcnt.ones.xlane vm7  }
0xa0: {  	[tilespmem:s24+$0x1] =	vst.msk $0x1, v9;
	v9 =	vmpcnt.ones.xlane vm10;
	vm9 =	vgt.f32 v11, v3  }
0xa1: {  	vm11 =	vgt.f32 v10, v3;
	v10 =	vld [tilespmem:s26+$0x20];
	[tilespmem:s22+$0x1] =	vst.msk $0x1, v8;
	v8 =	vmpcnt.ones.xlane vm9  }
0xa2: {  	[tilespmem:s31+$0x1] =	vst.msk $0x1, v9;
	v11 =	vld [tilespmem:s25+$0x20]  }
0xa3: {  	v63 =	vld [tilespmem:s30+$0x20];
	[tilespmem:s28+$0x1] =	vst.msk $0x1, v8;
	v8 =	vmpcnt.ones.xlane vm11;
	vm12 =	vgt.f32 v7, v3  }
0xa4: {  	vm13 =	vgt.f32 v6, v3;
	v7 =	vld [tilespmem:s29+$0x20];
	v9 =	vmpcnt.ones.xlane vm12  }
0xa5: {  	[tilespmem:s1+$0x1] =	vst.msk $0x1, v8;
	v8 =	vmpcnt.ones.xlane vm13  }
0xa6: {  	vm15 =	vgt.f32 v10, v3;
	v6 =	vld [tilespmem:s0+$0x20];
	[tilespmem:s2+$0x1] =	vst.msk $0x1, v9  }
0xa7: {  	vm14 =	vgt.f32 v11, v3;
	[tilespmem:s21+$0x2] =	vst.msk $0x1, v8;
	v8 =	vmpcnt.ones.xlane vm15;
	v9 =	vld [tilespmem:s14+$0x20]  }
0xa8: {  	vm5 =	vgt.f32 v63, v3;
	v11 =	vmpcnt.ones.xlane vm14  }
0xa9: {  	vm4 =	vgt.f32 v7, v3;
	[tilespmem:s24+$0x2] =	vst.msk $0x1, v8;
	v8 =	vmpcnt.ones.xlane vm5  }
0xaa: {  	v7 =	vld [tilespmem:s23+$0x30];
	[tilespmem:s22+$0x2] =	vst.msk $0x1, v11;
	v10 =	vmpcnt.ones.xlane vm4  }
0xab: {  	v11 =	vld [tilespmem:s25+$0x30];
	vm6 =	vgt.f32 v6, v3;
	[tilespmem:s31+$0x2] =	vst.msk $0x1, v8  }
0xac: {  	v6 =	vld [tilespmem:s26+$0x30];
	[tilespmem:s28+$0x2] =	vst.msk $0x1, v10;
	v10 =	vmpcnt.ones.xlane vm6;
	vm7 =	vgt.f32 v9, v3  }
0xad: {  	vm8 =	vgt.f32 v5, v3;
	v5 =	vld [tilespmem:s30+$0x30];
	v8 =	vmpcnt.ones.xlane vm7  }
0xae: {  	v9 =	vld [tilespmem:s29+$0x30];
	[tilespmem:s1+$0x2] =	vst.msk $0x1, v10  }
0xaf: {  	v10 =	vmpcnt.ones.xlane vm8;
	vm9 =	vgt.f32 v7, v3;
	v7 =	vld [tilespmem:s0+$0x30];
	[tilespmem:s2+$0x2] =	vst.msk $0x1, v8  }
0xb0: {  	vm10 =	vgt.f32 v11, v3;
	v8 =	vmpcnt.ones.xlane vm9;
	v11 =	vld [tilespmem:s14+$0x30]  }
0xb1: {  	[tilespmem:s20+$0x3] =	vst.msk $0x1, v10;
	v10 =	vmpcnt.ones.xlane vm10;
	vm11 =	vgt.f32 v6, v3  }
0xb2: {  	v6 =	vmpcnt.ones.xlane vm11;
	vm13 =	vgt.f32 v5, v3;
	[tilespmem:s21+$0x3] =	vst.msk $0x1, v8  }
0xb3: {  	vm12 =	vgt.f32 v9, v3;
	[tilespmem:s22+$0x3] =	vst.msk $0x1, v10;
	v5 =	vmpcnt.ones.xlane vm13  }
0xb4: {  	v8 =	vmpcnt.ones.xlane vm12;
	[tilespmem:s24+$0x3] =	vst.msk $0x1, v6;
	vm14 =	vgt.f32 v7, v3  }
0xb5: {  	[tilespmem:s31+$0x3] =	vst.msk $0x1, v5;
	v6 =	vmpcnt.ones.xlane vm14;
	vm15 =	vgt.f32 v11, v3  }
0xb6: {  	[tilespmem:s28+$0x3] =	vst.msk $0x1, v8;
	v5 =	vmpcnt.ones.xlane vm15  }
0xb7: {  	[tilespmem:s1+$0x3] =	vst.msk $0x1, v6  }
0xb8: {  	[tilespmem:s2+$0x3] =	vst.msk $0x1, v5;
	s2 =	simm.s32 $0x0  }
0xb9: {  	s0 =	simm.s32 $0x10;
	v6 =	vld [tilespmem:s2+$0x18080]  }
0xba: {  	v5 =	vld [tilespmem:s0+$0x18080];
	_ =	sdelay $0x3  }
0xbb: {  	(xrf0) =	vadd.scan.msk.s32 $0xffff, v6  }
0xbc: {  	(xrf0) =	vadd.scan.msk.s32 $0xffff, v5;
	_ =	sdelay $0x4  }
0xbd: {  	s1 =	simm.s32 $0x20;
	v10, _, _ =	vpop (xrf0)  }
0xbe: {  	v8 =	vld [tilespmem:s1+$0x18080];
	(v2sf) =	vpush v10, $0xF;
	v9, _, _ =	vpop (xrf0)  }
0xbf: {  	(v2sf) =	vpush v9, $0xF;
	_ =	sdelay $0x3  }
0xc0: {  	s3 =	simm.s32 $0x30;
	(xrf0) =	vadd.scan.msk.s32 $0xffff, v8  }
0xc1: {  	v7 =	vld [tilespmem:s3+$0x18080];
	_ =	sdelay $0x3  }
0xc2: {  	s4 =	simm.s32 $0x0;
	s5 =	simm.s32 $0x100  }
.LBB2_6:
0xc3: {  	s6 =	sshra.s32 s5, $0x2;
	p0 =	sne.s32 s5, $0x1FC0;
	s5 =	sadd.s32 $0x40, s5;
	(xrf0) =	vadd.scan.msk.s32 $0xffff, v7;
	v11, _, _ =	vpop (xrf0);
	v12 =	vsub.s32 s4, v6;
	v6 =	vmov v5;
	v5 =	vmov v8  }
.Ltmp2:
0xc4: {  	v8 =	vmovc v7;
	(v2sf) =	vpush v11, $0xF;
	v12 =	vadd.s32 v10, v12;
	v10 =	vmovc v9;
	v9 =	vmov v11;
	v7 =	vld [tilespmem:s6+$0x18080];
	(pc) =	sbr.rel @p0 .LBB2_6-.Ltmp2, $4  }
0xc5: {  	[tilespmem:s2+$0x18900] =	vst v12;
	s2 =	smov.u32 s0;
	s0 =	smov.u32 s1;
	s1 =	smov.u32 s3  }
0xc6: {  	s3 =	smov.u32 s6  }
0xc7: {  	s6 =	spop (v2sf)  }
0xc8: {  	s4 =	sadd.s32 s4, s6  }
0xc9: {  	v11, _, _ =	vpop (xrf0)  }
0xca: {  	(v2sf) =	vpush v11, $0xF;
	_ =	sdelay $0xa  }
0xcb: {  	(xrf0) =	vadd.scan.msk.s32 $0xffff, v7;
	_ =	sdelay $0x1  }
0xcc: {  	s5 =	spop (v2sf)  }
0xcd: {  	v6 =	vsub.s32 s4, v6;
	s23 =	sadd.s32 s4, s5;
	s24 =	spop (v2sf)  }
0xce: {  	v6 =	vadd.s32 v10, v6;
	v5 =	vsub.s32 s23, v5;
	s4 =	sadd.s32 s23, s24;
	s25 =	spop (v2sf)  }
0xcf: {  	[tilespmem:s2+$0x18900] =	vst v6;
	v5 =	vadd.s32 v9, v5;
	v6 =	vsub.s32 s4, v8;
	s26 =	sadd.s32 s4, s25  }
0xd0: {  	[tilespmem:s0+$0x18900] =	vst v5;
	v8, _, _ =	vpop (xrf0);
	v5 =	vadd.s32 v11, v6;
	v6 =	vsub.s32 s26, v7  }
0xd1: {  	[tilespmem:s1+$0x18900] =	vst v5;
	v5 =	vadd.s32 v8, v6  }
0xd2: {  	s28 =	simm.s32 $0x18904;
	[tilespmem:s3+$0x18900] =	vst v5  }
0xd3: {  	v5 =	vld [tilespmem:s28+$0x3]  }
0xd4: {  	v6 =	vld [tilespmem:s28+$0xFFFFFFFC]  }
0xd5: {  	v7 =	vld [tilespmem:s28+$0xFFFFFFFD];
	_ =	sdelay $0x1  }
0xd6: {  	(v2sf) =	vpush v8, $0xF  }
0xd7: {  	v9 =	vld [tilespmem:s28+$0xFFFFFFFE];
	(v2sf) =	vpush v5, $0x0  }
0xd8: {  	v8 =	vld [tilespmem:s28+$0xFFFFFFFF];
	(v2sf) =	vpush v6, $0x0  }
0xd9: {  	v10 =	vld [tilespmem:s28+$0x0];
	(v2sf) =	vpush v7, $0x0;
	_ =	sdelay $0x1  }
0xda: {  	v5 =	vld [tilespmem:s28+$0x1]  }
0xdb: {  	v6 =	vld [tilespmem:s28+$0x2];
	(v2sf) =	vpush v9, $0x0  }
0xdc: {  	(v2sf) =	vpush v8, $0x0  }
0xdd: {  	(v2sf) =	vpush v10, $0x0  }
0xde: {  	s30 =	simm.s32 $0x1890C  }
0xdf: {  	v11 =	vld [tilespmem:s30+$0x0];
	(v2sf) =	vpush v5, $0x0  }
0xe0: {  	(v2sf) =	vpush v6, $0x0;
	v6 =	vld [tilespmem:s30+$0x3]  }
0xe1: {  	v7 =	vld [tilespmem:s30+$0xFFFFFFFC]  }
0xe2: {  	v8 =	vld [tilespmem:s30+$0xFFFFFFFD]  }
0xe3: {  	v9 =	vld [tilespmem:s30+$0xFFFFFFFE]  }
0xe4: {  	s6 =	spop (v2sf);
	v10 =	vld [tilespmem:s30+$0xFFFFFFFF]  }
0xe5: {  	v12 =	vld [tilespmem:s30+$0x1];
	s31 =	spop (v2sf);
	(v2sf) =	vpush v6, $0x0  }
0xe6: {  	s29 =	simm.s32 $0x40;
	v13 =	vld [tilespmem:s30+$0x2];
	s1 =	spop (v2sf);
	(v2sf) =	vpush v7, $0x0  }
0xe7: {  	v5 =	vld [tilespmem:s29+$0x30];
	s14 =	spop (v2sf);
	(v2sf) =	vpush v8, $0x0  }
0xe8: {  	v14 =	vld [tilespmem:s29+$0xFFFFFFD0];
	(v2sf) =	vpush v9, $0x0  }
0xe9: {  	v15 =	vld [tilespmem:s29+$0xFFFFFFE0];
	(v2sf) =	vpush v10, $0x0  }
0xea: {  	v8 =	vld [tilespmem:s29+$0xFFFFFFF0];
	s22 =	spop (v2sf);
	(v2sf) =	vpush v11, $0x0  }
0xeb: {  	v6 =	vld [tilespmem:s29+$0x0];
	s4 =	spop (v2sf);
	(v2sf) =	vpush v12, $0x0  }
0xec: {  	vm0 =	vgt.f32 v5, v3;
	v9 =	vld [tilespmem:s29+$0x10];
	s5 =	spop (v2sf);
	(v2sf) =	vpush v13, $0x0  }
0xed: {  	[tilespmem:s31+$0x10000] =	vst.msk vm0, v5;
	vm0 =	vgt.f32 v14, v3;
	v7 =	vld [tilespmem:s29+$0x20]  }
0xee: {  	s2 =	simm.s32 $0xC0;
	s3 =	simm.s32 $0x8;
	v5 =	vld [tilespmem:s29+$0xFFFFFFC0];
	[tilespmem:s14+$0x10000] =	vst.msk vm0, v14;
	vm0 =	vgt.f32 v15, v3;
	s20 =	spop (v2sf)  }
0xef: {  	s0 =	sadd.s32 s26, s6;
	s14 =	simm.s32 $0x18914;
	v10 =	vld [tilespmem:s2+$0x30];
	[tilespmem:s22+$0x10000] =	vst.msk vm0, v15;
	s21 =	spop (v2sf);
	vm0 =	vgt.f32 v8, v3  }
.LBB2_8:
0xf0: {  	v11 =	vld [tilespmem:s14+$0x3];
	s3 =	sadd.s32 $0x8, s3;
	[tilespmem:s4+$0x10000] =	vst.msk vm0, v8;
	vm0 =	vgt.f32 v6, v3  }
0xf1: {  	v8 =	vld [tilespmem:s14+$0xFFFFFFFC];
	p0 =	slt.u32 s3, $0x7F8;
	[tilespmem:s5+$0x10000] =	vst.msk vm0, v6;
	vm0 =	vgt.f32 v9, v3  }
0xf2: {  	v6 =	vld [tilespmem:s14+$0xFFFFFFFD];
	[tilespmem:s20+$0x10000] =	vst.msk vm0, v9;
	vm0 =	vgt.f32 v7, v3  }
0xf3: {  	v9 =	vld [tilespmem:s14+$0xFFFFFFFE];
	vm1 =	vgt.f32 v5, v3;
	[tilespmem:s21+$0x10000] =	vst.msk vm0, v7  }
0xf4: {  	v7 =	vld [tilespmem:s14+$0xFFFFFFFF];
	vm0 =	vgt.f32 v10, v3;
	s4 =	spop (v2sf);
	[tilespmem:s1+$0x10000] =	vst.msk vm1, v5  }
0xf5: {  	v5 =	vld [tilespmem:s14+$0x0];
	(v2sf) =	vpush v11, $0x0;
	[tilespmem:s4+$0x10000] =	vst.msk vm0, v10;
	s1 =	spop (v2sf)  }
0xf6: {  	v10 =	vld [tilespmem:s14+$0x1];
	(v2sf) =	vpush v8, $0x0;
	s6 =	spop (v2sf)  }
0xf7: {  	v11 =	vld [tilespmem:s14+$0x2];
	(v2sf) =	vpush v6, $0x0;
	s22 =	spop (v2sf)  }
0xf8: {  	(v2sf) =	vpush v9, $0x0;
	v12 =	vld [tilespmem:s2+$0xFFFFFFD0];
	s4 =	spop (v2sf)  }
0xf9: {  	(v2sf) =	vpush v7, $0x0;
	v13 =	vld [tilespmem:s2+$0xFFFFFFE0];
	s5 =	spop (v2sf)  }
0xfa: {  	(v2sf) =	vpush v5, $0x0;
	v8 =	vld [tilespmem:s2+$0xFFFFFFF0];
	s20 =	spop (v2sf)  }
.Ltmp3:
0xfb: {  	(v2sf) =	vpush v10, $0x0;
	v6 =	vld [tilespmem:s2+$0x0];
	s21 =	spop (v2sf);
	(pc) =	sbr.rel @p0 .LBB2_8-.Ltmp3, $4  }
0xfc: {  	(v2sf) =	vpush v11, $0x0;
	v9 =	vld [tilespmem:s2+$0x10]  }
0xfd: {  	vm0 =	vgt.f32 v12, v3;
	v7 =	vld [tilespmem:s2+$0x20]  }
0xfe: {  	v5 =	vld [tilespmem:s2+$0xFFFFFFC0];
	[tilespmem:s6+$0x10000] =	vst.msk vm0, v12;
	vm0 =	vgt.f32 v13, v3;
	s2 =	sadd.s32 $0x80, s2  }
0xff: {  	s14 =	sadd.s32 $0x8, s14;
	v10 =	vld [tilespmem:s2+$0x30];
	[tilespmem:s22+$0x10000] =	vst.msk vm0, v13;
	vm0 =	vgt.f32 v8, v3  }
0x100: {  	[tilespmem:s4+$0x10000] =	vst.msk vm0, v8;
	vm5 =	vgt.f32 v6, v3;
	v11 =	vld [tilespmem:s2+$0xFFFFFFC0]  }
0x101: {  	v61 =	vld [tilespmem:s2+$0xFFFFFFD0];
	[tilespmem:s5+$0x10000] =	vst.msk vm5, v6;
	vm6 =	vgt.f32 v9, v3  }
0x102: {  	v6 =	vld [tilespmem:s2+$0xFFFFFFE0];
	[tilespmem:s20+$0x10000] =	vst.msk vm6, v9;
	vm7 =	vgt.f32 v7, v3  }
0x103: {  	v62 =	vld [tilespmem:s2+$0xFFFFFFF0];
	vm1 =	vgt.f32 v5, v3;
	[tilespmem:s21+$0x10000] =	vst.msk vm7, v7  }
0x104: {  	v7 =	vld [tilespmem:s2+$0x0];
	s3 =	spop (v2sf);
	vm8 =	vgt.f32 v10, v3;
	[tilespmem:s1+$0x10000] =	vst.msk vm1, v5  }
0x105: {  	v5 =	vld [tilespmem:s2+$0x10];
	s23 =	spop (v2sf);
	[tilespmem:s3+$0x10000] =	vst.msk vm8, v10;
	vm15 =	vgt.f32 v11, v3  }
0x106: {  	v63 =	vld [tilespmem:s2+$0x20];
	vm9 =	vgt.f32 v61, v3;
	s24 =	spop (v2sf);
	[tilespmem:s23+$0x10000] =	vst.msk vm15, v11  }
0x107: {  	vm10 =	vgt.f32 v6, v3;
	s25 =	spop (v2sf);
	[tilespmem:s24+$0x10000] =	vst.msk vm9, v61  }
0x108: {  	vm11 =	vgt.f32 v62, v3;
	s26 =	spop (v2sf);
	[tilespmem:s25+$0x10000] =	vst.msk vm10, v6  }
.Ltmp4:
0x109: {  	vm12 =	vgt.f32 v7, v3;
	s28 =	spop (v2sf);
	[tilespmem:s26+$0x10000] =	vst.msk vm11, v62;
	(pc) =	sbr.rel .LBB2_10-.Ltmp4, $4  }
0x10a: {  	vm13 =	vgt.f32 v5, v3;
	s29 =	spop (v2sf);
	[tilespmem:s28+$0x10000] =	vst.msk vm12, v7  }
0x10b: {  	s31 =	sadd.s32 $0xF, s0;
	vm14 =	vgt.f32 v63, v3;
	s30 =	spop (v2sf);
	[tilespmem:s29+$0x10000] =	vst.msk vm13, v5  }
0x10c: {  	s1 =	sshrl.u32 s31, $0x4;
	[tilespmem:s30+$0x10000] =	vst.msk vm14, v63  }
0x10d: {  	v4 =	vadd.f32 $1.000000050e-03, v4;
	p0 =	seq.s32 s1, $0x0;
	[tilespmem:s0+$0x10000] =	vst v0;
	s0 =	simm.s32 $0x0  }
.LBB2_65:
0x10e: {  	vm0 =	vgt.f32 v7, v5  }
0x10f: {  	v7 =	vnsel vm0, $0x0, v8  }
0x110: {  	v6 =	vadd.f32 v7, v6  }
.LBB2_11:
0x111: {  	_ = 	snop  }
0x112: {  	(xrf2) =	vadd.scan.msk.f32 $0xffff, v6;
	_ =	sdelay $0x9  }
0x113: {  	v6, _, _ =	vpop (xrf2)  }
0x114: {  	s0 =	sadd.s32 $0x1, s0;
	vm0 =	vgt.f32 v6, $1.000000000e+00  }
0x115: {  	p1 =	seq.s32 s0, $0x19;
	v6 =	vsel vm0, $0x1, v1  }
.Ltmp5:
0x116: {  	v6 =	vbroadcast v6, $0xF;
	(pc) =	sbr.rel @p1 .LBB2_12-.Ltmp5, $4  }
0x117: {  	_ = 	snop  }
0x118: {  	v6 =	vand.u32 $0x1, v6  }
0x119: {  	vm15 =	veq.s32 v6, $0x1  }
0x11a: {  	v3 =	vsel vm15, v5, v3;
	v4 =	vsel vm15, v4, v5  }
.LBB2_10:
.Ltmp6:
0x11b: {  	_ = 	snop;
	(pc) =	sbr.rel @p0 .LBB2_11-.Ltmp6, $3  }
0x11c: {  	v5 =	vadd.f32 v4, v3;
	_ =	sdelay $0x1  }
0x11d: {  	v5 =	vmul.f32 $5.000000000e-01, v5  }
0x11e: {  	v6 =	vimm.f32 $0.0e+00  }
0x11f: {  	s2 =	simm.s32 $0x10000  }
0x120: {  	p1 =	seq.s32 s1, $0x1;
	v7 =	vld [tilespmem:s2+$0x0]  }
.Ltmp7:
0x121: {  	_ = 	snop;
	(pc) =	sbr.rel @p1 .LBB2_65-.Ltmp7, $2  }
0x122: {  	_ =	sdelay $0x2  }
0x123: {  	s3 =	simm.s32 $0x10010;
	s2 =	sadd.s32 $0xFFFFFFFF, s1;
	v8 =	vsub.f32 v7, v5  }
.LBB2_64:
0x124: {  	p1 =	seq.s32 s2, $0x1;
	s2 =	sadd.s32 $0xFFFFFFFF, s2;
	vm0 =	vgt.f32 v7, v5;
	v7 =	vld [tilespmem:s3+$0x0]  }
.Ltmp8:
0x125: {  	v8 =	vnsel vm0, $0x0, v8;
	(pc) =	sbr.rel @!p1 .LBB2_64-.Ltmp8, $2  }
0x126: {  	v6 =	vadd.f32 v8, v6;
	_ =	sdelay $0x2  }
0x127: {  	s3 =	sadd.s32 $0x10, s3;
	v8 =	vsub.f32 v7, v5  }
.Ltmp9:
0x128: {  	_ = 	snop;
	(pc) =	sbr.rel .LBB2_65-.Ltmp9, $1  }
0x129: {  	_ =	sdelay $0x3  }
.LBB2_12:
.Ltmp10:
0x12a: {  	(pc) =	sbr.rel @p0 .LBB2_13-.Ltmp10, $2  }
0x12b: {  	_ =	sdelay $0x2  }
0x12c: {  	v3 =	vadd.f32 $-9.999999970e-07, v3  }
0x12d: {  	s0 =	simm.s32 $0x10000  }
0x12e: {  	p0 =	seq.s32 s1, $0x1;
	v11 =	vld [tilespmem:s0+$0x0]  }
.Ltmp11:
0x12f: {  	_ = 	snop;
	(pc) =	sbr.rel @p0 .LBB2_68-.Ltmp11, $4  }
0x130: {  	v7 =	vadd.f32 $9.999999970e-07, v4  }
0x131: {  	v5 =	vimm.f32 $0.0e+00;
	v4 =	vimm.f32 $3.000000010e+38;
	v6 =	vimm.f32 $-3.000000010e+38  }
0x132: {  	v8 =	vimm.f32 $0.0e+00;
	v9 =	vimm.f32 $0.0e+00;
	v10 =	vimm.f32 $0.0e+00  }
0x133: {  	s0 =	sadd.s32 $0xFFFFFFFF, s1;
	s1 =	simm.s32 $0x10010;
	v12 =	vsub.f32 v11, v3;
	vm0 =	vgt.f32 v11, v3;
	vm1 =	vlt.f32 v11, v7  }
.LBB2_67:
0x134: {  	p0 =	seq.s32 s0, $0x1;
	s0 =	sadd.s32 $0xFFFFFFFF, s0;
	vm2 =	vge.f32 v11, v7;
	v11 =	vld [tilespmem:s1+$0x0];
	vm0 =	vmand vm0, vm1  }
.Ltmp12:
0x135: {  	v13 =	vnsel vm2, $0x0, v12;
	v14 =	vsel vm0, $0x3F800000, v2;
	v15 =	vnsel vm0, $0xFF61B1E6, v12;
	(pc) =	sbr.rel @!p0 .LBB2_67-.Ltmp12, $4  }
0x136: {  	v16 =	vnsel vm0, $0x0, v12;
	v12 =	vnsel vm0, $0x7F61B1E6, v12;
	v6 =	vmax.f32 v6, v15  }
0x137: {  	v15 =	vsel vm2, $0x3F800000, v2;
	v5 =	vadd.f32 v13, v5;
	v8 =	vadd.f32 v14, v8  }
0x138: {  	v10 =	vadd.f32 v16, v10;
	v4 =	vmin.f32 v4, v12;
	v9 =	vadd.f32 v15, v9  }
0x139: {  	s1 =	sadd.s32 $0x10, s1;
	v12 =	vsub.f32 v11, v3;
	vm0 =	vgt.f32 v11, v3;
	vm1 =	vlt.f32 v11, v7  }
.LBB2_68:
.Ltmp13:
0x13a: {  	vm2 =	vge.f32 v11, v7;
	vm0 =	vmand vm0, vm1;
	(pc) =	sbr.rel .LBB2_14-.Ltmp13, $4  }
0x13b: {  	v7 =	vnsel vm2, $0x0, v12;
	v11 =	vsel vm0, $0x3F800000, v2;
	v13 =	vnsel vm0, $0xFF61B1E6, v12  }
0x13c: {  	v14 =	vnsel vm0, $0x0, v12;
	v62 =	vnsel vm0, $0x7F61B1E6, v12;
	v63 =	vsel vm2, $0x3F800000, v2  }
0x13d: {  	v6 =	vmax.f32 v6, v13;
	v7 =	vadd.f32 v7, v5;
	v8 =	vadd.f32 v11, v8  }
0x13e: {  	v9 =	vadd.f32 v63, v9;
	v5 =	vadd.f32 v14, v10;
	v4 =	vmin.f32 v4, v62  }
.LBB2_13:
0x13f: {  	v6 =	vimm.f32 $-3.000000010e+38;
	v4 =	vimm.f32 $3.000000010e+38;
	v9 =	vimm.f32 $0.0e+00  }
0x140: {  	v7 =	vimm.f32 $0.0e+00;
	v8 =	vimm.f32 $0.0e+00;
	v5 =	vimm.f32 $0.0e+00  }
.LBB2_14:
0x141: {  	_ = 	snop  }
0x142: {  	(xrf2) =	vadd.scan.msk.f32 $0xffff, v9  }
0x143: {  	(xrf2) =	vadd.scan.msk.f32 $0xffff, v7  }
0x144: {  	(xrf2) =	vadd.scan.msk.f32 $0xffff, v8;
	_ =	sdelay $0x7  }
0x145: {  	v7, _, _ =	vpop (xrf2)  }
0x146: {  	v8, _, _ =	vpop (xrf2)  }
0x147: {  	v9, _, _ =	vpop (xrf2)  }
0x148: {  	v7 =	vbroadcast v7, $0xF;
	v9 =	vbroadcast v9, $0xF  }
0x149: {  	(xrf2) =	vadd.scan.msk.f32 $0xffff, v5  }
0x14a: {  	(xrf0) =	vmin.scan.msk.f32 $0xffff, v4;
	v4 =	vadd.f32 v9, v7  }
0x14b: {  	(xrf0) =	vmax.scan.msk.f32 $0xffff, v6;
	v5 =	vmax.f32 v7, $1.000000000e+00  }
0x14c: {  	v6 =	vadd.f32 $1.000000000e+00, v7;
	(erf) = vrcp.f32 v5;
	v5 =	vmax.f32 v4, $1.000000000e+00  }
0x14d: {  	(erf) = vrcp.f32 v5  }
0x14e: {  	(erf) = vrcp.f32 v6;
	_ =	sdelay $0x1  }
0x14f: {  	v5, _, _ =	vpop (xrf0)  }
0x150: {  	v6, _, _ =	vpop (xrf0)  }
0x151: {  	v10 =	vbroadcast v8, $0xF;
	v6 =	vbroadcast v6, $0xF  }
0x152: {  	v11, _, _ =	vpop (xrf2)  }
0x153: {  	v8 =	vadd.f32 v11, v8;
	v12 =	vadd.f32 v6, v10  }
0x154: {  	v13 =	vpop (erf)  }
0x155: {  	v8 =	vadd.f32 $-1.000000000e+00, v8;
	v12 =	vadd.f32 $-1.000000000e+00, v12;
	v11 =	vpop (erf)  }
0x156: {  	vm0 =	vgt.f32 v9, $0.0e+00;
	v14 =	vpop (erf)  }
0x157: {  	vm2 =	veq.f32 v9, $0.0e+00;
	v8 =	vbroadcast v8, $0xF;
	v12 =	vmul.f32 v12, v14  }
0x158: {  	vm4 =	vne.f32 v9, $1.000000000e+00;
	v5 =	vbroadcast v5, $0xF;
	v10 =	vadd.f32 $-1.000000000e+00, v10  }
0x159: {  	vm0 =	vmneg vm0;
	v8 =	vmul.f32 v11, v8;
	vm1 =	vlt.f32 v12, v6  }
0x15a: {  	v10 =	vmul.f32 v13, v10;
	vm12 =	vge.f32 v12, v5;
	vm1 =	vmneg vm1  }
0x15b: {  	vm3 =	vlt.f32 v8, v5;
	vm0 =	vmor vm0, vm1;
	vm1 =	vmneg vm12  }
0x15c: {  	vm13 =	vgt.f32 v4, $0.0e+00;
	vm3 =	vmor vm2, vm3;
	vm1 =	vmand vm4, vm1  }
0x15d: {  	s2 =	simm.s32 $0x40;
	vm14 =	vge.f32 v10, v6;
	vm3 =	vmand vm13, vm3;
	vm0 =	vmor vm0, vm1  }
0x15e: {  	vm15 =	vgt.f32 v7, $0.0e+00;
	vm2 =	vmor vm2, vm14;
	v5 =	vld [tilespmem:s2+$0x30];
	vm0 =	vmor vm3, vm0  }
0x15f: {  	v7 =	vld [tilespmem:s2+$0xFFFFFFD0];
	vm1 =	vmand vm15, vm2;
	v4 =	vsel vm0, v8, v12  }
0x160: {  	v9 =	vld [tilespmem:s2+$0xFFFFFFE0];
	v4 =	vsel vm1, v10, v4  }
0x161: {  	v8 =	vld [tilespmem:s2+$0xFFFFFFF0];
	v3 =	vadd.f32 v4, v3  }
0x162: {  	v6 =	vld [tilespmem:s2+$0x0]  }
0x163: {  	v4 =	vld [tilespmem:s2+$0x10];
	v11 =	vsub.f32 v5, v3  }
0x164: {  	v5 =	vld [tilespmem:s2+$0x20];
	v10 =	vsub.f32 v7, v3  }
0x165: {  	s0 =	simm.s32 $0x10040;
	s1 =	simm.s32 $0x0;
	v7 =	vld [tilespmem:s2+$0xFFFFFFC0];
	v9 =	vsub.f32 v9, v3;
	s2 =	simm.s32 $0xC0;
	v11 =	vmax.f32 v11, $0.0e+00  }
.LBB2_15:
0x166: {  	v12 =	vld [tilespmem:s2+$0x30];
	s1 =	sadd.s32 $0x8, s1;
	v10 =	vmax.f32 v10, $0.0e+00;
	v8 =	vsub.f32 v8, v3;
	[tilespmem:s0+$0x30] =	vst v11  }
0x167: {  	v11 =	vld [tilespmem:s2+$0xFFFFFFD0];
	p0 =	slt.u32 s1, $0x7F8;
	[tilespmem:s0+$0xFFFFFFD0] =	vst v10;
	v9 =	vmax.f32 v9, $0.0e+00;
	v6 =	vsub.f32 v6, v3  }
0x168: {  	v13 =	vld [tilespmem:s2+$0xFFFFFFE0];
	[tilespmem:s0+$0xFFFFFFE0] =	vst v9;
	v9 =	vmax.f32 v8, $0.0e+00;
	v4 =	vsub.f32 v4, v3  }
.Ltmp14:
0x169: {  	v8 =	vld [tilespmem:s2+$0xFFFFFFF0];
	[tilespmem:s0+$0xFFFFFFF0] =	vst v9;
	v9 =	vmax.f32 v6, $0.0e+00;
	v5 =	vsub.f32 v5, v3;
	(pc) =	sbr.rel @p0 .LBB2_15-.Ltmp14, $4  }
0x16a: {  	v6 =	vld [tilespmem:s2+$0x0];
	v7 =	vsub.f32 v7, v3;
	[tilespmem:s0+$0x0] =	vst v9;
	v9 =	vmax.f32 v4, $0.0e+00  }
0x16b: {  	v4 =	vld [tilespmem:s2+$0x10];
	v12 =	vsub.f32 v12, v3;
	[tilespmem:s0+$0x10] =	vst v9;
	v9 =	vmax.f32 v5, $0.0e+00  }
0x16c: {  	v10 =	vsub.f32 v11, v3;
	v5 =	vld [tilespmem:s2+$0x20];
	v14 =	vmax.f32 v7, $0.0e+00;
	[tilespmem:s0+$0x20] =	vst v9  }
0x16d: {  	v7 =	vld [tilespmem:s2+$0xFFFFFFC0];
	v9 =	vsub.f32 v13, v3;
	v11 =	vmax.f32 v12, $0.0e+00;
	s2 =	sadd.s32 $0x80, s2;
	[tilespmem:s0+$0xFFFFFFC0] =	vst v14;
	s0 =	sadd.s32 $0x80, s0  }
0x16e: {  	v10 =	vmax.f32 v10, $0.0e+00;
	v8 =	vsub.f32 v8, v3;
	[tilespmem:s0+$0x30] =	vst v11  }
0x16f: {  	[tilespmem:s0+$0xFFFFFFD0] =	vst v10;
	v9 =	vmax.f32 v9, $0.0e+00;
	v6 =	vsub.f32 v6, v3  }
0x170: {  	[tilespmem:s0+$0xFFFFFFE0] =	vst v9;
	v8 =	vmax.f32 v8, $0.0e+00;
	v4 =	vsub.f32 v4, v3  }
0x171: {  	[tilespmem:s0+$0xFFFFFFF0] =	vst v8;
	v6 =	vmax.f32 v6, $0.0e+00;
	v5 =	vsub.f32 v5, v3  }
0x172: {  	v3 =	vsub.f32 v7, v3;
	[tilespmem:s0+$0x0] =	vst v6;
	v4 =	vmax.f32 v4, $0.0e+00  }
0x173: {  	[tilespmem:s0+$0x10] =	vst v4;
	v4 =	vmax.f32 v5, $0.0e+00  }
0x174: {  	v3 =	vmax.f32 v3, $0.0e+00;
	[tilespmem:s0+$0x20] =	vst v4  }
0x175: {  	[tilespmem:s0+$0xFFFFFFC0] =	vst v3  }
0x176: {  	s0 =	rddreg [dreg:$0x5]  }
0x177: {  	[hbm4b:s0+s12] =	stream.strided.scatter [tilespmem:s16], [sflag:$0x3], $0x8000, s13, s12, $0x38;
	[tilespmem:$0x19180] =	vst v63  }
0x178: {  	s28 =	simm.s32 $0x0;
	s1 =	rddreg [dreg:$0x6]  }
0x179: {  	[tilespmem:s28], [sflag:$0x1] =	stream.strided.gather [hbm4b:s1+s12], $0x8000, s13, s12, $0x38;
	[tilespmem:$0x19180] =	vst v63  }
0x17a: {  	_ =	swait.ge [sflag:s17], $0x8000  }
0x17b: {  	[sflag:s17] =	ssyncset.done $0x0  }
0x17c: {  	s29 =	simm.s32 $0x8060;
	[sflag:s17] =	ssyncadd.s32 $0xFFFF8000  }
0x17d: {  	v5 =	vld [tilespmem:s29+$0x60]  }
0x17e: {  	v14 =	vld [tilespmem:s29+$0x20]  }
0x17f: {  	v6 =	vld [tilespmem:s29+$0x30]  }
0x180: {  	v3 =	vld [tilespmem:s29+$0x40]  }
0x181: {  	v4 =	vld [tilespmem:s29+$0x50]  }
0x182: {  	v12 =	vld [tilespmem:s29+$0xFFFFFFE0]  }
0x183: {  	v7 =	vld [tilespmem:s29+$0xFFFFFFF0]  }
0x184: {  	v8 =	vld [tilespmem:s29+$0x0]  }
0x185: {  	v11 =	vld [tilespmem:s29+$0xFFFFFFA0]  }
0x186: {  	v9 =	vld [tilespmem:s29+$0x10]  }
0x187: {  	v13 =	vld [tilespmem:s29+$0xFFFFFFB0]  }
0x188: {  	s0 =	simm.s32 $0xC0;
	v16 =	vld [tilespmem:s29+$0xFFFFFFC0]  }
0x189: {  	v10 =	vimm.f32 $-3.000000010e+38;
	s2 =	sor.u32 $0x70, s0;
	v17 =	vld [tilespmem:s29+$0xFFFFFFD0]  }
0x18a: {  	s30 =	sor.u32 $0x50, s0;
	v18 =	vld [tilespmem:s2+$0x8000];
	v15 =	vmax.f32 v10, v11  }
0x18b: {  	s31 =	sor.u32 $0x60, s0;
	v11 =	vld [tilespmem:s30+$0x8000];
	v15 =	vmax.f32 v15, v12  }
0x18c: {  	s1 =	simm.s32 $0x0;
	s2 =	simm.s32 $0x8160;
	v12 =	vld [tilespmem:s31+$0x8000];
	v19 =	vmax.f32 v15, v14;
	v14 =	vimm.f32 $-3.000000010e+38;
	v15 =	vimm.f32 $-3.000000010e+38  }
.LBB2_17:
0x18d: {  	v19 =	vmax.f32 v19, v5;
	v5 =	vld [tilespmem:s2+$0x60]  }
0x18e: {  	v10 =	vmax.f32 v10, v13;
	v13 =	vmax.f32 v14, v16;
	v20 =	vld [tilespmem:s2+$0x20];
	v14 =	vmax.f32 v15, v17  }
0x18f: {  	v7 =	vmax.f32 v10, v7;
	v8 =	vmax.f32 v13, v8;
	v16 =	vld [tilespmem:s2+$0x30];
	v9 =	vmax.f32 v14, v9  }
0x190: {  	v6 =	vmax.f32 v7, v6;
	v7 =	vmax.f32 v8, v3;
	v3 =	vld [tilespmem:s2+$0x40];
	v8 =	vmax.f32 v9, v4  }
0x191: {  	v10 =	vmax.f32 v6, v11;
	v14 =	vmax.f32 v7, v12;
	v4 =	vld [tilespmem:s2+$0x50];
	v15 =	vmax.f32 v8, v18  }
0x192: {  	v12 =	vld [tilespmem:s2+$0xFFFFFFE0]  }
0x193: {  	v7 =	vld [tilespmem:s2+$0xFFFFFFF0]  }
0x194: {  	v8 =	vld [tilespmem:s2+$0x0];
	v6 =	vmov v16  }
0x195: {  	v11 =	vld [tilespmem:s2+$0xFFFFFFA0]  }
0x196: {  	s1 =	sadd.s32 $0x4, s1;
	v9 =	vld [tilespmem:s2+$0x10]  }
0x197: {  	p0 =	slt.u32 s1, $0x1FC;
	v13 =	vld [tilespmem:s2+$0xFFFFFFB0]  }
.Ltmp15:
0x198: {  	s0 =	sadd.s32 $0x100, s0;
	v16 =	vld [tilespmem:s2+$0xFFFFFFC0];
	(pc) =	sbr.rel @p0 .LBB2_17-.Ltmp15, $4  }
0x199: {  	s3 =	sor.u32 $0x50, s0;
	v17 =	vld [tilespmem:s2+$0xFFFFFFD0]  }
0x19a: {  	v18 =	vmax.f32 v19, v11;
	v11 =	vld [tilespmem:s3+$0x8000];
	s3 =	sor.u32 $0x60, s0  }
0x19b: {  	v18 =	vmax.f32 v18, v12;
	v12 =	vld [tilespmem:s3+$0x8000];
	s3 =	sor.u32 $0x70, s0  }
0x19c: {  	s2 =	sadd.s32 $0x100, s2;
	v19 =	vmax.f32 v18, v20;
	v18 =	vld [tilespmem:s3+$0x8000]  }
0x19d: {  	v5 =	vmax.f32 v19, v5  }
0x19e: {  	v10 =	vmax.f32 v10, v13;
	v60 =	vmax.f32 v14, v16;
	v61 =	vmax.f32 v15, v17  }
0x19f: {  	v7 =	vmax.f32 v10, v7;
	v8 =	vmax.f32 v60, v8;
	v9 =	vmax.f32 v61, v9  }
0x1a0: {  	v6 =	vmax.f32 v7, v6;
	v3 =	vmax.f32 v8, v3;
	v4 =	vmax.f32 v9, v4  }
0x1a1: {  	v6 =	vmax.f32 v6, v11;
	v3 =	vmax.f32 v3, v12;
	v4 =	vmax.f32 v4, v18  }
0x1a2: {  	v5 =	vmax.f32 v5, v6;
	v3 =	vmax.f32 v3, v4  }
0x1a3: {  	v3 =	vmax.f32 v5, v3  }
0x1a4: {  	(xrf0) =	vmax.scan.msk.f32 $0xffff, v3;
	_ =	sdelay $0x4  }
0x1a5: {  	s3 =	simm.s32 $0x8040  }
0x1a6: {  	v5 =	vld [tilespmem:s3+$0xFFFFFFC0];
	v3, _, _ =	vpop (xrf0)  }
0x1a7: {  	v4 =	vbroadcast v3, $0xF;
	_ =	sdelay $0x1  }
0x1a8: {  	v3 =	vadd.f32 $-1.001000050e+00, v4;
	_ =	sdelay $0x1  }
0x1a9: {  	vm0 =	vgt.f32 v5, v3  }
0x1aa: {  	v5 =	vmpcnt.ones.xlane vm0  }
0x1ab: {  	s20 =	simm.s32 $0x18084;
	s24 =	simm.s32 $0x80C0  }
0x1ac: {  	v6 =	vld [tilespmem:s24+$0xFFFFFFC0];
	[tilespmem:s20+$0xFFFFFFFC] =	vst.msk $0x1, v5  }
0x1ad: {  	v5 =	vld [tilespmem:s3+$0xFFFFFFD0];
	_ =	sdelay $0x3  }
0x1ae: {  	vm0 =	vgt.f32 v6, v3  }
0x1af: {  	v6 =	vmpcnt.ones.xlane vm0;
	vm0 =	vgt.f32 v5, v3  }
0x1b0: {  	s25 =	simm.s32 $0x8140;
	s21 =	simm.s32 $0x1808C;
	v5 =	vmpcnt.ones.xlane vm0  }
0x1b1: {  	v7 =	vld [tilespmem:s25+$0xFFFFFFC0];
	[tilespmem:s21+$0xFFFFFFFC] =	vst.msk $0x1, v6  }
0x1b2: {  	v6 =	vld [tilespmem:s24+$0xFFFFFFD0];
	[tilespmem:s20+$0xFFFFFFFD] =	vst.msk $0x1, v5  }
0x1b3: {  	v5 =	vld [tilespmem:s3+$0xFFFFFFE0];
	_ =	sdelay $0x2  }
0x1b4: {  	vm0 =	vgt.f32 v7, v3  }
0x1b5: {  	v7 =	vmpcnt.ones.xlane vm0;
	vm0 =	vgt.f32 v6, v3  }
0x1b6: {  	s26 =	simm.s32 $0x81C0;
	s22 =	simm.s32 $0x18094;
	v6 =	vmpcnt.ones.xlane vm0;
	vm0 =	vgt.f32 v5, v3  }
0x1b7: {  	[tilespmem:s22+$0xFFFFFFFC] =	vst.msk $0x1, v7;
	v5 =	vld [tilespmem:s26+$0xFFFFFFC0];
	v7 =	vmpcnt.ones.xlane vm0  }
0x1b8: {  	v8 =	vld [tilespmem:s25+$0xFFFFFFD0];
	[tilespmem:s21+$0xFFFFFFFD] =	vst.msk $0x1, v6  }
0x1b9: {  	v6 =	vld [tilespmem:s24+$0xFFFFFFE0];
	[tilespmem:s20+$0xFFFFFFFE] =	vst.msk $0x1, v7  }
0x1ba: {  	v7 =	vld [tilespmem:s3+$0xFFFFFFF0];
	_ =	sdelay $0x1  }
0x1bb: {  	vm0 =	vgt.f32 v5, v3  }
0x1bc: {  	v5 =	vmpcnt.ones.xlane vm0;
	vm0 =	vgt.f32 v8, v3  }
0x1bd: {  	s28 =	simm.s32 $0x8240;
	s23 =	simm.s32 $0x1809C;
	v8 =	vmpcnt.ones.xlane vm0;
	vm0 =	vgt.f32 v6, v3  }
0x1be: {  	v6 =	vld [tilespmem:s28+$0xFFFFFFC0];
	[tilespmem:s23+$0xFFFFFFFC] =	vst.msk $0x1, v5;
	v5 =	vmpcnt.ones.xlane vm0;
	vm0 =	vgt.f32 v7, v3  }
0x1bf: {  	v7 =	vld [tilespmem:s26+$0xFFFFFFD0];
	[tilespmem:s22+$0xFFFFFFFD] =	vst.msk $0x1, v8;
	v8 =	vmpcnt.ones.xlane vm0  }
0x1c0: {  	v9 =	vld [tilespmem:s25+$0xFFFFFFE0];
	[tilespmem:s21+$0xFFFFFFFE] =	vst.msk $0x1, v5  }
0x1c1: {  	v5 =	vld [tilespmem:s24+$0xFFFFFFF0];
	[tilespmem:s20+$0xFFFFFFFF] =	vst.msk $0x1, v8  }
0x1c2: {  	v8 =	vld [tilespmem:s3+$0x0]  }
0x1c3: {  	vm0 =	vgt.f32 v6, v3  }
0x1c4: {  	v6 =	vmpcnt.ones.xlane vm0;
	vm0 =	vgt.f32 v7, v3  }
0x1c5: {  	s31 =	simm.s32 $0x82C0;
	s29 =	simm.s32 $0x180A4;
	v7 =	vmpcnt.ones.xlane vm0;
	vm0 =	vgt.f32 v9, v3  }
0x1c6: {  	v9 =	vld [tilespmem:s31+$0xFFFFFFC0];
	[tilespmem:s29+$0xFFFFFFFC] =	vst.msk $0x1, v6;
	v6 =	vmpcnt.ones.xlane vm0;
	vm0 =	vgt.f32 v5, v3  }
0x1c7: {  	v5 =	vld [tilespmem:s28+$0xFFFFFFD0];
	[tilespmem:s23+$0xFFFFFFFD] =	vst.msk $0x1, v7;
	v7 =	vmpcnt.ones.xlane vm0;
	vm0 =	vgt.f32 v8, v3  }
0x1c8: {  	v8 =	vld [tilespmem:s26+$0xFFFFFFE0];
	[tilespmem:s22+$0xFFFFFFFE] =	vst.msk $0x1, v6;
	v6 =	vmpcnt.ones.xlane vm0  }
0x1c9: {  	v10 =	vld [tilespmem:s25+$0xFFFFFFF0];
	[tilespmem:s21+$0xFFFFFFFF] =	vst.msk $0x1, v7  }
0x1ca: {  	v7 =	vld [tilespmem:s24+$0x0];
	[tilespmem:s20+$0x0] =	vst.msk $0x1, v6  }
0x1cb: {  	vm0 =	vgt.f32 v9, v3;
	v6 =	vld [tilespmem:s3+$0x10]  }
0x1cc: {  	v9 =	vmpcnt.ones.xlane vm0;
	vm0 =	vgt.f32 v5, v3  }
0x1cd: {  	s0 =	simm.s32 $0x8340;
	s30 =	simm.s32 $0x180AC;
	v5 =	vmpcnt.ones.xlane vm0;
	vm0 =	vgt.f32 v8, v3  }
0x1ce: {  	v8 =	vld [tilespmem:s0+$0xFFFFFFC0];
	[tilespmem:s30+$0xFFFFFFFC] =	vst.msk $0x1, v9;
	v9 =	vmpcnt.ones.xlane vm0;
	vm0 =	vgt.f32 v10, v3  }
0x1cf: {  	v10 =	vld [tilespmem:s31+$0xFFFFFFD0];
	[tilespmem:s29+$0xFFFFFFFD] =	vst.msk $0x1, v5;
	v5 =	vmpcnt.ones.xlane vm0;
	vm0 =	vgt.f32 v7, v3  }
0x1d0: {  	v7 =	vld [tilespmem:s28+$0xFFFFFFE0];
	[tilespmem:s23+$0xFFFFFFFE] =	vst.msk $0x1, v9;
	v9 =	vmpcnt.ones.xlane vm0;
	vm0 =	vgt.f32 v6, v3  }
0x1d1: {  	v6 =	vld [tilespmem:s26+$0xFFFFFFF0];
	[tilespmem:s22+$0xFFFFFFFF] =	vst.msk $0x1, v5;
	v5 =	vmpcnt.ones.xlane vm0  }
0x1d2: {  	v11 =	vld [tilespmem:s25+$0x0];
	[tilespmem:s21+$0x0] =	vst.msk $0x1, v9  }
0x1d3: {  	vm0 =	vgt.f32 v8, v3;
	v8 =	vld [tilespmem:s24+$0x10];
	[tilespmem:s20+$0x1] =	vst.msk $0x1, v5  }
0x1d4: {  	v5 =	vmpcnt.ones.xlane vm0;
	vm0 =	vgt.f32 v10, v3;
	v10 =	vld [tilespmem:s3+$0x20]  }
0x1d5: {  	s14 =	simm.s32 $0x83C0;
	s1 =	simm.s32 $0x180B4;
	v9 =	vmpcnt.ones.xlane vm0;
	vm0 =	vgt.f32 v7, v3  }
0x1d6: {  	v62 =	vld [tilespmem:s14+$0xFFFFFFC0];
	[tilespmem:s1+$0xFFFFFFFC] =	vst.msk $0x1, v5;
	v5 =	vmpcnt.ones.xlane vm0;
	vm0 =	vgt.f32 v6, v3  }
0x1d7: {  	v6 =	vld [tilespmem:s0+$0xFFFFFFD0];
	[tilespmem:s30+$0xFFFFFFFD] =	vst.msk $0x1, v9;
	v7 =	vmpcnt.ones.xlane vm0;
	vm0 =	vgt.f32 v11, v3  }
0x1d8: {  	v63 =	vld [tilespmem:s31+$0xFFFFFFE0];
	[tilespmem:s29+$0xFFFFFFFE] =	vst.msk $0x1, v5;
	v5 =	vmpcnt.ones.xlane vm0;
	vm0 =	vgt.f32 v8, v3  }
0x1d9: {  	v9 =	vld [tilespmem:s28+$0xFFFFFFF0];
	[tilespmem:s23+$0xFFFFFFFF] =	vst.msk $0x1, v7;
	v11 =	vmpcnt.ones.xlane vm0;
	vm0 =	vgt.f32 v10, v3  }
0x1da: {  	v8 =	vld [tilespmem:s26+$0x0];
	[tilespmem:s22+$0x0] =	vst.msk $0x1, v5;
	v5 =	vmpcnt.ones.xlane vm0  }
0x1db: {  	v7 =	vld [tilespmem:s25+$0x10];
	[tilespmem:s21+$0x1] =	vst.msk $0x1, v11;
	vm0 =	vgt.f32 v62, v3  }
0x1dc: {  	vm1 =	vgt.f32 v6, v3;
	v6 =	vld [tilespmem:s24+$0x20];
	v11 =	vmpcnt.ones.xlane vm0;
	[tilespmem:s20+$0x2] =	vst.msk $0x1, v5  }
0x1dd: {  	s4 =	simm.s32 $0x38;
	s5 =	simm.s32 $0x8440;
	s2 =	simm.s32 $0x180BC;
	v10 =	vmpcnt.ones.xlane vm1;
	vm0 =	vgt.f32 v63, v3;
	v5 =	vld [tilespmem:s3+$0x30]  }
.LBB2_19:
0x1de: {  	v12 =	vld [tilespmem:s5+$0xFFFFFFC0];
	s4 =	sadd.s32 $0x8, s4;
	[tilespmem:s2+$0xFFFFFFFC] =	vst.msk $0x1, v11;
	v11 =	vmpcnt.ones.xlane vm0;
	vm0 =	vgt.f32 v9, v3;
	s3 =	smov.u32 s25;
	s25 =	smov.u32 s26  }
0x1df: {  	s26 =	smov.u32 s28;
	s28 =	smov.u32 s31;
	p0 =	slt.u32 s4, $0x7F8;
	v13 =	vld [tilespmem:s14+$0xFFFFFFD0];
	[tilespmem:s1+$0xFFFFFFFD] =	vst.msk $0x1, v10;
	v10 =	vmpcnt.ones.xlane vm0;
	vm0 =	vgt.f32 v8, v3  }
0x1e0: {  	s31 =	smov.u32 s0;
	v14 =	vld [tilespmem:s0+$0xFFFFFFE0];
	[tilespmem:s30+$0xFFFFFFFE] =	vst.msk $0x1, v11;
	v11 =	vmpcnt.ones.xlane vm0;
	vm0 =	vgt.f32 v7, v3;
	s0 =	smov.u32 s14;
	s14 =	smov.u32 s5  }
.Ltmp16:
0x1e1: {  	s6 =	smov.u32 s20;
	s20 =	smov.u32 s21;
	v9 =	vld [tilespmem:s28+$0xFFFFFFF0];
	[tilespmem:s29+$0xFFFFFFFF] =	vst.msk $0x1, v10;
	v10 =	vmpcnt.ones.xlane vm0;
	vm0 =	vgt.f32 v6, v3;
	(pc) =	sbr.rel @p0 .LBB2_19-.Ltmp16, $4  }
0x1e2: {  	s21 =	smov.u32 s22;
	s22 =	smov.u32 s23;
	v8 =	vld [tilespmem:s26+$0x0];
	[tilespmem:s23+$0x0] =	vst.msk $0x1, v11;
	v15 =	vmpcnt.ones.xlane vm0;
	vm0 =	vgt.f32 v5, v3;
	s23 =	smov.u32 s29  }
0x1e3: {  	s29 =	smov.u32 s30;
	s30 =	smov.u32 s1;
	s1 =	smov.u32 s2;
	vm1 =	vgt.f32 v12, v3;
	v7 =	vld [tilespmem:s25+$0x10];
	[tilespmem:s21+$0x1] =	vst.msk $0x1, v10;
	v12 =	vmpcnt.ones.xlane vm0  }
0x1e4: {  	v11 =	vmpcnt.ones.xlane vm1;
	vm0 =	vgt.f32 v13, v3;
	v6 =	vld [tilespmem:s3+$0x20];
	[tilespmem:s20+$0x2] =	vst.msk $0x1, v15  }
0x1e5: {  	s5 =	sadd.s32 $0x80, s5;
	s2 =	sadd.s32 $0x8, s2;
	v10 =	vmpcnt.ones.xlane vm0;
	vm0 =	vgt.f32 v14, v3;
	v5 =	vld [tilespmem:s24+$0x30];
	[tilespmem:s6+$0x3] =	vst.msk $0x1, v12;
	s24 =	smov.u32 s3  }
0x1e6: {  	[tilespmem:s2+$0xFFFFFFFC] =	vst.msk $0x1, v11  }
0x1e7: {  	v11 =	vld [tilespmem:s14+$0xFFFFFFD0];
	_ =	sdelay $0x4  }
0x1e8: {  	vm1 =	vgt.f32 v11, v3  }
0x1e9: {  	[tilespmem:s1+$0xFFFFFFFD] =	vst.msk $0x1, v10;
	v11 =	vmpcnt.ones.xlane vm1  }
0x1ea: {  	v10 =	vld [tilespmem:s0+$0xFFFFFFE0]  }
0x1eb: {  	[tilespmem:s2+$0xFFFFFFFD] =	vst.msk $0x1, v11  }
0x1ec: {  	v11 =	vld [tilespmem:s14+$0xFFFFFFE0]  }
0x1ed: {  	v12 =	vmpcnt.ones.xlane vm0;
	_ =	sdelay $0x1  }
0x1ee: {  	[tilespmem:s30+$0xFFFFFFFE] =	vst.msk $0x1, v12;
	vm8 =	vgt.f32 v10, v3  }
0x1ef: {  	v12 =	vld [tilespmem:s31+$0xFFFFFFF0];
	v10 =	vmpcnt.ones.xlane vm8  }
0x1f0: {  	vm9 =	vgt.f32 v11, v3  }
0x1f1: {  	[tilespmem:s1+$0xFFFFFFFE] =	vst.msk $0x1, v10;
	v11 =	vmpcnt.ones.xlane vm9  }
0x1f2: {  	v10 =	vld [tilespmem:s0+$0xFFFFFFF0]  }
0x1f3: {  	[tilespmem:s2+$0xFFFFFFFE] =	vst.msk $0x1, v11  }
0x1f4: {  	vm11 =	vgt.f32 v12, v3;
	v11 =	vld [tilespmem:s14+$0xFFFFFFF0]  }
0x1f5: {  	vm10 =	vgt.f32 v9, v3;
	v12 =	vmpcnt.ones.xlane vm11  }
0x1f6: {  	v9 =	vmpcnt.ones.xlane vm10  }
0x1f7: {  	[tilespmem:s30+$0xFFFFFFFF] =	vst.msk $0x1, v12;
	vm12 =	vgt.f32 v10, v3  }
0x1f8: {  	[tilespmem:s29+$0xFFFFFFFF] =	vst.msk $0x1, v9;
	v12 =	vld [tilespmem:s31+$0x0];
	v9 =	vmpcnt.ones.xlane vm12  }
0x1f9: {  	v10 =	vld [tilespmem:s28+$0x0];
	vm13 =	vgt.f32 v11, v3  }
0x1fa: {  	[tilespmem:s1+$0xFFFFFFFF] =	vst.msk $0x1, v9;
	v11 =	vmpcnt.ones.xlane vm13  }
0x1fb: {  	vm14 =	vgt.f32 v8, v3;
	v9 =	vld [tilespmem:s0+$0x0]  }
0x1fc: {  	v8 =	vmpcnt.ones.xlane vm14;
	[tilespmem:s2+$0xFFFFFFFF] =	vst.msk $0x1, v11  }
0x1fd: {  	vm4 =	vgt.f32 v12, v3;
	v11 =	vld [tilespmem:s14+$0x0]  }
0x1fe: {  	[tilespmem:s23+$0x0] =	vst.msk $0x1, v8;
	v8 =	vmpcnt.ones.xlane vm4;
	vm15 =	vgt.f32 v10, v3  }
0x1ff: {  	v10 =	vmpcnt.ones.xlane vm15  }
0x200: {  	[tilespmem:s30+$0x0] =	vst.msk $0x1, v8;
	vm5 =	vgt.f32 v9, v3;
	v9 =	vld [tilespmem:s26+$0x10]  }
0x201: {  	[tilespmem:s29+$0x0] =	vst.msk $0x1, v10;
	v10 =	vmpcnt.ones.xlane vm5  }
0x202: {  	v62 =	vld [tilespmem:s31+$0x10];
	vm6 =	vgt.f32 v11, v3  }
0x203: {  	[tilespmem:s1+$0x0] =	vst.msk $0x1, v10;
	v11 =	vld [tilespmem:s28+$0x10];
	v8 =	vmpcnt.ones.xlane vm6  }
0x204: {  	v10 =	vld [tilespmem:s0+$0x10]  }
0x205: {  	vm8 =	vgt.f32 v9, v3;
	[tilespmem:s2+$0x0] =	vst.msk $0x1, v8  }
0x206: {  	vm7 =	vgt.f32 v7, v3;
	v9 =	vmpcnt.ones.xlane vm8;
	v7 =	vld [tilespmem:s14+$0x10]  }
0x207: {  	vm10 =	vgt.f32 v62, v3;
	v8 =	vmpcnt.ones.xlane vm7  }
0x208: {  	[tilespmem:s23+$0x1] =	vst.msk $0x1, v9;
	v9 =	vmpcnt.ones.xlane vm10;
	vm9 =	vgt.f32 v11, v3  }
0x209: {  	vm11 =	vgt.f32 v10, v3;
	v10 =	vld [tilespmem:s26+$0x20];
	[tilespmem:s22+$0x1] =	vst.msk $0x1, v8;
	v8 =	vmpcnt.ones.xlane vm9  }
0x20a: {  	[tilespmem:s30+$0x1] =	vst.msk $0x1, v9;
	v11 =	vld [tilespmem:s25+$0x20]  }
0x20b: {  	v63 =	vld [tilespmem:s31+$0x20];
	[tilespmem:s29+$0x1] =	vst.msk $0x1, v8;
	v8 =	vmpcnt.ones.xlane vm11;
	vm12 =	vgt.f32 v7, v3  }
0x20c: {  	vm13 =	vgt.f32 v6, v3;
	v7 =	vld [tilespmem:s28+$0x20];
	v9 =	vmpcnt.ones.xlane vm12  }
0x20d: {  	[tilespmem:s1+$0x1] =	vst.msk $0x1, v8;
	v8 =	vmpcnt.ones.xlane vm13  }
0x20e: {  	vm15 =	vgt.f32 v10, v3;
	v6 =	vld [tilespmem:s0+$0x20];
	[tilespmem:s2+$0x1] =	vst.msk $0x1, v9  }
0x20f: {  	vm14 =	vgt.f32 v11, v3;
	[tilespmem:s21+$0x2] =	vst.msk $0x1, v8;
	v8 =	vmpcnt.ones.xlane vm15;
	v9 =	vld [tilespmem:s14+$0x20]  }
0x210: {  	vm5 =	vgt.f32 v63, v3;
	v11 =	vmpcnt.ones.xlane vm14  }
0x211: {  	vm4 =	vgt.f32 v7, v3;
	[tilespmem:s23+$0x2] =	vst.msk $0x1, v8;
	v8 =	vmpcnt.ones.xlane vm5  }
0x212: {  	v7 =	vld [tilespmem:s24+$0x30];
	[tilespmem:s22+$0x2] =	vst.msk $0x1, v11;
	v10 =	vmpcnt.ones.xlane vm4  }
0x213: {  	v11 =	vld [tilespmem:s25+$0x30];
	vm6 =	vgt.f32 v6, v3;
	[tilespmem:s30+$0x2] =	vst.msk $0x1, v8  }
0x214: {  	v6 =	vld [tilespmem:s26+$0x30];
	[tilespmem:s29+$0x2] =	vst.msk $0x1, v10;
	v10 =	vmpcnt.ones.xlane vm6;
	vm7 =	vgt.f32 v9, v3  }
0x215: {  	vm8 =	vgt.f32 v5, v3;
	v5 =	vld [tilespmem:s31+$0x30];
	v8 =	vmpcnt.ones.xlane vm7  }
0x216: {  	v9 =	vld [tilespmem:s28+$0x30];
	[tilespmem:s1+$0x2] =	vst.msk $0x1, v10  }
0x217: {  	v10 =	vmpcnt.ones.xlane vm8;
	vm9 =	vgt.f32 v7, v3;
	v7 =	vld [tilespmem:s0+$0x30];
	[tilespmem:s2+$0x2] =	vst.msk $0x1, v8  }
0x218: {  	vm10 =	vgt.f32 v11, v3;
	v8 =	vmpcnt.ones.xlane vm9;
	v11 =	vld [tilespmem:s14+$0x30]  }
0x219: {  	[tilespmem:s20+$0x3] =	vst.msk $0x1, v10;
	v10 =	vmpcnt.ones.xlane vm10;
	vm11 =	vgt.f32 v6, v3  }
0x21a: {  	v6 =	vmpcnt.ones.xlane vm11;
	vm13 =	vgt.f32 v5, v3;
	[tilespmem:s21+$0x3] =	vst.msk $0x1, v8  }
0x21b: {  	vm12 =	vgt.f32 v9, v3;
	[tilespmem:s22+$0x3] =	vst.msk $0x1, v10;
	v5 =	vmpcnt.ones.xlane vm13  }
0x21c: {  	v8 =	vmpcnt.ones.xlane vm12;
	[tilespmem:s23+$0x3] =	vst.msk $0x1, v6;
	vm14 =	vgt.f32 v7, v3  }
0x21d: {  	[tilespmem:s30+$0x3] =	vst.msk $0x1, v5;
	v6 =	vmpcnt.ones.xlane vm14;
	vm15 =	vgt.f32 v11, v3  }
0x21e: {  	[tilespmem:s29+$0x3] =	vst.msk $0x1, v8;
	v5 =	vmpcnt.ones.xlane vm15  }
0x21f: {  	[tilespmem:s1+$0x3] =	vst.msk $0x1, v6  }
0x220: {  	[tilespmem:s2+$0x3] =	vst.msk $0x1, v5  }
0x221: {  	_ =	swait.ge [sflag:s18], $0x8000  }
0x222: {  	[sflag:s18] =	ssyncset.done $0x0  }
0x223: {  	s2 =	simm.s32 $0x0;
	[sflag:s18] =	ssyncadd.s32 $0xFFFF8000  }
0x224: {  	s0 =	simm.s32 $0x10;
	v6 =	vld [tilespmem:s2+$0x18080]  }
0x225: {  	v5 =	vld [tilespmem:s0+$0x18080];
	_ =	sdelay $0x3  }
0x226: {  	(xrf0) =	vadd.scan.msk.s32 $0xffff, v6  }
0x227: {  	(xrf0) =	vadd.scan.msk.s32 $0xffff, v5;
	_ =	sdelay $0x4  }
0x228: {  	s1 =	simm.s32 $0x20;
	v10, _, _ =	vpop (xrf0)  }
0x229: {  	v8 =	vld [tilespmem:s1+$0x18080];
	(v2sf) =	vpush v10, $0xF;
	v9, _, _ =	vpop (xrf0)  }
0x22a: {  	(v2sf) =	vpush v9, $0xF;
	_ =	sdelay $0x3  }
0x22b: {  	s3 =	simm.s32 $0x30;
	(xrf0) =	vadd.scan.msk.s32 $0xffff, v8  }
0x22c: {  	v7 =	vld [tilespmem:s3+$0x18080];
	_ =	sdelay $0x3  }
0x22d: {  	s4 =	simm.s32 $0x0;
	s5 =	simm.s32 $0x100  }
.LBB2_21:
0x22e: {  	s6 =	sshra.s32 s5, $0x2;
	p0 =	sne.s32 s5, $0x1FC0;
	s5 =	sadd.s32 $0x40, s5;
	(xrf0) =	vadd.scan.msk.s32 $0xffff, v7;
	v11, _, _ =	vpop (xrf0);
	v12 =	vsub.s32 s4, v6;
	v6 =	vmov v5;
	v5 =	vmov v8  }
.Ltmp17:
0x22f: {  	v8 =	vmovc v7;
	(v2sf) =	vpush v11, $0xF;
	v12 =	vadd.s32 v10, v12;
	v10 =	vmovc v9;
	v9 =	vmov v11;
	v7 =	vld [tilespmem:s6+$0x18080];
	(pc) =	sbr.rel @p0 .LBB2_21-.Ltmp17, $4  }
0x230: {  	[tilespmem:s2+$0x18900] =	vst v12;
	s2 =	smov.u32 s0;
	s0 =	smov.u32 s1;
	s1 =	smov.u32 s3  }
0x231: {  	s3 =	smov.u32 s6  }
0x232: {  	s6 =	spop (v2sf)  }
0x233: {  	s4 =	sadd.s32 s4, s6  }
0x234: {  	v11, _, _ =	vpop (xrf0)  }
0x235: {  	(v2sf) =	vpush v11, $0xF;
	_ =	sdelay $0xa  }
0x236: {  	(xrf0) =	vadd.scan.msk.s32 $0xffff, v7;
	_ =	sdelay $0x1  }
0x237: {  	s5 =	spop (v2sf)  }
0x238: {  	v6 =	vsub.s32 s4, v6;
	s23 =	sadd.s32 s4, s5;
	s24 =	spop (v2sf)  }
0x239: {  	v6 =	vadd.s32 v10, v6;
	v5 =	vsub.s32 s23, v5;
	s4 =	sadd.s32 s23, s24;
	s25 =	spop (v2sf)  }
0x23a: {  	[tilespmem:s2+$0x18900] =	vst v6;
	v5 =	vadd.s32 v9, v5;
	v6 =	vsub.s32 s4, v8;
	s26 =	sadd.s32 s4, s25  }
0x23b: {  	[tilespmem:s0+$0x18900] =	vst v5;
	v8, _, _ =	vpop (xrf0);
	v5 =	vadd.s32 v11, v6;
	v6 =	vsub.s32 s26, v7  }
0x23c: {  	[tilespmem:s1+$0x18900] =	vst v5;
	v5 =	vadd.s32 v8, v6  }
0x23d: {  	s28 =	simm.s32 $0x18904;
	[tilespmem:s3+$0x18900] =	vst v5  }
0x23e: {  	v5 =	vld [tilespmem:s28+$0x3]  }
0x23f: {  	v6 =	vld [tilespmem:s28+$0xFFFFFFFC]  }
0x240: {  	v7 =	vld [tilespmem:s28+$0xFFFFFFFD];
	_ =	sdelay $0x1  }
0x241: {  	(v2sf) =	vpush v8, $0xF  }
0x242: {  	v9 =	vld [tilespmem:s28+$0xFFFFFFFE];
	(v2sf) =	vpush v5, $0x0  }
0x243: {  	v8 =	vld [tilespmem:s28+$0xFFFFFFFF];
	(v2sf) =	vpush v6, $0x0  }
0x244: {  	v10 =	vld [tilespmem:s28+$0x0];
	(v2sf) =	vpush v7, $0x0;
	_ =	sdelay $0x1  }
0x245: {  	v5 =	vld [tilespmem:s28+$0x1]  }
0x246: {  	v6 =	vld [tilespmem:s28+$0x2];
	(v2sf) =	vpush v9, $0x0  }
0x247: {  	(v2sf) =	vpush v8, $0x0  }
0x248: {  	(v2sf) =	vpush v10, $0x0  }
0x249: {  	s30 =	simm.s32 $0x1890C  }
0x24a: {  	v11 =	vld [tilespmem:s30+$0x0];
	(v2sf) =	vpush v5, $0x0  }
0x24b: {  	(v2sf) =	vpush v6, $0x0;
	v6 =	vld [tilespmem:s30+$0x3]  }
0x24c: {  	v7 =	vld [tilespmem:s30+$0xFFFFFFFC]  }
0x24d: {  	v8 =	vld [tilespmem:s30+$0xFFFFFFFD]  }
0x24e: {  	v9 =	vld [tilespmem:s30+$0xFFFFFFFE]  }
0x24f: {  	s6 =	spop (v2sf);
	v10 =	vld [tilespmem:s30+$0xFFFFFFFF]  }
0x250: {  	v12 =	vld [tilespmem:s30+$0x1];
	s31 =	spop (v2sf);
	(v2sf) =	vpush v6, $0x0  }
0x251: {  	s29 =	simm.s32 $0x8040;
	v13 =	vld [tilespmem:s30+$0x2];
	s1 =	spop (v2sf);
	(v2sf) =	vpush v7, $0x0  }
0x252: {  	v5 =	vld [tilespmem:s29+$0x30];
	s14 =	spop (v2sf);
	(v2sf) =	vpush v8, $0x0  }
0x253: {  	v14 =	vld [tilespmem:s29+$0xFFFFFFD0];
	(v2sf) =	vpush v9, $0x0  }
0x254: {  	v15 =	vld [tilespmem:s29+$0xFFFFFFE0];
	(v2sf) =	vpush v10, $0x0  }
0x255: {  	v8 =	vld [tilespmem:s29+$0xFFFFFFF0];
	s22 =	spop (v2sf);
	(v2sf) =	vpush v11, $0x0  }
0x256: {  	v6 =	vld [tilespmem:s29+$0x0];
	s4 =	spop (v2sf);
	(v2sf) =	vpush v12, $0x0  }
0x257: {  	vm0 =	vgt.f32 v5, v3;
	v9 =	vld [tilespmem:s29+$0x10];
	s5 =	spop (v2sf);
	(v2sf) =	vpush v13, $0x0  }
0x258: {  	[tilespmem:s31+$0x10000] =	vst.msk vm0, v5;
	vm0 =	vgt.f32 v14, v3;
	v7 =	vld [tilespmem:s29+$0x20]  }
0x259: {  	s2 =	simm.s32 $0x80C0;
	s3 =	simm.s32 $0x8;
	v5 =	vld [tilespmem:s29+$0xFFFFFFC0];
	[tilespmem:s14+$0x10000] =	vst.msk vm0, v14;
	vm0 =	vgt.f32 v15, v3;
	s20 =	spop (v2sf)  }
0x25a: {  	s0 =	sadd.s32 s26, s6;
	s14 =	simm.s32 $0x18914;
	v10 =	vld [tilespmem:s2+$0x30];
	[tilespmem:s22+$0x10000] =	vst.msk vm0, v15;
	s21 =	spop (v2sf);
	vm0 =	vgt.f32 v8, v3  }
.LBB2_23:
0x25b: {  	v11 =	vld [tilespmem:s14+$0x3];
	s3 =	sadd.s32 $0x8, s3;
	[tilespmem:s4+$0x10000] =	vst.msk vm0, v8;
	vm0 =	vgt.f32 v6, v3  }
0x25c: {  	v8 =	vld [tilespmem:s14+$0xFFFFFFFC];
	p0 =	slt.u32 s3, $0x7F8;
	[tilespmem:s5+$0x10000] =	vst.msk vm0, v6;
	vm0 =	vgt.f32 v9, v3  }
0x25d: {  	v6 =	vld [tilespmem:s14+$0xFFFFFFFD];
	[tilespmem:s20+$0x10000] =	vst.msk vm0, v9;
	vm0 =	vgt.f32 v7, v3  }
0x25e: {  	v9 =	vld [tilespmem:s14+$0xFFFFFFFE];
	vm1 =	vgt.f32 v5, v3;
	[tilespmem:s21+$0x10000] =	vst.msk vm0, v7  }
0x25f: {  	v7 =	vld [tilespmem:s14+$0xFFFFFFFF];
	vm0 =	vgt.f32 v10, v3;
	s4 =	spop (v2sf);
	[tilespmem:s1+$0x10000] =	vst.msk vm1, v5  }
0x260: {  	v5 =	vld [tilespmem:s14+$0x0];
	(v2sf) =	vpush v11, $0x0;
	[tilespmem:s4+$0x10000] =	vst.msk vm0, v10;
	s1 =	spop (v2sf)  }
0x261: {  	v10 =	vld [tilespmem:s14+$0x1];
	(v2sf) =	vpush v8, $0x0;
	s6 =	spop (v2sf)  }
0x262: {  	v11 =	vld [tilespmem:s14+$0x2];
	(v2sf) =	vpush v6, $0x0;
	s22 =	spop (v2sf)  }
0x263: {  	(v2sf) =	vpush v9, $0x0;
	v12 =	vld [tilespmem:s2+$0xFFFFFFD0];
	s4 =	spop (v2sf)  }
0x264: {  	(v2sf) =	vpush v7, $0x0;
	v13 =	vld [tilespmem:s2+$0xFFFFFFE0];
	s5 =	spop (v2sf)  }
0x265: {  	(v2sf) =	vpush v5, $0x0;
	v8 =	vld [tilespmem:s2+$0xFFFFFFF0];
	s20 =	spop (v2sf)  }
.Ltmp18:
0x266: {  	(v2sf) =	vpush v10, $0x0;
	v6 =	vld [tilespmem:s2+$0x0];
	s21 =	spop (v2sf);
	(pc) =	sbr.rel @p0 .LBB2_23-.Ltmp18, $4  }
0x267: {  	(v2sf) =	vpush v11, $0x0;
	v9 =	vld [tilespmem:s2+$0x10]  }
0x268: {  	vm0 =	vgt.f32 v12, v3;
	v7 =	vld [tilespmem:s2+$0x20]  }
0x269: {  	v5 =	vld [tilespmem:s2+$0xFFFFFFC0];
	[tilespmem:s6+$0x10000] =	vst.msk vm0, v12;
	vm0 =	vgt.f32 v13, v3;
	s2 =	sadd.s32 $0x80, s2  }
0x26a: {  	s14 =	sadd.s32 $0x8, s14;
	v10 =	vld [tilespmem:s2+$0x30];
	[tilespmem:s22+$0x10000] =	vst.msk vm0, v13;
	vm0 =	vgt.f32 v8, v3  }
0x26b: {  	[tilespmem:s4+$0x10000] =	vst.msk vm0, v8;
	vm5 =	vgt.f32 v6, v3;
	v11 =	vld [tilespmem:s2+$0xFFFFFFC0]  }
0x26c: {  	v61 =	vld [tilespmem:s2+$0xFFFFFFD0];
	[tilespmem:s5+$0x10000] =	vst.msk vm5, v6;
	vm6 =	vgt.f32 v9, v3  }
0x26d: {  	v6 =	vld [tilespmem:s2+$0xFFFFFFE0];
	[tilespmem:s20+$0x10000] =	vst.msk vm6, v9;
	vm7 =	vgt.f32 v7, v3  }
0x26e: {  	v62 =	vld [tilespmem:s2+$0xFFFFFFF0];
	vm1 =	vgt.f32 v5, v3;
	[tilespmem:s21+$0x10000] =	vst.msk vm7, v7  }
0x26f: {  	v7 =	vld [tilespmem:s2+$0x0];
	s3 =	spop (v2sf);
	vm8 =	vgt.f32 v10, v3;
	[tilespmem:s1+$0x10000] =	vst.msk vm1, v5  }
0x270: {  	v5 =	vld [tilespmem:s2+$0x10];
	s23 =	spop (v2sf);
	[tilespmem:s3+$0x10000] =	vst.msk vm8, v10;
	vm15 =	vgt.f32 v11, v3  }
0x271: {  	v63 =	vld [tilespmem:s2+$0x20];
	vm9 =	vgt.f32 v61, v3;
	s24 =	spop (v2sf);
	[tilespmem:s23+$0x10000] =	vst.msk vm15, v11  }
0x272: {  	vm10 =	vgt.f32 v6, v3;
	s25 =	spop (v2sf);
	[tilespmem:s24+$0x10000] =	vst.msk vm9, v61  }
0x273: {  	vm11 =	vgt.f32 v62, v3;
	s26 =	spop (v2sf);
	[tilespmem:s25+$0x10000] =	vst.msk vm10, v6  }
.Ltmp19:
0x274: {  	vm12 =	vgt.f32 v7, v3;
	s28 =	spop (v2sf);
	[tilespmem:s26+$0x10000] =	vst.msk vm11, v62;
	(pc) =	sbr.rel .LBB2_25-.Ltmp19, $4  }
0x275: {  	vm13 =	vgt.f32 v5, v3;
	s29 =	spop (v2sf);
	[tilespmem:s28+$0x10000] =	vst.msk vm12, v7  }
0x276: {  	s31 =	sadd.s32 $0xF, s0;
	vm14 =	vgt.f32 v63, v3;
	s30 =	spop (v2sf);
	[tilespmem:s29+$0x10000] =	vst.msk vm13, v5  }
0x277: {  	s1 =	sshrl.u32 s31, $0x4;
	[tilespmem:s30+$0x10000] =	vst.msk vm14, v63  }
0x278: {  	v4 =	vadd.f32 $1.000000050e-03, v4;
	p0 =	seq.s32 s1, $0x0;
	[tilespmem:s0+$0x10000] =	vst v0;
	s0 =	simm.s32 $0x0  }
.LBB2_71:
0x279: {  	vm0 =	vgt.f32 v7, v5  }
0x27a: {  	v7 =	vnsel vm0, $0x0, v8  }
0x27b: {  	v6 =	vadd.f32 v7, v6  }
.LBB2_26:
0x27c: {  	_ = 	snop  }
0x27d: {  	(xrf2) =	vadd.scan.msk.f32 $0xffff, v6;
	_ =	sdelay $0x9  }
0x27e: {  	v6, _, _ =	vpop (xrf2)  }
0x27f: {  	s0 =	sadd.s32 $0x1, s0;
	vm0 =	vgt.f32 v6, $1.000000000e+00  }
0x280: {  	p1 =	seq.s32 s0, $0x19;
	v6 =	vsel vm0, $0x1, v1  }
.Ltmp20:
0x281: {  	v6 =	vbroadcast v6, $0xF;
	(pc) =	sbr.rel @p1 .LBB2_27-.Ltmp20, $4  }
0x282: {  	_ = 	snop  }
0x283: {  	v6 =	vand.u32 $0x1, v6  }
0x284: {  	vm15 =	veq.s32 v6, $0x1  }
0x285: {  	v3 =	vsel vm15, v5, v3;
	v4 =	vsel vm15, v4, v5  }
.LBB2_25:
.Ltmp21:
0x286: {  	_ = 	snop;
	(pc) =	sbr.rel @p0 .LBB2_26-.Ltmp21, $3  }
0x287: {  	v5 =	vadd.f32 v4, v3;
	_ =	sdelay $0x1  }
0x288: {  	v5 =	vmul.f32 $5.000000000e-01, v5  }
0x289: {  	v6 =	vimm.f32 $0.0e+00  }
0x28a: {  	s2 =	simm.s32 $0x10000  }
0x28b: {  	p1 =	seq.s32 s1, $0x1;
	v7 =	vld [tilespmem:s2+$0x0]  }
.Ltmp22:
0x28c: {  	_ = 	snop;
	(pc) =	sbr.rel @p1 .LBB2_71-.Ltmp22, $2  }
0x28d: {  	_ =	sdelay $0x2  }
0x28e: {  	s3 =	simm.s32 $0x10010;
	s2 =	sadd.s32 $0xFFFFFFFF, s1;
	v8 =	vsub.f32 v7, v5  }
.LBB2_70:
0x28f: {  	p1 =	seq.s32 s2, $0x1;
	s2 =	sadd.s32 $0xFFFFFFFF, s2;
	vm0 =	vgt.f32 v7, v5;
	v7 =	vld [tilespmem:s3+$0x0]  }
.Ltmp23:
0x290: {  	v8 =	vnsel vm0, $0x0, v8;
	(pc) =	sbr.rel @!p1 .LBB2_70-.Ltmp23, $2  }
0x291: {  	v6 =	vadd.f32 v8, v6;
	_ =	sdelay $0x2  }
0x292: {  	s3 =	sadd.s32 $0x10, s3;
	v8 =	vsub.f32 v7, v5  }
.Ltmp24:
0x293: {  	_ = 	snop;
	(pc) =	sbr.rel .LBB2_71-.Ltmp24, $1  }
0x294: {  	_ =	sdelay $0x3  }
.LBB2_27:
.Ltmp25:
0x295: {  	(pc) =	sbr.rel @p0 .LBB2_28-.Ltmp25, $2  }
0x296: {  	_ =	sdelay $0x2  }
0x297: {  	v3 =	vadd.f32 $-9.999999970e-07, v3  }
0x298: {  	s0 =	simm.s32 $0x10000  }
0x299: {  	p0 =	seq.s32 s1, $0x1;
	v11 =	vld [tilespmem:s0+$0x0]  }
.Ltmp26:
0x29a: {  	_ = 	snop;
	(pc) =	sbr.rel @p0 .LBB2_74-.Ltmp26, $4  }
0x29b: {  	v7 =	vadd.f32 $9.999999970e-07, v4  }
0x29c: {  	v5 =	vimm.f32 $0.0e+00;
	v4 =	vimm.f32 $3.000000010e+38;
	v6 =	vimm.f32 $-3.000000010e+38  }
0x29d: {  	v8 =	vimm.f32 $0.0e+00;
	v9 =	vimm.f32 $0.0e+00;
	v10 =	vimm.f32 $0.0e+00  }
0x29e: {  	s0 =	sadd.s32 $0xFFFFFFFF, s1;
	s1 =	simm.s32 $0x10010;
	v12 =	vsub.f32 v11, v3;
	vm0 =	vgt.f32 v11, v3;
	vm1 =	vlt.f32 v11, v7  }
.LBB2_73:
0x29f: {  	p0 =	seq.s32 s0, $0x1;
	s0 =	sadd.s32 $0xFFFFFFFF, s0;
	vm2 =	vge.f32 v11, v7;
	v11 =	vld [tilespmem:s1+$0x0];
	vm0 =	vmand vm0, vm1  }
.Ltmp27:
0x2a0: {  	v13 =	vnsel vm2, $0x0, v12;
	v14 =	vsel vm0, $0x3F800000, v2;
	v15 =	vnsel vm0, $0xFF61B1E6, v12;
	(pc) =	sbr.rel @!p0 .LBB2_73-.Ltmp27, $4  }
0x2a1: {  	v16 =	vnsel vm0, $0x0, v12;
	v12 =	vnsel vm0, $0x7F61B1E6, v12;
	v6 =	vmax.f32 v6, v15  }
0x2a2: {  	v15 =	vsel vm2, $0x3F800000, v2;
	v5 =	vadd.f32 v13, v5;
	v8 =	vadd.f32 v14, v8  }
0x2a3: {  	v10 =	vadd.f32 v16, v10;
	v4 =	vmin.f32 v4, v12;
	v9 =	vadd.f32 v15, v9  }
0x2a4: {  	s1 =	sadd.s32 $0x10, s1;
	v12 =	vsub.f32 v11, v3;
	vm0 =	vgt.f32 v11, v3;
	vm1 =	vlt.f32 v11, v7  }
.LBB2_74:
.Ltmp28:
0x2a5: {  	vm2 =	vge.f32 v11, v7;
	vm0 =	vmand vm0, vm1;
	(pc) =	sbr.rel .LBB2_29-.Ltmp28, $4  }
0x2a6: {  	v7 =	vnsel vm2, $0x0, v12;
	v11 =	vsel vm0, $0x3F800000, v2;
	v13 =	vnsel vm0, $0xFF61B1E6, v12  }
0x2a7: {  	v14 =	vnsel vm0, $0x0, v12;
	v62 =	vnsel vm0, $0x7F61B1E6, v12;
	v63 =	vsel vm2, $0x3F800000, v2  }
0x2a8: {  	v6 =	vmax.f32 v6, v13;
	v7 =	vadd.f32 v7, v5;
	v8 =	vadd.f32 v11, v8  }
0x2a9: {  	v9 =	vadd.f32 v63, v9;
	v5 =	vadd.f32 v14, v10;
	v4 =	vmin.f32 v4, v62  }
.LBB2_28:
0x2aa: {  	v6 =	vimm.f32 $-3.000000010e+38;
	v4 =	vimm.f32 $3.000000010e+38;
	v9 =	vimm.f32 $0.0e+00  }
0x2ab: {  	v7 =	vimm.f32 $0.0e+00;
	v8 =	vimm.f32 $0.0e+00;
	v5 =	vimm.f32 $0.0e+00  }
.LBB2_29:
0x2ac: {  	_ = 	snop  }
0x2ad: {  	(xrf2) =	vadd.scan.msk.f32 $0xffff, v9  }
0x2ae: {  	(xrf2) =	vadd.scan.msk.f32 $0xffff, v7  }
0x2af: {  	(xrf2) =	vadd.scan.msk.f32 $0xffff, v8;
	_ =	sdelay $0x7  }
0x2b0: {  	v7, _, _ =	vpop (xrf2)  }
0x2b1: {  	v8, _, _ =	vpop (xrf2)  }
0x2b2: {  	v9, _, _ =	vpop (xrf2)  }
0x2b3: {  	v7 =	vbroadcast v7, $0xF;
	v9 =	vbroadcast v9, $0xF  }
0x2b4: {  	(xrf2) =	vadd.scan.msk.f32 $0xffff, v5  }
0x2b5: {  	(xrf0) =	vmin.scan.msk.f32 $0xffff, v4;
	v4 =	vadd.f32 v9, v7  }
0x2b6: {  	(xrf0) =	vmax.scan.msk.f32 $0xffff, v6;
	v5 =	vmax.f32 v7, $1.000000000e+00  }
0x2b7: {  	v6 =	vadd.f32 $1.000000000e+00, v7;
	(erf) = vrcp.f32 v5;
	v5 =	vmax.f32 v4, $1.000000000e+00  }
0x2b8: {  	(erf) = vrcp.f32 v5  }
0x2b9: {  	(erf) = vrcp.f32 v6;
	_ =	sdelay $0x1  }
0x2ba: {  	v5, _, _ =	vpop (xrf0)  }
0x2bb: {  	v6, _, _ =	vpop (xrf0)  }
0x2bc: {  	v10 =	vbroadcast v8, $0xF;
	v6 =	vbroadcast v6, $0xF  }
0x2bd: {  	v11, _, _ =	vpop (xrf2)  }
0x2be: {  	v8 =	vadd.f32 v11, v8;
	v12 =	vadd.f32 v6, v10  }
0x2bf: {  	v13 =	vpop (erf)  }
0x2c0: {  	v8 =	vadd.f32 $-1.000000000e+00, v8;
	v12 =	vadd.f32 $-1.000000000e+00, v12;
	v11 =	vpop (erf)  }
0x2c1: {  	vm0 =	vgt.f32 v9, $0.0e+00;
	v14 =	vpop (erf)  }
0x2c2: {  	vm2 =	veq.f32 v9, $0.0e+00;
	v8 =	vbroadcast v8, $0xF;
	v12 =	vmul.f32 v12, v14  }
0x2c3: {  	vm4 =	vne.f32 v9, $1.000000000e+00;
	v5 =	vbroadcast v5, $0xF;
	v10 =	vadd.f32 $-1.000000000e+00, v10  }
0x2c4: {  	vm0 =	vmneg vm0;
	v8 =	vmul.f32 v11, v8;
	vm1 =	vlt.f32 v12, v6  }
0x2c5: {  	v10 =	vmul.f32 v13, v10;
	vm12 =	vge.f32 v12, v5;
	vm1 =	vmneg vm1  }
0x2c6: {  	vm3 =	vlt.f32 v8, v5;
	vm0 =	vmor vm0, vm1;
	vm1 =	vmneg vm12  }
0x2c7: {  	vm13 =	vgt.f32 v4, $0.0e+00;
	vm3 =	vmor vm2, vm3;
	vm1 =	vmand vm4, vm1  }
0x2c8: {  	s2 =	simm.s32 $0x8040;
	vm14 =	vge.f32 v10, v6;
	vm3 =	vmand vm13, vm3;
	vm0 =	vmor vm0, vm1  }
0x2c9: {  	vm15 =	vgt.f32 v7, $0.0e+00;
	vm2 =	vmor vm2, vm14;
	v5 =	vld [tilespmem:s2+$0x30];
	vm0 =	vmor vm3, vm0  }
0x2ca: {  	v7 =	vld [tilespmem:s2+$0xFFFFFFD0];
	vm1 =	vmand vm15, vm2;
	v4 =	vsel vm0, v8, v12  }
0x2cb: {  	v9 =	vld [tilespmem:s2+$0xFFFFFFE0];
	v4 =	vsel vm1, v10, v4  }
0x2cc: {  	v8 =	vld [tilespmem:s2+$0xFFFFFFF0];
	v3 =	vadd.f32 v4, v3  }
0x2cd: {  	v6 =	vld [tilespmem:s2+$0x0]  }
0x2ce: {  	v4 =	vld [tilespmem:s2+$0x10];
	v11 =	vsub.f32 v5, v3  }
0x2cf: {  	v5 =	vld [tilespmem:s2+$0x20];
	v10 =	vsub.f32 v7, v3  }
0x2d0: {  	s0 =	simm.s32 $0x10040;
	s1 =	simm.s32 $0x0;
	v7 =	vld [tilespmem:s2+$0xFFFFFFC0];
	v9 =	vsub.f32 v9, v3;
	s2 =	simm.s32 $0x80C0;
	v11 =	vmax.f32 v11, $0.0e+00  }
.LBB2_30:
0x2d1: {  	v12 =	vld [tilespmem:s2+$0x30];
	s1 =	sadd.s32 $0x8, s1;
	v10 =	vmax.f32 v10, $0.0e+00;
	v8 =	vsub.f32 v8, v3;
	[tilespmem:s0+$0x30] =	vst v11  }
0x2d2: {  	v11 =	vld [tilespmem:s2+$0xFFFFFFD0];
	p0 =	slt.u32 s1, $0x7F8;
	[tilespmem:s0+$0xFFFFFFD0] =	vst v10;
	v9 =	vmax.f32 v9, $0.0e+00;
	v6 =	vsub.f32 v6, v3  }
0x2d3: {  	v13 =	vld [tilespmem:s2+$0xFFFFFFE0];
	[tilespmem:s0+$0xFFFFFFE0] =	vst v9;
	v9 =	vmax.f32 v8, $0.0e+00;
	v4 =	vsub.f32 v4, v3  }
.Ltmp29:
0x2d4: {  	v8 =	vld [tilespmem:s2+$0xFFFFFFF0];
	[tilespmem:s0+$0xFFFFFFF0] =	vst v9;
	v9 =	vmax.f32 v6, $0.0e+00;
	v5 =	vsub.f32 v5, v3;
	(pc) =	sbr.rel @p0 .LBB2_30-.Ltmp29, $4  }
0x2d5: {  	v6 =	vld [tilespmem:s2+$0x0];
	v7 =	vsub.f32 v7, v3;
	[tilespmem:s0+$0x0] =	vst v9;
	v9 =	vmax.f32 v4, $0.0e+00  }
0x2d6: {  	v4 =	vld [tilespmem:s2+$0x10];
	v12 =	vsub.f32 v12, v3;
	[tilespmem:s0+$0x10] =	vst v9;
	v9 =	vmax.f32 v5, $0.0e+00  }
0x2d7: {  	v10 =	vsub.f32 v11, v3;
	v5 =	vld [tilespmem:s2+$0x20];
	v14 =	vmax.f32 v7, $0.0e+00;
	[tilespmem:s0+$0x20] =	vst v9  }
0x2d8: {  	v7 =	vld [tilespmem:s2+$0xFFFFFFC0];
	v9 =	vsub.f32 v13, v3;
	v11 =	vmax.f32 v12, $0.0e+00;
	s2 =	sadd.s32 $0x80, s2;
	[tilespmem:s0+$0xFFFFFFC0] =	vst v14;
	s0 =	sadd.s32 $0x80, s0  }
0x2d9: {  	v10 =	vmax.f32 v10, $0.0e+00;
	v8 =	vsub.f32 v8, v3;
	[tilespmem:s0+$0x30] =	vst v11  }
0x2da: {  	[tilespmem:s0+$0xFFFFFFD0] =	vst v10;
	v9 =	vmax.f32 v9, $0.0e+00;
	v6 =	vsub.f32 v6, v3  }
0x2db: {  	[tilespmem:s0+$0xFFFFFFE0] =	vst v9;
	v8 =	vmax.f32 v8, $0.0e+00;
	v4 =	vsub.f32 v4, v3  }
0x2dc: {  	[tilespmem:s0+$0xFFFFFFF0] =	vst v8;
	v6 =	vmax.f32 v6, $0.0e+00;
	v5 =	vsub.f32 v5, v3  }
0x2dd: {  	v3 =	vsub.f32 v7, v3;
	[tilespmem:s0+$0x0] =	vst v6;
	v4 =	vmax.f32 v4, $0.0e+00  }
0x2de: {  	[tilespmem:s0+$0x10] =	vst v4;
	v4 =	vmax.f32 v5, $0.0e+00  }
0x2df: {  	v3 =	vmax.f32 v3, $0.0e+00;
	[tilespmem:s0+$0x20] =	vst v4  }
0x2e0: {  	[tilespmem:s0+$0xFFFFFFC0] =	vst v3  }
0x2e1: {  	[hbm4b:s7+s12] =	stream.strided.scatter [tilespmem:s16], [sflag:$0x3], $0x8000, s13, s12, $0x38;
	[tilespmem:$0x19180] =	vst v63  }
0x2e2: {  	s29 =	simm.s32 $0x8000  }
0x2e3: {  	[tilespmem:s29], [sflag:$0x2] =	stream.strided.gather [hbm4b:s8+s12], $0x8000, s13, s12, $0x38;
	[tilespmem:$0x19180] =	vst v63  }
0x2e4: {  	_ =	swait.ge [sflag:s15], $0x8000  }
0x2e5: {  	[sflag:s15] =	ssyncset.done $0x0  }
0x2e6: {  	s1 =	simm.s32 $0x60;
	[sflag:s15] =	ssyncadd.s32 $0xFFFF8000  }
0x2e7: {  	v5 =	vld [tilespmem:s1+$0x60]  }
0x2e8: {  	v14 =	vld [tilespmem:s1+$0x20]  }
0x2e9: {  	v6 =	vld [tilespmem:s1+$0x30]  }
0x2ea: {  	v3 =	vld [tilespmem:s1+$0x40]  }
0x2eb: {  	v4 =	vld [tilespmem:s1+$0x50]  }
0x2ec: {  	v12 =	vld [tilespmem:s1+$0xFFFFFFE0]  }
0x2ed: {  	v7 =	vld [tilespmem:s1+$0xFFFFFFF0]  }
0x2ee: {  	v8 =	vld [tilespmem:s1+$0x0]  }
0x2ef: {  	v11 =	vld [tilespmem:s1+$0xFFFFFFA0]  }
0x2f0: {  	v9 =	vld [tilespmem:s1+$0x10]  }
0x2f1: {  	v13 =	vld [tilespmem:s1+$0xFFFFFFB0]  }
0x2f2: {  	s0 =	simm.s32 $0xC0;
	v16 =	vld [tilespmem:s1+$0xFFFFFFC0]  }
0x2f3: {  	v10 =	vimm.f32 $-3.000000010e+38;
	s2 =	sor.u32 $0x70, s0;
	v17 =	vld [tilespmem:s1+$0xFFFFFFD0]  }
0x2f4: {  	s30 =	sor.u32 $0x50, s0;
	v18 =	vld [tilespmem:s2+$0x0];
	v15 =	vmax.f32 v10, v11  }
0x2f5: {  	s31 =	sor.u32 $0x60, s0;
	v11 =	vld [tilespmem:s30+$0x0];
	v15 =	vmax.f32 v15, v12  }
0x2f6: {  	s1 =	simm.s32 $0x0;
	s2 =	simm.s32 $0x160;
	v12 =	vld [tilespmem:s31+$0x0];
	v19 =	vmax.f32 v15, v14;
	v14 =	vimm.f32 $-3.000000010e+38;
	v15 =	vimm.f32 $-3.000000010e+38  }
.LBB2_32:
0x2f7: {  	v19 =	vmax.f32 v19, v5;
	v5 =	vld [tilespmem:s2+$0x60]  }
0x2f8: {  	v10 =	vmax.f32 v10, v13;
	v13 =	vmax.f32 v14, v16;
	v20 =	vld [tilespmem:s2+$0x20];
	v14 =	vmax.f32 v15, v17  }
0x2f9: {  	v7 =	vmax.f32 v10, v7;
	v8 =	vmax.f32 v13, v8;
	v16 =	vld [tilespmem:s2+$0x30];
	v9 =	vmax.f32 v14, v9  }
0x2fa: {  	v6 =	vmax.f32 v7, v6;
	v7 =	vmax.f32 v8, v3;
	v3 =	vld [tilespmem:s2+$0x40];
	v8 =	vmax.f32 v9, v4  }
0x2fb: {  	v10 =	vmax.f32 v6, v11;
	v14 =	vmax.f32 v7, v12;
	v4 =	vld [tilespmem:s2+$0x50];
	v15 =	vmax.f32 v8, v18  }
0x2fc: {  	v12 =	vld [tilespmem:s2+$0xFFFFFFE0]  }
0x2fd: {  	v7 =	vld [tilespmem:s2+$0xFFFFFFF0]  }
0x2fe: {  	v8 =	vld [tilespmem:s2+$0x0];
	v6 =	vmov v16  }
0x2ff: {  	v11 =	vld [tilespmem:s2+$0xFFFFFFA0]  }
0x300: {  	s1 =	sadd.s32 $0x4, s1;
	v9 =	vld [tilespmem:s2+$0x10]  }
0x301: {  	p0 =	slt.u32 s1, $0x1FC;
	v13 =	vld [tilespmem:s2+$0xFFFFFFB0]  }
.Ltmp30:
0x302: {  	s0 =	sadd.s32 $0x100, s0;
	v16 =	vld [tilespmem:s2+$0xFFFFFFC0];
	(pc) =	sbr.rel @p0 .LBB2_32-.Ltmp30, $4  }
0x303: {  	s3 =	sor.u32 $0x50, s0;
	v17 =	vld [tilespmem:s2+$0xFFFFFFD0]  }
0x304: {  	v18 =	vmax.f32 v19, v11;
	v11 =	vld [tilespmem:s3+$0x0];
	s3 =	sor.u32 $0x60, s0  }
0x305: {  	v18 =	vmax.f32 v18, v12;
	v12 =	vld [tilespmem:s3+$0x0];
	s3 =	sor.u32 $0x70, s0  }
0x306: {  	s2 =	sadd.s32 $0x100, s2;
	v19 =	vmax.f32 v18, v20;
	v18 =	vld [tilespmem:s3+$0x0]  }
0x307: {  	v5 =	vmax.f32 v19, v5  }
0x308: {  	v10 =	vmax.f32 v10, v13;
	v60 =	vmax.f32 v14, v16;
	v61 =	vmax.f32 v15, v17  }
0x309: {  	v7 =	vmax.f32 v10, v7;
	v8 =	vmax.f32 v60, v8;
	v9 =	vmax.f32 v61, v9  }
0x30a: {  	v6 =	vmax.f32 v7, v6;
	v3 =	vmax.f32 v8, v3;
	v4 =	vmax.f32 v9, v4  }
0x30b: {  	v6 =	vmax.f32 v6, v11;
	v3 =	vmax.f32 v3, v12;
	v4 =	vmax.f32 v4, v18  }
0x30c: {  	v5 =	vmax.f32 v5, v6;
	v3 =	vmax.f32 v3, v4  }
0x30d: {  	v3 =	vmax.f32 v5, v3  }
0x30e: {  	(xrf0) =	vmax.scan.msk.f32 $0xffff, v3;
	_ =	sdelay $0x4  }
0x30f: {  	s3 =	simm.s32 $0x40  }
0x310: {  	v5 =	vld [tilespmem:s3+$0xFFFFFFC0];
	v3, _, _ =	vpop (xrf0)  }
0x311: {  	v4 =	vbroadcast v3, $0xF;
	_ =	sdelay $0x1  }
0x312: {  	v3 =	vadd.f32 $-1.001000050e+00, v4;
	_ =	sdelay $0x1  }
0x313: {  	vm0 =	vgt.f32 v5, v3  }
0x314: {  	v5 =	vmpcnt.ones.xlane vm0  }
0x315: {  	s20 =	simm.s32 $0x18084;
	s24 =	simm.s32 $0xC0  }
0x316: {  	v6 =	vld [tilespmem:s24+$0xFFFFFFC0];
	[tilespmem:s20+$0xFFFFFFFC] =	vst.msk $0x1, v5  }
0x317: {  	v5 =	vld [tilespmem:s3+$0xFFFFFFD0];
	_ =	sdelay $0x3  }
0x318: {  	vm0 =	vgt.f32 v6, v3  }
0x319: {  	v6 =	vmpcnt.ones.xlane vm0;
	vm0 =	vgt.f32 v5, v3  }
0x31a: {  	s25 =	simm.s32 $0x140;
	s21 =	simm.s32 $0x1808C;
	v5 =	vmpcnt.ones.xlane vm0  }
0x31b: {  	v7 =	vld [tilespmem:s25+$0xFFFFFFC0];
	[tilespmem:s21+$0xFFFFFFFC] =	vst.msk $0x1, v6  }
0x31c: {  	v6 =	vld [tilespmem:s24+$0xFFFFFFD0];
	[tilespmem:s20+$0xFFFFFFFD] =	vst.msk $0x1, v5  }
0x31d: {  	v5 =	vld [tilespmem:s3+$0xFFFFFFE0];
	_ =	sdelay $0x2  }
0x31e: {  	vm0 =	vgt.f32 v7, v3  }
0x31f: {  	v7 =	vmpcnt.ones.xlane vm0;
	vm0 =	vgt.f32 v6, v3  }
0x320: {  	s26 =	simm.s32 $0x1C0;
	s22 =	simm.s32 $0x18094;
	v6 =	vmpcnt.ones.xlane vm0;
	vm0 =	vgt.f32 v5, v3  }
0x321: {  	[tilespmem:s22+$0xFFFFFFFC] =	vst.msk $0x1, v7;
	v5 =	vld [tilespmem:s26+$0xFFFFFFC0];
	v7 =	vmpcnt.ones.xlane vm0  }
0x322: {  	v8 =	vld [tilespmem:s25+$0xFFFFFFD0];
	[tilespmem:s21+$0xFFFFFFFD] =	vst.msk $0x1, v6  }
0x323: {  	v6 =	vld [tilespmem:s24+$0xFFFFFFE0];
	[tilespmem:s20+$0xFFFFFFFE] =	vst.msk $0x1, v7  }
0x324: {  	v7 =	vld [tilespmem:s3+$0xFFFFFFF0];
	_ =	sdelay $0x1  }
0x325: {  	vm0 =	vgt.f32 v5, v3  }
0x326: {  	v5 =	vmpcnt.ones.xlane vm0;
	vm0 =	vgt.f32 v8, v3  }
0x327: {  	s28 =	simm.s32 $0x240;
	s23 =	simm.s32 $0x1809C;
	v8 =	vmpcnt.ones.xlane vm0;
	vm0 =	vgt.f32 v6, v3  }
0x328: {  	v6 =	vld [tilespmem:s28+$0xFFFFFFC0];
	[tilespmem:s23+$0xFFFFFFFC] =	vst.msk $0x1, v5;
	v5 =	vmpcnt.ones.xlane vm0;
	vm0 =	vgt.f32 v7, v3  }
0x329: {  	v7 =	vld [tilespmem:s26+$0xFFFFFFD0];
	[tilespmem:s22+$0xFFFFFFFD] =	vst.msk $0x1, v8;
	v8 =	vmpcnt.ones.xlane vm0  }
0x32a: {  	v9 =	vld [tilespmem:s25+$0xFFFFFFE0];
	[tilespmem:s21+$0xFFFFFFFE] =	vst.msk $0x1, v5  }
0x32b: {  	v5 =	vld [tilespmem:s24+$0xFFFFFFF0];
	[tilespmem:s20+$0xFFFFFFFF] =	vst.msk $0x1, v8  }
0x32c: {  	v8 =	vld [tilespmem:s3+$0x0]  }
0x32d: {  	vm0 =	vgt.f32 v6, v3  }
0x32e: {  	v6 =	vmpcnt.ones.xlane vm0;
	vm0 =	vgt.f32 v7, v3  }
0x32f: {  	s31 =	simm.s32 $0x2C0;
	s29 =	simm.s32 $0x180A4;
	v7 =	vmpcnt.ones.xlane vm0;
	vm0 =	vgt.f32 v9, v3  }
0x330: {  	v9 =	vld [tilespmem:s31+$0xFFFFFFC0];
	[tilespmem:s29+$0xFFFFFFFC] =	vst.msk $0x1, v6;
	v6 =	vmpcnt.ones.xlane vm0;
	vm0 =	vgt.f32 v5, v3  }
0x331: {  	v5 =	vld [tilespmem:s28+$0xFFFFFFD0];
	[tilespmem:s23+$0xFFFFFFFD] =	vst.msk $0x1, v7;
	v7 =	vmpcnt.ones.xlane vm0;
	vm0 =	vgt.f32 v8, v3  }
0x332: {  	v8 =	vld [tilespmem:s26+$0xFFFFFFE0];
	[tilespmem:s22+$0xFFFFFFFE] =	vst.msk $0x1, v6;
	v6 =	vmpcnt.ones.xlane vm0  }
0x333: {  	v10 =	vld [tilespmem:s25+$0xFFFFFFF0];
	[tilespmem:s21+$0xFFFFFFFF] =	vst.msk $0x1, v7  }
0x334: {  	v7 =	vld [tilespmem:s24+$0x0];
	[tilespmem:s20+$0x0] =	vst.msk $0x1, v6  }
0x335: {  	vm0 =	vgt.f32 v9, v3;
	v6 =	vld [tilespmem:s3+$0x10]  }
0x336: {  	v9 =	vmpcnt.ones.xlane vm0;
	vm0 =	vgt.f32 v5, v3  }
0x337: {  	s0 =	simm.s32 $0x340;
	s30 =	simm.s32 $0x180AC;
	v5 =	vmpcnt.ones.xlane vm0;
	vm0 =	vgt.f32 v8, v3  }
0x338: {  	v8 =	vld [tilespmem:s0+$0xFFFFFFC0];
	[tilespmem:s30+$0xFFFFFFFC] =	vst.msk $0x1, v9;
	v9 =	vmpcnt.ones.xlane vm0;
	vm0 =	vgt.f32 v10, v3  }
0x339: {  	v10 =	vld [tilespmem:s31+$0xFFFFFFD0];
	[tilespmem:s29+$0xFFFFFFFD] =	vst.msk $0x1, v5;
	v5 =	vmpcnt.ones.xlane vm0;
	vm0 =	vgt.f32 v7, v3  }
0x33a: {  	v7 =	vld [tilespmem:s28+$0xFFFFFFE0];
	[tilespmem:s23+$0xFFFFFFFE] =	vst.msk $0x1, v9;
	v9 =	vmpcnt.ones.xlane vm0;
	vm0 =	vgt.f32 v6, v3  }
0x33b: {  	v6 =	vld [tilespmem:s26+$0xFFFFFFF0];
	[tilespmem:s22+$0xFFFFFFFF] =	vst.msk $0x1, v5;
	v5 =	vmpcnt.ones.xlane vm0  }
0x33c: {  	v11 =	vld [tilespmem:s25+$0x0];
	[tilespmem:s21+$0x0] =	vst.msk $0x1, v9  }
0x33d: {  	vm0 =	vgt.f32 v8, v3;
	v8 =	vld [tilespmem:s24+$0x10];
	[tilespmem:s20+$0x1] =	vst.msk $0x1, v5  }
0x33e: {  	v5 =	vmpcnt.ones.xlane vm0;
	vm0 =	vgt.f32 v10, v3;
	v10 =	vld [tilespmem:s3+$0x20]  }
0x33f: {  	s14 =	simm.s32 $0x3C0;
	s1 =	simm.s32 $0x180B4;
	v9 =	vmpcnt.ones.xlane vm0;
	vm0 =	vgt.f32 v7, v3  }
0x340: {  	v62 =	vld [tilespmem:s14+$0xFFFFFFC0];
	[tilespmem:s1+$0xFFFFFFFC] =	vst.msk $0x1, v5;
	v5 =	vmpcnt.ones.xlane vm0;
	vm0 =	vgt.f32 v6, v3  }
0x341: {  	v6 =	vld [tilespmem:s0+$0xFFFFFFD0];
	[tilespmem:s30+$0xFFFFFFFD] =	vst.msk $0x1, v9;
	v7 =	vmpcnt.ones.xlane vm0;
	vm0 =	vgt.f32 v11, v3  }
0x342: {  	v63 =	vld [tilespmem:s31+$0xFFFFFFE0];
	[tilespmem:s29+$0xFFFFFFFE] =	vst.msk $0x1, v5;
	v5 =	vmpcnt.ones.xlane vm0;
	vm0 =	vgt.f32 v8, v3  }
0x343: {  	v9 =	vld [tilespmem:s28+$0xFFFFFFF0];
	[tilespmem:s23+$0xFFFFFFFF] =	vst.msk $0x1, v7;
	v11 =	vmpcnt.ones.xlane vm0;
	vm0 =	vgt.f32 v10, v3  }
0x344: {  	v8 =	vld [tilespmem:s26+$0x0];
	[tilespmem:s22+$0x0] =	vst.msk $0x1, v5;
	v5 =	vmpcnt.ones.xlane vm0  }
0x345: {  	v7 =	vld [tilespmem:s25+$0x10];
	[tilespmem:s21+$0x1] =	vst.msk $0x1, v11;
	vm0 =	vgt.f32 v62, v3  }
0x346: {  	vm1 =	vgt.f32 v6, v3;
	v6 =	vld [tilespmem:s24+$0x20];
	v11 =	vmpcnt.ones.xlane vm0;
	[tilespmem:s20+$0x2] =	vst.msk $0x1, v5  }
0x347: {  	s4 =	simm.s32 $0x38;
	s5 =	simm.s32 $0x440;
	s2 =	simm.s32 $0x180BC;
	v10 =	vmpcnt.ones.xlane vm1;
	vm0 =	vgt.f32 v63, v3;
	v5 =	vld [tilespmem:s3+$0x30]  }
.LBB2_34:
0x348: {  	v12 =	vld [tilespmem:s5+$0xFFFFFFC0];
	s4 =	sadd.s32 $0x8, s4;
	[tilespmem:s2+$0xFFFFFFFC] =	vst.msk $0x1, v11;
	v11 =	vmpcnt.ones.xlane vm0;
	vm0 =	vgt.f32 v9, v3;
	s3 =	smov.u32 s25;
	s25 =	smov.u32 s26  }
0x349: {  	s26 =	smov.u32 s28;
	s28 =	smov.u32 s31;
	p0 =	slt.u32 s4, $0x7F8;
	v13 =	vld [tilespmem:s14+$0xFFFFFFD0];
	[tilespmem:s1+$0xFFFFFFFD] =	vst.msk $0x1, v10;
	v10 =	vmpcnt.ones.xlane vm0;
	vm0 =	vgt.f32 v8, v3  }
0x34a: {  	s31 =	smov.u32 s0;
	v14 =	vld [tilespmem:s0+$0xFFFFFFE0];
	[tilespmem:s30+$0xFFFFFFFE] =	vst.msk $0x1, v11;
	v11 =	vmpcnt.ones.xlane vm0;
	vm0 =	vgt.f32 v7, v3;
	s0 =	smov.u32 s14;
	s14 =	smov.u32 s5  }
.Ltmp31:
0x34b: {  	s6 =	smov.u32 s20;
	s20 =	smov.u32 s21;
	v9 =	vld [tilespmem:s28+$0xFFFFFFF0];
	[tilespmem:s29+$0xFFFFFFFF] =	vst.msk $0x1, v10;
	v10 =	vmpcnt.ones.xlane vm0;
	vm0 =	vgt.f32 v6, v3;
	(pc) =	sbr.rel @p0 .LBB2_34-.Ltmp31, $4  }
0x34c: {  	s21 =	smov.u32 s22;
	s22 =	smov.u32 s23;
	v8 =	vld [tilespmem:s26+$0x0];
	[tilespmem:s23+$0x0] =	vst.msk $0x1, v11;
	v15 =	vmpcnt.ones.xlane vm0;
	vm0 =	vgt.f32 v5, v3;
	s23 =	smov.u32 s29  }
0x34d: {  	s29 =	smov.u32 s30;
	s30 =	smov.u32 s1;
	s1 =	smov.u32 s2;
	vm1 =	vgt.f32 v12, v3;
	v7 =	vld [tilespmem:s25+$0x10];
	[tilespmem:s21+$0x1] =	vst.msk $0x1, v10;
	v12 =	vmpcnt.ones.xlane vm0  }
0x34e: {  	v11 =	vmpcnt.ones.xlane vm1;
	vm0 =	vgt.f32 v13, v3;
	v6 =	vld [tilespmem:s3+$0x20];
	[tilespmem:s20+$0x2] =	vst.msk $0x1, v15  }
0x34f: {  	s5 =	sadd.s32 $0x80, s5;
	s2 =	sadd.s32 $0x8, s2;
	v10 =	vmpcnt.ones.xlane vm0;
	vm0 =	vgt.f32 v14, v3;
	v5 =	vld [tilespmem:s24+$0x30];
	[tilespmem:s6+$0x3] =	vst.msk $0x1, v12;
	s24 =	smov.u32 s3  }
0x350: {  	[tilespmem:s2+$0xFFFFFFFC] =	vst.msk $0x1, v11  }
0x351: {  	v11 =	vld [tilespmem:s14+$0xFFFFFFD0];
	_ =	sdelay $0x4  }
0x352: {  	vm1 =	vgt.f32 v11, v3  }
0x353: {  	[tilespmem:s1+$0xFFFFFFFD] =	vst.msk $0x1, v10;
	v11 =	vmpcnt.ones.xlane vm1  }
0x354: {  	v10 =	vld [tilespmem:s0+$0xFFFFFFE0]  }
0x355: {  	[tilespmem:s2+$0xFFFFFFFD] =	vst.msk $0x1, v11  }
0x356: {  	v11 =	vld [tilespmem:s14+$0xFFFFFFE0]  }
0x357: {  	v12 =	vmpcnt.ones.xlane vm0;
	_ =	sdelay $0x1  }
0x358: {  	[tilespmem:s30+$0xFFFFFFFE] =	vst.msk $0x1, v12;
	vm8 =	vgt.f32 v10, v3  }
0x359: {  	v12 =	vld [tilespmem:s31+$0xFFFFFFF0];
	v10 =	vmpcnt.ones.xlane vm8  }
0x35a: {  	vm9 =	vgt.f32 v11, v3  }
0x35b: {  	[tilespmem:s1+$0xFFFFFFFE] =	vst.msk $0x1, v10;
	v11 =	vmpcnt.ones.xlane vm9  }
0x35c: {  	v10 =	vld [tilespmem:s0+$0xFFFFFFF0]  }
0x35d: {  	[tilespmem:s2+$0xFFFFFFFE] =	vst.msk $0x1, v11  }
0x35e: {  	vm11 =	vgt.f32 v12, v3;
	v11 =	vld [tilespmem:s14+$0xFFFFFFF0]  }
0x35f: {  	vm10 =	vgt.f32 v9, v3;
	v12 =	vmpcnt.ones.xlane vm11  }
0x360: {  	v9 =	vmpcnt.ones.xlane vm10  }
0x361: {  	[tilespmem:s30+$0xFFFFFFFF] =	vst.msk $0x1, v12;
	vm12 =	vgt.f32 v10, v3  }
0x362: {  	[tilespmem:s29+$0xFFFFFFFF] =	vst.msk $0x1, v9;
	v12 =	vld [tilespmem:s31+$0x0];
	v9 =	vmpcnt.ones.xlane vm12  }
0x363: {  	v10 =	vld [tilespmem:s28+$0x0];
	vm13 =	vgt.f32 v11, v3  }
0x364: {  	[tilespmem:s1+$0xFFFFFFFF] =	vst.msk $0x1, v9;
	v11 =	vmpcnt.ones.xlane vm13  }
0x365: {  	vm14 =	vgt.f32 v8, v3;
	v9 =	vld [tilespmem:s0+$0x0]  }
0x366: {  	v8 =	vmpcnt.ones.xlane vm14;
	[tilespmem:s2+$0xFFFFFFFF] =	vst.msk $0x1, v11  }
0x367: {  	vm4 =	vgt.f32 v12, v3;
	v11 =	vld [tilespmem:s14+$0x0]  }
0x368: {  	[tilespmem:s23+$0x0] =	vst.msk $0x1, v8;
	v8 =	vmpcnt.ones.xlane vm4;
	vm15 =	vgt.f32 v10, v3  }
0x369: {  	v10 =	vmpcnt.ones.xlane vm15  }
0x36a: {  	[tilespmem:s30+$0x0] =	vst.msk $0x1, v8;
	vm5 =	vgt.f32 v9, v3;
	v9 =	vld [tilespmem:s26+$0x10]  }
0x36b: {  	[tilespmem:s29+$0x0] =	vst.msk $0x1, v10;
	v10 =	vmpcnt.ones.xlane vm5  }
0x36c: {  	v62 =	vld [tilespmem:s31+$0x10];
	vm6 =	vgt.f32 v11, v3  }
0x36d: {  	[tilespmem:s1+$0x0] =	vst.msk $0x1, v10;
	v11 =	vld [tilespmem:s28+$0x10];
	v8 =	vmpcnt.ones.xlane vm6  }
0x36e: {  	v10 =	vld [tilespmem:s0+$0x10]  }
0x36f: {  	vm8 =	vgt.f32 v9, v3;
	[tilespmem:s2+$0x0] =	vst.msk $0x1, v8  }
0x370: {  	vm7 =	vgt.f32 v7, v3;
	v9 =	vmpcnt.ones.xlane vm8;
	v7 =	vld [tilespmem:s14+$0x10]  }
0x371: {  	vm10 =	vgt.f32 v62, v3;
	v8 =	vmpcnt.ones.xlane vm7  }
0x372: {  	[tilespmem:s23+$0x1] =	vst.msk $0x1, v9;
	v9 =	vmpcnt.ones.xlane vm10;
	vm9 =	vgt.f32 v11, v3  }
0x373: {  	vm11 =	vgt.f32 v10, v3;
	v10 =	vld [tilespmem:s26+$0x20];
	[tilespmem:s22+$0x1] =	vst.msk $0x1, v8;
	v8 =	vmpcnt.ones.xlane vm9  }
0x374: {  	[tilespmem:s30+$0x1] =	vst.msk $0x1, v9;
	v11 =	vld [tilespmem:s25+$0x20]  }
0x375: {  	v63 =	vld [tilespmem:s31+$0x20];
	[tilespmem:s29+$0x1] =	vst.msk $0x1, v8;
	v8 =	vmpcnt.ones.xlane vm11;
	vm12 =	vgt.f32 v7, v3  }
0x376: {  	vm13 =	vgt.f32 v6, v3;
	v7 =	vld [tilespmem:s28+$0x20];
	v9 =	vmpcnt.ones.xlane vm12  }
0x377: {  	[tilespmem:s1+$0x1] =	vst.msk $0x1, v8;
	v8 =	vmpcnt.ones.xlane vm13  }
0x378: {  	vm15 =	vgt.f32 v10, v3;
	v6 =	vld [tilespmem:s0+$0x20];
	[tilespmem:s2+$0x1] =	vst.msk $0x1, v9  }
0x379: {  	vm14 =	vgt.f32 v11, v3;
	[tilespmem:s21+$0x2] =	vst.msk $0x1, v8;
	v8 =	vmpcnt.ones.xlane vm15;
	v9 =	vld [tilespmem:s14+$0x20]  }
0x37a: {  	vm5 =	vgt.f32 v63, v3;
	v11 =	vmpcnt.ones.xlane vm14  }
0x37b: {  	vm4 =	vgt.f32 v7, v3;
	[tilespmem:s23+$0x2] =	vst.msk $0x1, v8;
	v8 =	vmpcnt.ones.xlane vm5  }
0x37c: {  	v7 =	vld [tilespmem:s24+$0x30];
	[tilespmem:s22+$0x2] =	vst.msk $0x1, v11;
	v10 =	vmpcnt.ones.xlane vm4  }
0x37d: {  	v11 =	vld [tilespmem:s25+$0x30];
	vm6 =	vgt.f32 v6, v3;
	[tilespmem:s30+$0x2] =	vst.msk $0x1, v8  }
0x37e: {  	v6 =	vld [tilespmem:s26+$0x30];
	[tilespmem:s29+$0x2] =	vst.msk $0x1, v10;
	v10 =	vmpcnt.ones.xlane vm6;
	vm7 =	vgt.f32 v9, v3  }
0x37f: {  	vm8 =	vgt.f32 v5, v3;
	v5 =	vld [tilespmem:s31+$0x30];
	v8 =	vmpcnt.ones.xlane vm7  }
0x380: {  	v9 =	vld [tilespmem:s28+$0x30];
	[tilespmem:s1+$0x2] =	vst.msk $0x1, v10  }
0x381: {  	v10 =	vmpcnt.ones.xlane vm8;
	vm9 =	vgt.f32 v7, v3;
	v7 =	vld [tilespmem:s0+$0x30];
	[tilespmem:s2+$0x2] =	vst.msk $0x1, v8  }
0x382: {  	vm10 =	vgt.f32 v11, v3;
	v8 =	vmpcnt.ones.xlane vm9;
	v11 =	vld [tilespmem:s14+$0x30]  }
0x383: {  	[tilespmem:s20+$0x3] =	vst.msk $0x1, v10;
	v10 =	vmpcnt.ones.xlane vm10;
	vm11 =	vgt.f32 v6, v3  }
0x384: {  	v6 =	vmpcnt.ones.xlane vm11;
	vm13 =	vgt.f32 v5, v3;
	[tilespmem:s21+$0x3] =	vst.msk $0x1, v8  }
0x385: {  	vm12 =	vgt.f32 v9, v3;
	[tilespmem:s22+$0x3] =	vst.msk $0x1, v10;
	v5 =	vmpcnt.ones.xlane vm13  }
0x386: {  	v8 =	vmpcnt.ones.xlane vm12;
	[tilespmem:s23+$0x3] =	vst.msk $0x1, v6;
	vm14 =	vgt.f32 v7, v3  }
0x387: {  	[tilespmem:s30+$0x3] =	vst.msk $0x1, v5;
	v6 =	vmpcnt.ones.xlane vm14;
	vm15 =	vgt.f32 v11, v3  }
0x388: {  	[tilespmem:s29+$0x3] =	vst.msk $0x1, v8;
	v5 =	vmpcnt.ones.xlane vm15  }
0x389: {  	[tilespmem:s1+$0x3] =	vst.msk $0x1, v6  }
0x38a: {  	[tilespmem:s2+$0x3] =	vst.msk $0x1, v5  }
0x38b: {  	_ =	swait.ge [sflag:s18], $0x8000  }
0x38c: {  	[sflag:s18] =	ssyncset.done $0x0  }
0x38d: {  	s2 =	simm.s32 $0x0;
	[sflag:s18] =	ssyncadd.s32 $0xFFFF8000  }
0x38e: {  	s0 =	simm.s32 $0x10;
	v6 =	vld [tilespmem:s2+$0x18080]  }
0x38f: {  	v5 =	vld [tilespmem:s0+$0x18080];
	_ =	sdelay $0x3  }
0x390: {  	(xrf0) =	vadd.scan.msk.s32 $0xffff, v6  }
0x391: {  	(xrf0) =	vadd.scan.msk.s32 $0xffff, v5;
	_ =	sdelay $0x4  }
0x392: {  	s1 =	simm.s32 $0x20;
	v10, _, _ =	vpop (xrf0)  }
0x393: {  	v8 =	vld [tilespmem:s1+$0x18080];
	(v2sf) =	vpush v10, $0xF;
	v9, _, _ =	vpop (xrf0)  }
0x394: {  	(v2sf) =	vpush v9, $0xF;
	_ =	sdelay $0x3  }
0x395: {  	s3 =	simm.s32 $0x30;
	(xrf0) =	vadd.scan.msk.s32 $0xffff, v8  }
0x396: {  	v7 =	vld [tilespmem:s3+$0x18080];
	_ =	sdelay $0x3  }
0x397: {  	s4 =	simm.s32 $0x0;
	s5 =	simm.s32 $0x100  }
.LBB2_36:
0x398: {  	s6 =	sshra.s32 s5, $0x2;
	p0 =	sne.s32 s5, $0x1FC0;
	s5 =	sadd.s32 $0x40, s5;
	(xrf0) =	vadd.scan.msk.s32 $0xffff, v7;
	v11, _, _ =	vpop (xrf0);
	v12 =	vsub.s32 s4, v6;
	v6 =	vmov v5;
	v5 =	vmov v8  }
.Ltmp32:
0x399: {  	v8 =	vmovc v7;
	(v2sf) =	vpush v11, $0xF;
	v12 =	vadd.s32 v10, v12;
	v10 =	vmovc v9;
	v9 =	vmov v11;
	v7 =	vld [tilespmem:s6+$0x18080];
	(pc) =	sbr.rel @p0 .LBB2_36-.Ltmp32, $4  }
0x39a: {  	[tilespmem:s2+$0x18900] =	vst v12;
	s2 =	smov.u32 s0;
	s0 =	smov.u32 s1;
	s1 =	smov.u32 s3  }
0x39b: {  	s3 =	smov.u32 s6  }
0x39c: {  	s6 =	spop (v2sf)  }
0x39d: {  	s4 =	sadd.s32 s4, s6  }
0x39e: {  	v11, _, _ =	vpop (xrf0)  }
0x39f: {  	(v2sf) =	vpush v11, $0xF;
	_ =	sdelay $0xa  }
0x3a0: {  	(xrf0) =	vadd.scan.msk.s32 $0xffff, v7;
	_ =	sdelay $0x1  }
0x3a1: {  	s5 =	spop (v2sf)  }
0x3a2: {  	v6 =	vsub.s32 s4, v6;
	s23 =	sadd.s32 s4, s5;
	s24 =	spop (v2sf)  }
0x3a3: {  	v6 =	vadd.s32 v10, v6;
	v5 =	vsub.s32 s23, v5;
	s4 =	sadd.s32 s23, s24;
	s25 =	spop (v2sf)  }
0x3a4: {  	[tilespmem:s2+$0x18900] =	vst v6;
	v5 =	vadd.s32 v9, v5;
	v6 =	vsub.s32 s4, v8;
	s26 =	sadd.s32 s4, s25  }
0x3a5: {  	[tilespmem:s0+$0x18900] =	vst v5;
	v8, _, _ =	vpop (xrf0);
	v5 =	vadd.s32 v11, v6;
	v6 =	vsub.s32 s26, v7  }
0x3a6: {  	[tilespmem:s1+$0x18900] =	vst v5;
	v5 =	vadd.s32 v8, v6  }
0x3a7: {  	s28 =	simm.s32 $0x18904;
	[tilespmem:s3+$0x18900] =	vst v5  }
0x3a8: {  	v5 =	vld [tilespmem:s28+$0x3]  }
0x3a9: {  	v6 =	vld [tilespmem:s28+$0xFFFFFFFC]  }
0x3aa: {  	v7 =	vld [tilespmem:s28+$0xFFFFFFFD];
	_ =	sdelay $0x1  }
0x3ab: {  	(v2sf) =	vpush v8, $0xF  }
0x3ac: {  	v9 =	vld [tilespmem:s28+$0xFFFFFFFE];
	(v2sf) =	vpush v5, $0x0  }
0x3ad: {  	v8 =	vld [tilespmem:s28+$0xFFFFFFFF];
	(v2sf) =	vpush v6, $0x0  }
0x3ae: {  	v10 =	vld [tilespmem:s28+$0x0];
	(v2sf) =	vpush v7, $0x0;
	_ =	sdelay $0x1  }
0x3af: {  	v5 =	vld [tilespmem:s28+$0x1]  }
0x3b0: {  	v6 =	vld [tilespmem:s28+$0x2];
	(v2sf) =	vpush v9, $0x0  }
0x3b1: {  	(v2sf) =	vpush v8, $0x0  }
0x3b2: {  	(v2sf) =	vpush v10, $0x0  }
0x3b3: {  	s30 =	simm.s32 $0x1890C  }
0x3b4: {  	v11 =	vld [tilespmem:s30+$0x0];
	(v2sf) =	vpush v5, $0x0  }
0x3b5: {  	(v2sf) =	vpush v6, $0x0;
	v6 =	vld [tilespmem:s30+$0x3]  }
0x3b6: {  	v7 =	vld [tilespmem:s30+$0xFFFFFFFC]  }
0x3b7: {  	v8 =	vld [tilespmem:s30+$0xFFFFFFFD]  }
0x3b8: {  	v9 =	vld [tilespmem:s30+$0xFFFFFFFE]  }
0x3b9: {  	s6 =	spop (v2sf);
	v10 =	vld [tilespmem:s30+$0xFFFFFFFF]  }
0x3ba: {  	v12 =	vld [tilespmem:s30+$0x1];
	s31 =	spop (v2sf);
	(v2sf) =	vpush v6, $0x0  }
0x3bb: {  	s29 =	simm.s32 $0x40;
	v13 =	vld [tilespmem:s30+$0x2];
	s1 =	spop (v2sf);
	(v2sf) =	vpush v7, $0x0  }
0x3bc: {  	v5 =	vld [tilespmem:s29+$0x30];
	s14 =	spop (v2sf);
	(v2sf) =	vpush v8, $0x0  }
0x3bd: {  	v14 =	vld [tilespmem:s29+$0xFFFFFFD0];
	(v2sf) =	vpush v9, $0x0  }
0x3be: {  	v15 =	vld [tilespmem:s29+$0xFFFFFFE0];
	(v2sf) =	vpush v10, $0x0  }
0x3bf: {  	v8 =	vld [tilespmem:s29+$0xFFFFFFF0];
	s22 =	spop (v2sf);
	(v2sf) =	vpush v11, $0x0  }
0x3c0: {  	v6 =	vld [tilespmem:s29+$0x0];
	s4 =	spop (v2sf);
	(v2sf) =	vpush v12, $0x0  }
0x3c1: {  	vm0 =	vgt.f32 v5, v3;
	v9 =	vld [tilespmem:s29+$0x10];
	s5 =	spop (v2sf);
	(v2sf) =	vpush v13, $0x0  }
0x3c2: {  	[tilespmem:s31+$0x10000] =	vst.msk vm0, v5;
	vm0 =	vgt.f32 v14, v3;
	v7 =	vld [tilespmem:s29+$0x20]  }
0x3c3: {  	s2 =	simm.s32 $0xC0;
	s3 =	simm.s32 $0x8;
	v5 =	vld [tilespmem:s29+$0xFFFFFFC0];
	[tilespmem:s14+$0x10000] =	vst.msk vm0, v14;
	vm0 =	vgt.f32 v15, v3;
	s20 =	spop (v2sf)  }
0x3c4: {  	s0 =	sadd.s32 s26, s6;
	s14 =	simm.s32 $0x18914;
	v10 =	vld [tilespmem:s2+$0x30];
	[tilespmem:s22+$0x10000] =	vst.msk vm0, v15;
	s21 =	spop (v2sf);
	vm0 =	vgt.f32 v8, v3  }
.LBB2_38:
0x3c5: {  	v11 =	vld [tilespmem:s14+$0x3];
	s3 =	sadd.s32 $0x8, s3;
	[tilespmem:s4+$0x10000] =	vst.msk vm0, v8;
	vm0 =	vgt.f32 v6, v3  }
0x3c6: {  	v8 =	vld [tilespmem:s14+$0xFFFFFFFC];
	p0 =	slt.u32 s3, $0x7F8;
	[tilespmem:s5+$0x10000] =	vst.msk vm0, v6;
	vm0 =	vgt.f32 v9, v3  }
0x3c7: {  	v6 =	vld [tilespmem:s14+$0xFFFFFFFD];
	[tilespmem:s20+$0x10000] =	vst.msk vm0, v9;
	vm0 =	vgt.f32 v7, v3  }
0x3c8: {  	v9 =	vld [tilespmem:s14+$0xFFFFFFFE];
	vm1 =	vgt.f32 v5, v3;
	[tilespmem:s21+$0x10000] =	vst.msk vm0, v7  }
0x3c9: {  	v7 =	vld [tilespmem:s14+$0xFFFFFFFF];
	vm0 =	vgt.f32 v10, v3;
	s4 =	spop (v2sf);
	[tilespmem:s1+$0x10000] =	vst.msk vm1, v5  }
0x3ca: {  	v5 =	vld [tilespmem:s14+$0x0];
	(v2sf) =	vpush v11, $0x0;
	[tilespmem:s4+$0x10000] =	vst.msk vm0, v10;
	s1 =	spop (v2sf)  }
0x3cb: {  	v10 =	vld [tilespmem:s14+$0x1];
	(v2sf) =	vpush v8, $0x0;
	s6 =	spop (v2sf)  }
0x3cc: {  	v11 =	vld [tilespmem:s14+$0x2];
	(v2sf) =	vpush v6, $0x0;
	s22 =	spop (v2sf)  }
0x3cd: {  	(v2sf) =	vpush v9, $0x0;
	v12 =	vld [tilespmem:s2+$0xFFFFFFD0];
	s4 =	spop (v2sf)  }
0x3ce: {  	(v2sf) =	vpush v7, $0x0;
	v13 =	vld [tilespmem:s2+$0xFFFFFFE0];
	s5 =	spop (v2sf)  }
0x3cf: {  	(v2sf) =	vpush v5, $0x0;
	v8 =	vld [tilespmem:s2+$0xFFFFFFF0];
	s20 =	spop (v2sf)  }
.Ltmp33:
0x3d0: {  	(v2sf) =	vpush v10, $0x0;
	v6 =	vld [tilespmem:s2+$0x0];
	s21 =	spop (v2sf);
	(pc) =	sbr.rel @p0 .LBB2_38-.Ltmp33, $4  }
0x3d1: {  	(v2sf) =	vpush v11, $0x0;
	v9 =	vld [tilespmem:s2+$0x10]  }
0x3d2: {  	vm0 =	vgt.f32 v12, v3;
	v7 =	vld [tilespmem:s2+$0x20]  }
0x3d3: {  	v5 =	vld [tilespmem:s2+$0xFFFFFFC0];
	[tilespmem:s6+$0x10000] =	vst.msk vm0, v12;
	vm0 =	vgt.f32 v13, v3;
	s2 =	sadd.s32 $0x80, s2  }
0x3d4: {  	s14 =	sadd.s32 $0x8, s14;
	v10 =	vld [tilespmem:s2+$0x30];
	[tilespmem:s22+$0x10000] =	vst.msk vm0, v13;
	vm0 =	vgt.f32 v8, v3  }
0x3d5: {  	[tilespmem:s4+$0x10000] =	vst.msk vm0, v8;
	vm5 =	vgt.f32 v6, v3;
	v11 =	vld [tilespmem:s2+$0xFFFFFFC0]  }
0x3d6: {  	v61 =	vld [tilespmem:s2+$0xFFFFFFD0];
	[tilespmem:s5+$0x10000] =	vst.msk vm5, v6;
	vm6 =	vgt.f32 v9, v3  }
0x3d7: {  	v6 =	vld [tilespmem:s2+$0xFFFFFFE0];
	[tilespmem:s20+$0x10000] =	vst.msk vm6, v9;
	vm7 =	vgt.f32 v7, v3  }
0x3d8: {  	v62 =	vld [tilespmem:s2+$0xFFFFFFF0];
	vm1 =	vgt.f32 v5, v3;
	[tilespmem:s21+$0x10000] =	vst.msk vm7, v7  }
0x3d9: {  	v7 =	vld [tilespmem:s2+$0x0];
	s3 =	spop (v2sf);
	vm8 =	vgt.f32 v10, v3;
	[tilespmem:s1+$0x10000] =	vst.msk vm1, v5  }
0x3da: {  	v5 =	vld [tilespmem:s2+$0x10];
	s23 =	spop (v2sf);
	[tilespmem:s3+$0x10000] =	vst.msk vm8, v10;
	vm15 =	vgt.f32 v11, v3  }
0x3db: {  	v63 =	vld [tilespmem:s2+$0x20];
	vm9 =	vgt.f32 v61, v3;
	s24 =	spop (v2sf);
	[tilespmem:s23+$0x10000] =	vst.msk vm15, v11  }
0x3dc: {  	vm10 =	vgt.f32 v6, v3;
	s25 =	spop (v2sf);
	[tilespmem:s24+$0x10000] =	vst.msk vm9, v61  }
0x3dd: {  	vm11 =	vgt.f32 v62, v3;
	s26 =	spop (v2sf);
	[tilespmem:s25+$0x10000] =	vst.msk vm10, v6  }
.Ltmp34:
0x3de: {  	vm12 =	vgt.f32 v7, v3;
	s28 =	spop (v2sf);
	[tilespmem:s26+$0x10000] =	vst.msk vm11, v62;
	(pc) =	sbr.rel .LBB2_40-.Ltmp34, $4  }
0x3df: {  	vm13 =	vgt.f32 v5, v3;
	s29 =	spop (v2sf);
	[tilespmem:s28+$0x10000] =	vst.msk vm12, v7  }
0x3e0: {  	s31 =	sadd.s32 $0xF, s0;
	vm14 =	vgt.f32 v63, v3;
	s30 =	spop (v2sf);
	[tilespmem:s29+$0x10000] =	vst.msk vm13, v5  }
0x3e1: {  	s1 =	sshrl.u32 s31, $0x4;
	[tilespmem:s30+$0x10000] =	vst.msk vm14, v63  }
0x3e2: {  	v4 =	vadd.f32 $1.000000050e-03, v4;
	p0 =	seq.s32 s1, $0x0;
	[tilespmem:s0+$0x10000] =	vst v0;
	s0 =	simm.s32 $0x0  }
.LBB2_77:
0x3e3: {  	vm0 =	vgt.f32 v7, v5  }
0x3e4: {  	v7 =	vnsel vm0, $0x0, v8  }
0x3e5: {  	v6 =	vadd.f32 v7, v6  }
.LBB2_41:
0x3e6: {  	_ = 	snop  }
0x3e7: {  	(xrf2) =	vadd.scan.msk.f32 $0xffff, v6;
	_ =	sdelay $0x9  }
0x3e8: {  	v6, _, _ =	vpop (xrf2)  }
0x3e9: {  	s0 =	sadd.s32 $0x1, s0;
	vm0 =	vgt.f32 v6, $1.000000000e+00  }
0x3ea: {  	p1 =	seq.s32 s0, $0x19;
	v6 =	vsel vm0, $0x1, v1  }
.Ltmp35:
0x3eb: {  	v6 =	vbroadcast v6, $0xF;
	(pc) =	sbr.rel @p1 .LBB2_42-.Ltmp35, $4  }
0x3ec: {  	_ = 	snop  }
0x3ed: {  	v6 =	vand.u32 $0x1, v6  }
0x3ee: {  	vm15 =	veq.s32 v6, $0x1  }
0x3ef: {  	v3 =	vsel vm15, v5, v3;
	v4 =	vsel vm15, v4, v5  }
.LBB2_40:
.Ltmp36:
0x3f0: {  	_ = 	snop;
	(pc) =	sbr.rel @p0 .LBB2_41-.Ltmp36, $3  }
0x3f1: {  	v5 =	vadd.f32 v4, v3;
	_ =	sdelay $0x1  }
0x3f2: {  	v5 =	vmul.f32 $5.000000000e-01, v5  }
0x3f3: {  	v6 =	vimm.f32 $0.0e+00  }
0x3f4: {  	s2 =	simm.s32 $0x10000  }
0x3f5: {  	p1 =	seq.s32 s1, $0x1;
	v7 =	vld [tilespmem:s2+$0x0]  }
.Ltmp37:
0x3f6: {  	_ = 	snop;
	(pc) =	sbr.rel @p1 .LBB2_77-.Ltmp37, $2  }
0x3f7: {  	_ =	sdelay $0x2  }
0x3f8: {  	s3 =	simm.s32 $0x10010;
	s2 =	sadd.s32 $0xFFFFFFFF, s1;
	v8 =	vsub.f32 v7, v5  }
.LBB2_76:
0x3f9: {  	p1 =	seq.s32 s2, $0x1;
	s2 =	sadd.s32 $0xFFFFFFFF, s2;
	vm0 =	vgt.f32 v7, v5;
	v7 =	vld [tilespmem:s3+$0x0]  }
.Ltmp38:
0x3fa: {  	v8 =	vnsel vm0, $0x0, v8;
	(pc) =	sbr.rel @!p1 .LBB2_76-.Ltmp38, $2  }
0x3fb: {  	v6 =	vadd.f32 v8, v6;
	_ =	sdelay $0x2  }
0x3fc: {  	s3 =	sadd.s32 $0x10, s3;
	v8 =	vsub.f32 v7, v5  }
.Ltmp39:
0x3fd: {  	_ = 	snop;
	(pc) =	sbr.rel .LBB2_77-.Ltmp39, $1  }
0x3fe: {  	_ =	sdelay $0x3  }
.LBB2_42:
.Ltmp40:
0x3ff: {  	(pc) =	sbr.rel @p0 .LBB2_43-.Ltmp40, $2  }
0x400: {  	_ =	sdelay $0x2  }
0x401: {  	v3 =	vadd.f32 $-9.999999970e-07, v3  }
0x402: {  	s0 =	simm.s32 $0x10000  }
0x403: {  	p0 =	seq.s32 s1, $0x1;
	v11 =	vld [tilespmem:s0+$0x0]  }
.Ltmp41:
0x404: {  	_ = 	snop;
	(pc) =	sbr.rel @p0 .LBB2_80-.Ltmp41, $4  }
0x405: {  	v7 =	vadd.f32 $9.999999970e-07, v4  }
0x406: {  	v5 =	vimm.f32 $0.0e+00;
	v4 =	vimm.f32 $3.000000010e+38;
	v6 =	vimm.f32 $-3.000000010e+38  }
0x407: {  	v8 =	vimm.f32 $0.0e+00;
	v9 =	vimm.f32 $0.0e+00;
	v10 =	vimm.f32 $0.0e+00  }
0x408: {  	s0 =	sadd.s32 $0xFFFFFFFF, s1;
	s1 =	simm.s32 $0x10010;
	v12 =	vsub.f32 v11, v3;
	vm0 =	vgt.f32 v11, v3;
	vm1 =	vlt.f32 v11, v7  }
.LBB2_79:
0x409: {  	p0 =	seq.s32 s0, $0x1;
	s0 =	sadd.s32 $0xFFFFFFFF, s0;
	vm2 =	vge.f32 v11, v7;
	v11 =	vld [tilespmem:s1+$0x0];
	vm0 =	vmand vm0, vm1  }
.Ltmp42:
0x40a: {  	v13 =	vnsel vm2, $0x0, v12;
	v14 =	vsel vm0, $0x3F800000, v2;
	v15 =	vnsel vm0, $0xFF61B1E6, v12;
	(pc) =	sbr.rel @!p0 .LBB2_79-.Ltmp42, $4  }
0x40b: {  	v16 =	vnsel vm0, $0x0, v12;
	v12 =	vnsel vm0, $0x7F61B1E6, v12;
	v6 =	vmax.f32 v6, v15  }
0x40c: {  	v15 =	vsel vm2, $0x3F800000, v2;
	v5 =	vadd.f32 v13, v5;
	v8 =	vadd.f32 v14, v8  }
0x40d: {  	v10 =	vadd.f32 v16, v10;
	v4 =	vmin.f32 v4, v12;
	v9 =	vadd.f32 v15, v9  }
0x40e: {  	s1 =	sadd.s32 $0x10, s1;
	v12 =	vsub.f32 v11, v3;
	vm0 =	vgt.f32 v11, v3;
	vm1 =	vlt.f32 v11, v7  }
.LBB2_80:
.Ltmp43:
0x40f: {  	vm2 =	vge.f32 v11, v7;
	vm0 =	vmand vm0, vm1;
	(pc) =	sbr.rel .LBB2_44-.Ltmp43, $4  }
0x410: {  	v7 =	vnsel vm2, $0x0, v12;
	v11 =	vsel vm0, $0x3F800000, v2;
	v13 =	vnsel vm0, $0xFF61B1E6, v12  }
0x411: {  	v14 =	vnsel vm0, $0x0, v12;
	v62 =	vnsel vm0, $0x7F61B1E6, v12;
	v63 =	vsel vm2, $0x3F800000, v2  }
0x412: {  	v6 =	vmax.f32 v6, v13;
	v7 =	vadd.f32 v7, v5;
	v8 =	vadd.f32 v11, v8  }
0x413: {  	v9 =	vadd.f32 v63, v9;
	v5 =	vadd.f32 v14, v10;
	v4 =	vmin.f32 v4, v62  }
.LBB2_43:
0x414: {  	v6 =	vimm.f32 $-3.000000010e+38;
	v4 =	vimm.f32 $3.000000010e+38;
	v9 =	vimm.f32 $0.0e+00  }
0x415: {  	v7 =	vimm.f32 $0.0e+00;
	v8 =	vimm.f32 $0.0e+00;
	v5 =	vimm.f32 $0.0e+00  }
.LBB2_44:
0x416: {  	_ = 	snop  }
0x417: {  	(xrf2) =	vadd.scan.msk.f32 $0xffff, v9  }
0x418: {  	(xrf2) =	vadd.scan.msk.f32 $0xffff, v7  }
0x419: {  	(xrf2) =	vadd.scan.msk.f32 $0xffff, v8;
	_ =	sdelay $0x7  }
0x41a: {  	v7, _, _ =	vpop (xrf2)  }
0x41b: {  	v8, _, _ =	vpop (xrf2)  }
0x41c: {  	v9, _, _ =	vpop (xrf2)  }
0x41d: {  	v7 =	vbroadcast v7, $0xF;
	v9 =	vbroadcast v9, $0xF  }
0x41e: {  	(xrf2) =	vadd.scan.msk.f32 $0xffff, v5  }
0x41f: {  	(xrf0) =	vmin.scan.msk.f32 $0xffff, v4;
	v4 =	vadd.f32 v9, v7  }
0x420: {  	(xrf0) =	vmax.scan.msk.f32 $0xffff, v6;
	v5 =	vmax.f32 v7, $1.000000000e+00  }
0x421: {  	v6 =	vadd.f32 $1.000000000e+00, v7;
	(erf) = vrcp.f32 v5;
	v5 =	vmax.f32 v4, $1.000000000e+00  }
0x422: {  	(erf) = vrcp.f32 v5  }
0x423: {  	(erf) = vrcp.f32 v6;
	_ =	sdelay $0x1  }
0x424: {  	v5, _, _ =	vpop (xrf0)  }
0x425: {  	v6, _, _ =	vpop (xrf0)  }
0x426: {  	v10 =	vbroadcast v8, $0xF;
	v6 =	vbroadcast v6, $0xF  }
0x427: {  	v11, _, _ =	vpop (xrf2)  }
0x428: {  	v8 =	vadd.f32 v11, v8;
	v12 =	vadd.f32 v6, v10  }
0x429: {  	v13 =	vpop (erf)  }
0x42a: {  	v8 =	vadd.f32 $-1.000000000e+00, v8;
	v12 =	vadd.f32 $-1.000000000e+00, v12;
	v11 =	vpop (erf)  }
0x42b: {  	vm0 =	vgt.f32 v9, $0.0e+00;
	v14 =	vpop (erf)  }
0x42c: {  	vm2 =	veq.f32 v9, $0.0e+00;
	v8 =	vbroadcast v8, $0xF;
	v12 =	vmul.f32 v12, v14  }
0x42d: {  	vm4 =	vne.f32 v9, $1.000000000e+00;
	v5 =	vbroadcast v5, $0xF;
	v10 =	vadd.f32 $-1.000000000e+00, v10  }
0x42e: {  	vm0 =	vmneg vm0;
	v8 =	vmul.f32 v11, v8;
	vm1 =	vlt.f32 v12, v6  }
0x42f: {  	v10 =	vmul.f32 v13, v10;
	vm12 =	vge.f32 v12, v5;
	vm1 =	vmneg vm1  }
0x430: {  	vm3 =	vlt.f32 v8, v5;
	vm0 =	vmor vm0, vm1;
	vm1 =	vmneg vm12  }
0x431: {  	vm13 =	vgt.f32 v4, $0.0e+00;
	vm3 =	vmor vm2, vm3;
	vm1 =	vmand vm4, vm1  }
0x432: {  	s2 =	simm.s32 $0x40;
	vm14 =	vge.f32 v10, v6;
	vm3 =	vmand vm13, vm3;
	vm0 =	vmor vm0, vm1  }
0x433: {  	vm15 =	vgt.f32 v7, $0.0e+00;
	vm2 =	vmor vm2, vm14;
	v5 =	vld [tilespmem:s2+$0x30];
	vm0 =	vmor vm3, vm0  }
0x434: {  	v7 =	vld [tilespmem:s2+$0xFFFFFFD0];
	vm1 =	vmand vm15, vm2;
	v4 =	vsel vm0, v8, v12  }
0x435: {  	v9 =	vld [tilespmem:s2+$0xFFFFFFE0];
	v4 =	vsel vm1, v10, v4  }
0x436: {  	v8 =	vld [tilespmem:s2+$0xFFFFFFF0];
	v3 =	vadd.f32 v4, v3  }
0x437: {  	v6 =	vld [tilespmem:s2+$0x0]  }
0x438: {  	v4 =	vld [tilespmem:s2+$0x10];
	v11 =	vsub.f32 v5, v3  }
0x439: {  	v5 =	vld [tilespmem:s2+$0x20];
	v10 =	vsub.f32 v7, v3  }
0x43a: {  	s0 =	simm.s32 $0x10040;
	s1 =	simm.s32 $0x0;
	v7 =	vld [tilespmem:s2+$0xFFFFFFC0];
	v9 =	vsub.f32 v9, v3;
	s2 =	simm.s32 $0xC0;
	v11 =	vmax.f32 v11, $0.0e+00  }
.LBB2_45:
0x43b: {  	v12 =	vld [tilespmem:s2+$0x30];
	s1 =	sadd.s32 $0x8, s1;
	v10 =	vmax.f32 v10, $0.0e+00;
	v8 =	vsub.f32 v8, v3;
	[tilespmem:s0+$0x30] =	vst v11  }
0x43c: {  	v11 =	vld [tilespmem:s2+$0xFFFFFFD0];
	p0 =	slt.u32 s1, $0x7F8;
	[tilespmem:s0+$0xFFFFFFD0] =	vst v10;
	v9 =	vmax.f32 v9, $0.0e+00;
	v6 =	vsub.f32 v6, v3  }
0x43d: {  	v13 =	vld [tilespmem:s2+$0xFFFFFFE0];
	[tilespmem:s0+$0xFFFFFFE0] =	vst v9;
	v9 =	vmax.f32 v8, $0.0e+00;
	v4 =	vsub.f32 v4, v3  }
.Ltmp44:
0x43e: {  	v8 =	vld [tilespmem:s2+$0xFFFFFFF0];
	[tilespmem:s0+$0xFFFFFFF0] =	vst v9;
	v9 =	vmax.f32 v6, $0.0e+00;
	v5 =	vsub.f32 v5, v3;
	(pc) =	sbr.rel @p0 .LBB2_45-.Ltmp44, $4  }
0x43f: {  	v6 =	vld [tilespmem:s2+$0x0];
	v7 =	vsub.f32 v7, v3;
	[tilespmem:s0+$0x0] =	vst v9;
	v9 =	vmax.f32 v4, $0.0e+00  }
0x440: {  	v4 =	vld [tilespmem:s2+$0x10];
	v12 =	vsub.f32 v12, v3;
	[tilespmem:s0+$0x10] =	vst v9;
	v9 =	vmax.f32 v5, $0.0e+00  }
0x441: {  	v10 =	vsub.f32 v11, v3;
	v5 =	vld [tilespmem:s2+$0x20];
	v14 =	vmax.f32 v7, $0.0e+00;
	[tilespmem:s0+$0x20] =	vst v9  }
0x442: {  	v7 =	vld [tilespmem:s2+$0xFFFFFFC0];
	v9 =	vsub.f32 v13, v3;
	v11 =	vmax.f32 v12, $0.0e+00;
	s2 =	sadd.s32 $0x80, s2;
	[tilespmem:s0+$0xFFFFFFC0] =	vst v14;
	s0 =	sadd.s32 $0x80, s0  }
0x443: {  	v10 =	vmax.f32 v10, $0.0e+00;
	v8 =	vsub.f32 v8, v3;
	[tilespmem:s0+$0x30] =	vst v11  }
0x444: {  	[tilespmem:s0+$0xFFFFFFD0] =	vst v10;
	v9 =	vmax.f32 v9, $0.0e+00;
	v6 =	vsub.f32 v6, v3  }
0x445: {  	[tilespmem:s0+$0xFFFFFFE0] =	vst v9;
	v8 =	vmax.f32 v8, $0.0e+00;
	v4 =	vsub.f32 v4, v3  }
0x446: {  	[tilespmem:s0+$0xFFFFFFF0] =	vst v8;
	v6 =	vmax.f32 v6, $0.0e+00;
	v5 =	vsub.f32 v5, v3  }
0x447: {  	v3 =	vsub.f32 v7, v3;
	[tilespmem:s0+$0x0] =	vst v6;
	v4 =	vmax.f32 v4, $0.0e+00  }
0x448: {  	[tilespmem:s0+$0x10] =	vst v4;
	v4 =	vmax.f32 v5, $0.0e+00  }
0x449: {  	v3 =	vmax.f32 v3, $0.0e+00;
	[tilespmem:s0+$0x20] =	vst v4  }
0x44a: {  	[tilespmem:s0+$0xFFFFFFC0] =	vst v3  }
0x44b: {  	[hbm4b:s9+s12] =	stream.strided.scatter [tilespmem:s16], [sflag:$0x3], $0x8000, s13, s12, $0x38;
	[tilespmem:$0x19180] =	vst v63  }
0x44c: {  	_ =	swait.ge [sflag:s17], $0x8000  }
0x44d: {  	[sflag:s17] =	ssyncset.done $0x0  }
0x44e: {  	s1 =	simm.s32 $0x8060;
	[sflag:s17] =	ssyncadd.s32 $0xFFFF8000  }
0x44f: {  	v5 =	vld [tilespmem:s1+$0x60]  }
0x450: {  	v14 =	vld [tilespmem:s1+$0x20]  }
0x451: {  	v6 =	vld [tilespmem:s1+$0x30]  }
0x452: {  	v3 =	vld [tilespmem:s1+$0x40]  }
0x453: {  	v4 =	vld [tilespmem:s1+$0x50]  }
0x454: {  	v12 =	vld [tilespmem:s1+$0xFFFFFFE0]  }
0x455: {  	v7 =	vld [tilespmem:s1+$0xFFFFFFF0]  }
0x456: {  	v8 =	vld [tilespmem:s1+$0x0]  }
0x457: {  	v11 =	vld [tilespmem:s1+$0xFFFFFFA0]  }
0x458: {  	v9 =	vld [tilespmem:s1+$0x10]  }
0x459: {  	v13 =	vld [tilespmem:s1+$0xFFFFFFB0]  }
0x45a: {  	s0 =	simm.s32 $0xC0;
	v16 =	vld [tilespmem:s1+$0xFFFFFFC0]  }
0x45b: {  	v10 =	vimm.f32 $-3.000000010e+38;
	s2 =	sor.u32 $0x70, s0;
	v17 =	vld [tilespmem:s1+$0xFFFFFFD0]  }
0x45c: {  	s30 =	sor.u32 $0x50, s0;
	v18 =	vld [tilespmem:s2+$0x8000];
	v15 =	vmax.f32 v10, v11  }
0x45d: {  	s31 =	sor.u32 $0x60, s0;
	v11 =	vld [tilespmem:s30+$0x8000];
	v15 =	vmax.f32 v15, v12  }
0x45e: {  	s1 =	simm.s32 $0x0;
	s2 =	simm.s32 $0x8160;
	v12 =	vld [tilespmem:s31+$0x8000];
	v19 =	vmax.f32 v15, v14;
	v14 =	vimm.f32 $-3.000000010e+38;
	v15 =	vimm.f32 $-3.000000010e+38  }
.LBB2_47:
0x45f: {  	v19 =	vmax.f32 v19, v5;
	v5 =	vld [tilespmem:s2+$0x60]  }
0x460: {  	v10 =	vmax.f32 v10, v13;
	v13 =	vmax.f32 v14, v16;
	v20 =	vld [tilespmem:s2+$0x20];
	v14 =	vmax.f32 v15, v17  }
0x461: {  	v7 =	vmax.f32 v10, v7;
	v8 =	vmax.f32 v13, v8;
	v16 =	vld [tilespmem:s2+$0x30];
	v9 =	vmax.f32 v14, v9  }
0x462: {  	v6 =	vmax.f32 v7, v6;
	v7 =	vmax.f32 v8, v3;
	v3 =	vld [tilespmem:s2+$0x40];
	v8 =	vmax.f32 v9, v4  }
0x463: {  	v10 =	vmax.f32 v6, v11;
	v14 =	vmax.f32 v7, v12;
	v4 =	vld [tilespmem:s2+$0x50];
	v15 =	vmax.f32 v8, v18  }
0x464: {  	v12 =	vld [tilespmem:s2+$0xFFFFFFE0]  }
0x465: {  	v7 =	vld [tilespmem:s2+$0xFFFFFFF0]  }
0x466: {  	v8 =	vld [tilespmem:s2+$0x0];
	v6 =	vmov v16  }
0x467: {  	v11 =	vld [tilespmem:s2+$0xFFFFFFA0]  }
0x468: {  	s1 =	sadd.s32 $0x4, s1;
	v9 =	vld [tilespmem:s2+$0x10]  }
0x469: {  	p0 =	slt.u32 s1, $0x1FC;
	v13 =	vld [tilespmem:s2+$0xFFFFFFB0]  }
.Ltmp45:
0x46a: {  	s0 =	sadd.s32 $0x100, s0;
	v16 =	vld [tilespmem:s2+$0xFFFFFFC0];
	(pc) =	sbr.rel @p0 .LBB2_47-.Ltmp45, $4  }
0x46b: {  	s3 =	sor.u32 $0x50, s0;
	v17 =	vld [tilespmem:s2+$0xFFFFFFD0]  }
0x46c: {  	v18 =	vmax.f32 v19, v11;
	v11 =	vld [tilespmem:s3+$0x8000];
	s3 =	sor.u32 $0x60, s0  }
0x46d: {  	v18 =	vmax.f32 v18, v12;
	v12 =	vld [tilespmem:s3+$0x8000];
	s3 =	sor.u32 $0x70, s0  }
0x46e: {  	s2 =	sadd.s32 $0x100, s2;
	v19 =	vmax.f32 v18, v20;
	v18 =	vld [tilespmem:s3+$0x8000]  }
0x46f: {  	v5 =	vmax.f32 v19, v5  }
0x470: {  	v10 =	vmax.f32 v10, v13;
	v60 =	vmax.f32 v14, v16;
	v61 =	vmax.f32 v15, v17  }
0x471: {  	v7 =	vmax.f32 v10, v7;
	v8 =	vmax.f32 v60, v8;
	v9 =	vmax.f32 v61, v9  }
0x472: {  	v6 =	vmax.f32 v7, v6;
	v3 =	vmax.f32 v8, v3;
	v4 =	vmax.f32 v9, v4  }
0x473: {  	v6 =	vmax.f32 v6, v11;
	v3 =	vmax.f32 v3, v12;
	v4 =	vmax.f32 v4, v18  }
0x474: {  	v5 =	vmax.f32 v5, v6;
	v3 =	vmax.f32 v3, v4  }
0x475: {  	v3 =	vmax.f32 v5, v3  }
0x476: {  	(xrf0) =	vmax.scan.msk.f32 $0xffff, v3;
	_ =	sdelay $0x4  }
0x477: {  	s3 =	simm.s32 $0x8040  }
0x478: {  	v5 =	vld [tilespmem:s3+$0xFFFFFFC0];
	v3, _, _ =	vpop (xrf0)  }
0x479: {  	v4 =	vbroadcast v3, $0xF;
	_ =	sdelay $0x1  }
0x47a: {  	v3 =	vadd.f32 $-1.001000050e+00, v4;
	_ =	sdelay $0x1  }
0x47b: {  	vm0 =	vgt.f32 v5, v3  }
0x47c: {  	v5 =	vmpcnt.ones.xlane vm0  }
0x47d: {  	s20 =	simm.s32 $0x18084;
	s24 =	simm.s32 $0x80C0  }
0x47e: {  	v6 =	vld [tilespmem:s24+$0xFFFFFFC0];
	[tilespmem:s20+$0xFFFFFFFC] =	vst.msk $0x1, v5  }
0x47f: {  	v5 =	vld [tilespmem:s3+$0xFFFFFFD0];
	_ =	sdelay $0x3  }
0x480: {  	vm0 =	vgt.f32 v6, v3  }
0x481: {  	v6 =	vmpcnt.ones.xlane vm0;
	vm0 =	vgt.f32 v5, v3  }
0x482: {  	s25 =	simm.s32 $0x8140;
	s21 =	simm.s32 $0x1808C;
	v5 =	vmpcnt.ones.xlane vm0  }
0x483: {  	v7 =	vld [tilespmem:s25+$0xFFFFFFC0];
	[tilespmem:s21+$0xFFFFFFFC] =	vst.msk $0x1, v6  }
0x484: {  	v6 =	vld [tilespmem:s24+$0xFFFFFFD0];
	[tilespmem:s20+$0xFFFFFFFD] =	vst.msk $0x1, v5  }
0x485: {  	v5 =	vld [tilespmem:s3+$0xFFFFFFE0];
	_ =	sdelay $0x2  }
0x486: {  	vm0 =	vgt.f32 v7, v3  }
0x487: {  	v7 =	vmpcnt.ones.xlane vm0;
	vm0 =	vgt.f32 v6, v3  }
0x488: {  	s26 =	simm.s32 $0x81C0;
	s22 =	simm.s32 $0x18094;
	v6 =	vmpcnt.ones.xlane vm0;
	vm0 =	vgt.f32 v5, v3  }
0x489: {  	[tilespmem:s22+$0xFFFFFFFC] =	vst.msk $0x1, v7;
	v5 =	vld [tilespmem:s26+$0xFFFFFFC0];
	v7 =	vmpcnt.ones.xlane vm0  }
0x48a: {  	v8 =	vld [tilespmem:s25+$0xFFFFFFD0];
	[tilespmem:s21+$0xFFFFFFFD] =	vst.msk $0x1, v6  }
0x48b: {  	v6 =	vld [tilespmem:s24+$0xFFFFFFE0];
	[tilespmem:s20+$0xFFFFFFFE] =	vst.msk $0x1, v7  }
0x48c: {  	v7 =	vld [tilespmem:s3+$0xFFFFFFF0];
	_ =	sdelay $0x1  }
0x48d: {  	vm0 =	vgt.f32 v5, v3  }
0x48e: {  	v5 =	vmpcnt.ones.xlane vm0;
	vm0 =	vgt.f32 v8, v3  }
0x48f: {  	s28 =	simm.s32 $0x8240;
	s23 =	simm.s32 $0x1809C;
	v8 =	vmpcnt.ones.xlane vm0;
	vm0 =	vgt.f32 v6, v3  }
0x490: {  	v6 =	vld [tilespmem:s28+$0xFFFFFFC0];
	[tilespmem:s23+$0xFFFFFFFC] =	vst.msk $0x1, v5;
	v5 =	vmpcnt.ones.xlane vm0;
	vm0 =	vgt.f32 v7, v3  }
0x491: {  	v7 =	vld [tilespmem:s26+$0xFFFFFFD0];
	[tilespmem:s22+$0xFFFFFFFD] =	vst.msk $0x1, v8;
	v8 =	vmpcnt.ones.xlane vm0  }
0x492: {  	v9 =	vld [tilespmem:s25+$0xFFFFFFE0];
	[tilespmem:s21+$0xFFFFFFFE] =	vst.msk $0x1, v5  }
0x493: {  	v5 =	vld [tilespmem:s24+$0xFFFFFFF0];
	[tilespmem:s20+$0xFFFFFFFF] =	vst.msk $0x1, v8  }
0x494: {  	v8 =	vld [tilespmem:s3+$0x0]  }
0x495: {  	vm0 =	vgt.f32 v6, v3  }
0x496: {  	v6 =	vmpcnt.ones.xlane vm0;
	vm0 =	vgt.f32 v7, v3  }
0x497: {  	s31 =	simm.s32 $0x82C0;
	s29 =	simm.s32 $0x180A4;
	v7 =	vmpcnt.ones.xlane vm0;
	vm0 =	vgt.f32 v9, v3  }
0x498: {  	v9 =	vld [tilespmem:s31+$0xFFFFFFC0];
	[tilespmem:s29+$0xFFFFFFFC] =	vst.msk $0x1, v6;
	v6 =	vmpcnt.ones.xlane vm0;
	vm0 =	vgt.f32 v5, v3  }
0x499: {  	v5 =	vld [tilespmem:s28+$0xFFFFFFD0];
	[tilespmem:s23+$0xFFFFFFFD] =	vst.msk $0x1, v7;
	v7 =	vmpcnt.ones.xlane vm0;
	vm0 =	vgt.f32 v8, v3  }
0x49a: {  	v8 =	vld [tilespmem:s26+$0xFFFFFFE0];
	[tilespmem:s22+$0xFFFFFFFE] =	vst.msk $0x1, v6;
	v6 =	vmpcnt.ones.xlane vm0  }
0x49b: {  	v10 =	vld [tilespmem:s25+$0xFFFFFFF0];
	[tilespmem:s21+$0xFFFFFFFF] =	vst.msk $0x1, v7  }
0x49c: {  	v7 =	vld [tilespmem:s24+$0x0];
	[tilespmem:s20+$0x0] =	vst.msk $0x1, v6  }
0x49d: {  	vm0 =	vgt.f32 v9, v3;
	v6 =	vld [tilespmem:s3+$0x10]  }
0x49e: {  	v9 =	vmpcnt.ones.xlane vm0;
	vm0 =	vgt.f32 v5, v3  }
0x49f: {  	s0 =	simm.s32 $0x8340;
	s30 =	simm.s32 $0x180AC;
	v5 =	vmpcnt.ones.xlane vm0;
	vm0 =	vgt.f32 v8, v3  }
0x4a0: {  	v8 =	vld [tilespmem:s0+$0xFFFFFFC0];
	[tilespmem:s30+$0xFFFFFFFC] =	vst.msk $0x1, v9;
	v9 =	vmpcnt.ones.xlane vm0;
	vm0 =	vgt.f32 v10, v3  }
0x4a1: {  	v10 =	vld [tilespmem:s31+$0xFFFFFFD0];
	[tilespmem:s29+$0xFFFFFFFD] =	vst.msk $0x1, v5;
	v5 =	vmpcnt.ones.xlane vm0;
	vm0 =	vgt.f32 v7, v3  }
0x4a2: {  	v7 =	vld [tilespmem:s28+$0xFFFFFFE0];
	[tilespmem:s23+$0xFFFFFFFE] =	vst.msk $0x1, v9;
	v9 =	vmpcnt.ones.xlane vm0;
	vm0 =	vgt.f32 v6, v3  }
0x4a3: {  	v6 =	vld [tilespmem:s26+$0xFFFFFFF0];
	[tilespmem:s22+$0xFFFFFFFF] =	vst.msk $0x1, v5;
	v5 =	vmpcnt.ones.xlane vm0  }
0x4a4: {  	v11 =	vld [tilespmem:s25+$0x0];
	[tilespmem:s21+$0x0] =	vst.msk $0x1, v9  }
0x4a5: {  	vm0 =	vgt.f32 v8, v3;
	v8 =	vld [tilespmem:s24+$0x10];
	[tilespmem:s20+$0x1] =	vst.msk $0x1, v5  }
0x4a6: {  	v5 =	vmpcnt.ones.xlane vm0;
	vm0 =	vgt.f32 v10, v3;
	v10 =	vld [tilespmem:s3+$0x20]  }
0x4a7: {  	s14 =	simm.s32 $0x83C0;
	s1 =	simm.s32 $0x180B4;
	v9 =	vmpcnt.ones.xlane vm0;
	vm0 =	vgt.f32 v7, v3  }
0x4a8: {  	v62 =	vld [tilespmem:s14+$0xFFFFFFC0];
	[tilespmem:s1+$0xFFFFFFFC] =	vst.msk $0x1, v5;
	v5 =	vmpcnt.ones.xlane vm0;
	vm0 =	vgt.f32 v6, v3  }
0x4a9: {  	v6 =	vld [tilespmem:s0+$0xFFFFFFD0];
	[tilespmem:s30+$0xFFFFFFFD] =	vst.msk $0x1, v9;
	v7 =	vmpcnt.ones.xlane vm0;
	vm0 =	vgt.f32 v11, v3  }
0x4aa: {  	v63 =	vld [tilespmem:s31+$0xFFFFFFE0];
	[tilespmem:s29+$0xFFFFFFFE] =	vst.msk $0x1, v5;
	v5 =	vmpcnt.ones.xlane vm0;
	vm0 =	vgt.f32 v8, v3  }
0x4ab: {  	v9 =	vld [tilespmem:s28+$0xFFFFFFF0];
	[tilespmem:s23+$0xFFFFFFFF] =	vst.msk $0x1, v7;
	v11 =	vmpcnt.ones.xlane vm0;
	vm0 =	vgt.f32 v10, v3  }
0x4ac: {  	v8 =	vld [tilespmem:s26+$0x0];
	[tilespmem:s22+$0x0] =	vst.msk $0x1, v5;
	v5 =	vmpcnt.ones.xlane vm0  }
0x4ad: {  	v7 =	vld [tilespmem:s25+$0x10];
	[tilespmem:s21+$0x1] =	vst.msk $0x1, v11;
	vm0 =	vgt.f32 v62, v3  }
0x4ae: {  	vm1 =	vgt.f32 v6, v3;
	v6 =	vld [tilespmem:s24+$0x20];
	v11 =	vmpcnt.ones.xlane vm0;
	[tilespmem:s20+$0x2] =	vst.msk $0x1, v5  }
0x4af: {  	s4 =	simm.s32 $0x38;
	s5 =	simm.s32 $0x8440;
	s2 =	simm.s32 $0x180BC;
	v10 =	vmpcnt.ones.xlane vm1;
	vm0 =	vgt.f32 v63, v3;
	v5 =	vld [tilespmem:s3+$0x30]  }
.LBB2_49:
0x4b0: {  	v12 =	vld [tilespmem:s5+$0xFFFFFFC0];
	s4 =	sadd.s32 $0x8, s4;
	[tilespmem:s2+$0xFFFFFFFC] =	vst.msk $0x1, v11;
	v11 =	vmpcnt.ones.xlane vm0;
	vm0 =	vgt.f32 v9, v3;
	s3 =	smov.u32 s25;
	s25 =	smov.u32 s26  }
0x4b1: {  	s26 =	smov.u32 s28;
	s28 =	smov.u32 s31;
	p0 =	slt.u32 s4, $0x7F8;
	v13 =	vld [tilespmem:s14+$0xFFFFFFD0];
	[tilespmem:s1+$0xFFFFFFFD] =	vst.msk $0x1, v10;
	v10 =	vmpcnt.ones.xlane vm0;
	vm0 =	vgt.f32 v8, v3  }
0x4b2: {  	s31 =	smov.u32 s0;
	v14 =	vld [tilespmem:s0+$0xFFFFFFE0];
	[tilespmem:s30+$0xFFFFFFFE] =	vst.msk $0x1, v11;
	v11 =	vmpcnt.ones.xlane vm0;
	vm0 =	vgt.f32 v7, v3;
	s0 =	smov.u32 s14;
	s14 =	smov.u32 s5  }
.Ltmp46:
0x4b3: {  	s6 =	smov.u32 s20;
	s20 =	smov.u32 s21;
	v9 =	vld [tilespmem:s28+$0xFFFFFFF0];
	[tilespmem:s29+$0xFFFFFFFF] =	vst.msk $0x1, v10;
	v10 =	vmpcnt.ones.xlane vm0;
	vm0 =	vgt.f32 v6, v3;
	(pc) =	sbr.rel @p0 .LBB2_49-.Ltmp46, $4  }
0x4b4: {  	s21 =	smov.u32 s22;
	s22 =	smov.u32 s23;
	v8 =	vld [tilespmem:s26+$0x0];
	[tilespmem:s23+$0x0] =	vst.msk $0x1, v11;
	v15 =	vmpcnt.ones.xlane vm0;
	vm0 =	vgt.f32 v5, v3;
	s23 =	smov.u32 s29  }
0x4b5: {  	s29 =	smov.u32 s30;
	s30 =	smov.u32 s1;
	s1 =	smov.u32 s2;
	vm1 =	vgt.f32 v12, v3;
	v7 =	vld [tilespmem:s25+$0x10];
	[tilespmem:s21+$0x1] =	vst.msk $0x1, v10;
	v12 =	vmpcnt.ones.xlane vm0  }
0x4b6: {  	v11 =	vmpcnt.ones.xlane vm1;
	vm0 =	vgt.f32 v13, v3;
	v6 =	vld [tilespmem:s3+$0x20];
	[tilespmem:s20+$0x2] =	vst.msk $0x1, v15  }
0x4b7: {  	s5 =	sadd.s32 $0x80, s5;
	s2 =	sadd.s32 $0x8, s2;
	v10 =	vmpcnt.ones.xlane vm0;
	vm0 =	vgt.f32 v14, v3;
	v5 =	vld [tilespmem:s24+$0x30];
	[tilespmem:s6+$0x3] =	vst.msk $0x1, v12;
	s24 =	smov.u32 s3  }
0x4b8: {  	[tilespmem:s2+$0xFFFFFFFC] =	vst.msk $0x1, v11  }
0x4b9: {  	v11 =	vld [tilespmem:s14+$0xFFFFFFD0];
	_ =	sdelay $0x4  }
0x4ba: {  	vm1 =	vgt.f32 v11, v3  }
0x4bb: {  	[tilespmem:s1+$0xFFFFFFFD] =	vst.msk $0x1, v10;
	v11 =	vmpcnt.ones.xlane vm1  }
0x4bc: {  	v10 =	vld [tilespmem:s0+$0xFFFFFFE0]  }
0x4bd: {  	[tilespmem:s2+$0xFFFFFFFD] =	vst.msk $0x1, v11  }
0x4be: {  	v11 =	vld [tilespmem:s14+$0xFFFFFFE0]  }
0x4bf: {  	v12 =	vmpcnt.ones.xlane vm0;
	_ =	sdelay $0x1  }
0x4c0: {  	[tilespmem:s30+$0xFFFFFFFE] =	vst.msk $0x1, v12;
	vm8 =	vgt.f32 v10, v3  }
0x4c1: {  	v12 =	vld [tilespmem:s31+$0xFFFFFFF0];
	v10 =	vmpcnt.ones.xlane vm8  }
0x4c2: {  	vm9 =	vgt.f32 v11, v3  }
0x4c3: {  	[tilespmem:s1+$0xFFFFFFFE] =	vst.msk $0x1, v10;
	v11 =	vmpcnt.ones.xlane vm9  }
0x4c4: {  	v10 =	vld [tilespmem:s0+$0xFFFFFFF0]  }
0x4c5: {  	[tilespmem:s2+$0xFFFFFFFE] =	vst.msk $0x1, v11  }
0x4c6: {  	vm11 =	vgt.f32 v12, v3;
	v11 =	vld [tilespmem:s14+$0xFFFFFFF0]  }
0x4c7: {  	vm10 =	vgt.f32 v9, v3;
	v12 =	vmpcnt.ones.xlane vm11  }
0x4c8: {  	v9 =	vmpcnt.ones.xlane vm10  }
0x4c9: {  	[tilespmem:s30+$0xFFFFFFFF] =	vst.msk $0x1, v12;
	vm12 =	vgt.f32 v10, v3  }
0x4ca: {  	[tilespmem:s29+$0xFFFFFFFF] =	vst.msk $0x1, v9;
	v12 =	vld [tilespmem:s31+$0x0];
	v9 =	vmpcnt.ones.xlane vm12  }
0x4cb: {  	v10 =	vld [tilespmem:s28+$0x0];
	vm13 =	vgt.f32 v11, v3  }
0x4cc: {  	[tilespmem:s1+$0xFFFFFFFF] =	vst.msk $0x1, v9;
	v11 =	vmpcnt.ones.xlane vm13  }
0x4cd: {  	vm14 =	vgt.f32 v8, v3;
	v9 =	vld [tilespmem:s0+$0x0]  }
0x4ce: {  	v8 =	vmpcnt.ones.xlane vm14;
	[tilespmem:s2+$0xFFFFFFFF] =	vst.msk $0x1, v11  }
0x4cf: {  	vm4 =	vgt.f32 v12, v3;
	v11 =	vld [tilespmem:s14+$0x0]  }
0x4d0: {  	[tilespmem:s23+$0x0] =	vst.msk $0x1, v8;
	v8 =	vmpcnt.ones.xlane vm4;
	vm15 =	vgt.f32 v10, v3  }
0x4d1: {  	v10 =	vmpcnt.ones.xlane vm15  }
0x4d2: {  	[tilespmem:s30+$0x0] =	vst.msk $0x1, v8;
	vm5 =	vgt.f32 v9, v3;
	v9 =	vld [tilespmem:s26+$0x10]  }
0x4d3: {  	[tilespmem:s29+$0x0] =	vst.msk $0x1, v10;
	v10 =	vmpcnt.ones.xlane vm5  }
0x4d4: {  	v62 =	vld [tilespmem:s31+$0x10];
	vm6 =	vgt.f32 v11, v3  }
0x4d5: {  	[tilespmem:s1+$0x0] =	vst.msk $0x1, v10;
	v11 =	vld [tilespmem:s28+$0x10];
	v8 =	vmpcnt.ones.xlane vm6  }
0x4d6: {  	v10 =	vld [tilespmem:s0+$0x10]  }
0x4d7: {  	vm8 =	vgt.f32 v9, v3;
	[tilespmem:s2+$0x0] =	vst.msk $0x1, v8  }
0x4d8: {  	vm7 =	vgt.f32 v7, v3;
	v9 =	vmpcnt.ones.xlane vm8;
	v7 =	vld [tilespmem:s14+$0x10]  }
0x4d9: {  	vm10 =	vgt.f32 v62, v3;
	v8 =	vmpcnt.ones.xlane vm7  }
0x4da: {  	[tilespmem:s23+$0x1] =	vst.msk $0x1, v9;
	v9 =	vmpcnt.ones.xlane vm10;
	vm9 =	vgt.f32 v11, v3  }
0x4db: {  	vm11 =	vgt.f32 v10, v3;
	v10 =	vld [tilespmem:s26+$0x20];
	[tilespmem:s22+$0x1] =	vst.msk $0x1, v8;
	v8 =	vmpcnt.ones.xlane vm9  }
0x4dc: {  	[tilespmem:s30+$0x1] =	vst.msk $0x1, v9;
	v11 =	vld [tilespmem:s25+$0x20]  }
0x4dd: {  	v63 =	vld [tilespmem:s31+$0x20];
	[tilespmem:s29+$0x1] =	vst.msk $0x1, v8;
	v8 =	vmpcnt.ones.xlane vm11;
	vm12 =	vgt.f32 v7, v3  }
0x4de: {  	vm13 =	vgt.f32 v6, v3;
	v7 =	vld [tilespmem:s28+$0x20];
	v9 =	vmpcnt.ones.xlane vm12  }
0x4df: {  	[tilespmem:s1+$0x1] =	vst.msk $0x1, v8;
	v8 =	vmpcnt.ones.xlane vm13  }
0x4e0: {  	vm15 =	vgt.f32 v10, v3;
	v6 =	vld [tilespmem:s0+$0x20];
	[tilespmem:s2+$0x1] =	vst.msk $0x1, v9  }
0x4e1: {  	vm14 =	vgt.f32 v11, v3;
	[tilespmem:s21+$0x2] =	vst.msk $0x1, v8;
	v8 =	vmpcnt.ones.xlane vm15;
	v9 =	vld [tilespmem:s14+$0x20]  }
0x4e2: {  	vm5 =	vgt.f32 v63, v3;
	v11 =	vmpcnt.ones.xlane vm14  }
0x4e3: {  	vm4 =	vgt.f32 v7, v3;
	[tilespmem:s23+$0x2] =	vst.msk $0x1, v8;
	v8 =	vmpcnt.ones.xlane vm5  }
0x4e4: {  	v7 =	vld [tilespmem:s24+$0x30];
	[tilespmem:s22+$0x2] =	vst.msk $0x1, v11;
	v10 =	vmpcnt.ones.xlane vm4  }
0x4e5: {  	v11 =	vld [tilespmem:s25+$0x30];
	vm6 =	vgt.f32 v6, v3;
	[tilespmem:s30+$0x2] =	vst.msk $0x1, v8  }
0x4e6: {  	v6 =	vld [tilespmem:s26+$0x30];
	[tilespmem:s29+$0x2] =	vst.msk $0x1, v10;
	v10 =	vmpcnt.ones.xlane vm6;
	vm7 =	vgt.f32 v9, v3  }
0x4e7: {  	vm8 =	vgt.f32 v5, v3;
	v5 =	vld [tilespmem:s31+$0x30];
	v8 =	vmpcnt.ones.xlane vm7  }
0x4e8: {  	v9 =	vld [tilespmem:s28+$0x30];
	[tilespmem:s1+$0x2] =	vst.msk $0x1, v10  }
0x4e9: {  	v10 =	vmpcnt.ones.xlane vm8;
	vm9 =	vgt.f32 v7, v3;
	v7 =	vld [tilespmem:s0+$0x30];
	[tilespmem:s2+$0x2] =	vst.msk $0x1, v8  }
0x4ea: {  	vm10 =	vgt.f32 v11, v3;
	v8 =	vmpcnt.ones.xlane vm9;
	v11 =	vld [tilespmem:s14+$0x30]  }
0x4eb: {  	[tilespmem:s20+$0x3] =	vst.msk $0x1, v10;
	v10 =	vmpcnt.ones.xlane vm10;
	vm11 =	vgt.f32 v6, v3  }
0x4ec: {  	v6 =	vmpcnt.ones.xlane vm11;
	vm13 =	vgt.f32 v5, v3;
	[tilespmem:s21+$0x3] =	vst.msk $0x1, v8  }
0x4ed: {  	vm12 =	vgt.f32 v9, v3;
	[tilespmem:s22+$0x3] =	vst.msk $0x1, v10;
	v5 =	vmpcnt.ones.xlane vm13  }
0x4ee: {  	v8 =	vmpcnt.ones.xlane vm12;
	[tilespmem:s23+$0x3] =	vst.msk $0x1, v6;
	vm14 =	vgt.f32 v7, v3  }
0x4ef: {  	[tilespmem:s30+$0x3] =	vst.msk $0x1, v5;
	v6 =	vmpcnt.ones.xlane vm14;
	vm15 =	vgt.f32 v11, v3  }
0x4f0: {  	[tilespmem:s29+$0x3] =	vst.msk $0x1, v8;
	v5 =	vmpcnt.ones.xlane vm15  }
0x4f1: {  	[tilespmem:s1+$0x3] =	vst.msk $0x1, v6  }
0x4f2: {  	[tilespmem:s2+$0x3] =	vst.msk $0x1, v5  }
0x4f3: {  	_ =	swait.ge [sflag:s18], $0x8000  }
0x4f4: {  	[sflag:s18] =	ssyncset.done $0x0  }
0x4f5: {  	s2 =	simm.s32 $0x0;
	[sflag:s18] =	ssyncadd.s32 $0xFFFF8000  }
0x4f6: {  	s0 =	simm.s32 $0x10;
	v6 =	vld [tilespmem:s2+$0x18080]  }
0x4f7: {  	v5 =	vld [tilespmem:s0+$0x18080];
	_ =	sdelay $0x3  }
0x4f8: {  	(xrf0) =	vadd.scan.msk.s32 $0xffff, v6  }
0x4f9: {  	(xrf0) =	vadd.scan.msk.s32 $0xffff, v5;
	_ =	sdelay $0x4  }
0x4fa: {  	s1 =	simm.s32 $0x20;
	v10, _, _ =	vpop (xrf0)  }
0x4fb: {  	v8 =	vld [tilespmem:s1+$0x18080];
	(v2sf) =	vpush v10, $0xF;
	v9, _, _ =	vpop (xrf0)  }
0x4fc: {  	(v2sf) =	vpush v9, $0xF;
	_ =	sdelay $0x3  }
0x4fd: {  	s3 =	simm.s32 $0x30;
	(xrf0) =	vadd.scan.msk.s32 $0xffff, v8  }
0x4fe: {  	v7 =	vld [tilespmem:s3+$0x18080];
	_ =	sdelay $0x3  }
0x4ff: {  	s4 =	simm.s32 $0x0;
	s5 =	simm.s32 $0x100  }
.LBB2_51:
0x500: {  	s6 =	sshra.s32 s5, $0x2;
	p0 =	sne.s32 s5, $0x1FC0;
	s5 =	sadd.s32 $0x40, s5;
	(xrf0) =	vadd.scan.msk.s32 $0xffff, v7;
	v11, _, _ =	vpop (xrf0);
	v12 =	vsub.s32 s4, v6;
	v6 =	vmov v5;
	v5 =	vmov v8  }
.Ltmp47:
0x501: {  	v8 =	vmovc v7;
	(v2sf) =	vpush v11, $0xF;
	v12 =	vadd.s32 v10, v12;
	v10 =	vmovc v9;
	v9 =	vmov v11;
	v7 =	vld [tilespmem:s6+$0x18080];
	(pc) =	sbr.rel @p0 .LBB2_51-.Ltmp47, $4  }
0x502: {  	[tilespmem:s2+$0x18900] =	vst v12;
	s2 =	smov.u32 s0;
	s0 =	smov.u32 s1;
	s1 =	smov.u32 s3  }
0x503: {  	s3 =	smov.u32 s6  }
0x504: {  	s6 =	spop (v2sf)  }
0x505: {  	s4 =	sadd.s32 s4, s6  }
0x506: {  	v11, _, _ =	vpop (xrf0)  }
0x507: {  	(v2sf) =	vpush v11, $0xF;
	_ =	sdelay $0xa  }
0x508: {  	(xrf0) =	vadd.scan.msk.s32 $0xffff, v7;
	_ =	sdelay $0x1  }
0x509: {  	s5 =	spop (v2sf)  }
0x50a: {  	v6 =	vsub.s32 s4, v6;
	s23 =	sadd.s32 s4, s5;
	s24 =	spop (v2sf)  }
0x50b: {  	v6 =	vadd.s32 v10, v6;
	v5 =	vsub.s32 s23, v5;
	s4 =	sadd.s32 s23, s24;
	s25 =	spop (v2sf)  }
0x50c: {  	[tilespmem:s2+$0x18900] =	vst v6;
	v5 =	vadd.s32 v9, v5;
	v6 =	vsub.s32 s4, v8;
	s26 =	sadd.s32 s4, s25  }
0x50d: {  	[tilespmem:s0+$0x18900] =	vst v5;
	v8, _, _ =	vpop (xrf0);
	v5 =	vadd.s32 v11, v6;
	v6 =	vsub.s32 s26, v7  }
0x50e: {  	[tilespmem:s1+$0x18900] =	vst v5;
	v5 =	vadd.s32 v8, v6  }
0x50f: {  	s28 =	simm.s32 $0x18904;
	[tilespmem:s3+$0x18900] =	vst v5  }
0x510: {  	v5 =	vld [tilespmem:s28+$0x3]  }
0x511: {  	v6 =	vld [tilespmem:s28+$0xFFFFFFFC]  }
0x512: {  	v7 =	vld [tilespmem:s28+$0xFFFFFFFD];
	_ =	sdelay $0x1  }
0x513: {  	(v2sf) =	vpush v8, $0xF  }
0x514: {  	v9 =	vld [tilespmem:s28+$0xFFFFFFFE];
	(v2sf) =	vpush v5, $0x0  }
0x515: {  	v8 =	vld [tilespmem:s28+$0xFFFFFFFF];
	(v2sf) =	vpush v6, $0x0  }
0x516: {  	v10 =	vld [tilespmem:s28+$0x0];
	(v2sf) =	vpush v7, $0x0;
	_ =	sdelay $0x1  }
0x517: {  	v5 =	vld [tilespmem:s28+$0x1]  }
0x518: {  	v6 =	vld [tilespmem:s28+$0x2];
	(v2sf) =	vpush v9, $0x0  }
0x519: {  	(v2sf) =	vpush v8, $0x0  }
0x51a: {  	(v2sf) =	vpush v10, $0x0  }
0x51b: {  	s30 =	simm.s32 $0x1890C  }
0x51c: {  	v11 =	vld [tilespmem:s30+$0x0];
	(v2sf) =	vpush v5, $0x0  }
0x51d: {  	(v2sf) =	vpush v6, $0x0;
	v6 =	vld [tilespmem:s30+$0x3]  }
0x51e: {  	v7 =	vld [tilespmem:s30+$0xFFFFFFFC]  }
0x51f: {  	v8 =	vld [tilespmem:s30+$0xFFFFFFFD]  }
0x520: {  	v9 =	vld [tilespmem:s30+$0xFFFFFFFE]  }
0x521: {  	s6 =	spop (v2sf);
	v10 =	vld [tilespmem:s30+$0xFFFFFFFF]  }
0x522: {  	v12 =	vld [tilespmem:s30+$0x1];
	s31 =	spop (v2sf);
	(v2sf) =	vpush v6, $0x0  }
0x523: {  	s29 =	simm.s32 $0x8040;
	v13 =	vld [tilespmem:s30+$0x2];
	s1 =	spop (v2sf);
	(v2sf) =	vpush v7, $0x0  }
0x524: {  	v5 =	vld [tilespmem:s29+$0x30];
	s14 =	spop (v2sf);
	(v2sf) =	vpush v8, $0x0  }
0x525: {  	v14 =	vld [tilespmem:s29+$0xFFFFFFD0];
	(v2sf) =	vpush v9, $0x0  }
0x526: {  	v15 =	vld [tilespmem:s29+$0xFFFFFFE0];
	(v2sf) =	vpush v10, $0x0  }
0x527: {  	v8 =	vld [tilespmem:s29+$0xFFFFFFF0];
	s22 =	spop (v2sf);
	(v2sf) =	vpush v11, $0x0  }
0x528: {  	v6 =	vld [tilespmem:s29+$0x0];
	s4 =	spop (v2sf);
	(v2sf) =	vpush v12, $0x0  }
0x529: {  	vm0 =	vgt.f32 v5, v3;
	v9 =	vld [tilespmem:s29+$0x10];
	s5 =	spop (v2sf);
	(v2sf) =	vpush v13, $0x0  }
0x52a: {  	[tilespmem:s31+$0x10000] =	vst.msk vm0, v5;
	vm0 =	vgt.f32 v14, v3;
	v7 =	vld [tilespmem:s29+$0x20]  }
0x52b: {  	s2 =	simm.s32 $0x80C0;
	s3 =	simm.s32 $0x8;
	v5 =	vld [tilespmem:s29+$0xFFFFFFC0];
	[tilespmem:s14+$0x10000] =	vst.msk vm0, v14;
	vm0 =	vgt.f32 v15, v3;
	s20 =	spop (v2sf)  }
0x52c: {  	s0 =	sadd.s32 s26, s6;
	s14 =	simm.s32 $0x18914;
	v10 =	vld [tilespmem:s2+$0x30];
	[tilespmem:s22+$0x10000] =	vst.msk vm0, v15;
	s21 =	spop (v2sf);
	vm0 =	vgt.f32 v8, v3  }
.LBB2_53:
0x52d: {  	v11 =	vld [tilespmem:s14+$0x3];
	s3 =	sadd.s32 $0x8, s3;
	[tilespmem:s4+$0x10000] =	vst.msk vm0, v8;
	vm0 =	vgt.f32 v6, v3  }
0x52e: {  	v8 =	vld [tilespmem:s14+$0xFFFFFFFC];
	p0 =	slt.u32 s3, $0x7F8;
	[tilespmem:s5+$0x10000] =	vst.msk vm0, v6;
	vm0 =	vgt.f32 v9, v3  }
0x52f: {  	v6 =	vld [tilespmem:s14+$0xFFFFFFFD];
	[tilespmem:s20+$0x10000] =	vst.msk vm0, v9;
	vm0 =	vgt.f32 v7, v3  }
0x530: {  	v9 =	vld [tilespmem:s14+$0xFFFFFFFE];
	vm1 =	vgt.f32 v5, v3;
	[tilespmem:s21+$0x10000] =	vst.msk vm0, v7  }
0x531: {  	v7 =	vld [tilespmem:s14+$0xFFFFFFFF];
	vm0 =	vgt.f32 v10, v3;
	s4 =	spop (v2sf);
	[tilespmem:s1+$0x10000] =	vst.msk vm1, v5  }
0x532: {  	v5 =	vld [tilespmem:s14+$0x0];
	(v2sf) =	vpush v11, $0x0;
	[tilespmem:s4+$0x10000] =	vst.msk vm0, v10;
	s1 =	spop (v2sf)  }
0x533: {  	v10 =	vld [tilespmem:s14+$0x1];
	(v2sf) =	vpush v8, $0x0;
	s6 =	spop (v2sf)  }
0x534: {  	v11 =	vld [tilespmem:s14+$0x2];
	(v2sf) =	vpush v6, $0x0;
	s22 =	spop (v2sf)  }
0x535: {  	(v2sf) =	vpush v9, $0x0;
	v12 =	vld [tilespmem:s2+$0xFFFFFFD0];
	s4 =	spop (v2sf)  }
0x536: {  	(v2sf) =	vpush v7, $0x0;
	v13 =	vld [tilespmem:s2+$0xFFFFFFE0];
	s5 =	spop (v2sf)  }
0x537: {  	(v2sf) =	vpush v5, $0x0;
	v8 =	vld [tilespmem:s2+$0xFFFFFFF0];
	s20 =	spop (v2sf)  }
.Ltmp48:
0x538: {  	(v2sf) =	vpush v10, $0x0;
	v6 =	vld [tilespmem:s2+$0x0];
	s21 =	spop (v2sf);
	(pc) =	sbr.rel @p0 .LBB2_53-.Ltmp48, $4  }
0x539: {  	(v2sf) =	vpush v11, $0x0;
	v9 =	vld [tilespmem:s2+$0x10]  }
0x53a: {  	vm0 =	vgt.f32 v12, v3;
	v7 =	vld [tilespmem:s2+$0x20]  }
0x53b: {  	v5 =	vld [tilespmem:s2+$0xFFFFFFC0];
	[tilespmem:s6+$0x10000] =	vst.msk vm0, v12;
	vm0 =	vgt.f32 v13, v3;
	s2 =	sadd.s32 $0x80, s2  }
0x53c: {  	s14 =	sadd.s32 $0x8, s14;
	v10 =	vld [tilespmem:s2+$0x30];
	[tilespmem:s22+$0x10000] =	vst.msk vm0, v13;
	vm0 =	vgt.f32 v8, v3  }
0x53d: {  	[tilespmem:s4+$0x10000] =	vst.msk vm0, v8;
	vm5 =	vgt.f32 v6, v3;
	v11 =	vld [tilespmem:s2+$0xFFFFFFC0]  }
0x53e: {  	v61 =	vld [tilespmem:s2+$0xFFFFFFD0];
	[tilespmem:s5+$0x10000] =	vst.msk vm5, v6;
	vm6 =	vgt.f32 v9, v3  }
0x53f: {  	v6 =	vld [tilespmem:s2+$0xFFFFFFE0];
	[tilespmem:s20+$0x10000] =	vst.msk vm6, v9;
	vm7 =	vgt.f32 v7, v3  }
0x540: {  	v62 =	vld [tilespmem:s2+$0xFFFFFFF0];
	vm1 =	vgt.f32 v5, v3;
	[tilespmem:s21+$0x10000] =	vst.msk vm7, v7  }
0x541: {  	v7 =	vld [tilespmem:s2+$0x0];
	s3 =	spop (v2sf);
	vm8 =	vgt.f32 v10, v3;
	[tilespmem:s1+$0x10000] =	vst.msk vm1, v5  }
0x542: {  	v5 =	vld [tilespmem:s2+$0x10];
	s23 =	spop (v2sf);
	[tilespmem:s3+$0x10000] =	vst.msk vm8, v10;
	vm15 =	vgt.f32 v11, v3  }
0x543: {  	v63 =	vld [tilespmem:s2+$0x20];
	vm9 =	vgt.f32 v61, v3;
	s24 =	spop (v2sf);
	[tilespmem:s23+$0x10000] =	vst.msk vm15, v11  }
0x544: {  	vm10 =	vgt.f32 v6, v3;
	s25 =	spop (v2sf);
	[tilespmem:s24+$0x10000] =	vst.msk vm9, v61  }
0x545: {  	vm11 =	vgt.f32 v62, v3;
	s26 =	spop (v2sf);
	[tilespmem:s25+$0x10000] =	vst.msk vm10, v6  }
.Ltmp49:
0x546: {  	vm12 =	vgt.f32 v7, v3;
	s28 =	spop (v2sf);
	[tilespmem:s26+$0x10000] =	vst.msk vm11, v62;
	(pc) =	sbr.rel .LBB2_55-.Ltmp49, $4  }
0x547: {  	vm13 =	vgt.f32 v5, v3;
	s29 =	spop (v2sf);
	[tilespmem:s28+$0x10000] =	vst.msk vm12, v7  }
0x548: {  	s31 =	sadd.s32 $0xF, s0;
	vm14 =	vgt.f32 v63, v3;
	s30 =	spop (v2sf);
	[tilespmem:s29+$0x10000] =	vst.msk vm13, v5  }
0x549: {  	s1 =	sshrl.u32 s31, $0x4;
	[tilespmem:s30+$0x10000] =	vst.msk vm14, v63  }
0x54a: {  	v4 =	vadd.f32 $1.000000050e-03, v4;
	p0 =	seq.s32 s1, $0x0;
	[tilespmem:s0+$0x10000] =	vst v0;
	s0 =	simm.s32 $0x0  }
.LBB2_83:
0x54b: {  	vm0 =	vgt.f32 v7, v5  }
0x54c: {  	v7 =	vnsel vm0, $0x0, v8  }
0x54d: {  	v6 =	vadd.f32 v7, v6  }
.LBB2_56:
0x54e: {  	_ = 	snop  }
0x54f: {  	(xrf2) =	vadd.scan.msk.f32 $0xffff, v6;
	_ =	sdelay $0x9  }
0x550: {  	v6, _, _ =	vpop (xrf2)  }
0x551: {  	s0 =	sadd.s32 $0x1, s0;
	vm0 =	vgt.f32 v6, $1.000000000e+00  }
0x552: {  	p1 =	seq.s32 s0, $0x19;
	v6 =	vsel vm0, $0x1, v1  }
.Ltmp50:
0x553: {  	v6 =	vbroadcast v6, $0xF;
	(pc) =	sbr.rel @p1 .LBB2_57-.Ltmp50, $4  }
0x554: {  	_ = 	snop  }
0x555: {  	v6 =	vand.u32 $0x1, v6  }
0x556: {  	vm15 =	veq.s32 v6, $0x1  }
0x557: {  	v3 =	vsel vm15, v5, v3;
	v4 =	vsel vm15, v4, v5  }
.LBB2_55:
.Ltmp51:
0x558: {  	_ = 	snop;
	(pc) =	sbr.rel @p0 .LBB2_56-.Ltmp51, $3  }
0x559: {  	v5 =	vadd.f32 v4, v3;
	_ =	sdelay $0x1  }
0x55a: {  	v5 =	vmul.f32 $5.000000000e-01, v5  }
0x55b: {  	v6 =	vimm.f32 $0.0e+00  }
0x55c: {  	s2 =	simm.s32 $0x10000  }
0x55d: {  	p1 =	seq.s32 s1, $0x1;
	v7 =	vld [tilespmem:s2+$0x0]  }
.Ltmp52:
0x55e: {  	_ = 	snop;
	(pc) =	sbr.rel @p1 .LBB2_83-.Ltmp52, $2  }
0x55f: {  	_ =	sdelay $0x2  }
0x560: {  	s3 =	simm.s32 $0x10010;
	s2 =	sadd.s32 $0xFFFFFFFF, s1;
	v8 =	vsub.f32 v7, v5  }
.LBB2_82:
0x561: {  	p1 =	seq.s32 s2, $0x1;
	s2 =	sadd.s32 $0xFFFFFFFF, s2;
	vm0 =	vgt.f32 v7, v5;
	v7 =	vld [tilespmem:s3+$0x0]  }
.Ltmp53:
0x562: {  	v8 =	vnsel vm0, $0x0, v8;
	(pc) =	sbr.rel @!p1 .LBB2_82-.Ltmp53, $2  }
0x563: {  	v6 =	vadd.f32 v8, v6;
	_ =	sdelay $0x2  }
0x564: {  	s3 =	sadd.s32 $0x10, s3;
	v8 =	vsub.f32 v7, v5  }
.Ltmp54:
0x565: {  	_ = 	snop;
	(pc) =	sbr.rel .LBB2_83-.Ltmp54, $1  }
0x566: {  	_ =	sdelay $0x3  }
.LBB2_57:
.Ltmp55:
0x567: {  	(pc) =	sbr.rel @p0 .LBB2_58-.Ltmp55, $2  }
0x568: {  	_ =	sdelay $0x2  }
0x569: {  	v3 =	vadd.f32 $-9.999999970e-07, v3  }
0x56a: {  	s0 =	simm.s32 $0x10000  }
0x56b: {  	p0 =	seq.s32 s1, $0x1;
	v11 =	vld [tilespmem:s0+$0x0]  }
.Ltmp56:
0x56c: {  	_ = 	snop;
	(pc) =	sbr.rel @p0 .LBB2_86-.Ltmp56, $4  }
0x56d: {  	v7 =	vadd.f32 $9.999999970e-07, v4  }
0x56e: {  	v5 =	vimm.f32 $0.0e+00;
	v4 =	vimm.f32 $3.000000010e+38;
	v6 =	vimm.f32 $-3.000000010e+38  }
0x56f: {  	v8 =	vimm.f32 $0.0e+00;
	v9 =	vimm.f32 $0.0e+00;
	v10 =	vimm.f32 $0.0e+00  }
0x570: {  	s0 =	sadd.s32 $0xFFFFFFFF, s1;
	s1 =	simm.s32 $0x10010;
	v12 =	vsub.f32 v11, v3;
	vm0 =	vgt.f32 v11, v3;
	vm1 =	vlt.f32 v11, v7  }
.LBB2_85:
0x571: {  	p0 =	seq.s32 s0, $0x1;
	s0 =	sadd.s32 $0xFFFFFFFF, s0;
	vm2 =	vge.f32 v11, v7;
	v11 =	vld [tilespmem:s1+$0x0];
	vm0 =	vmand vm0, vm1  }
.Ltmp57:
0x572: {  	v13 =	vnsel vm2, $0x0, v12;
	v14 =	vsel vm0, $0x3F800000, v2;
	v15 =	vnsel vm0, $0xFF61B1E6, v12;
	(pc) =	sbr.rel @!p0 .LBB2_85-.Ltmp57, $4  }
0x573: {  	v16 =	vnsel vm0, $0x0, v12;
	v12 =	vnsel vm0, $0x7F61B1E6, v12;
	v6 =	vmax.f32 v6, v15  }
0x574: {  	v15 =	vsel vm2, $0x3F800000, v2;
	v5 =	vadd.f32 v13, v5;
	v8 =	vadd.f32 v14, v8  }
0x575: {  	v10 =	vadd.f32 v16, v10;
	v4 =	vmin.f32 v4, v12;
	v9 =	vadd.f32 v15, v9  }
0x576: {  	s1 =	sadd.s32 $0x10, s1;
	v12 =	vsub.f32 v11, v3;
	vm0 =	vgt.f32 v11, v3;
	vm1 =	vlt.f32 v11, v7  }
.LBB2_86:
.Ltmp58:
0x577: {  	vm2 =	vge.f32 v11, v7;
	vm0 =	vmand vm0, vm1;
	(pc) =	sbr.rel .LBB2_59-.Ltmp58, $4  }
0x578: {  	v7 =	vnsel vm2, $0x0, v12;
	v11 =	vsel vm0, $0x3F800000, v2;
	v13 =	vnsel vm0, $0xFF61B1E6, v12  }
0x579: {  	v14 =	vnsel vm0, $0x0, v12;
	v62 =	vnsel vm0, $0x7F61B1E6, v12;
	v63 =	vsel vm2, $0x3F800000, v2  }
0x57a: {  	v6 =	vmax.f32 v6, v13;
	v7 =	vadd.f32 v7, v5;
	v8 =	vadd.f32 v11, v8  }
0x57b: {  	v9 =	vadd.f32 v63, v9;
	v5 =	vadd.f32 v14, v10;
	v4 =	vmin.f32 v4, v62  }
.LBB2_58:
0x57c: {  	v6 =	vimm.f32 $-3.000000010e+38;
	v4 =	vimm.f32 $3.000000010e+38;
	v9 =	vimm.f32 $0.0e+00  }
0x57d: {  	v7 =	vimm.f32 $0.0e+00;
	v8 =	vimm.f32 $0.0e+00;
	v5 =	vimm.f32 $0.0e+00  }
.LBB2_59:
0x57e: {  	_ = 	snop  }
0x57f: {  	(xrf2) =	vadd.scan.msk.f32 $0xffff, v9  }
0x580: {  	(xrf2) =	vadd.scan.msk.f32 $0xffff, v7  }
0x581: {  	(xrf2) =	vadd.scan.msk.f32 $0xffff, v8;
	_ =	sdelay $0x7  }
0x582: {  	v7, _, _ =	vpop (xrf2)  }
0x583: {  	v8, _, _ =	vpop (xrf2)  }
0x584: {  	v9, _, _ =	vpop (xrf2)  }
0x585: {  	v7 =	vbroadcast v7, $0xF;
	v9 =	vbroadcast v9, $0xF  }
0x586: {  	(xrf2) =	vadd.scan.msk.f32 $0xffff, v5  }
0x587: {  	(xrf0) =	vmin.scan.msk.f32 $0xffff, v4;
	v4 =	vadd.f32 v9, v7  }
0x588: {  	(xrf0) =	vmax.scan.msk.f32 $0xffff, v6;
	v5 =	vmax.f32 v7, $1.000000000e+00  }
0x589: {  	v6 =	vadd.f32 $1.000000000e+00, v7;
	(erf) = vrcp.f32 v5;
	v5 =	vmax.f32 v4, $1.000000000e+00  }
0x58a: {  	(erf) = vrcp.f32 v5  }
0x58b: {  	(erf) = vrcp.f32 v6;
	_ =	sdelay $0x1  }
0x58c: {  	v5, _, _ =	vpop (xrf0)  }
0x58d: {  	v6, _, _ =	vpop (xrf0)  }
0x58e: {  	v10 =	vbroadcast v8, $0xF;
	v6 =	vbroadcast v6, $0xF  }
0x58f: {  	v11, _, _ =	vpop (xrf2)  }
0x590: {  	v8 =	vadd.f32 v11, v8;
	v12 =	vadd.f32 v6, v10  }
0x591: {  	v13 =	vpop (erf)  }
0x592: {  	v8 =	vadd.f32 $-1.000000000e+00, v8;
	v12 =	vadd.f32 $-1.000000000e+00, v12;
	v11 =	vpop (erf)  }
0x593: {  	vm0 =	vgt.f32 v9, $0.0e+00;
	v14 =	vpop (erf)  }
0x594: {  	vm2 =	veq.f32 v9, $0.0e+00;
	v8 =	vbroadcast v8, $0xF;
	v12 =	vmul.f32 v12, v14  }
0x595: {  	vm4 =	vne.f32 v9, $1.000000000e+00;
	v5 =	vbroadcast v5, $0xF;
	v10 =	vadd.f32 $-1.000000000e+00, v10  }
0x596: {  	vm0 =	vmneg vm0;
	v8 =	vmul.f32 v11, v8;
	vm1 =	vlt.f32 v12, v6  }
0x597: {  	v10 =	vmul.f32 v13, v10;
	vm12 =	vge.f32 v12, v5;
	vm1 =	vmneg vm1  }
0x598: {  	vm3 =	vlt.f32 v8, v5;
	vm0 =	vmor vm0, vm1;
	vm1 =	vmneg vm12  }
0x599: {  	vm13 =	vgt.f32 v4, $0.0e+00;
	vm3 =	vmor vm2, vm3;
	vm1 =	vmand vm4, vm1  }
0x59a: {  	s2 =	simm.s32 $0x8040;
	vm14 =	vge.f32 v10, v6;
	vm3 =	vmand vm13, vm3;
	vm0 =	vmor vm0, vm1  }
0x59b: {  	vm15 =	vgt.f32 v7, $0.0e+00;
	vm2 =	vmor vm2, vm14;
	v5 =	vld [tilespmem:s2+$0x30];
	vm0 =	vmor vm3, vm0  }
0x59c: {  	v7 =	vld [tilespmem:s2+$0xFFFFFFD0];
	vm1 =	vmand vm15, vm2;
	v4 =	vsel vm0, v8, v12  }
0x59d: {  	v9 =	vld [tilespmem:s2+$0xFFFFFFE0];
	v4 =	vsel vm1, v10, v4  }
0x59e: {  	v8 =	vld [tilespmem:s2+$0xFFFFFFF0];
	v3 =	vadd.f32 v4, v3  }
0x59f: {  	v6 =	vld [tilespmem:s2+$0x0]  }
0x5a0: {  	v4 =	vld [tilespmem:s2+$0x10];
	v11 =	vsub.f32 v5, v3  }
0x5a1: {  	v5 =	vld [tilespmem:s2+$0x20];
	v10 =	vsub.f32 v7, v3  }
0x5a2: {  	s0 =	simm.s32 $0x10040;
	s1 =	simm.s32 $0x0;
	v7 =	vld [tilespmem:s2+$0xFFFFFFC0];
	v9 =	vsub.f32 v9, v3;
	s2 =	simm.s32 $0x80C0;
	v11 =	vmax.f32 v11, $0.0e+00  }
.LBB2_60:
0x5a3: {  	v12 =	vld [tilespmem:s2+$0x30];
	s1 =	sadd.s32 $0x8, s1;
	v10 =	vmax.f32 v10, $0.0e+00;
	v8 =	vsub.f32 v8, v3;
	[tilespmem:s0+$0x30] =	vst v11  }
0x5a4: {  	v11 =	vld [tilespmem:s2+$0xFFFFFFD0];
	p0 =	slt.u32 s1, $0x7F8;
	[tilespmem:s0+$0xFFFFFFD0] =	vst v10;
	v9 =	vmax.f32 v9, $0.0e+00;
	v6 =	vsub.f32 v6, v3  }
0x5a5: {  	v13 =	vld [tilespmem:s2+$0xFFFFFFE0];
	[tilespmem:s0+$0xFFFFFFE0] =	vst v9;
	v9 =	vmax.f32 v8, $0.0e+00;
	v4 =	vsub.f32 v4, v3  }
.Ltmp59:
0x5a6: {  	v8 =	vld [tilespmem:s2+$0xFFFFFFF0];
	[tilespmem:s0+$0xFFFFFFF0] =	vst v9;
	v9 =	vmax.f32 v6, $0.0e+00;
	v5 =	vsub.f32 v5, v3;
	(pc) =	sbr.rel @p0 .LBB2_60-.Ltmp59, $4  }
0x5a7: {  	v6 =	vld [tilespmem:s2+$0x0];
	v7 =	vsub.f32 v7, v3;
	[tilespmem:s0+$0x0] =	vst v9;
	v9 =	vmax.f32 v4, $0.0e+00  }
0x5a8: {  	v4 =	vld [tilespmem:s2+$0x10];
	v12 =	vsub.f32 v12, v3;
	[tilespmem:s0+$0x10] =	vst v9;
	v9 =	vmax.f32 v5, $0.0e+00  }
0x5a9: {  	v10 =	vsub.f32 v11, v3;
	v5 =	vld [tilespmem:s2+$0x20];
	v14 =	vmax.f32 v7, $0.0e+00;
	[tilespmem:s0+$0x20] =	vst v9  }
0x5aa: {  	v7 =	vld [tilespmem:s2+$0xFFFFFFC0];
	v9 =	vsub.f32 v13, v3;
	v11 =	vmax.f32 v12, $0.0e+00;
	s2 =	sadd.s32 $0x80, s2;
	[tilespmem:s0+$0xFFFFFFC0] =	vst v14;
	s0 =	sadd.s32 $0x80, s0  }
0x5ab: {  	v10 =	vmax.f32 v10, $0.0e+00;
	v8 =	vsub.f32 v8, v3;
	[tilespmem:s0+$0x30] =	vst v11  }
0x5ac: {  	[tilespmem:s0+$0xFFFFFFD0] =	vst v10;
	v9 =	vmax.f32 v9, $0.0e+00;
	v6 =	vsub.f32 v6, v3  }
0x5ad: {  	[tilespmem:s0+$0xFFFFFFE0] =	vst v9;
	v8 =	vmax.f32 v8, $0.0e+00;
	v4 =	vsub.f32 v4, v3  }
0x5ae: {  	[tilespmem:s0+$0xFFFFFFF0] =	vst v8;
	v6 =	vmax.f32 v6, $0.0e+00;
	v5 =	vsub.f32 v5, v3  }
0x5af: {  	v3 =	vsub.f32 v7, v3;
	[tilespmem:s0+$0x0] =	vst v6;
	v4 =	vmax.f32 v4, $0.0e+00  }
0x5b0: {  	s19 =	sadd.s32 $0x1, s19;
	[tilespmem:s0+$0x10] =	vst v4;
	v63 =	vmax.f32 v5, $0.0e+00  }
0x5b1: {  	p0 =	sne.s32 s19, s11;
	v3 =	vmax.f32 v3, $0.0e+00;
	[tilespmem:s0+$0x20] =	vst v63  }
.Ltmp60:
0x5b2: {  	[tilespmem:s0+$0xFFFFFFC0] =	vst v3;
	(pc) =	sbr.rel @p0 .LBB2_1-.Ltmp60, $4  }
0x5b3: {  	[hbm4b:s10+s12] =	stream.strided.scatter [tilespmem:s16], [sflag:$0x3], $0x8000, s13, s12, $0x38;
	[tilespmem:$0x19180] =	vst v63  }
0x5b4: {  	_ =	swait.ge [sflag:s18], $0x8000  }
0x5b5: {  	[sflag:s18] =	ssyncset.done $0x0  }
0x5b6: {  	[sflag:s18] =	ssyncadd.s32 $0xFFFF8000  }
0x5b7: {  	_ =	sfence.sel $0x180000  }
0x5b8: {  	[bflag:$0x0] =	sbarrier.arrive $0xFFFF  }
0x5b9: {  	_ =	strace $0x90000047  }
0x5ba: {  	s0 =	stileid.u32;
	[bflag:$0x2] =	sbarrier.arrive $0xFFFF  }
0x5bb: {  	p0 =	sne.s32 s0, $0x0;
	s0 =	rddreg [dreg:$0x2]  }
0x5bc: {  	s0 =	sadd.s32 @!p0 $0x100000, s0  }
0x5bd: {  	[sflag:s0] =	ssyncadd.tile.s32 @!p0 $0x1;
	_ =	shalt  }
.Lfunc_end2:
_tile_overlayer_lowered:
.L_overlay_start_2:
0x5be: {  	(tag) =	ssettag $0x2  }
0x5bf: {  	s0 =	rddreg [dreg:$0x0];
	s2 =	stileid.u32  }
0x5c0: {  	s1 =	rddreg [dreg:$0x1];
	p0 =	sne.s32 s2, $0x0  }
0x5c1: {  	s3 =	rddreg [dreg:$0x2];
	[bflag:$0x3] =	sbarrier.arrive $0xFFFF;
	s2 =	simm.s32 @!p0 $0x1C04  }
0x5c2: {  	[timem:s3], [sflag:s2] =	dma.local @!p0 [hbm:s0], s1  }
0x5c3: {  	s0 =	simm.s32 @!p0 $0x4  }
0x5c4: {  	_ =	swait.ge @!p0 [sflag:s0], s1  }
0x5c5: {  	s1 =	ssub.s32 @!p0 $0x0, s1;
	[sflag:s0] =	ssyncset.done @!p0 $0x0  }
0x5c6: {  	[sflag:s0] =	ssyncadd.s32 @!p0 s1  }
0x5c7: {  	[bflag:$0x3] =	sbarrier.arrive $0xFFFF  }
0x5c8: {  	_ =	shalt  }

</sc_bundles>
